<compile_context>
chip_gen: v7x
topology: tpu7x:2x2x1
jax: 0.10.2.dev20260603
libtpu: 0.0.44.dev20260713+nightly
codegen_flags: <defaults>
</compile_context>

<pallas_src>
import functools

import jax
import jax.numpy as jnp
from jax import lax
from jax.experimental import pallas as pl
from jax.experimental.pallas import tpu as pltpu
from jax.experimental.pallas import tpu_sc as plsc

NUM_BINS_K = 256
TABLE = NUM_BINS_K * NUM_BINS_K
NC, NS, L = 2, 16, 16
NW = NC * NS


def _occupancy_tables(x3, y3):
    n_imgs, H, W = x3.shape
    rpw = H // NW
    cols = W // L

    mesh = plsc.VectorSubcoreMesh(
        core_axis_name="c", subcore_axis_name="s", num_cores=NC, num_subcores=NS
    )

    @functools.partial(
        pl.kernel,
        mesh=mesh,
        compiler_params=pltpu.CompilerParams(needs_layout_passes=False),
        out_type=jax.ShapeDtypeStruct((NW, TABLE), jnp.float32),
        scratch_types=[
            pltpu.VMEM((TABLE,), jnp.float32),
            pltpu.VMEM((rpw, W), jnp.float32),
            pltpu.VMEM((rpw, W), jnp.float32),
            pltpu.VMEM((rpw, W), jnp.float32),
            pltpu.VMEM((rpw, W), jnp.float32),
            pltpu.SemaphoreType.DMA,
            pltpu.SemaphoreType.DMA,
        ],
    )
    def scatter_kernel(x_hbm, y_hbm, out_hbm, occ, xb0, yb0, xb1, yb1, sem0, sem1):
        wid = lax.axis_index("c") * NS + lax.axis_index("s")
        row0 = wid * rpw

        def start(t, xb, yb, sem):
            pltpu.make_async_copy(x_hbm.at[t, pl.ds(row0, rpw), :], xb, sem).start()
            pltpu.make_async_copy(y_hbm.at[t, pl.ds(row0, rpw), :], yb, sem).start()

        def wait(xb, yb, sem):
            pltpu.make_async_copy(x_hbm.at[0, pl.ds(row0, rpw), :], xb, sem).wait()
            pltpu.make_async_copy(y_hbm.at[0, pl.ds(row0, rpw), :], yb, sem).wait()

        start(0, xb0, yb0, sem0)

        zeros16 = jnp.zeros((L,), jnp.float32)

        @plsc.parallel_loop(0, TABLE // L, unroll=8)
        def _zero(i):
            occ[pl.ds(i * L, L)] = zeros16

        ones16 = jnp.ones((L,), jnp.float32)
        scale = jnp.float32(NUM_BINS_K - 1)

        def process(xb, yb):
            @plsc.parallel_loop(0, rpw, unroll=2)
            def _p(r):
                for c in range(cols):
                    xv = xb[r, pl.ds(c * L, L)]
                    yv = yb[r, pl.ds(c * L, L)]
                    ix = (xv * scale).astype(jnp.int32)
                    iy = (yv * scale).astype(jnp.int32)
                    k = ix * NUM_BINS_K + iy
                    plsc.store_scatter(occ, [k], ones16)

        def pair_body(p, carry):
            t0 = p * 2
            start(t0 + 1, xb1, yb1, sem1)
            wait(xb0, yb0, sem0)
            process(xb0, yb0)

            @pl.when(t0 + 2 < n_imgs)
            def _():
                start(t0 + 2, xb0, yb0, sem0)

            wait(xb1, yb1, sem1)
            process(xb1, yb1)
            return carry

        lax.fori_loop(0, n_imgs // 2, pair_body, 0)

        pltpu.sync_copy(occ, out_hbm.at[wid])

    return scatter_kernel(x3, y3)


def _mi_body(t_ref, o_ref):
    s = jnp.sum(t_ref[...], axis=0).reshape(NUM_BINS_K, NUM_BINS_K)
    occ = (s > 0.0).astype(jnp.float32)
    cnt = jnp.sum(occ)
    hist = occ / cnt
    px = jnp.sum(hist, axis=1, keepdims=True)
    py = jnp.sum(hist, axis=0, keepdims=True)
    denom = px * py + 1e-10
    safe = jnp.where(s > 0.0, hist, 1.0)
    mi = jnp.sum(jnp.where(s > 0.0, hist * jnp.log(safe / denom), 0.0))
    o_ref[...] = (1.0 - jnp.tanh(mi))[None, None]


def kernel(I_complementary, I_target):
    B, C, H, W = I_complementary.shape
    x3 = I_complementary.reshape(B * C, H, W)
    y3 = I_target.reshape(B * C, H, W)
    assert H % NW == 0 and W % L == 0 and (B * C) % 2 == 0
    tables = _occupancy_tables(x3, y3)
    out = pl.pallas_call(
        _mi_body,
        out_shape=jax.ShapeDtypeStruct((1, 1), jnp.float32),
    )(tables)
    return out[0, 0]

# --- scband reference (transcript-rebuilt; emitter-appended) ---
"""Pipeline reference for scband-mutual-information-loss-91130616086866 (READ-ONLY COPY).

The authoritative reference and input builder live on the scoring server;
editing this copy changes nothing except your own understanding.
"""

import jax, jax.numpy as jnp
import numpy as np

NUM_BINS = 256


def setup_inputs(seed: int = 0) -> dict:
    key = jax.random.key(seed)
    k1, k2 = jax.random.split(key)
    I_complementary = jax.random.uniform(k1, (16, 3, 512, 512), dtype=jnp.float32)
    I_target = jax.random.uniform(k2, (16, 3, 512, 512), dtype=jnp.float32)
    return {"I_complementary": I_complementary, "I_target": I_target}


def reference(I_complementary, I_target):
    num_bins = NUM_BINS
    x_flat = I_complementary.reshape(-1)
    y_flat = I_target.reshape(-1)
    # bin indices (non-differentiable, matches torch .long())
    bin_idx_x = jnp.clip(jax.lax.stop_gradient(x_flat) * (num_bins - 1), 0, num_bins - 1).astype(jnp.int32)
    bin_idx_y = jnp.clip(jax.lax.stop_gradient(y_flat) * (num_bins - 1), 0, num_bins - 1).astype(jnp.int32)
    hist_2d = jnp.zeros((num_bins, num_bins), dtype=jnp.float32)
    # torch `hist[bx, by] += 1` is gather-then-overwrite (duplicates do NOT accumulate):
    gathered = hist_2d[bin_idx_x, bin_idx_y] + 1.0
    hist_2d = hist_2d.at[bin_idx_x, bin_idx_y].set(gathered)
    hist_2d = hist_2d / hist_2d.sum()
    p_x = hist_2d.sum(axis=1)
    p_y = hist_2d.sum(axis=0)
    # mi over nonzero entries, expressed via mask (shape-static equivalent of torch.nonzero gather)
    mask = hist_2d > 0
    safe_hist = jnp.where(mask, hist_2d, 1.0)
    denom = p_x[:, None] * p_y[None, :] + 1e-10
    mi = jnp.sum(jnp.where(mask, hist_2d * jnp.log(safe_hist / denom), 0.0))
    return 1.0 - jnp.tanh(mi)

if __name__ == "__main__":
    import jax
    _d = setup_inputs()
    print(jax.jit(kernel)(*tuple(_d.values())))

</pallas_src>

<mosaic_0001>
#map = affine_map<(d0, d1) -> (0, 0, 0)>
#map1 = affine_map<(d0, d1) -> (0, 0)>
module attributes {stable_mosaic.version = 14 : i64} {
  func.func @scatter_kernel(%arg0: i32, %arg1: i32, %arg2: memref<48x512x512xf32, #tpu.memory_space<hbm>>, %arg3: memref<48x512x512xf32, #tpu.memory_space<hbm>>, %arg4: memref<32x65536xf32, #tpu.memory_space<hbm>>, %arg5: memref<65536xf32, #tpu.memory_space<vmem>>, %arg6: memref<16x512xf32, #tpu.memory_space<vmem>>, %arg7: memref<16x512xf32, #tpu.memory_space<vmem>>, %arg8: memref<16x512xf32, #tpu.memory_space<vmem>>, %arg9: memref<16x512xf32, #tpu.memory_space<vmem>>, %arg10: memref<!tpu.dma_semaphore, #tpu.memory_space<semaphore_mem>>, %arg11: memref<!tpu.dma_semaphore, #tpu.memory_space<semaphore_mem>>) attributes {dimension_semantics = [#tpu.dimension_semantics<core_parallel>, #tpu.dimension_semantics<subcore_parallel>], iteration_bounds = array<i64: 2, 16>, scalar_prefetch = 0 : i64, scratch_operands = 7 : i64, tpu.core_type = #tpu.core_type<sc_vector_subcore>, window_params = [{transform_indices = #map}, {transform_indices = #map}, {transform_indices = #map1}]} {
    %mul3A = arith.constant 16 : i32
    %mul3A_0 = arith.muli %arg0, %mul3A : i32
    %add3A = arith.addi %mul3A_0, %arg1 : i32
    %mul3A_1 = arith.constant 16 : i32
    %mul3A_2 = arith.muli %add3A, %mul3A_1 : i32
    %dma_start3A = arith.constant 0 : i32
    %dma_start3A_3 = arith.constant 0 : i32
    %dma_start3A_4 = tpu.memref_slice %arg2[%dma_start3A, %mul3A_2, %dma_start3A_3] : memref<48x512x512xf32, #tpu.memory_space<hbm>> -> memref<1x16x512xf32, #tpu.memory_space<hbm>>
    %dma_start3A_5 = tpu.memref_squeeze %dma_start3A_4 : memref<1x16x512xf32, #tpu.memory_space<hbm>> -> memref<16x512xf32, #tpu.memory_space<hbm>>
    %dma_start3A_6 = arith.constant 0 : i32
    %dma_start3A_7 = tpu.memref_slice %arg2[%dma_start3A, %mul3A_2, %dma_start3A_6] : memref<48x512x512xf32, #tpu.memory_space<hbm>> -> memref<1x16x512xf32, #tpu.memory_space<hbm>>
    %dma_start3A_8 = tpu.memref_squeeze %dma_start3A_7 : memref<1x16x512xf32, #tpu.memory_space<hbm>> -> memref<16x512xf32, #tpu.memory_space<hbm>>
    tpu.enqueue_dma source(%dma_start3A_8 : memref<16x512xf32, #tpu.memory_space<hbm>>) target(%arg6 : memref<16x512xf32, #tpu.memory_space<vmem>>) target_semaphore(%arg10 : memref<!tpu.dma_semaphore, #tpu.memory_space<semaphore_mem>>)
    %dma_start3A_9 = arith.constant 0 : i32
    %dma_start3A_10 = arith.constant 0 : i32
    %dma_start3A_11 = tpu.memref_slice %arg3[%dma_start3A_9, %mul3A_2, %dma_start3A_10] : memref<48x512x512xf32, #tpu.memory_space<hbm>> -> memref<1x16x512xf32, #tpu.memory_space<hbm>>
    %dma_start3A_12 = tpu.memref_squeeze %dma_start3A_11 : memref<1x16x512xf32, #tpu.memory_space<hbm>> -> memref<16x512xf32, #tpu.memory_space<hbm>>
    %dma_start3A_13 = arith.constant 0 : i32
    %dma_start3A_14 = tpu.memref_slice %arg3[%dma_start3A_9, %mul3A_2, %dma_start3A_13] : memref<48x512x512xf32, #tpu.memory_space<hbm>> -> memref<1x16x512xf32, #tpu.memory_space<hbm>>
    %dma_start3A_15 = tpu.memref_squeeze %dma_start3A_14 : memref<1x16x512xf32, #tpu.memory_space<hbm>> -> memref<16x512xf32, #tpu.memory_space<hbm>>
    tpu.enqueue_dma source(%dma_start3A_15 : memref<16x512xf32, #tpu.memory_space<hbm>>) target(%arg7 : memref<16x512xf32, #tpu.memory_space<vmem>>) target_semaphore(%arg10 : memref<!tpu.dma_semaphore, #tpu.memory_space<semaphore_mem>>)
    %broadcast_in_dim3A = arith.constant 0.000000e+00 : f32
    %broadcast_in_dim3A_16 = vector.broadcast %broadcast_in_dim3A : f32 to vector<16xf32>
    %parallel_loop3A = arith.constant 0 : i32
    %parallel_loop3A_17 = arith.constant 4096 : i32
    %parallel_loop3A_18 = arith.constant 1 : i32
    scf.for %parallel_loop3A_27 = %parallel_loop3A to %parallel_loop3A_17 step %parallel_loop3A_18  : i32 {
      %parallel_loop3A_28 = arith.constant 16 : i32
      %parallel_loop3A_29 = arith.muli %parallel_loop3A_27, %parallel_loop3A_28 : i32
      %parallel_loop3A_30 = arith.index_cast %parallel_loop3A_29 : i32 to index
      %parallel_loop3A_31 = tpu.vector_load %arg5[%parallel_loop3A_30] {strides = array<i32>} : memref<65536xf32, #tpu.memory_space<vmem>>, vector<16xf32>,
      tpu.vector_store %arg5[%parallel_loop3A_30], %broadcast_in_dim3A_16 {strides = array<i32>} : memref<65536xf32, #tpu.memory_space<vmem>>, vector<16xf32>,
    } {sc.loop_unroll_factor = 8 : i64, sc.parallel_access}
    %broadcast_in_dim3A_19 = arith.constant 1.000000e+00 : f32
    %broadcast_in_dim3A_20 = vector.broadcast %broadcast_in_dim3A_19 : f32 to vector<16xf32>
    %scan3A = arith.constant 0 : i32
    %scan3A_21 = arith.constant 2.550000e+02 : f32
    %scan3A_22 = arith.constant 0 : i32
    %scan3A_23 = arith.constant 24 : i32
    %scan3A_24 = arith.addi %scan3A_22, %scan3A_23 : i32
    %scan3A_25 = arith.constant 1 : i32
    scf.for %scan3A_27 = %scan3A_22 to %scan3A_24 step %scan3A_25  : i32 {
      %mul3A_28 = arith.constant 2 : i32
      %mul3A_29 = arith.muli %scan3A_27, %mul3A_28 : i32
      %add3A_30 = arith.constant 1 : i32
      %add3A_31 = arith.addi %mul3A_29, %add3A_30 : i32
      %dma_start3A_32 = arith.constant 0 : i32
      %dma_start3A_33 = tpu.memref_slice %arg2[%add3A_31, %mul3A_2, %dma_start3A_32] : memref<48x512x512xf32, #tpu.memory_space<hbm>> -> memref<1x16x512xf32, #tpu.memory_space<hbm>>
      %dma_start3A_34 = tpu.memref_squeeze %dma_start3A_33 : memref<1x16x512xf32, #tpu.memory_space<hbm>> -> memref<16x512xf32, #tpu.memory_space<hbm>>
      %dma_start3A_35 = arith.constant 0 : i32
      %dma_start3A_36 = tpu.memref_slice %arg2[%add3A_31, %mul3A_2, %dma_start3A_35] : memref<48x512x512xf32, #tpu.memory_space<hbm>> -> memref<1x16x512xf32, #tpu.memory_space<hbm>>
      %dma_start3A_37 = tpu.memref_squeeze %dma_start3A_36 : memref<1x16x512xf32, #tpu.memory_space<hbm>> -> memref<16x512xf32, #tpu.memory_space<hbm>>
      tpu.enqueue_dma source(%dma_start3A_37 : memref<16x512xf32, #tpu.memory_space<hbm>>) target(%arg8 : memref<16x512xf32, #tpu.memory_space<vmem>>) target_semaphore(%arg11 : memref<!tpu.dma_semaphore, #tpu.memory_space<semaphore_mem>>)
      %dma_start3A_38 = arith.constant 0 : i32
      %dma_start3A_39 = tpu.memref_slice %arg3[%add3A_31, %mul3A_2, %dma_start3A_38] : memref<48x512x512xf32, #tpu.memory_space<hbm>> -> memref<1x16x512xf32, #tpu.memory_space<hbm>>
      %dma_start3A_40 = tpu.memref_squeeze %dma_start3A_39 : memref<1x16x512xf32, #tpu.memory_space<hbm>> -> memref<16x512xf32, #tpu.memory_space<hbm>>
      %dma_start3A_41 = arith.constant 0 : i32
      %dma_start3A_42 = tpu.memref_slice %arg3[%add3A_31, %mul3A_2, %dma_start3A_41] : memref<48x512x512xf32, #tpu.memory_space<hbm>> -> memref<1x16x512xf32, #tpu.memory_space<hbm>>
      %dma_start3A_43 = tpu.memref_squeeze %dma_start3A_42 : memref<1x16x512xf32, #tpu.memory_space<hbm>> -> memref<16x512xf32, #tpu.memory_space<hbm>>
      tpu.enqueue_dma source(%dma_start3A_43 : memref<16x512xf32, #tpu.memory_space<hbm>>) target(%arg9 : memref<16x512xf32, #tpu.memory_space<vmem>>) target_semaphore(%arg11 : memref<!tpu.dma_semaphore, #tpu.memory_space<semaphore_mem>>)
      %dma_wait3A = arith.constant 0 : i32
      %dma_wait3A_44 = arith.constant 0 : i32
      %dma_wait3A_45 = tpu.memref_slice %arg2[%dma_wait3A, %mul3A_2, %dma_wait3A_44] : memref<48x512x512xf32, #tpu.memory_space<hbm>> -> memref<1x16x512xf32, #tpu.memory_space<hbm>>
      %dma_wait3A_46 = tpu.memref_squeeze %dma_wait3A_45 : memref<1x16x512xf32, #tpu.memory_space<hbm>> -> memref<16x512xf32, #tpu.memory_space<hbm>>
      %dma_wait3A_47 = arith.constant 0 : i32
      %dma_wait3A_48 = tpu.memref_slice %arg2[%dma_wait3A, %mul3A_2, %dma_wait3A_47] : memref<48x512x512xf32, #tpu.memory_space<hbm>> -> memref<1x16x512xf32, #tpu.memory_space<hbm>>
      %dma_wait3A_49 = tpu.memref_squeeze %dma_wait3A_48 : memref<1x16x512xf32, #tpu.memory_space<hbm>> -> memref<16x512xf32, #tpu.memory_space<hbm>>
      tpu.wait_dma2 semaphore(%arg10 : memref<!tpu.dma_semaphore, #tpu.memory_space<semaphore_mem>>) src(%dma_wait3A_49 : memref<16x512xf32, #tpu.memory_space<hbm>>) dst(%arg6 : memref<16x512xf32, #tpu.memory_space<vmem>>)
      %dma_wait3A_50 = arith.constant 0 : i32
      %dma_wait3A_51 = arith.constant 0 : i32
      %dma_wait3A_52 = tpu.memref_slice %arg3[%dma_wait3A_50, %mul3A_2, %dma_wait3A_51] : memref<48x512x512xf32, #tpu.memory_space<hbm>> -> memref<1x16x512xf32, #tpu.memory_space<hbm>>
      %dma_wait3A_53 = tpu.memref_squeeze %dma_wait3A_52 : memref<1x16x512xf32, #tpu.memory_space<hbm>> -> memref<16x512xf32, #tpu.memory_space<hbm>>
      %dma_wait3A_54 = arith.constant 0 : i32
      %dma_wait3A_55 = tpu.memref_slice %arg3[%dma_wait3A_50, %mul3A_2, %dma_wait3A_54] : memref<48x512x512xf32, #tpu.memory_space<hbm>> -> memref<1x16x512xf32, #tpu.memory_space<hbm>>
      %dma_wait3A_56 = tpu.memref_squeeze %dma_wait3A_55 : memref<1x16x512xf32, #tpu.memory_space<hbm>> -> memref<16x512xf32, #tpu.memory_space<hbm>>
      tpu.wait_dma2 semaphore(%arg10 : memref<!tpu.dma_semaphore, #tpu.memory_space<semaphore_mem>>) src(%dma_wait3A_56 : memref<16x512xf32, #tpu.memory_space<hbm>>) dst(%arg7 : memref<16x512xf32, #tpu.memory_space<vmem>>)
      %parallel_loop3A_57 = arith.constant 0 : i32
      %parallel_loop3A_58 = arith.constant 16 : i32
      %parallel_loop3A_59 = arith.constant 1 : i32
      scf.for %parallel_loop3A_81 = %parallel_loop3A_57 to %parallel_loop3A_58 step %parallel_loop3A_59  : i32 {
        %parallel_loop3A_82 = arith.index_cast %parallel_loop3A_81 : i32 to index
        %parallel_loop3A_83 = arith.constant 0 : index
        %parallel_loop3A_84 = tpu.vector_load %arg6[%parallel_loop3A_82, %parallel_loop3A_83] {strides = array<i32>} : memref<16x512xf32, #tpu.memory_space<vmem>>, vector<16xf32>,
        %parallel_loop3A_85 = arith.index_cast %parallel_loop3A_81 : i32 to index
        %parallel_loop3A_86 = arith.constant 0 : index
        %parallel_loop3A_87 = tpu.vector_load %arg7[%parallel_loop3A_85, %parallel_loop3A_86] {strides = array<i32>} : memref<16x512xf32, #tpu.memory_space<vmem>>, vector<16xf32>,
        %parallel_loop3A_88 = vector.broadcast %scan3A_21 : f32 to vector<16xf32>
        %parallel_loop3A_89 = arith.mulf %parallel_loop3A_84, %parallel_loop3A_88 : vector<16xf32>
        %parallel_loop3A_90 = arith.fptosi %parallel_loop3A_89 : vector<16xf32> to vector<16xi32>
        %parallel_loop3A_91 = vector.broadcast %scan3A_21 : f32 to vector<16xf32>
        %parallel_loop3A_92 = arith.mulf %parallel_loop3A_87, %parallel_loop3A_91 : vector<16xf32>
        %parallel_loop3A_93 = arith.fptosi %parallel_loop3A_92 : vector<16xf32> to vector<16xi32>
        %parallel_loop3A_94 = arith.constant 256 : i32
        %parallel_loop3A_95 = vector.broadcast %parallel_loop3A_94 : i32 to vector<16xi32>
        %parallel_loop3A_96 = arith.muli %parallel_loop3A_90, %parallel_loop3A_95 : vector<16xi32>
        %parallel_loop3A_97 = arith.addi %parallel_loop3A_96, %parallel_loop3A_93 : vector<16xi32>
        tpu.vector_store_idx %arg5[%parallel_loop3A_97], %broadcast_in_dim3A_20 : memref<65536xf32, #tpu.memory_space<vmem>>[vector<16xi32>], vector<16xf32>,
        %parallel_loop3A_98 = arith.index_cast %parallel_loop3A_81 : i32 to index
        %parallel_loop3A_99 = arith.constant 16 : index
        %parallel_loop3A_100 = tpu.vector_load %arg6[%parallel_loop3A_98, %parallel_loop3A_99] {strides = array<i32>} : memref<16x512xf32, #tpu.memory_space<vmem>>, vector<16xf32>,
        %parallel_loop3A_101 = arith.index_cast %parallel_loop3A_81 : i32 to index
        %parallel_loop3A_102 = arith.constant 16 : index
        %parallel_loop3A_103 = tpu.vector_load %arg7[%parallel_loop3A_101, %parallel_loop3A_102] {strides = array<i32>} : memref<16x512xf32, #tpu.memory_space<vmem>>, vector<16xf32>,
        %parallel_loop3A_104 = vector.broadcast %scan3A_21 : f32 to vector<16xf32>
        %parallel_loop3A_105 = arith.mulf %parallel_loop3A_100, %parallel_loop3A_104 : vector<16xf32>
        %parallel_loop3A_106 = arith.fptosi %parallel_loop3A_105 : vector<16xf32> to vector<16xi32>
        %parallel_loop3A_107 = vector.broadcast %scan3A_21 : f32 to vector<16xf32>
        %parallel_loop3A_108 = arith.mulf %parallel_loop3A_103, %parallel_loop3A_107 : vector<16xf32>
        %parallel_loop3A_109 = arith.fptosi %parallel_loop3A_108 : vector<16xf32> to vector<16xi32>
        %parallel_loop3A_110 = arith.constant 256 : i32
        %parallel_loop3A_111 = vector.broadcast %parallel_loop3A_110 : i32 to vector<16xi32>
        %parallel_loop3A_112 = arith.muli %parallel_loop3A_106, %parallel_loop3A_111 : vector<16xi32>
        %parallel_loop3A_113 = arith.addi %parallel_loop3A_112, %parallel_loop3A_109 : vector<16xi32>
        tpu.vector_store_idx %arg5[%parallel_loop3A_113], %broadcast_in_dim3A_20 : memref<65536xf32, #tpu.memory_space<vmem>>[vector<16xi32>], vector<16xf32>,
        %parallel_loop3A_114 = arith.index_cast %parallel_loop3A_81 : i32 to index
        %parallel_loop3A_115 = arith.constant 32 : index
        %parallel_loop3A_116 = tpu.vector_load %arg6[%parallel_loop3A_114, %parallel_loop3A_115] {strides = array<i32>} : memref<16x512xf32, #tpu.memory_space<vmem>>, vector<16xf32>,
        %parallel_loop3A_117 = arith.index_cast %parallel_loop3A_81 : i32 to index
        %parallel_loop3A_118 = arith.constant 32 : index
        %parallel_loop3A_119 = tpu.vector_load %arg7[%parallel_loop3A_117, %parallel_loop3A_118] {strides = array<i32>} : memref<16x512xf32, #tpu.memory_space<vmem>>, vector<16xf32>,
        %parallel_loop3A_120 = vector.broadcast %scan3A_21 : f32 to vector<16xf32>
        %parallel_loop3A_121 = arith.mulf %parallel_loop3A_116, %parallel_loop3A_120 : vector<16xf32>
        %parallel_loop3A_122 = arith.fptosi %parallel_loop3A_121 : vector<16xf32> to vector<16xi32>
        %parallel_loop3A_123 = vector.broadcast %scan3A_21 : f32 to vector<16xf32>
        %parallel_loop3A_124 = arith.mulf %parallel_loop3A_119, %parallel_loop3A_123 : vector<16xf32>
        %parallel_loop3A_125 = arith.fptosi %parallel_loop3A_124 : vector<16xf32> to vector<16xi32>
        %parallel_loop3A_126 = arith.constant 256 : i32
        %parallel_loop3A_127 = vector.broadcast %parallel_loop3A_126 : i32 to vector<16xi32>
        %parallel_loop3A_128 = arith.muli %parallel_loop3A_122, %parallel_loop3A_127 : vector<16xi32>
        %parallel_loop3A_129 = arith.addi %parallel_loop3A_128, %parallel_loop3A_125 : vector<16xi32>
        tpu.vector_store_idx %arg5[%parallel_loop3A_129], %broadcast_in_dim3A_20 : memref<65536xf32, #tpu.memory_space<vmem>>[vector<16xi32>], vector<16xf32>,
        %parallel_loop3A_130 = arith.index_cast %parallel_loop3A_81 : i32 to index
        %parallel_loop3A_131 = arith.constant 48 : index
        %parallel_loop3A_132 = tpu.vector_load %arg6[%parallel_loop3A_130, %parallel_loop3A_131] {strides = array<i32>} : memref<16x512xf32, #tpu.memory_space<vmem>>, vector<16xf32>,
        %parallel_loop3A_133 = arith.index_cast %parallel_loop3A_81 : i32 to index
        %parallel_loop3A_134 = arith.constant 48 : index
        %parallel_loop3A_135 = tpu.vector_load %arg7[%parallel_loop3A_133, %parallel_loop3A_134] {strides = array<i32>} : memref<16x512xf32, #tpu.memory_space<vmem>>, vector<16xf32>,
        %parallel_loop3A_136 = vector.broadcast %scan3A_21 : f32 to vector<16xf32>
        %parallel_loop3A_137 = arith.mulf %parallel_loop3A_132, %parallel_loop3A_136 : vector<16xf32>
        %parallel_loop3A_138 = arith.fptosi %parallel_loop3A_137 : vector<16xf32> to vector<16xi32>
        %parallel_loop3A_139 = vector.broadcast %scan3A_21 : f32 to vector<16xf32>
        %parallel_loop3A_140 = arith.mulf %parallel_loop3A_135, %parallel_loop3A_139 : vector<16xf32>
        %parallel_loop3A_141 = arith.fptosi %parallel_loop3A_140 : vector<16xf32> to vector<16xi32>
        %parallel_loop3A_142 = arith.constant 256 : i32
        %parallel_loop3A_143 = vector.broadcast %parallel_loop3A_142 : i32 to vector<16xi32>
        %parallel_loop3A_144 = arith.muli %parallel_loop3A_138, %parallel_loop3A_143 : vector<16xi32>
        %parallel_loop3A_145 = arith.addi %parallel_loop3A_144, %parallel_loop3A_141 : vector<16xi32>
        tpu.vector_store_idx %arg5[%parallel_loop3A_145], %broadcast_in_dim3A_20 : memref<65536xf32, #tpu.memory_space<vmem>>[vector<16xi32>], vector<16xf32>,
        %parallel_loop3A_146 = arith.index_cast %parallel_loop3A_81 : i32 to index
        %parallel_loop3A_147 = arith.constant 64 : index
        %parallel_loop3A_148 = tpu.vector_load %arg6[%parallel_loop3A_146, %parallel_loop3A_147] {strides = array<i32>} : memref<16x512xf32, #tpu.memory_space<vmem>>, vector<16xf32>,
        %parallel_loop3A_149 = arith.index_cast %parallel_loop3A_81 : i32 to index
        %parallel_loop3A_150 = arith.constant 64 : index
        %parallel_loop3A_151 = tpu.vector_load %arg7[%parallel_loop3A_149, %parallel_loop3A_150] {strides = array<i32>} : memref<16x512xf32, #tpu.memory_space<vmem>>, vector<16xf32>,
        %parallel_loop3A_152 = vector.broadcast %scan3A_21 : f32 to vector<16xf32>
        %parallel_loop3A_153 = arith.mulf %parallel_loop3A_148, %parallel_loop3A_152 : vector<16xf32>
        %parallel_loop3A_154 = arith.fptosi %parallel_loop3A_153 : vector<16xf32> to vector<16xi32>
        %parallel_loop3A_155 = vector.broadcast %scan3A_21 : f32 to vector<16xf32>
        %parallel_loop3A_156 = arith.mulf %parallel_loop3A_151, %parallel_loop3A_155 : vector<16xf32>
        %parallel_loop3A_157 = arith.fptosi %parallel_loop3A_156 : vector<16xf32> to vector<16xi32>
        %parallel_loop3A_158 = arith.constant 256 : i32
        %parallel_loop3A_159 = vector.broadcast %parallel_loop3A_158 : i32 to vector<16xi32>
        %parallel_loop3A_160 = arith.muli %parallel_loop3A_154, %parallel_loop3A_159 : vector<16xi32>
        %parallel_loop3A_161 = arith.addi %parallel_loop3A_160, %parallel_loop3A_157 : vector<16xi32>
        tpu.vector_store_idx %arg5[%parallel_loop3A_161], %broadcast_in_dim3A_20 : memref<65536xf32, #tpu.memory_space<vmem>>[vector<16xi32>], vector<16xf32>,
        %parallel_loop3A_162 = arith.index_cast %parallel_loop3A_81 : i32 to index
        %parallel_loop3A_163 = arith.constant 80 : index
        %parallel_loop3A_164 = tpu.vector_load %arg6[%parallel_loop3A_162, %parallel_loop3A_163] {strides = array<i32>} : memref<16x512xf32, #tpu.memory_space<vmem>>, vector<16xf32>,
        %parallel_loop3A_165 = arith.index_cast %parallel_loop3A_81 : i32 to index
        %parallel_loop3A_166 = arith.constant 80 : index
        %parallel_loop3A_167 = tpu.vector_load %arg7[%parallel_loop3A_165, %parallel_loop3A_166] {strides = array<i32>} : memref<16x512xf32, #tpu.memory_space<vmem>>, vector<16xf32>,
        %parallel_loop3A_168 = vector.broadcast %scan3A_21 : f32 to vector<16xf32>
        %parallel_loop3A_169 = arith.mulf %parallel_loop3A_164, %parallel_loop3A_168 : vector<16xf32>
        %parallel_loop3A_170 = arith.fptosi %parallel_loop3A_169 : vector<16xf32> to vector<16xi32>
        %parallel_loop3A_171 = vector.broadcast %scan3A_21 : f32 to vector<16xf32>
        %parallel_loop3A_172 = arith.mulf %parallel_loop3A_167, %parallel_loop3A_171 : vector<16xf32>
        %parallel_loop3A_173 = arith.fptosi %parallel_loop3A_172 : vector<16xf32> to vector<16xi32>
        %parallel_loop3A_174 = arith.constant 256 : i32
        %parallel_loop3A_175 = vector.broadcast %parallel_loop3A_174 : i32 to vector<16xi32>
        %parallel_loop3A_176 = arith.muli %parallel_loop3A_170, %parallel_loop3A_175 : vector<16xi32>
        %parallel_loop3A_177 = arith.addi %parallel_loop3A_176, %parallel_loop3A_173 : vector<16xi32>
        tpu.vector_store_idx %arg5[%parallel_loop3A_177], %broadcast_in_dim3A_20 : memref<65536xf32, #tpu.memory_space<vmem>>[vector<16xi32>], vector<16xf32>,
        %parallel_loop3A_178 = arith.index_cast %parallel_loop3A_81 : i32 to index
        %parallel_loop3A_179 = arith.constant 96 : index
        %parallel_loop3A_180 = tpu.vector_load %arg6[%parallel_loop3A_178, %parallel_loop3A_179] {strides = array<i32>} : memref<16x512xf32, #tpu.memory_space<vmem>>, vector<16xf32>,
        %parallel_loop3A_181 = arith.index_cast %parallel_loop3A_81 : i32 to index
        %parallel_loop3A_182 = arith.constant 96 : index
        %parallel_loop3A_183 = tpu.vector_load %arg7[%parallel_loop3A_181, %parallel_loop3A_182] {strides = array<i32>} : memref<16x512xf32, #tpu.memory_space<vmem>>, vector<16xf32>,
        %parallel_loop3A_184 = vector.broadcast %scan3A_21 : f32 to vector<16xf32>
        %parallel_loop3A_185 = arith.mulf %parallel_loop3A_180, %parallel_loop3A_184 : vector<16xf32>
        %parallel_loop3A_186 = arith.fptosi %parallel_loop3A_185 : vector<16xf32> to vector<16xi32>
        %parallel_loop3A_187 = vector.broadcast %scan3A_21 : f32 to vector<16xf32>
        %parallel_loop3A_188 = arith.mulf %parallel_loop3A_183, %parallel_loop3A_187 : vector<16xf32>
        %parallel_loop3A_189 = arith.fptosi %parallel_loop3A_188 : vector<16xf32> to vector<16xi32>
        %parallel_loop3A_190 = arith.constant 256 : i32
        %parallel_loop3A_191 = vector.broadcast %parallel_loop3A_190 : i32 to vector<16xi32>
        %parallel_loop3A_192 = arith.muli %parallel_loop3A_186, %parallel_loop3A_191 : vector<16xi32>
        %parallel_loop3A_193 = arith.addi %parallel_loop3A_192, %parallel_loop3A_189 : vector<16xi32>
        tpu.vector_store_idx %arg5[%parallel_loop3A_193], %broadcast_in_dim3A_20 : memref<65536xf32, #tpu.memory_space<vmem>>[vector<16xi32>], vector<16xf32>,
        %parallel_loop3A_194 = arith.index_cast %parallel_loop3A_81 : i32 to index
        %parallel_loop3A_195 = arith.constant 112 : index
        %parallel_loop3A_196 = tpu.vector_load %arg6[%parallel_loop3A_194, %parallel_loop3A_195] {strides = array<i32>} : memref<16x512xf32, #tpu.memory_space<vmem>>, vector<16xf32>,
        %parallel_loop3A_197 = arith.index_cast %parallel_loop3A_81 : i32 to index
        %parallel_loop3A_198 = arith.constant 112 : index
        %parallel_loop3A_199 = tpu.vector_load %arg7[%parallel_loop3A_197, %parallel_loop3A_198] {strides = array<i32>} : memref<16x512xf32, #tpu.memory_space<vmem>>, vector<16xf32>,
        %parallel_loop3A_200 = vector.broadcast %scan3A_21 : f32 to vector<16xf32>
        %parallel_loop3A_201 = arith.mulf %parallel_loop3A_196, %parallel_loop3A_200 : vector<16xf32>
        %parallel_loop3A_202 = arith.fptosi %parallel_loop3A_201 : vector<16xf32> to vector<16xi32>
        %parallel_loop3A_203 = vector.broadcast %scan3A_21 : f32 to vector<16xf32>
        %parallel_loop3A_204 = arith.mulf %parallel_loop3A_199, %parallel_loop3A_203 : vector<16xf32>
        %parallel_loop3A_205 = arith.fptosi %parallel_loop3A_204 : vector<16xf32> to vector<16xi32>
        %parallel_loop3A_206 = arith.constant 256 : i32
        %parallel_loop3A_207 = vector.broadcast %parallel_loop3A_206 : i32 to vector<16xi32>
        %parallel_loop3A_208 = arith.muli %parallel_loop3A_202, %parallel_loop3A_207 : vector<16xi32>
        %parallel_loop3A_209 = arith.addi %parallel_loop3A_208, %parallel_loop3A_205 : vector<16xi32>
        tpu.vector_store_idx %arg5[%parallel_loop3A_209], %broadcast_in_dim3A_20 : memref<65536xf32, #tpu.memory_space<vmem>>[vector<16xi32>], vector<16xf32>,
        %parallel_loop3A_210 = arith.index_cast %parallel_loop3A_81 : i32 to index
        %parallel_loop3A_211 = arith.constant 128 : index
        %parallel_loop3A_212 = tpu.vector_load %arg6[%parallel_loop3A_210, %parallel_loop3A_211] {strides = array<i32>} : memref<16x512xf32, #tpu.memory_space<vmem>>, vector<16xf32>,
        %parallel_loop3A_213 = arith.index_cast %parallel_loop3A_81 : i32 to index
        %parallel_loop3A_214 = arith.constant 128 : index
        %parallel_loop3A_215 = tpu.vector_load %arg7[%parallel_loop3A_213, %parallel_loop3A_214] {strides = array<i32>} : memref<16x512xf32, #tpu.memory_space<vmem>>, vector<16xf32>,
        %parallel_loop3A_216 = vector.broadcast %scan3A_21 : f32 to vector<16xf32>
        %parallel_loop3A_217 = arith.mulf %parallel_loop3A_212, %parallel_loop3A_216 : vector<16xf32>
        %parallel_loop3A_218 = arith.fptosi %parallel_loop3A_217 : vector<16xf32> to vector<16xi32>
        %parallel_loop3A_219 = vector.broadcast %scan3A_21 : f32 to vector<16xf32>
        %parallel_loop3A_220 = arith.mulf %parallel_loop3A_215, %parallel_loop3A_219 : vector<16xf32>
        %parallel_loop3A_221 = arith.fptosi %parallel_loop3A_220 : vector<16xf32> to vector<16xi32>
        %parallel_loop3A_222 = arith.constant 256 : i32
        %parallel_loop3A_223 = vector.broadcast %parallel_loop3A_222 : i32 to vector<16xi32>
        %parallel_loop3A_224 = arith.muli %parallel_loop3A_218, %parallel_loop3A_223 : vector<16xi32>
        %parallel_loop3A_225 = arith.addi %parallel_loop3A_224, %parallel_loop3A_221 : vector<16xi32>
        tpu.vector_store_idx %arg5[%parallel_loop3A_225], %broadcast_in_dim3A_20 : memref<65536xf32, #tpu.memory_space<vmem>>[vector<16xi32>], vector<16xf32>,
        %parallel_loop3A_226 = arith.index_cast %parallel_loop3A_81 : i32 to index
        %parallel_loop3A_227 = arith.constant 144 : index
        %parallel_loop3A_228 = tpu.vector_load %arg6[%parallel_loop3A_226, %parallel_loop3A_227] {strides = array<i32>} : memref<16x512xf32, #tpu.memory_space<vmem>>, vector<16xf32>,
        %parallel_loop3A_229 = arith.index_cast %parallel_loop3A_81 : i32 to index
        %parallel_loop3A_230 = arith.constant 144 : index
        %parallel_loop3A_231 = tpu.vector_load %arg7[%parallel_loop3A_229, %parallel_loop3A_230] {strides = array<i32>} : memref<16x512xf32, #tpu.memory_space<vmem>>, vector<16xf32>,
        %parallel_loop3A_232 = vector.broadcast %scan3A_21 : f32 to vector<16xf32>
        %parallel_loop3A_233 = arith.mulf %parallel_loop3A_228, %parallel_loop3A_232 : vector<16xf32>
        %parallel_loop3A_234 = arith.fptosi %parallel_loop3A_233 : vector<16xf32> to vector<16xi32>
        %parallel_loop3A_235 = vector.broadcast %scan3A_21 : f32 to vector<16xf32>
        %parallel_loop3A_236 = arith.mulf %parallel_loop3A_231, %parallel_loop3A_235 : vector<16xf32>
        %parallel_loop3A_237 = arith.fptosi %parallel_loop3A_236 : vector<16xf32> to vector<16xi32>
        %parallel_loop3A_238 = arith.constant 256 : i32
        %parallel_loop3A_239 = vector.broadcast %parallel_loop3A_238 : i32 to vector<16xi32>
        %parallel_loop3A_240 = arith.muli %parallel_loop3A_234, %parallel_loop3A_239 : vector<16xi32>
        %parallel_loop3A_241 = arith.addi %parallel_loop3A_240, %parallel_loop3A_237 : vector<16xi32>
        tpu.vector_store_idx %arg5[%parallel_loop3A_241], %broadcast_in_dim3A_20 : memref<65536xf32, #tpu.memory_space<vmem>>[vector<16xi32>], vector<16xf32>,
        %parallel_loop3A_242 = arith.index_cast %parallel_loop3A_81 : i32 to index
        %parallel_loop3A_243 = arith.constant 160 : index
        %parallel_loop3A_244 = tpu.vector_load %arg6[%parallel_loop3A_242, %parallel_loop3A_243] {strides = array<i32>} : memref<16x512xf32, #tpu.memory_space<vmem>>, vector<16xf32>,
        %parallel_loop3A_245 = arith.index_cast %parallel_loop3A_81 : i32 to index
        %parallel_loop3A_246 = arith.constant 160 : index
        %parallel_loop3A_247 = tpu.vector_load %arg7[%parallel_loop3A_245, %parallel_loop3A_246] {strides = array<i32>} : memref<16x512xf32, #tpu.memory_space<vmem>>, vector<16xf32>,
        %parallel_loop3A_248 = vector.broadcast %scan3A_21 : f32 to vector<16xf32>
        %parallel_loop3A_249 = arith.mulf %parallel_loop3A_244, %parallel_loop3A_248 : vector<16xf32>
        %parallel_loop3A_250 = arith.fptosi %parallel_loop3A_249 : vector<16xf32> to vector<16xi32>
        %parallel_loop3A_251 = vector.broadcast %scan3A_21 : f32 to vector<16xf32>
        %parallel_loop3A_252 = arith.mulf %parallel_loop3A_247, %parallel_loop3A_251 : vector<16xf32>
        %parallel_loop3A_253 = arith.fptosi %parallel_loop3A_252 : vector<16xf32> to vector<16xi32>
        %parallel_loop3A_254 = arith.constant 256 : i32
        %parallel_loop3A_255 = vector.broadcast %parallel_loop3A_254 : i32 to vector<16xi32>
        %parallel_loop3A_256 = arith.muli %parallel_loop3A_250, %parallel_loop3A_255 : vector<16xi32>
        %parallel_loop3A_257 = arith.addi %parallel_loop3A_256, %parallel_loop3A_253 : vector<16xi32>
        tpu.vector_store_idx %arg5[%parallel_loop3A_257], %broadcast_in_dim3A_20 : memref<65536xf32, #tpu.memory_space<vmem>>[vector<16xi32>], vector<16xf32>,
        %parallel_loop3A_258 = arith.index_cast %parallel_loop3A_81 : i32 to index
        %parallel_loop3A_259 = arith.constant 176 : index
        %parallel_loop3A_260 = tpu.vector_load %arg6[%parallel_loop3A_258, %parallel_loop3A_259] {strides = array<i32>} : memref<16x512xf32, #tpu.memory_space<vmem>>, vector<16xf32>,
        %parallel_loop3A_261 = arith.index_cast %parallel_loop3A_81 : i32 to index
        %parallel_loop3A_262 = arith.constant 176 : index
        %parallel_loop3A_263 = tpu.vector_load %arg7[%parallel_loop3A_261, %parallel_loop3A_262] {strides = array<i32>} : memref<16x512xf32, #tpu.memory_space<vmem>>, vector<16xf32>,
        %parallel_loop3A_264 = vector.broadcast %scan3A_21 : f32 to vector<16xf32>
        %parallel_loop3A_265 = arith.mulf %parallel_loop3A_260, %parallel_loop3A_264 : vector<16xf32>
        %parallel_loop3A_266 = arith.fptosi %parallel_loop3A_265 : vector<16xf32> to vector<16xi32>
        %parallel_loop3A_267 = vector.broadcast %scan3A_21 : f32 to vector<16xf32>
        %parallel_loop3A_268 = arith.mulf %parallel_loop3A_263, %parallel_loop3A_267 : vector<16xf32>
        %parallel_loop3A_269 = arith.fptosi %parallel_loop3A_268 : vector<16xf32> to vector<16xi32>
        %parallel_loop3A_270 = arith.constant 256 : i32
        %parallel_loop3A_271 = vector.broadcast %parallel_loop3A_270 : i32 to vector<16xi32>
        %parallel_loop3A_272 = arith.muli %parallel_loop3A_266, %parallel_loop3A_271 : vector<16xi32>
        %parallel_loop3A_273 = arith.addi %parallel_loop3A_272, %parallel_loop3A_269 : vector<16xi32>
        tpu.vector_store_idx %arg5[%parallel_loop3A_273], %broadcast_in_dim3A_20 : memref<65536xf32, #tpu.memory_space<vmem>>[vector<16xi32>], vector<16xf32>,
        %parallel_loop3A_274 = arith.index_cast %parallel_loop3A_81 : i32 to index
        %parallel_loop3A_275 = arith.constant 192 : index
        %parallel_loop3A_276 = tpu.vector_load %arg6[%parallel_loop3A_274, %parallel_loop3A_275] {strides = array<i32>} : memref<16x512xf32, #tpu.memory_space<vmem>>, vector<16xf32>,
        %parallel_loop3A_277 = arith.index_cast %parallel_loop3A_81 : i32 to index
        %parallel_loop3A_278 = arith.constant 192 : index
        %parallel_loop3A_279 = tpu.vector_load %arg7[%parallel_loop3A_277, %parallel_loop3A_278] {strides = array<i32>} : memref<16x512xf32, #tpu.memory_space<vmem>>, vector<16xf32>,
        %parallel_loop3A_280 = vector.broadcast %scan3A_21 : f32 to vector<16xf32>
        %parallel_loop3A_281 = arith.mulf %parallel_loop3A_276, %parallel_loop3A_280 : vector<16xf32>
        %parallel_loop3A_282 = arith.fptosi %parallel_loop3A_281 : vector<16xf32> to vector<16xi32>
        %parallel_loop3A_283 = vector.broadcast %scan3A_21 : f32 to vector<16xf32>
        %parallel_loop3A_284 = arith.mulf %parallel_loop3A_279, %parallel_loop3A_283 : vector<16xf32>
        %parallel_loop3A_285 = arith.fptosi %parallel_loop3A_284 : vector<16xf32> to vector<16xi32>
        %parallel_loop3A_286 = arith.constant 256 : i32
        %parallel_loop3A_287 = vector.broadcast %parallel_loop3A_286 : i32 to vector<16xi32>
        %parallel_loop3A_288 = arith.muli %parallel_loop3A_282, %parallel_loop3A_287 : vector<16xi32>
        %parallel_loop3A_289 = arith.addi %parallel_loop3A_288, %parallel_loop3A_285 : vector<16xi32>
        tpu.vector_store_idx %arg5[%parallel_loop3A_289], %broadcast_in_dim3A_20 : memref<65536xf32, #tpu.memory_space<vmem>>[vector<16xi32>], vector<16xf32>,
        %parallel_loop3A_290 = arith.index_cast %parallel_loop3A_81 : i32 to index
        %parallel_loop3A_291 = arith.constant 208 : index
        %parallel_loop3A_292 = tpu.vector_load %arg6[%parallel_loop3A_290, %parallel_loop3A_291] {strides = array<i32>} : memref<16x512xf32, #tpu.memory_space<vmem>>, vector<16xf32>,
        %parallel_loop3A_293 = arith.index_cast %parallel_loop3A_81 : i32 to index
        %parallel_loop3A_294 = arith.constant 208 : index
        %parallel_loop3A_295 = tpu.vector_load %arg7[%parallel_loop3A_293, %parallel_loop3A_294] {strides = array<i32>} : memref<16x512xf32, #tpu.memory_space<vmem>>, vector<16xf32>,
        %parallel_loop3A_296 = vector.broadcast %scan3A_21 : f32 to vector<16xf32>
        %parallel_loop3A_297 = arith.mulf %parallel_loop3A_292, %parallel_loop3A_296 : vector<16xf32>
        %parallel_loop3A_298 = arith.fptosi %parallel_loop3A_297 : vector<16xf32> to vector<16xi32>
        %parallel_loop3A_299 = vector.broadcast %scan3A_21 : f32 to vector<16xf32>
        %parallel_loop3A_300 = arith.mulf %parallel_loop3A_295, %parallel_loop3A_299 : vector<16xf32>
        %parallel_loop3A_301 = arith.fptosi %parallel_loop3A_300 : vector<16xf32> to vector<16xi32>
        %parallel_loop3A_302 = arith.constant 256 : i32
        %parallel_loop3A_303 = vector.broadcast %parallel_loop3A_302 : i32 to vector<16xi32>
        %parallel_loop3A_304 = arith.muli %parallel_loop3A_298, %parallel_loop3A_303 : vector<16xi32>
        %parallel_loop3A_305 = arith.addi %parallel_loop3A_304, %parallel_loop3A_301 : vector<16xi32>
        tpu.vector_store_idx %arg5[%parallel_loop3A_305], %broadcast_in_dim3A_20 : memref<65536xf32, #tpu.memory_space<vmem>>[vector<16xi32>], vector<16xf32>,
        %parallel_loop3A_306 = arith.index_cast %parallel_loop3A_81 : i32 to index
        %parallel_loop3A_307 = arith.constant 224 : index
        %parallel_loop3A_308 = tpu.vector_load %arg6[%parallel_loop3A_306, %parallel_loop3A_307] {strides = array<i32>} : memref<16x512xf32, #tpu.memory_space<vmem>>, vector<16xf32>,
        %parallel_loop3A_309 = arith.index_cast %parallel_loop3A_81 : i32 to index
        %parallel_loop3A_310 = arith.constant 224 : index
        %parallel_loop3A_311 = tpu.vector_load %arg7[%parallel_loop3A_309, %parallel_loop3A_310] {strides = array<i32>} : memref<16x512xf32, #tpu.memory_space<vmem>>, vector<16xf32>,
        %parallel_loop3A_312 = vector.broadcast %scan3A_21 : f32 to vector<16xf32>
        %parallel_loop3A_313 = arith.mulf %parallel_loop3A_308, %parallel_loop3A_312 : vector<16xf32>
        %parallel_loop3A_314 = arith.fptosi %parallel_loop3A_313 : vector<16xf32> to vector<16xi32>
        %parallel_loop3A_315 = vector.broadcast %scan3A_21 : f32 to vector<16xf32>
        %parallel_loop3A_316 = arith.mulf %parallel_loop3A_311, %parallel_loop3A_315 : vector<16xf32>
        %parallel_loop3A_317 = arith.fptosi %parallel_loop3A_316 : vector<16xf32> to vector<16xi32>
        %parallel_loop3A_318 = arith.constant 256 : i32
        %parallel_loop3A_319 = vector.broadcast %parallel_loop3A_318 : i32 to vector<16xi32>
        %parallel_loop3A_320 = arith.muli %parallel_loop3A_314, %parallel_loop3A_319 : vector<16xi32>
        %parallel_loop3A_321 = arith.addi %parallel_loop3A_320, %parallel_loop3A_317 : vector<16xi32>
        tpu.vector_store_idx %arg5[%parallel_loop3A_321], %broadcast_in_dim3A_20 : memref<65536xf32, #tpu.memory_space<vmem>>[vector<16xi32>], vector<16xf32>,
        %parallel_loop3A_322 = arith.index_cast %parallel_loop3A_81 : i32 to index
        %parallel_loop3A_323 = arith.constant 240 : index
        %parallel_loop3A_324 = tpu.vector_load %arg6[%parallel_loop3A_322, %parallel_loop3A_323] {strides = array<i32>} : memref<16x512xf32, #tpu.memory_space<vmem>>, vector<16xf32>,
        %parallel_loop3A_325 = arith.index_cast %parallel_loop3A_81 : i32 to index
        %parallel_loop3A_326 = arith.constant 240 : index
        %parallel_loop3A_327 = tpu.vector_load %arg7[%parallel_loop3A_325, %parallel_loop3A_326] {strides = array<i32>} : memref<16x512xf32, #tpu.memory_space<vmem>>, vector<16xf32>,
        %parallel_loop3A_328 = vector.broadcast %scan3A_21 : f32 to vector<16xf32>
        %parallel_loop3A_329 = arith.mulf %parallel_loop3A_324, %parallel_loop3A_328 : vector<16xf32>
        %parallel_loop3A_330 = arith.fptosi %parallel_loop3A_329 : vector<16xf32> to vector<16xi32>
        %parallel_loop3A_331 = vector.broadcast %scan3A_21 : f32 to vector<16xf32>
        %parallel_loop3A_332 = arith.mulf %parallel_loop3A_327, %parallel_loop3A_331 : vector<16xf32>
        %parallel_loop3A_333 = arith.fptosi %parallel_loop3A_332 : vector<16xf32> to vector<16xi32>
        %parallel_loop3A_334 = arith.constant 256 : i32
        %parallel_loop3A_335 = vector.broadcast %parallel_loop3A_334 : i32 to vector<16xi32>
        %parallel_loop3A_336 = arith.muli %parallel_loop3A_330, %parallel_loop3A_335 : vector<16xi32>
        %parallel_loop3A_337 = arith.addi %parallel_loop3A_336, %parallel_loop3A_333 : vector<16xi32>
        tpu.vector_store_idx %arg5[%parallel_loop3A_337], %broadcast_in_dim3A_20 : memref<65536xf32, #tpu.memory_space<vmem>>[vector<16xi32>], vector<16xf32>,
        %parallel_loop3A_338 = arith.index_cast %parallel_loop3A_81 : i32 to index
        %parallel_loop3A_339 = arith.constant 256 : index
        %parallel_loop3A_340 = tpu.vector_load %arg6[%parallel_loop3A_338, %parallel_loop3A_339] {strides = array<i32>} : memref<16x512xf32, #tpu.memory_space<vmem>>, vector<16xf32>,
        %parallel_loop3A_341 = arith.index_cast %parallel_loop3A_81 : i32 to index
        %parallel_loop3A_342 = arith.constant 256 : index
        %parallel_loop3A_343 = tpu.vector_load %arg7[%parallel_loop3A_341, %parallel_loop3A_342] {strides = array<i32>} : memref<16x512xf32, #tpu.memory_space<vmem>>, vector<16xf32>,
        %parallel_loop3A_344 = vector.broadcast %scan3A_21 : f32 to vector<16xf32>
        %parallel_loop3A_345 = arith.mulf %parallel_loop3A_340, %parallel_loop3A_344 : vector<16xf32>
        %parallel_loop3A_346 = arith.fptosi %parallel_loop3A_345 : vector<16xf32> to vector<16xi32>
        %parallel_loop3A_347 = vector.broadcast %scan3A_21 : f32 to vector<16xf32>
        %parallel_loop3A_348 = arith.mulf %parallel_loop3A_343, %parallel_loop3A_347 : vector<16xf32>
        %parallel_loop3A_349 = arith.fptosi %parallel_loop3A_348 : vector<16xf32> to vector<16xi32>
        %parallel_loop3A_350 = arith.constant 256 : i32
        %parallel_loop3A_351 = vector.broadcast %parallel_loop3A_350 : i32 to vector<16xi32>
        %parallel_loop3A_352 = arith.muli %parallel_loop3A_346, %parallel_loop3A_351 : vector<16xi32>
        %parallel_loop3A_353 = arith.addi %parallel_loop3A_352, %parallel_loop3A_349 : vector<16xi32>
        tpu.vector_store_idx %arg5[%parallel_loop3A_353], %broadcast_in_dim3A_20 : memref<65536xf32, #tpu.memory_space<vmem>>[vector<16xi32>], vector<16xf32>,
        %parallel_loop3A_354 = arith.index_cast %parallel_loop3A_81 : i32 to index
        %parallel_loop3A_355 = arith.constant 272 : index
        %parallel_loop3A_356 = tpu.vector_load %arg6[%parallel_loop3A_354, %parallel_loop3A_355] {strides = array<i32>} : memref<16x512xf32, #tpu.memory_space<vmem>>, vector<16xf32>,
        %parallel_loop3A_357 = arith.index_cast %parallel_loop3A_81 : i32 to index
        %parallel_loop3A_358 = arith.constant 272 : index
        %parallel_loop3A_359 = tpu.vector_load %arg7[%parallel_loop3A_357, %parallel_loop3A_358] {strides = array<i32>} : memref<16x512xf32, #tpu.memory_space<vmem>>, vector<16xf32>,
        %parallel_loop3A_360 = vector.broadcast %scan3A_21 : f32 to vector<16xf32>
        %parallel_loop3A_361 = arith.mulf %parallel_loop3A_356, %parallel_loop3A_360 : vector<16xf32>
        %parallel_loop3A_362 = arith.fptosi %parallel_loop3A_361 : vector<16xf32> to vector<16xi32>
        %parallel_loop3A_363 = vector.broadcast %scan3A_21 : f32 to vector<16xf32>
        %parallel_loop3A_364 = arith.mulf %parallel_loop3A_359, %parallel_loop3A_363 : vector<16xf32>
        %parallel_loop3A_365 = arith.fptosi %parallel_loop3A_364 : vector<16xf32> to vector<16xi32>
        %parallel_loop3A_366 = arith.constant 256 : i32
        %parallel_loop3A_367 = vector.broadcast %parallel_loop3A_366 : i32 to vector<16xi32>
        %parallel_loop3A_368 = arith.muli %parallel_loop3A_362, %parallel_loop3A_367 : vector<16xi32>
        %parallel_loop3A_369 = arith.addi %parallel_loop3A_368, %parallel_loop3A_365 : vector<16xi32>
        tpu.vector_store_idx %arg5[%parallel_loop3A_369], %broadcast_in_dim3A_20 : memref<65536xf32, #tpu.memory_space<vmem>>[vector<16xi32>], vector<16xf32>,
        %parallel_loop3A_370 = arith.index_cast %parallel_loop3A_81 : i32 to index
        %parallel_loop3A_371 = arith.constant 288 : index
        %parallel_loop3A_372 = tpu.vector_load %arg6[%parallel_loop3A_370, %parallel_loop3A_371] {strides = array<i32>} : memref<16x512xf32, #tpu.memory_space<vmem>>, vector<16xf32>,
        %parallel_loop3A_373 = arith.index_cast %parallel_loop3A_81 : i32 to index
        %parallel_loop3A_374 = arith.constant 288 : index
        %parallel_loop3A_375 = tpu.vector_load %arg7[%parallel_loop3A_373, %parallel_loop3A_374] {strides = array<i32>} : memref<16x512xf32, #tpu.memory_space<vmem>>, vector<16xf32>,
        %parallel_loop3A_376 = vector.broadcast %scan3A_21 : f32 to vector<16xf32>
        %parallel_loop3A_377 = arith.mulf %parallel_loop3A_372, %parallel_loop3A_376 : vector<16xf32>
        %parallel_loop3A_378 = arith.fptosi %parallel_loop3A_377 : vector<16xf32> to vector<16xi32>
        %parallel_loop3A_379 = vector.broadcast %scan3A_21 : f32 to vector<16xf32>
        %parallel_loop3A_380 = arith.mulf %parallel_loop3A_375, %parallel_loop3A_379 : vector<16xf32>
        %parallel_loop3A_381 = arith.fptosi %parallel_loop3A_380 : vector<16xf32> to vector<16xi32>
        %parallel_loop3A_382 = arith.constant 256 : i32
        %parallel_loop3A_383 = vector.broadcast %parallel_loop3A_382 : i32 to vector<16xi32>
        %parallel_loop3A_384 = arith.muli %parallel_loop3A_378, %parallel_loop3A_383 : vector<16xi32>
        %parallel_loop3A_385 = arith.addi %parallel_loop3A_384, %parallel_loop3A_381 : vector<16xi32>
        tpu.vector_store_idx %arg5[%parallel_loop3A_385], %broadcast_in_dim3A_20 : memref<65536xf32, #tpu.memory_space<vmem>>[vector<16xi32>], vector<16xf32>,
        %parallel_loop3A_386 = arith.index_cast %parallel_loop3A_81 : i32 to index
        %parallel_loop3A_387 = arith.constant 304 : index
        %parallel_loop3A_388 = tpu.vector_load %arg6[%parallel_loop3A_386, %parallel_loop3A_387] {strides = array<i32>} : memref<16x512xf32, #tpu.memory_space<vmem>>, vector<16xf32>,
        %parallel_loop3A_389 = arith.index_cast %parallel_loop3A_81 : i32 to index
        %parallel_loop3A_390 = arith.constant 304 : index
        %parallel_loop3A_391 = tpu.vector_load %arg7[%parallel_loop3A_389, %parallel_loop3A_390] {strides = array<i32>} : memref<16x512xf32, #tpu.memory_space<vmem>>, vector<16xf32>,
        %parallel_loop3A_392 = vector.broadcast %scan3A_21 : f32 to vector<16xf32>
        %parallel_loop3A_393 = arith.mulf %parallel_loop3A_388, %parallel_loop3A_392 : vector<16xf32>
        %parallel_loop3A_394 = arith.fptosi %parallel_loop3A_393 : vector<16xf32> to vector<16xi32>
        %parallel_loop3A_395 = vector.broadcast %scan3A_21 : f32 to vector<16xf32>
        %parallel_loop3A_396 = arith.mulf %parallel_loop3A_391, %parallel_loop3A_395 : vector<16xf32>
        %parallel_loop3A_397 = arith.fptosi %parallel_loop3A_396 : vector<16xf32> to vector<16xi32>
        %parallel_loop3A_398 = arith.constant 256 : i32
        %parallel_loop3A_399 = vector.broadcast %parallel_loop3A_398 : i32 to vector<16xi32>
        %parallel_loop3A_400 = arith.muli %parallel_loop3A_394, %parallel_loop3A_399 : vector<16xi32>
        %parallel_loop3A_401 = arith.addi %parallel_loop3A_400, %parallel_loop3A_397 : vector<16xi32>
        tpu.vector_store_idx %arg5[%parallel_loop3A_401], %broadcast_in_dim3A_20 : memref<65536xf32, #tpu.memory_space<vmem>>[vector<16xi32>], vector<16xf32>,
        %parallel_loop3A_402 = arith.index_cast %parallel_loop3A_81 : i32 to index
        %parallel_loop3A_403 = arith.constant 320 : index
        %parallel_loop3A_404 = tpu.vector_load %arg6[%parallel_loop3A_402, %parallel_loop3A_403] {strides = array<i32>} : memref<16x512xf32, #tpu.memory_space<vmem>>, vector<16xf32>,
        %parallel_loop3A_405 = arith.index_cast %parallel_loop3A_81 : i32 to index
        %parallel_loop3A_406 = arith.constant 320 : index
        %parallel_loop3A_407 = tpu.vector_load %arg7[%parallel_loop3A_405, %parallel_loop3A_406] {strides = array<i32>} : memref<16x512xf32, #tpu.memory_space<vmem>>, vector<16xf32>,
        %parallel_loop3A_408 = vector.broadcast %scan3A_21 : f32 to vector<16xf32>
        %parallel_loop3A_409 = arith.mulf %parallel_loop3A_404, %parallel_loop3A_408 : vector<16xf32>
        %parallel_loop3A_410 = arith.fptosi %parallel_loop3A_409 : vector<16xf32> to vector<16xi32>
        %parallel_loop3A_411 = vector.broadcast %scan3A_21 : f32 to vector<16xf32>
        %parallel_loop3A_412 = arith.mulf %parallel_loop3A_407, %parallel_loop3A_411 : vector<16xf32>
        %parallel_loop3A_413 = arith.fptosi %parallel_loop3A_412 : vector<16xf32> to vector<16xi32>
        %parallel_loop3A_414 = arith.constant 256 : i32
        %parallel_loop3A_415 = vector.broadcast %parallel_loop3A_414 : i32 to vector<16xi32>
        %parallel_loop3A_416 = arith.muli %parallel_loop3A_410, %parallel_loop3A_415 : vector<16xi32>
        %parallel_loop3A_417 = arith.addi %parallel_loop3A_416, %parallel_loop3A_413 : vector<16xi32>
        tpu.vector_store_idx %arg5[%parallel_loop3A_417], %broadcast_in_dim3A_20 : memref<65536xf32, #tpu.memory_space<vmem>>[vector<16xi32>], vector<16xf32>,
        %parallel_loop3A_418 = arith.index_cast %parallel_loop3A_81 : i32 to index
        %parallel_loop3A_419 = arith.constant 336 : index
        %parallel_loop3A_420 = tpu.vector_load %arg6[%parallel_loop3A_418, %parallel_loop3A_419] {strides = array<i32>} : memref<16x512xf32, #tpu.memory_space<vmem>>, vector<16xf32>,
        %parallel_loop3A_421 = arith.index_cast %parallel_loop3A_81 : i32 to index
        %parallel_loop3A_422 = arith.constant 336 : index
        %parallel_loop3A_423 = tpu.vector_load %arg7[%parallel_loop3A_421, %parallel_loop3A_422] {strides = array<i32>} : memref<16x512xf32, #tpu.memory_space<vmem>>, vector<16xf32>,
        %parallel_loop3A_424 = vector.broadcast %scan3A_21 : f32 to vector<16xf32>
        %parallel_loop3A_425 = arith.mulf %parallel_loop3A_420, %parallel_loop3A_424 : vector<16xf32>
        %parallel_loop3A_426 = arith.fptosi %parallel_loop3A_425 : vector<16xf32> to vector<16xi32>
        %parallel_loop3A_427 = vector.broadcast %scan3A_21 : f32 to vector<16xf32>
        %parallel_loop3A_428 = arith.mulf %parallel_loop3A_423, %parallel_loop3A_427 : vector<16xf32>
        %parallel_loop3A_429 = arith.fptosi %parallel_loop3A_428 : vector<16xf32> to vector<16xi32>
        %parallel_loop3A_430 = arith.constant 256 : i32
        %parallel_loop3A_431 = vector.broadcast %parallel_loop3A_430 : i32 to vector<16xi32>
        %parallel_loop3A_432 = arith.muli %parallel_loop3A_426, %parallel_loop3A_431 : vector<16xi32>
        %parallel_loop3A_433 = arith.addi %parallel_loop3A_432, %parallel_loop3A_429 : vector<16xi32>
        tpu.vector_store_idx %arg5[%parallel_loop3A_433], %broadcast_in_dim3A_20 : memref<65536xf32, #tpu.memory_space<vmem>>[vector<16xi32>], vector<16xf32>,
        %parallel_loop3A_434 = arith.index_cast %parallel_loop3A_81 : i32 to index
        %parallel_loop3A_435 = arith.constant 352 : index
        %parallel_loop3A_436 = tpu.vector_load %arg6[%parallel_loop3A_434, %parallel_loop3A_435] {strides = array<i32>} : memref<16x512xf32, #tpu.memory_space<vmem>>, vector<16xf32>,
        %parallel_loop3A_437 = arith.index_cast %parallel_loop3A_81 : i32 to index
        %parallel_loop3A_438 = arith.constant 352 : index
        %parallel_loop3A_439 = tpu.vector_load %arg7[%parallel_loop3A_437, %parallel_loop3A_438] {strides = array<i32>} : memref<16x512xf32, #tpu.memory_space<vmem>>, vector<16xf32>,
        %parallel_loop3A_440 = vector.broadcast %scan3A_21 : f32 to vector<16xf32>
        %parallel_loop3A_441 = arith.mulf %parallel_loop3A_436, %parallel_loop3A_440 : vector<16xf32>
        %parallel_loop3A_442 = arith.fptosi %parallel_loop3A_441 : vector<16xf32> to vector<16xi32>
        %parallel_loop3A_443 = vector.broadcast %scan3A_21 : f32 to vector<16xf32>
        %parallel_loop3A_444 = arith.mulf %parallel_loop3A_439, %parallel_loop3A_443 : vector<16xf32>
        %parallel_loop3A_445 = arith.fptosi %parallel_loop3A_444 : vector<16xf32> to vector<16xi32>
        %parallel_loop3A_446 = arith.constant 256 : i32
        %parallel_loop3A_447 = vector.broadcast %parallel_loop3A_446 : i32 to vector<16xi32>
        %parallel_loop3A_448 = arith.muli %parallel_loop3A_442, %parallel_loop3A_447 : vector<16xi32>
        %parallel_loop3A_449 = arith.addi %parallel_loop3A_448, %parallel_loop3A_445 : vector<16xi32>
        tpu.vector_store_idx %arg5[%parallel_loop3A_449], %broadcast_in_dim3A_20 : memref<65536xf32, #tpu.memory_space<vmem>>[vector<16xi32>], vector<16xf32>,
        %parallel_loop3A_450 = arith.index_cast %parallel_loop3A_81 : i32 to index
        %parallel_loop3A_451 = arith.constant 368 : index
        %parallel_loop3A_452 = tpu.vector_load %arg6[%parallel_loop3A_450, %parallel_loop3A_451] {strides = array<i32>} : memref<16x512xf32, #tpu.memory_space<vmem>>, vector<16xf32>,
        %parallel_loop3A_453 = arith.index_cast %parallel_loop3A_81 : i32 to index
        %parallel_loop3A_454 = arith.constant 368 : index
        %parallel_loop3A_455 = tpu.vector_load %arg7[%parallel_loop3A_453, %parallel_loop3A_454] {strides = array<i32>} : memref<16x512xf32, #tpu.memory_space<vmem>>, vector<16xf32>,
        %parallel_loop3A_456 = vector.broadcast %scan3A_21 : f32 to vector<16xf32>
        %parallel_loop3A_457 = arith.mulf %parallel_loop3A_452, %parallel_loop3A_456 : vector<16xf32>
        %parallel_loop3A_458 = arith.fptosi %parallel_loop3A_457 : vector<16xf32> to vector<16xi32>
        %parallel_loop3A_459 = vector.broadcast %scan3A_21 : f32 to vector<16xf32>
        %parallel_loop3A_460 = arith.mulf %parallel_loop3A_455, %parallel_loop3A_459 : vector<16xf32>
        %parallel_loop3A_461 = arith.fptosi %parallel_loop3A_460 : vector<16xf32> to vector<16xi32>
        %parallel_loop3A_462 = arith.constant 256 : i32
        %parallel_loop3A_463 = vector.broadcast %parallel_loop3A_462 : i32 to vector<16xi32>
        %parallel_loop3A_464 = arith.muli %parallel_loop3A_458, %parallel_loop3A_463 : vector<16xi32>
        %parallel_loop3A_465 = arith.addi %parallel_loop3A_464, %parallel_loop3A_461 : vector<16xi32>
        tpu.vector_store_idx %arg5[%parallel_loop3A_465], %broadcast_in_dim3A_20 : memref<65536xf32, #tpu.memory_space<vmem>>[vector<16xi32>], vector<16xf32>,
        %parallel_loop3A_466 = arith.index_cast %parallel_loop3A_81 : i32 to index
        %parallel_loop3A_467 = arith.constant 384 : index
        %parallel_loop3A_468 = tpu.vector_load %arg6[%parallel_loop3A_466, %parallel_loop3A_467] {strides = array<i32>} : memref<16x512xf32, #tpu.memory_space<vmem>>, vector<16xf32>,
        %parallel_loop3A_469 = arith.index_cast %parallel_loop3A_81 : i32 to index
        %parallel_loop3A_470 = arith.constant 384 : index
        %parallel_loop3A_471 = tpu.vector_load %arg7[%parallel_loop3A_469, %parallel_loop3A_470] {strides = array<i32>} : memref<16x512xf32, #tpu.memory_space<vmem>>, vector<16xf32>,
        %parallel_loop3A_472 = vector.broadcast %scan3A_21 : f32 to vector<16xf32>
        %parallel_loop3A_473 = arith.mulf %parallel_loop3A_468, %parallel_loop3A_472 : vector<16xf32>
        %parallel_loop3A_474 = arith.fptosi %parallel_loop3A_473 : vector<16xf32> to vector<16xi32>
        %parallel_loop3A_475 = vector.broadcast %scan3A_21 : f32 to vector<16xf32>
        %parallel_loop3A_476 = arith.mulf %parallel_loop3A_471, %parallel_loop3A_475 : vector<16xf32>
        %parallel_loop3A_477 = arith.fptosi %parallel_loop3A_476 : vector<16xf32> to vector<16xi32>
        %parallel_loop3A_478 = arith.constant 256 : i32
        %parallel_loop3A_479 = vector.broadcast %parallel_loop3A_478 : i32 to vector<16xi32>
        %parallel_loop3A_480 = arith.muli %parallel_loop3A_474, %parallel_loop3A_479 : vector<16xi32>
        %parallel_loop3A_481 = arith.addi %parallel_loop3A_480, %parallel_loop3A_477 : vector<16xi32>
        tpu.vector_store_idx %arg5[%parallel_loop3A_481], %broadcast_in_dim3A_20 : memref<65536xf32, #tpu.memory_space<vmem>>[vector<16xi32>], vector<16xf32>,
        %parallel_loop3A_482 = arith.index_cast %parallel_loop3A_81 : i32 to index
        %parallel_loop3A_483 = arith.constant 400 : index
        %parallel_loop3A_484 = tpu.vector_load %arg6[%parallel_loop3A_482, %parallel_loop3A_483] {strides = array<i32>} : memref<16x512xf32, #tpu.memory_space<vmem>>, vector<16xf32>,
        %parallel_loop3A_485 = arith.index_cast %parallel_loop3A_81 : i32 to index
        %parallel_loop3A_486 = arith.constant 400 : index
        %parallel_loop3A_487 = tpu.vector_load %arg7[%parallel_loop3A_485, %parallel_loop3A_486] {strides = array<i32>} : memref<16x512xf32, #tpu.memory_space<vmem>>, vector<16xf32>,
        %parallel_loop3A_488 = vector.broadcast %scan3A_21 : f32 to vector<16xf32>
        %parallel_loop3A_489 = arith.mulf %parallel_loop3A_484, %parallel_loop3A_488 : vector<16xf32>
        %parallel_loop3A_490 = arith.fptosi %parallel_loop3A_489 : vector<16xf32> to vector<16xi32>
        %parallel_loop3A_491 = vector.broadcast %scan3A_21 : f32 to vector<16xf32>
        %parallel_loop3A_492 = arith.mulf %parallel_loop3A_487, %parallel_loop3A_491 : vector<16xf32>
        %parallel_loop3A_493 = arith.fptosi %parallel_loop3A_492 : vector<16xf32> to vector<16xi32>
        %parallel_loop3A_494 = arith.constant 256 : i32
        %parallel_loop3A_495 = vector.broadcast %parallel_loop3A_494 : i32 to vector<16xi32>
        %parallel_loop3A_496 = arith.muli %parallel_loop3A_490, %parallel_loop3A_495 : vector<16xi32>
        %parallel_loop3A_497 = arith.addi %parallel_loop3A_496, %parallel_loop3A_493 : vector<16xi32>
        tpu.vector_store_idx %arg5[%parallel_loop3A_497], %broadcast_in_dim3A_20 : memref<65536xf32, #tpu.memory_space<vmem>>[vector<16xi32>], vector<16xf32>,
        %parallel_loop3A_498 = arith.index_cast %parallel_loop3A_81 : i32 to index
        %parallel_loop3A_499 = arith.constant 416 : index
        %parallel_loop3A_500 = tpu.vector_load %arg6[%parallel_loop3A_498, %parallel_loop3A_499] {strides = array<i32>} : memref<16x512xf32, #tpu.memory_space<vmem>>, vector<16xf32>,
        %parallel_loop3A_501 = arith.index_cast %parallel_loop3A_81 : i32 to index
        %parallel_loop3A_502 = arith.constant 416 : index
        %parallel_loop3A_503 = tpu.vector_load %arg7[%parallel_loop3A_501, %parallel_loop3A_502] {strides = array<i32>} : memref<16x512xf32, #tpu.memory_space<vmem>>, vector<16xf32>,
        %parallel_loop3A_504 = vector.broadcast %scan3A_21 : f32 to vector<16xf32>
        %parallel_loop3A_505 = arith.mulf %parallel_loop3A_500, %parallel_loop3A_504 : vector<16xf32>
        %parallel_loop3A_506 = arith.fptosi %parallel_loop3A_505 : vector<16xf32> to vector<16xi32>
        %parallel_loop3A_507 = vector.broadcast %scan3A_21 : f32 to vector<16xf32>
        %parallel_loop3A_508 = arith.mulf %parallel_loop3A_503, %parallel_loop3A_507 : vector<16xf32>
        %parallel_loop3A_509 = arith.fptosi %parallel_loop3A_508 : vector<16xf32> to vector<16xi32>
        %parallel_loop3A_510 = arith.constant 256 : i32
        %parallel_loop3A_511 = vector.broadcast %parallel_loop3A_510 : i32 to vector<16xi32>
        %parallel_loop3A_512 = arith.muli %parallel_loop3A_506, %parallel_loop3A_511 : vector<16xi32>
        %parallel_loop3A_513 = arith.addi %parallel_loop3A_512, %parallel_loop3A_509 : vector<16xi32>
        tpu.vector_store_idx %arg5[%parallel_loop3A_513], %broadcast_in_dim3A_20 : memref<65536xf32, #tpu.memory_space<vmem>>[vector<16xi32>], vector<16xf32>,
        %parallel_loop3A_514 = arith.index_cast %parallel_loop3A_81 : i32 to index
        %parallel_loop3A_515 = arith.constant 432 : index
        %parallel_loop3A_516 = tpu.vector_load %arg6[%parallel_loop3A_514, %parallel_loop3A_515] {strides = array<i32>} : memref<16x512xf32, #tpu.memory_space<vmem>>, vector<16xf32>,
        %parallel_loop3A_517 = arith.index_cast %parallel_loop3A_81 : i32 to index
        %parallel_loop3A_518 = arith.constant 432 : index
        %parallel_loop3A_519 = tpu.vector_load %arg7[%parallel_loop3A_517, %parallel_loop3A_518] {strides = array<i32>} : memref<16x512xf32, #tpu.memory_space<vmem>>, vector<16xf32>,
        %parallel_loop3A_520 = vector.broadcast %scan3A_21 : f32 to vector<16xf32>
        %parallel_loop3A_521 = arith.mulf %parallel_loop3A_516, %parallel_loop3A_520 : vector<16xf32>
        %parallel_loop3A_522 = arith.fptosi %parallel_loop3A_521 : vector<16xf32> to vector<16xi32>
        %parallel_loop3A_523 = vector.broadcast %scan3A_21 : f32 to vector<16xf32>
        %parallel_loop3A_524 = arith.mulf %parallel_loop3A_519, %parallel_loop3A_523 : vector<16xf32>
        %parallel_loop3A_525 = arith.fptosi %parallel_loop3A_524 : vector<16xf32> to vector<16xi32>
        %parallel_loop3A_526 = arith.constant 256 : i32
        %parallel_loop3A_527 = vector.broadcast %parallel_loop3A_526 : i32 to vector<16xi32>
        %parallel_loop3A_528 = arith.muli %parallel_loop3A_522, %parallel_loop3A_527 : vector<16xi32>
        %parallel_loop3A_529 = arith.addi %parallel_loop3A_528, %parallel_loop3A_525 : vector<16xi32>
        tpu.vector_store_idx %arg5[%parallel_loop3A_529], %broadcast_in_dim3A_20 : memref<65536xf32, #tpu.memory_space<vmem>>[vector<16xi32>], vector<16xf32>,
        %parallel_loop3A_530 = arith.index_cast %parallel_loop3A_81 : i32 to index
        %parallel_loop3A_531 = arith.constant 448 : index
        %parallel_loop3A_532 = tpu.vector_load %arg6[%parallel_loop3A_530, %parallel_loop3A_531] {strides = array<i32>} : memref<16x512xf32, #tpu.memory_space<vmem>>, vector<16xf32>,
        %parallel_loop3A_533 = arith.index_cast %parallel_loop3A_81 : i32 to index
        %parallel_loop3A_534 = arith.constant 448 : index
        %parallel_loop3A_535 = tpu.vector_load %arg7[%parallel_loop3A_533, %parallel_loop3A_534] {strides = array<i32>} : memref<16x512xf32, #tpu.memory_space<vmem>>, vector<16xf32>,
        %parallel_loop3A_536 = vector.broadcast %scan3A_21 : f32 to vector<16xf32>
        %parallel_loop3A_537 = arith.mulf %parallel_loop3A_532, %parallel_loop3A_536 : vector<16xf32>
        %parallel_loop3A_538 = arith.fptosi %parallel_loop3A_537 : vector<16xf32> to vector<16xi32>
        %parallel_loop3A_539 = vector.broadcast %scan3A_21 : f32 to vector<16xf32>
        %parallel_loop3A_540 = arith.mulf %parallel_loop3A_535, %parallel_loop3A_539 : vector<16xf32>
        %parallel_loop3A_541 = arith.fptosi %parallel_loop3A_540 : vector<16xf32> to vector<16xi32>
        %parallel_loop3A_542 = arith.constant 256 : i32
        %parallel_loop3A_543 = vector.broadcast %parallel_loop3A_542 : i32 to vector<16xi32>
        %parallel_loop3A_544 = arith.muli %parallel_loop3A_538, %parallel_loop3A_543 : vector<16xi32>
        %parallel_loop3A_545 = arith.addi %parallel_loop3A_544, %parallel_loop3A_541 : vector<16xi32>
        tpu.vector_store_idx %arg5[%parallel_loop3A_545], %broadcast_in_dim3A_20 : memref<65536xf32, #tpu.memory_space<vmem>>[vector<16xi32>], vector<16xf32>,
        %parallel_loop3A_546 = arith.index_cast %parallel_loop3A_81 : i32 to index
        %parallel_loop3A_547 = arith.constant 464 : index
        %parallel_loop3A_548 = tpu.vector_load %arg6[%parallel_loop3A_546, %parallel_loop3A_547] {strides = array<i32>} : memref<16x512xf32, #tpu.memory_space<vmem>>, vector<16xf32>,
        %parallel_loop3A_549 = arith.index_cast %parallel_loop3A_81 : i32 to index
        %parallel_loop3A_550 = arith.constant 464 : index
        %parallel_loop3A_551 = tpu.vector_load %arg7[%parallel_loop3A_549, %parallel_loop3A_550] {strides = array<i32>} : memref<16x512xf32, #tpu.memory_space<vmem>>, vector<16xf32>,
        %parallel_loop3A_552 = vector.broadcast %scan3A_21 : f32 to vector<16xf32>
        %parallel_loop3A_553 = arith.mulf %parallel_loop3A_548, %parallel_loop3A_552 : vector<16xf32>
        %parallel_loop3A_554 = arith.fptosi %parallel_loop3A_553 : vector<16xf32> to vector<16xi32>
        %parallel_loop3A_555 = vector.broadcast %scan3A_21 : f32 to vector<16xf32>
        %parallel_loop3A_556 = arith.mulf %parallel_loop3A_551, %parallel_loop3A_555 : vector<16xf32>
        %parallel_loop3A_557 = arith.fptosi %parallel_loop3A_556 : vector<16xf32> to vector<16xi32>
        %parallel_loop3A_558 = arith.constant 256 : i32
        %parallel_loop3A_559 = vector.broadcast %parallel_loop3A_558 : i32 to vector<16xi32>
        %parallel_loop3A_560 = arith.muli %parallel_loop3A_554, %parallel_loop3A_559 : vector<16xi32>
        %parallel_loop3A_561 = arith.addi %parallel_loop3A_560, %parallel_loop3A_557 : vector<16xi32>
        tpu.vector_store_idx %arg5[%parallel_loop3A_561], %broadcast_in_dim3A_20 : memref<65536xf32, #tpu.memory_space<vmem>>[vector<16xi32>], vector<16xf32>,
        %parallel_loop3A_562 = arith.index_cast %parallel_loop3A_81 : i32 to index
        %parallel_loop3A_563 = arith.constant 480 : index
        %parallel_loop3A_564 = tpu.vector_load %arg6[%parallel_loop3A_562, %parallel_loop3A_563] {strides = array<i32>} : memref<16x512xf32, #tpu.memory_space<vmem>>, vector<16xf32>,
        %parallel_loop3A_565 = arith.index_cast %parallel_loop3A_81 : i32 to index
        %parallel_loop3A_566 = arith.constant 480 : index
        %parallel_loop3A_567 = tpu.vector_load %arg7[%parallel_loop3A_565, %parallel_loop3A_566] {strides = array<i32>} : memref<16x512xf32, #tpu.memory_space<vmem>>, vector<16xf32>,
        %parallel_loop3A_568 = vector.broadcast %scan3A_21 : f32 to vector<16xf32>
        %parallel_loop3A_569 = arith.mulf %parallel_loop3A_564, %parallel_loop3A_568 : vector<16xf32>
        %parallel_loop3A_570 = arith.fptosi %parallel_loop3A_569 : vector<16xf32> to vector<16xi32>
        %parallel_loop3A_571 = vector.broadcast %scan3A_21 : f32 to vector<16xf32>
        %parallel_loop3A_572 = arith.mulf %parallel_loop3A_567, %parallel_loop3A_571 : vector<16xf32>
        %parallel_loop3A_573 = arith.fptosi %parallel_loop3A_572 : vector<16xf32> to vector<16xi32>
        %parallel_loop3A_574 = arith.constant 256 : i32
        %parallel_loop3A_575 = vector.broadcast %parallel_loop3A_574 : i32 to vector<16xi32>
        %parallel_loop3A_576 = arith.muli %parallel_loop3A_570, %parallel_loop3A_575 : vector<16xi32>
        %parallel_loop3A_577 = arith.addi %parallel_loop3A_576, %parallel_loop3A_573 : vector<16xi32>
        tpu.vector_store_idx %arg5[%parallel_loop3A_577], %broadcast_in_dim3A_20 : memref<65536xf32, #tpu.memory_space<vmem>>[vector<16xi32>], vector<16xf32>,
        %parallel_loop3A_578 = arith.index_cast %parallel_loop3A_81 : i32 to index
        %parallel_loop3A_579 = arith.constant 496 : index
        %parallel_loop3A_580 = tpu.vector_load %arg6[%parallel_loop3A_578, %parallel_loop3A_579] {strides = array<i32>} : memref<16x512xf32, #tpu.memory_space<vmem>>, vector<16xf32>,
        %parallel_loop3A_581 = arith.index_cast %parallel_loop3A_81 : i32 to index
        %parallel_loop3A_582 = arith.constant 496 : index
        %parallel_loop3A_583 = tpu.vector_load %arg7[%parallel_loop3A_581, %parallel_loop3A_582] {strides = array<i32>} : memref<16x512xf32, #tpu.memory_space<vmem>>, vector<16xf32>,
        %parallel_loop3A_584 = vector.broadcast %scan3A_21 : f32 to vector<16xf32>
        %parallel_loop3A_585 = arith.mulf %parallel_loop3A_580, %parallel_loop3A_584 : vector<16xf32>
        %parallel_loop3A_586 = arith.fptosi %parallel_loop3A_585 : vector<16xf32> to vector<16xi32>
        %parallel_loop3A_587 = vector.broadcast %scan3A_21 : f32 to vector<16xf32>
        %parallel_loop3A_588 = arith.mulf %parallel_loop3A_583, %parallel_loop3A_587 : vector<16xf32>
        %parallel_loop3A_589 = arith.fptosi %parallel_loop3A_588 : vector<16xf32> to vector<16xi32>
        %parallel_loop3A_590 = arith.constant 256 : i32
        %parallel_loop3A_591 = vector.broadcast %parallel_loop3A_590 : i32 to vector<16xi32>
        %parallel_loop3A_592 = arith.muli %parallel_loop3A_586, %parallel_loop3A_591 : vector<16xi32>
        %parallel_loop3A_593 = arith.addi %parallel_loop3A_592, %parallel_loop3A_589 : vector<16xi32>
        tpu.vector_store_idx %arg5[%parallel_loop3A_593], %broadcast_in_dim3A_20 : memref<65536xf32, #tpu.memory_space<vmem>>[vector<16xi32>], vector<16xf32>,
      } {sc.loop_unroll_factor = 2 : i64, sc.parallel_access}
      %add3A_60 = arith.constant 2 : i32
      %add3A_61 = arith.addi %mul3A_29, %add3A_60 : i32
      %lt3A = arith.constant 48 : i32
      %lt3A_62 = arith.cmpi slt, %add3A_61, %lt3A : i32
      %convert_element_type3A = arith.extui %lt3A_62 : i1 to i32
      %cond3A = arith.constant 0 : i32
      %cond3A_63 = arith.cmpi ne, %convert_element_type3A, %cond3A : i32
      scf.if %cond3A_63 {
        %add3A_81 = arith.constant 2 : i32
        %add3A_82 = arith.addi %mul3A_29, %add3A_81 : i32
        %dma_start3A_83 = arith.constant 0 : i32
        %dma_start3A_84 = tpu.memref_slice %arg2[%add3A_82, %mul3A_2, %dma_start3A_83] : memref<48x512x512xf32, #tpu.memory_space<hbm>> -> memref<1x16x512xf32, #tpu.memory_space<hbm>>
        %dma_start3A_85 = tpu.memref_squeeze %dma_start3A_84 : memref<1x16x512xf32, #tpu.memory_space<hbm>> -> memref<16x512xf32, #tpu.memory_space<hbm>>
        %dma_start3A_86 = arith.constant 0 : i32
        %dma_start3A_87 = tpu.memref_slice %arg2[%add3A_82, %mul3A_2, %dma_start3A_86] : memref<48x512x512xf32, #tpu.memory_space<hbm>> -> memref<1x16x512xf32, #tpu.memory_space<hbm>>
        %dma_start3A_88 = tpu.memref_squeeze %dma_start3A_87 : memref<1x16x512xf32, #tpu.memory_space<hbm>> -> memref<16x512xf32, #tpu.memory_space<hbm>>
        tpu.enqueue_dma source(%dma_start3A_88 : memref<16x512xf32, #tpu.memory_space<hbm>>) target(%arg6 : memref<16x512xf32, #tpu.memory_space<vmem>>) target_semaphore(%arg10 : memref<!tpu.dma_semaphore, #tpu.memory_space<semaphore_mem>>)
        %dma_start3A_89 = arith.constant 0 : i32
        %dma_start3A_90 = tpu.memref_slice %arg3[%add3A_82, %mul3A_2, %dma_start3A_89] : memref<48x512x512xf32, #tpu.memory_space<hbm>> -> memref<1x16x512xf32, #tpu.memory_space<hbm>>
        %dma_start3A_91 = tpu.memref_squeeze %dma_start3A_90 : memref<1x16x512xf32, #tpu.memory_space<hbm>> -> memref<16x512xf32, #tpu.memory_space<hbm>>
        %dma_start3A_92 = arith.constant 0 : i32
        %dma_start3A_93 = tpu.memref_slice %arg3[%add3A_82, %mul3A_2, %dma_start3A_92] : memref<48x512x512xf32, #tpu.memory_space<hbm>> -> memref<1x16x512xf32, #tpu.memory_space<hbm>>
        %dma_start3A_94 = tpu.memref_squeeze %dma_start3A_93 : memref<1x16x512xf32, #tpu.memory_space<hbm>> -> memref<16x512xf32, #tpu.memory_space<hbm>>
        tpu.enqueue_dma source(%dma_start3A_94 : memref<16x512xf32, #tpu.memory_space<hbm>>) target(%arg7 : memref<16x512xf32, #tpu.memory_space<vmem>>) target_semaphore(%arg10 : memref<!tpu.dma_semaphore, #tpu.memory_space<semaphore_mem>>)
      } else {
      }
      %dma_wait3A_64 = arith.constant 0 : i32
      %dma_wait3A_65 = arith.constant 0 : i32
      %dma_wait3A_66 = tpu.memref_slice %arg2[%dma_wait3A_64, %mul3A_2, %dma_wait3A_65] : memref<48x512x512xf32, #tpu.memory_space<hbm>> -> memref<1x16x512xf32, #tpu.memory_space<hbm>>
      %dma_wait3A_67 = tpu.memref_squeeze %dma_wait3A_66 : memref<1x16x512xf32, #tpu.memory_space<hbm>> -> memref<16x512xf32, #tpu.memory_space<hbm>>
      %dma_wait3A_68 = arith.constant 0 : i32
      %dma_wait3A_69 = tpu.memref_slice %arg2[%dma_wait3A_64, %mul3A_2, %dma_wait3A_68] : memref<48x512x512xf32, #tpu.memory_space<hbm>> -> memref<1x16x512xf32, #tpu.memory_space<hbm>>
      %dma_wait3A_70 = tpu.memref_squeeze %dma_wait3A_69 : memref<1x16x512xf32, #tpu.memory_space<hbm>> -> memref<16x512xf32, #tpu.memory_space<hbm>>
      tpu.wait_dma2 semaphore(%arg11 : memref<!tpu.dma_semaphore, #tpu.memory_space<semaphore_mem>>) src(%dma_wait3A_70 : memref<16x512xf32, #tpu.memory_space<hbm>>) dst(%arg8 : memref<16x512xf32, #tpu.memory_space<vmem>>)
      %dma_wait3A_71 = arith.constant 0 : i32
      %dma_wait3A_72 = arith.constant 0 : i32
      %dma_wait3A_73 = tpu.memref_slice %arg3[%dma_wait3A_71, %mul3A_2, %dma_wait3A_72] : memref<48x512x512xf32, #tpu.memory_space<hbm>> -> memref<1x16x512xf32, #tpu.memory_space<hbm>>
      %dma_wait3A_74 = tpu.memref_squeeze %dma_wait3A_73 : memref<1x16x512xf32, #tpu.memory_space<hbm>> -> memref<16x512xf32, #tpu.memory_space<hbm>>
      %dma_wait3A_75 = arith.constant 0 : i32
      %dma_wait3A_76 = tpu.memref_slice %arg3[%dma_wait3A_71, %mul3A_2, %dma_wait3A_75] : memref<48x512x512xf32, #tpu.memory_space<hbm>> -> memref<1x16x512xf32, #tpu.memory_space<hbm>>
      %dma_wait3A_77 = tpu.memref_squeeze %dma_wait3A_76 : memref<1x16x512xf32, #tpu.memory_space<hbm>> -> memref<16x512xf32, #tpu.memory_space<hbm>>
      tpu.wait_dma2 semaphore(%arg11 : memref<!tpu.dma_semaphore, #tpu.memory_space<semaphore_mem>>) src(%dma_wait3A_77 : memref<16x512xf32, #tpu.memory_space<hbm>>) dst(%arg9 : memref<16x512xf32, #tpu.memory_space<vmem>>)
      %parallel_loop3A_78 = arith.constant 0 : i32
      %parallel_loop3A_79 = arith.constant 16 : i32
      %parallel_loop3A_80 = arith.constant 1 : i32
      scf.for %parallel_loop3A_81 = %parallel_loop3A_78 to %parallel_loop3A_79 step %parallel_loop3A_80  : i32 {
        %parallel_loop3A_82 = arith.index_cast %parallel_loop3A_81 : i32 to index
        %parallel_loop3A_83 = arith.constant 0 : index
        %parallel_loop3A_84 = tpu.vector_load %arg8[%parallel_loop3A_82, %parallel_loop3A_83] {strides = array<i32>} : memref<16x512xf32, #tpu.memory_space<vmem>>, vector<16xf32>,
        %parallel_loop3A_85 = arith.index_cast %parallel_loop3A_81 : i32 to index
        %parallel_loop3A_86 = arith.constant 0 : index
        %parallel_loop3A_87 = tpu.vector_load %arg9[%parallel_loop3A_85, %parallel_loop3A_86] {strides = array<i32>} : memref<16x512xf32, #tpu.memory_space<vmem>>, vector<16xf32>,
        %parallel_loop3A_88 = vector.broadcast %scan3A_21 : f32 to vector<16xf32>
        %parallel_loop3A_89 = arith.mulf %parallel_loop3A_84, %parallel_loop3A_88 : vector<16xf32>
        %parallel_loop3A_90 = arith.fptosi %parallel_loop3A_89 : vector<16xf32> to vector<16xi32>
        %parallel_loop3A_91 = vector.broadcast %scan3A_21 : f32 to vector<16xf32>
        %parallel_loop3A_92 = arith.mulf %parallel_loop3A_87, %parallel_loop3A_91 : vector<16xf32>
        %parallel_loop3A_93 = arith.fptosi %parallel_loop3A_92 : vector<16xf32> to vector<16xi32>
        %parallel_loop3A_94 = arith.constant 256 : i32
        %parallel_loop3A_95 = vector.broadcast %parallel_loop3A_94 : i32 to vector<16xi32>
        %parallel_loop3A_96 = arith.muli %parallel_loop3A_90, %parallel_loop3A_95 : vector<16xi32>
        %parallel_loop3A_97 = arith.addi %parallel_loop3A_96, %parallel_loop3A_93 : vector<16xi32>
        tpu.vector_store_idx %arg5[%parallel_loop3A_97], %broadcast_in_dim3A_20 : memref<65536xf32, #tpu.memory_space<vmem>>[vector<16xi32>], vector<16xf32>,
        %parallel_loop3A_98 = arith.index_cast %parallel_loop3A_81 : i32 to index
        %parallel_loop3A_99 = arith.constant 16 : index
        %parallel_loop3A_100 = tpu.vector_load %arg8[%parallel_loop3A_98, %parallel_loop3A_99] {strides = array<i32>} : memref<16x512xf32, #tpu.memory_space<vmem>>, vector<16xf32>,
        %parallel_loop3A_101 = arith.index_cast %parallel_loop3A_81 : i32 to index
        %parallel_loop3A_102 = arith.constant 16 : index
        %parallel_loop3A_103 = tpu.vector_load %arg9[%parallel_loop3A_101, %parallel_loop3A_102] {strides = array<i32>} : memref<16x512xf32, #tpu.memory_space<vmem>>, vector<16xf32>,
        %parallel_loop3A_104 = vector.broadcast %scan3A_21 : f32 to vector<16xf32>
        %parallel_loop3A_105 = arith.mulf %parallel_loop3A_100, %parallel_loop3A_104 : vector<16xf32>
        %parallel_loop3A_106 = arith.fptosi %parallel_loop3A_105 : vector<16xf32> to vector<16xi32>
        %parallel_loop3A_107 = vector.broadcast %scan3A_21 : f32 to vector<16xf32>
        %parallel_loop3A_108 = arith.mulf %parallel_loop3A_103, %parallel_loop3A_107 : vector<16xf32>
        %parallel_loop3A_109 = arith.fptosi %parallel_loop3A_108 : vector<16xf32> to vector<16xi32>
        %parallel_loop3A_110 = arith.constant 256 : i32
        %parallel_loop3A_111 = vector.broadcast %parallel_loop3A_110 : i32 to vector<16xi32>
        %parallel_loop3A_112 = arith.muli %parallel_loop3A_106, %parallel_loop3A_111 : vector<16xi32>
        %parallel_loop3A_113 = arith.addi %parallel_loop3A_112, %parallel_loop3A_109 : vector<16xi32>
        tpu.vector_store_idx %arg5[%parallel_loop3A_113], %broadcast_in_dim3A_20 : memref<65536xf32, #tpu.memory_space<vmem>>[vector<16xi32>], vector<16xf32>,
        %parallel_loop3A_114 = arith.index_cast %parallel_loop3A_81 : i32 to index
        %parallel_loop3A_115 = arith.constant 32 : index
        %parallel_loop3A_116 = tpu.vector_load %arg8[%parallel_loop3A_114, %parallel_loop3A_115] {strides = array<i32>} : memref<16x512xf32, #tpu.memory_space<vmem>>, vector<16xf32>,
        %parallel_loop3A_117 = arith.index_cast %parallel_loop3A_81 : i32 to index
        %parallel_loop3A_118 = arith.constant 32 : index
        %parallel_loop3A_119 = tpu.vector_load %arg9[%parallel_loop3A_117, %parallel_loop3A_118] {strides = array<i32>} : memref<16x512xf32, #tpu.memory_space<vmem>>, vector<16xf32>,
        %parallel_loop3A_120 = vector.broadcast %scan3A_21 : f32 to vector<16xf32>
        %parallel_loop3A_121 = arith.mulf %parallel_loop3A_116, %parallel_loop3A_120 : vector<16xf32>
        %parallel_loop3A_122 = arith.fptosi %parallel_loop3A_121 : vector<16xf32> to vector<16xi32>
        %parallel_loop3A_123 = vector.broadcast %scan3A_21 : f32 to vector<16xf32>
        %parallel_loop3A_124 = arith.mulf %parallel_loop3A_119, %parallel_loop3A_123 : vector<16xf32>
        %parallel_loop3A_125 = arith.fptosi %parallel_loop3A_124 : vector<16xf32> to vector<16xi32>
        %parallel_loop3A_126 = arith.constant 256 : i32
        %parallel_loop3A_127 = vector.broadcast %parallel_loop3A_126 : i32 to vector<16xi32>
        %parallel_loop3A_128 = arith.muli %parallel_loop3A_122, %parallel_loop3A_127 : vector<16xi32>
        %parallel_loop3A_129 = arith.addi %parallel_loop3A_128, %parallel_loop3A_125 : vector<16xi32>
        tpu.vector_store_idx %arg5[%parallel_loop3A_129], %broadcast_in_dim3A_20 : memref<65536xf32, #tpu.memory_space<vmem>>[vector<16xi32>], vector<16xf32>,
        %parallel_loop3A_130 = arith.index_cast %parallel_loop3A_81 : i32 to index
        %parallel_loop3A_131 = arith.constant 48 : index
        %parallel_loop3A_132 = tpu.vector_load %arg8[%parallel_loop3A_130, %parallel_loop3A_131] {strides = array<i32>} : memref<16x512xf32, #tpu.memory_space<vmem>>, vector<16xf32>,
        %parallel_loop3A_133 = arith.index_cast %parallel_loop3A_81 : i32 to index
        %parallel_loop3A_134 = arith.constant 48 : index
        %parallel_loop3A_135 = tpu.vector_load %arg9[%parallel_loop3A_133, %parallel_loop3A_134] {strides = array<i32>} : memref<16x512xf32, #tpu.memory_space<vmem>>, vector<16xf32>,
        %parallel_loop3A_136 = vector.broadcast %scan3A_21 : f32 to vector<16xf32>
        %parallel_loop3A_137 = arith.mulf %parallel_loop3A_132, %parallel_loop3A_136 : vector<16xf32>
        %parallel_loop3A_138 = arith.fptosi %parallel_loop3A_137 : vector<16xf32> to vector<16xi32>
        %parallel_loop3A_139 = vector.broadcast %scan3A_21 : f32 to vector<16xf32>
        %parallel_loop3A_140 = arith.mulf %parallel_loop3A_135, %parallel_loop3A_139 : vector<16xf32>
        %parallel_loop3A_141 = arith.fptosi %parallel_loop3A_140 : vector<16xf32> to vector<16xi32>
        %parallel_loop3A_142 = arith.constant 256 : i32
        %parallel_loop3A_143 = vector.broadcast %parallel_loop3A_142 : i32 to vector<16xi32>
        %parallel_loop3A_144 = arith.muli %parallel_loop3A_138, %parallel_loop3A_143 : vector<16xi32>
        %parallel_loop3A_145 = arith.addi %parallel_loop3A_144, %parallel_loop3A_141 : vector<16xi32>
        tpu.vector_store_idx %arg5[%parallel_loop3A_145], %broadcast_in_dim3A_20 : memref<65536xf32, #tpu.memory_space<vmem>>[vector<16xi32>], vector<16xf32>,
        %parallel_loop3A_146 = arith.index_cast %parallel_loop3A_81 : i32 to index
        %parallel_loop3A_147 = arith.constant 64 : index
        %parallel_loop3A_148 = tpu.vector_load %arg8[%parallel_loop3A_146, %parallel_loop3A_147] {strides = array<i32>} : memref<16x512xf32, #tpu.memory_space<vmem>>, vector<16xf32>,
        %parallel_loop3A_149 = arith.index_cast %parallel_loop3A_81 : i32 to index
        %parallel_loop3A_150 = arith.constant 64 : index
        %parallel_loop3A_151 = tpu.vector_load %arg9[%parallel_loop3A_149, %parallel_loop3A_150] {strides = array<i32>} : memref<16x512xf32, #tpu.memory_space<vmem>>, vector<16xf32>,
        %parallel_loop3A_152 = vector.broadcast %scan3A_21 : f32 to vector<16xf32>
        %parallel_loop3A_153 = arith.mulf %parallel_loop3A_148, %parallel_loop3A_152 : vector<16xf32>
        %parallel_loop3A_154 = arith.fptosi %parallel_loop3A_153 : vector<16xf32> to vector<16xi32>
        %parallel_loop3A_155 = vector.broadcast %scan3A_21 : f32 to vector<16xf32>
        %parallel_loop3A_156 = arith.mulf %parallel_loop3A_151, %parallel_loop3A_155 : vector<16xf32>
        %parallel_loop3A_157 = arith.fptosi %parallel_loop3A_156 : vector<16xf32> to vector<16xi32>
        %parallel_loop3A_158 = arith.constant 256 : i32
        %parallel_loop3A_159 = vector.broadcast %parallel_loop3A_158 : i32 to vector<16xi32>
        %parallel_loop3A_160 = arith.muli %parallel_loop3A_154, %parallel_loop3A_159 : vector<16xi32>
        %parallel_loop3A_161 = arith.addi %parallel_loop3A_160, %parallel_loop3A_157 : vector<16xi32>
        tpu.vector_store_idx %arg5[%parallel_loop3A_161], %broadcast_in_dim3A_20 : memref<65536xf32, #tpu.memory_space<vmem>>[vector<16xi32>], vector<16xf32>,
        %parallel_loop3A_162 = arith.index_cast %parallel_loop3A_81 : i32 to index
        %parallel_loop3A_163 = arith.constant 80 : index
        %parallel_loop3A_164 = tpu.vector_load %arg8[%parallel_loop3A_162, %parallel_loop3A_163] {strides = array<i32>} : memref<16x512xf32, #tpu.memory_space<vmem>>, vector<16xf32>,
        %parallel_loop3A_165 = arith.index_cast %parallel_loop3A_81 : i32 to index
        %parallel_loop3A_166 = arith.constant 80 : index
        %parallel_loop3A_167 = tpu.vector_load %arg9[%parallel_loop3A_165, %parallel_loop3A_166] {strides = array<i32>} : memref<16x512xf32, #tpu.memory_space<vmem>>, vector<16xf32>,
        %parallel_loop3A_168 = vector.broadcast %scan3A_21 : f32 to vector<16xf32>
        %parallel_loop3A_169 = arith.mulf %parallel_loop3A_164, %parallel_loop3A_168 : vector<16xf32>
        %parallel_loop3A_170 = arith.fptosi %parallel_loop3A_169 : vector<16xf32> to vector<16xi32>
        %parallel_loop3A_171 = vector.broadcast %scan3A_21 : f32 to vector<16xf32>
        %parallel_loop3A_172 = arith.mulf %parallel_loop3A_167, %parallel_loop3A_171 : vector<16xf32>
        %parallel_loop3A_173 = arith.fptosi %parallel_loop3A_172 : vector<16xf32> to vector<16xi32>
        %parallel_loop3A_174 = arith.constant 256 : i32
        %parallel_loop3A_175 = vector.broadcast %parallel_loop3A_174 : i32 to vector<16xi32>
        %parallel_loop3A_176 = arith.muli %parallel_loop3A_170, %parallel_loop3A_175 : vector<16xi32>
        %parallel_loop3A_177 = arith.addi %parallel_loop3A_176, %parallel_loop3A_173 : vector<16xi32>
        tpu.vector_store_idx %arg5[%parallel_loop3A_177], %broadcast_in_dim3A_20 : memref<65536xf32, #tpu.memory_space<vmem>>[vector<16xi32>], vector<16xf32>,
        %parallel_loop3A_178 = arith.index_cast %parallel_loop3A_81 : i32 to index
        %parallel_loop3A_179 = arith.constant 96 : index
        %parallel_loop3A_180 = tpu.vector_load %arg8[%parallel_loop3A_178, %parallel_loop3A_179] {strides = array<i32>} : memref<16x512xf32, #tpu.memory_space<vmem>>, vector<16xf32>,
        %parallel_loop3A_181 = arith.index_cast %parallel_loop3A_81 : i32 to index
        %parallel_loop3A_182 = arith.constant 96 : index
        %parallel_loop3A_183 = tpu.vector_load %arg9[%parallel_loop3A_181, %parallel_loop3A_182] {strides = array<i32>} : memref<16x512xf32, #tpu.memory_space<vmem>>, vector<16xf32>,
        %parallel_loop3A_184 = vector.broadcast %scan3A_21 : f32 to vector<16xf32>
        %parallel_loop3A_185 = arith.mulf %parallel_loop3A_180, %parallel_loop3A_184 : vector<16xf32>
        %parallel_loop3A_186 = arith.fptosi %parallel_loop3A_185 : vector<16xf32> to vector<16xi32>
        %parallel_loop3A_187 = vector.broadcast %scan3A_21 : f32 to vector<16xf32>
        %parallel_loop3A_188 = arith.mulf %parallel_loop3A_183, %parallel_loop3A_187 : vector<16xf32>
        %parallel_loop3A_189 = arith.fptosi %parallel_loop3A_188 : vector<16xf32> to vector<16xi32>
        %parallel_loop3A_190 = arith.constant 256 : i32
        %parallel_loop3A_191 = vector.broadcast %parallel_loop3A_190 : i32 to vector<16xi32>
        %parallel_loop3A_192 = arith.muli %parallel_loop3A_186, %parallel_loop3A_191 : vector<16xi32>
        %parallel_loop3A_193 = arith.addi %parallel_loop3A_192, %parallel_loop3A_189 : vector<16xi32>
        tpu.vector_store_idx %arg5[%parallel_loop3A_193], %broadcast_in_dim3A_20 : memref<65536xf32, #tpu.memory_space<vmem>>[vector<16xi32>], vector<16xf32>,
        %parallel_loop3A_194 = arith.index_cast %parallel_loop3A_81 : i32 to index
        %parallel_loop3A_195 = arith.constant 112 : index
        %parallel_loop3A_196 = tpu.vector_load %arg8[%parallel_loop3A_194, %parallel_loop3A_195] {strides = array<i32>} : memref<16x512xf32, #tpu.memory_space<vmem>>, vector<16xf32>,
        %parallel_loop3A_197 = arith.index_cast %parallel_loop3A_81 : i32 to index
        %parallel_loop3A_198 = arith.constant 112 : index
        %parallel_loop3A_199 = tpu.vector_load %arg9[%parallel_loop3A_197, %parallel_loop3A_198] {strides = array<i32>} : memref<16x512xf32, #tpu.memory_space<vmem>>, vector<16xf32>,
        %parallel_loop3A_200 = vector.broadcast %scan3A_21 : f32 to vector<16xf32>
        %parallel_loop3A_201 = arith.mulf %parallel_loop3A_196, %parallel_loop3A_200 : vector<16xf32>
        %parallel_loop3A_202 = arith.fptosi %parallel_loop3A_201 : vector<16xf32> to vector<16xi32>
        %parallel_loop3A_203 = vector.broadcast %scan3A_21 : f32 to vector<16xf32>
        %parallel_loop3A_204 = arith.mulf %parallel_loop3A_199, %parallel_loop3A_203 : vector<16xf32>
        %parallel_loop3A_205 = arith.fptosi %parallel_loop3A_204 : vector<16xf32> to vector<16xi32>
        %parallel_loop3A_206 = arith.constant 256 : i32
        %parallel_loop3A_207 = vector.broadcast %parallel_loop3A_206 : i32 to vector<16xi32>
        %parallel_loop3A_208 = arith.muli %parallel_loop3A_202, %parallel_loop3A_207 : vector<16xi32>
        %parallel_loop3A_209 = arith.addi %parallel_loop3A_208, %parallel_loop3A_205 : vector<16xi32>
        tpu.vector_store_idx %arg5[%parallel_loop3A_209], %broadcast_in_dim3A_20 : memref<65536xf32, #tpu.memory_space<vmem>>[vector<16xi32>], vector<16xf32>,
        %parallel_loop3A_210 = arith.index_cast %parallel_loop3A_81 : i32 to index
        %parallel_loop3A_211 = arith.constant 128 : index
        %parallel_loop3A_212 = tpu.vector_load %arg8[%parallel_loop3A_210, %parallel_loop3A_211] {strides = array<i32>} : memref<16x512xf32, #tpu.memory_space<vmem>>, vector<16xf32>,
        %parallel_loop3A_213 = arith.index_cast %parallel_loop3A_81 : i32 to index
        %parallel_loop3A_214 = arith.constant 128 : index
        %parallel_loop3A_215 = tpu.vector_load %arg9[%parallel_loop3A_213, %parallel_loop3A_214] {strides = array<i32>} : memref<16x512xf32, #tpu.memory_space<vmem>>, vector<16xf32>,
        %parallel_loop3A_216 = vector.broadcast %scan3A_21 : f32 to vector<16xf32>
        %parallel_loop3A_217 = arith.mulf %parallel_loop3A_212, %parallel_loop3A_216 : vector<16xf32>
        %parallel_loop3A_218 = arith.fptosi %parallel_loop3A_217 : vector<16xf32> to vector<16xi32>
        %parallel_loop3A_219 = vector.broadcast %scan3A_21 : f32 to vector<16xf32>
        %parallel_loop3A_220 = arith.mulf %parallel_loop3A_215, %parallel_loop3A_219 : vector<16xf32>
        %parallel_loop3A_221 = arith.fptosi %parallel_loop3A_220 : vector<16xf32> to vector<16xi32>
        %parallel_loop3A_222 = arith.constant 256 : i32
        %parallel_loop3A_223 = vector.broadcast %parallel_loop3A_222 : i32 to vector<16xi32>
        %parallel_loop3A_224 = arith.muli %parallel_loop3A_218, %parallel_loop3A_223 : vector<16xi32>
        %parallel_loop3A_225 = arith.addi %parallel_loop3A_224, %parallel_loop3A_221 : vector<16xi32>
        tpu.vector_store_idx %arg5[%parallel_loop3A_225], %broadcast_in_dim3A_20 : memref<65536xf32, #tpu.memory_space<vmem>>[vector<16xi32>], vector<16xf32>,
        %parallel_loop3A_226 = arith.index_cast %parallel_loop3A_81 : i32 to index
        %parallel_loop3A_227 = arith.constant 144 : index
        %parallel_loop3A_228 = tpu.vector_load %arg8[%parallel_loop3A_226, %parallel_loop3A_227] {strides = array<i32>} : memref<16x512xf32, #tpu.memory_space<vmem>>, vector<16xf32>,
        %parallel_loop3A_229 = arith.index_cast %parallel_loop3A_81 : i32 to index
        %parallel_loop3A_230 = arith.constant 144 : index
        %parallel_loop3A_231 = tpu.vector_load %arg9[%parallel_loop3A_229, %parallel_loop3A_230] {strides = array<i32>} : memref<16x512xf32, #tpu.memory_space<vmem>>, vector<16xf32>,
        %parallel_loop3A_232 = vector.broadcast %scan3A_21 : f32 to vector<16xf32>
        %parallel_loop3A_233 = arith.mulf %parallel_loop3A_228, %parallel_loop3A_232 : vector<16xf32>
        %parallel_loop3A_234 = arith.fptosi %parallel_loop3A_233 : vector<16xf32> to vector<16xi32>
        %parallel_loop3A_235 = vector.broadcast %scan3A_21 : f32 to vector<16xf32>
        %parallel_loop3A_236 = arith.mulf %parallel_loop3A_231, %parallel_loop3A_235 : vector<16xf32>
        %parallel_loop3A_237 = arith.fptosi %parallel_loop3A_236 : vector<16xf32> to vector<16xi32>
        %parallel_loop3A_238 = arith.constant 256 : i32
        %parallel_loop3A_239 = vector.broadcast %parallel_loop3A_238 : i32 to vector<16xi32>
        %parallel_loop3A_240 = arith.muli %parallel_loop3A_234, %parallel_loop3A_239 : vector<16xi32>
        %parallel_loop3A_241 = arith.addi %parallel_loop3A_240, %parallel_loop3A_237 : vector<16xi32>
        tpu.vector_store_idx %arg5[%parallel_loop3A_241], %broadcast_in_dim3A_20 : memref<65536xf32, #tpu.memory_space<vmem>>[vector<16xi32>], vector<16xf32>,
        %parallel_loop3A_242 = arith.index_cast %parallel_loop3A_81 : i32 to index
        %parallel_loop3A_243 = arith.constant 160 : index
        %parallel_loop3A_244 = tpu.vector_load %arg8[%parallel_loop3A_242, %parallel_loop3A_243] {strides = array<i32>} : memref<16x512xf32, #tpu.memory_space<vmem>>, vector<16xf32>,
        %parallel_loop3A_245 = arith.index_cast %parallel_loop3A_81 : i32 to index
        %parallel_loop3A_246 = arith.constant 160 : index
        %parallel_loop3A_247 = tpu.vector_load %arg9[%parallel_loop3A_245, %parallel_loop3A_246] {strides = array<i32>} : memref<16x512xf32, #tpu.memory_space<vmem>>, vector<16xf32>,
        %parallel_loop3A_248 = vector.broadcast %scan3A_21 : f32 to vector<16xf32>
        %parallel_loop3A_249 = arith.mulf %parallel_loop3A_244, %parallel_loop3A_248 : vector<16xf32>
        %parallel_loop3A_250 = arith.fptosi %parallel_loop3A_249 : vector<16xf32> to vector<16xi32>
        %parallel_loop3A_251 = vector.broadcast %scan3A_21 : f32 to vector<16xf32>
        %parallel_loop3A_252 = arith.mulf %parallel_loop3A_247, %parallel_loop3A_251 : vector<16xf32>
        %parallel_loop3A_253 = arith.fptosi %parallel_loop3A_252 : vector<16xf32> to vector<16xi32>
        %parallel_loop3A_254 = arith.constant 256 : i32
        %parallel_loop3A_255 = vector.broadcast %parallel_loop3A_254 : i32 to vector<16xi32>
        %parallel_loop3A_256 = arith.muli %parallel_loop3A_250, %parallel_loop3A_255 : vector<16xi32>
        %parallel_loop3A_257 = arith.addi %parallel_loop3A_256, %parallel_loop3A_253 : vector<16xi32>
        tpu.vector_store_idx %arg5[%parallel_loop3A_257], %broadcast_in_dim3A_20 : memref<65536xf32, #tpu.memory_space<vmem>>[vector<16xi32>], vector<16xf32>,
        %parallel_loop3A_258 = arith.index_cast %parallel_loop3A_81 : i32 to index
        %parallel_loop3A_259 = arith.constant 176 : index
        %parallel_loop3A_260 = tpu.vector_load %arg8[%parallel_loop3A_258, %parallel_loop3A_259] {strides = array<i32>} : memref<16x512xf32, #tpu.memory_space<vmem>>, vector<16xf32>,
        %parallel_loop3A_261 = arith.index_cast %parallel_loop3A_81 : i32 to index
        %parallel_loop3A_262 = arith.constant 176 : index
        %parallel_loop3A_263 = tpu.vector_load %arg9[%parallel_loop3A_261, %parallel_loop3A_262] {strides = array<i32>} : memref<16x512xf32, #tpu.memory_space<vmem>>, vector<16xf32>,
        %parallel_loop3A_264 = vector.broadcast %scan3A_21 : f32 to vector<16xf32>
        %parallel_loop3A_265 = arith.mulf %parallel_loop3A_260, %parallel_loop3A_264 : vector<16xf32>
        %parallel_loop3A_266 = arith.fptosi %parallel_loop3A_265 : vector<16xf32> to vector<16xi32>
        %parallel_loop3A_267 = vector.broadcast %scan3A_21 : f32 to vector<16xf32>
        %parallel_loop3A_268 = arith.mulf %parallel_loop3A_263, %parallel_loop3A_267 : vector<16xf32>
        %parallel_loop3A_269 = arith.fptosi %parallel_loop3A_268 : vector<16xf32> to vector<16xi32>
        %parallel_loop3A_270 = arith.constant 256 : i32
        %parallel_loop3A_271 = vector.broadcast %parallel_loop3A_270 : i32 to vector<16xi32>
        %parallel_loop3A_272 = arith.muli %parallel_loop3A_266, %parallel_loop3A_271 : vector<16xi32>
        %parallel_loop3A_273 = arith.addi %parallel_loop3A_272, %parallel_loop3A_269 : vector<16xi32>
        tpu.vector_store_idx %arg5[%parallel_loop3A_273], %broadcast_in_dim3A_20 : memref<65536xf32, #tpu.memory_space<vmem>>[vector<16xi32>], vector<16xf32>,
        %parallel_loop3A_274 = arith.index_cast %parallel_loop3A_81 : i32 to index
        %parallel_loop3A_275 = arith.constant 192 : index
        %parallel_loop3A_276 = tpu.vector_load %arg8[%parallel_loop3A_274, %parallel_loop3A_275] {strides = array<i32>} : memref<16x512xf32, #tpu.memory_space<vmem>>, vector<16xf32>,
        %parallel_loop3A_277 = arith.index_cast %parallel_loop3A_81 : i32 to index
        %parallel_loop3A_278 = arith.constant 192 : index
        %parallel_loop3A_279 = tpu.vector_load %arg9[%parallel_loop3A_277, %parallel_loop3A_278] {strides = array<i32>} : memref<16x512xf32, #tpu.memory_space<vmem>>, vector<16xf32>,
        %parallel_loop3A_280 = vector.broadcast %scan3A_21 : f32 to vector<16xf32>
        %parallel_loop3A_281 = arith.mulf %parallel_loop3A_276, %parallel_loop3A_280 : vector<16xf32>
        %parallel_loop3A_282 = arith.fptosi %parallel_loop3A_281 : vector<16xf32> to vector<16xi32>
        %parallel_loop3A_283 = vector.broadcast %scan3A_21 : f32 to vector<16xf32>
        %parallel_loop3A_284 = arith.mulf %parallel_loop3A_279, %parallel_loop3A_283 : vector<16xf32>
        %parallel_loop3A_285 = arith.fptosi %parallel_loop3A_284 : vector<16xf32> to vector<16xi32>
        %parallel_loop3A_286 = arith.constant 256 : i32
        %parallel_loop3A_287 = vector.broadcast %parallel_loop3A_286 : i32 to vector<16xi32>
        %parallel_loop3A_288 = arith.muli %parallel_loop3A_282, %parallel_loop3A_287 : vector<16xi32>
        %parallel_loop3A_289 = arith.addi %parallel_loop3A_288, %parallel_loop3A_285 : vector<16xi32>
        tpu.vector_store_idx %arg5[%parallel_loop3A_289], %broadcast_in_dim3A_20 : memref<65536xf32, #tpu.memory_space<vmem>>[vector<16xi32>], vector<16xf32>,
        %parallel_loop3A_290 = arith.index_cast %parallel_loop3A_81 : i32 to index
        %parallel_loop3A_291 = arith.constant 208 : index
        %parallel_loop3A_292 = tpu.vector_load %arg8[%parallel_loop3A_290, %parallel_loop3A_291] {strides = array<i32>} : memref<16x512xf32, #tpu.memory_space<vmem>>, vector<16xf32>,
        %parallel_loop3A_293 = arith.index_cast %parallel_loop3A_81 : i32 to index
        %parallel_loop3A_294 = arith.constant 208 : index
        %parallel_loop3A_295 = tpu.vector_load %arg9[%parallel_loop3A_293, %parallel_loop3A_294] {strides = array<i32>} : memref<16x512xf32, #tpu.memory_space<vmem>>, vector<16xf32>,
        %parallel_loop3A_296 = vector.broadcast %scan3A_21 : f32 to vector<16xf32>
        %parallel_loop3A_297 = arith.mulf %parallel_loop3A_292, %parallel_loop3A_296 : vector<16xf32>
        %parallel_loop3A_298 = arith.fptosi %parallel_loop3A_297 : vector<16xf32> to vector<16xi32>
        %parallel_loop3A_299 = vector.broadcast %scan3A_21 : f32 to vector<16xf32>
        %parallel_loop3A_300 = arith.mulf %parallel_loop3A_295, %parallel_loop3A_299 : vector<16xf32>
        %parallel_loop3A_301 = arith.fptosi %parallel_loop3A_300 : vector<16xf32> to vector<16xi32>
        %parallel_loop3A_302 = arith.constant 256 : i32
        %parallel_loop3A_303 = vector.broadcast %parallel_loop3A_302 : i32 to vector<16xi32>
        %parallel_loop3A_304 = arith.muli %parallel_loop3A_298, %parallel_loop3A_303 : vector<16xi32>
        %parallel_loop3A_305 = arith.addi %parallel_loop3A_304, %parallel_loop3A_301 : vector<16xi32>
        tpu.vector_store_idx %arg5[%parallel_loop3A_305], %broadcast_in_dim3A_20 : memref<65536xf32, #tpu.memory_space<vmem>>[vector<16xi32>], vector<16xf32>,
        %parallel_loop3A_306 = arith.index_cast %parallel_loop3A_81 : i32 to index
        %parallel_loop3A_307 = arith.constant 224 : index
        %parallel_loop3A_308 = tpu.vector_load %arg8[%parallel_loop3A_306, %parallel_loop3A_307] {strides = array<i32>} : memref<16x512xf32, #tpu.memory_space<vmem>>, vector<16xf32>,
        %parallel_loop3A_309 = arith.index_cast %parallel_loop3A_81 : i32 to index
        %parallel_loop3A_310 = arith.constant 224 : index
        %parallel_loop3A_311 = tpu.vector_load %arg9[%parallel_loop3A_309, %parallel_loop3A_310] {strides = array<i32>} : memref<16x512xf32, #tpu.memory_space<vmem>>, vector<16xf32>,
        %parallel_loop3A_312 = vector.broadcast %scan3A_21 : f32 to vector<16xf32>
        %parallel_loop3A_313 = arith.mulf %parallel_loop3A_308, %parallel_loop3A_312 : vector<16xf32>
        %parallel_loop3A_314 = arith.fptosi %parallel_loop3A_313 : vector<16xf32> to vector<16xi32>
        %parallel_loop3A_315 = vector.broadcast %scan3A_21 : f32 to vector<16xf32>
        %parallel_loop3A_316 = arith.mulf %parallel_loop3A_311, %parallel_loop3A_315 : vector<16xf32>
        %parallel_loop3A_317 = arith.fptosi %parallel_loop3A_316 : vector<16xf32> to vector<16xi32>
        %parallel_loop3A_318 = arith.constant 256 : i32
        %parallel_loop3A_319 = vector.broadcast %parallel_loop3A_318 : i32 to vector<16xi32>
        %parallel_loop3A_320 = arith.muli %parallel_loop3A_314, %parallel_loop3A_319 : vector<16xi32>
        %parallel_loop3A_321 = arith.addi %parallel_loop3A_320, %parallel_loop3A_317 : vector<16xi32>
        tpu.vector_store_idx %arg5[%parallel_loop3A_321], %broadcast_in_dim3A_20 : memref<65536xf32, #tpu.memory_space<vmem>>[vector<16xi32>], vector<16xf32>,
        %parallel_loop3A_322 = arith.index_cast %parallel_loop3A_81 : i32 to index
        %parallel_loop3A_323 = arith.constant 240 : index
        %parallel_loop3A_324 = tpu.vector_load %arg8[%parallel_loop3A_322, %parallel_loop3A_323] {strides = array<i32>} : memref<16x512xf32, #tpu.memory_space<vmem>>, vector<16xf32>,
        %parallel_loop3A_325 = arith.index_cast %parallel_loop3A_81 : i32 to index
        %parallel_loop3A_326 = arith.constant 240 : index
        %parallel_loop3A_327 = tpu.vector_load %arg9[%parallel_loop3A_325, %parallel_loop3A_326] {strides = array<i32>} : memref<16x512xf32, #tpu.memory_space<vmem>>, vector<16xf32>,
        %parallel_loop3A_328 = vector.broadcast %scan3A_21 : f32 to vector<16xf32>
        %parallel_loop3A_329 = arith.mulf %parallel_loop3A_324, %parallel_loop3A_328 : vector<16xf32>
        %parallel_loop3A_330 = arith.fptosi %parallel_loop3A_329 : vector<16xf32> to vector<16xi32>
        %parallel_loop3A_331 = vector.broadcast %scan3A_21 : f32 to vector<16xf32>
        %parallel_loop3A_332 = arith.mulf %parallel_loop3A_327, %parallel_loop3A_331 : vector<16xf32>
        %parallel_loop3A_333 = arith.fptosi %parallel_loop3A_332 : vector<16xf32> to vector<16xi32>
        %parallel_loop3A_334 = arith.constant 256 : i32
        %parallel_loop3A_335 = vector.broadcast %parallel_loop3A_334 : i32 to vector<16xi32>
        %parallel_loop3A_336 = arith.muli %parallel_loop3A_330, %parallel_loop3A_335 : vector<16xi32>
        %parallel_loop3A_337 = arith.addi %parallel_loop3A_336, %parallel_loop3A_333 : vector<16xi32>
        tpu.vector_store_idx %arg5[%parallel_loop3A_337], %broadcast_in_dim3A_20 : memref<65536xf32, #tpu.memory_space<vmem>>[vector<16xi32>], vector<16xf32>,
        %parallel_loop3A_338 = arith.index_cast %parallel_loop3A_81 : i32 to index
        %parallel_loop3A_339 = arith.constant 256 : index
        %parallel_loop3A_340 = tpu.vector_load %arg8[%parallel_loop3A_338, %parallel_loop3A_339] {strides = array<i32>} : memref<16x512xf32, #tpu.memory_space<vmem>>, vector<16xf32>,
        %parallel_loop3A_341 = arith.index_cast %parallel_loop3A_81 : i32 to index
        %parallel_loop3A_342 = arith.constant 256 : index
        %parallel_loop3A_343 = tpu.vector_load %arg9[%parallel_loop3A_341, %parallel_loop3A_342] {strides = array<i32>} : memref<16x512xf32, #tpu.memory_space<vmem>>, vector<16xf32>,
        %parallel_loop3A_344 = vector.broadcast %scan3A_21 : f32 to vector<16xf32>
        %parallel_loop3A_345 = arith.mulf %parallel_loop3A_340, %parallel_loop3A_344 : vector<16xf32>
        %parallel_loop3A_346 = arith.fptosi %parallel_loop3A_345 : vector<16xf32> to vector<16xi32>
        %parallel_loop3A_347 = vector.broadcast %scan3A_21 : f32 to vector<16xf32>
        %parallel_loop3A_348 = arith.mulf %parallel_loop3A_343, %parallel_loop3A_347 : vector<16xf32>
        %parallel_loop3A_349 = arith.fptosi %parallel_loop3A_348 : vector<16xf32> to vector<16xi32>
        %parallel_loop3A_350 = arith.constant 256 : i32
        %parallel_loop3A_351 = vector.broadcast %parallel_loop3A_350 : i32 to vector<16xi32>
        %parallel_loop3A_352 = arith.muli %parallel_loop3A_346, %parallel_loop3A_351 : vector<16xi32>
        %parallel_loop3A_353 = arith.addi %parallel_loop3A_352, %parallel_loop3A_349 : vector<16xi32>
        tpu.vector_store_idx %arg5[%parallel_loop3A_353], %broadcast_in_dim3A_20 : memref<65536xf32, #tpu.memory_space<vmem>>[vector<16xi32>], vector<16xf32>,
        %parallel_loop3A_354 = arith.index_cast %parallel_loop3A_81 : i32 to index
        %parallel_loop3A_355 = arith.constant 272 : index
        %parallel_loop3A_356 = tpu.vector_load %arg8[%parallel_loop3A_354, %parallel_loop3A_355] {strides = array<i32>} : memref<16x512xf32, #tpu.memory_space<vmem>>, vector<16xf32>,
        %parallel_loop3A_357 = arith.index_cast %parallel_loop3A_81 : i32 to index
        %parallel_loop3A_358 = arith.constant 272 : index
        %parallel_loop3A_359 = tpu.vector_load %arg9[%parallel_loop3A_357, %parallel_loop3A_358] {strides = array<i32>} : memref<16x512xf32, #tpu.memory_space<vmem>>, vector<16xf32>,
        %parallel_loop3A_360 = vector.broadcast %scan3A_21 : f32 to vector<16xf32>
        %parallel_loop3A_361 = arith.mulf %parallel_loop3A_356, %parallel_loop3A_360 : vector<16xf32>
        %parallel_loop3A_362 = arith.fptosi %parallel_loop3A_361 : vector<16xf32> to vector<16xi32>
        %parallel_loop3A_363 = vector.broadcast %scan3A_21 : f32 to vector<16xf32>
        %parallel_loop3A_364 = arith.mulf %parallel_loop3A_359, %parallel_loop3A_363 : vector<16xf32>
        %parallel_loop3A_365 = arith.fptosi %parallel_loop3A_364 : vector<16xf32> to vector<16xi32>
        %parallel_loop3A_366 = arith.constant 256 : i32
        %parallel_loop3A_367 = vector.broadcast %parallel_loop3A_366 : i32 to vector<16xi32>
        %parallel_loop3A_368 = arith.muli %parallel_loop3A_362, %parallel_loop3A_367 : vector<16xi32>
        %parallel_loop3A_369 = arith.addi %parallel_loop3A_368, %parallel_loop3A_365 : vector<16xi32>
        tpu.vector_store_idx %arg5[%parallel_loop3A_369], %broadcast_in_dim3A_20 : memref<65536xf32, #tpu.memory_space<vmem>>[vector<16xi32>], vector<16xf32>,
        %parallel_loop3A_370 = arith.index_cast %parallel_loop3A_81 : i32 to index
        %parallel_loop3A_371 = arith.constant 288 : index
        %parallel_loop3A_372 = tpu.vector_load %arg8[%parallel_loop3A_370, %parallel_loop3A_371] {strides = array<i32>} : memref<16x512xf32, #tpu.memory_space<vmem>>, vector<16xf32>,
        %parallel_loop3A_373 = arith.index_cast %parallel_loop3A_81 : i32 to index
        %parallel_loop3A_374 = arith.constant 288 : index
        %parallel_loop3A_375 = tpu.vector_load %arg9[%parallel_loop3A_373, %parallel_loop3A_374] {strides = array<i32>} : memref<16x512xf32, #tpu.memory_space<vmem>>, vector<16xf32>,
        %parallel_loop3A_376 = vector.broadcast %scan3A_21 : f32 to vector<16xf32>
        %parallel_loop3A_377 = arith.mulf %parallel_loop3A_372, %parallel_loop3A_376 : vector<16xf32>
        %parallel_loop3A_378 = arith.fptosi %parallel_loop3A_377 : vector<16xf32> to vector<16xi32>
        %parallel_loop3A_379 = vector.broadcast %scan3A_21 : f32 to vector<16xf32>
        %parallel_loop3A_380 = arith.mulf %parallel_loop3A_375, %parallel_loop3A_379 : vector<16xf32>
        %parallel_loop3A_381 = arith.fptosi %parallel_loop3A_380 : vector<16xf32> to vector<16xi32>
        %parallel_loop3A_382 = arith.constant 256 : i32
        %parallel_loop3A_383 = vector.broadcast %parallel_loop3A_382 : i32 to vector<16xi32>
        %parallel_loop3A_384 = arith.muli %parallel_loop3A_378, %parallel_loop3A_383 : vector<16xi32>
        %parallel_loop3A_385 = arith.addi %parallel_loop3A_384, %parallel_loop3A_381 : vector<16xi32>
        tpu.vector_store_idx %arg5[%parallel_loop3A_385], %broadcast_in_dim3A_20 : memref<65536xf32, #tpu.memory_space<vmem>>[vector<16xi32>], vector<16xf32>,
        %parallel_loop3A_386 = arith.index_cast %parallel_loop3A_81 : i32 to index
        %parallel_loop3A_387 = arith.constant 304 : index
        %parallel_loop3A_388 = tpu.vector_load %arg8[%parallel_loop3A_386, %parallel_loop3A_387] {strides = array<i32>} : memref<16x512xf32, #tpu.memory_space<vmem>>, vector<16xf32>,
        %parallel_loop3A_389 = arith.index_cast %parallel_loop3A_81 : i32 to index
        %parallel_loop3A_390 = arith.constant 304 : index
        %parallel_loop3A_391 = tpu.vector_load %arg9[%parallel_loop3A_389, %parallel_loop3A_390] {strides = array<i32>} : memref<16x512xf32, #tpu.memory_space<vmem>>, vector<16xf32>,
        %parallel_loop3A_392 = vector.broadcast %scan3A_21 : f32 to vector<16xf32>
        %parallel_loop3A_393 = arith.mulf %parallel_loop3A_388, %parallel_loop3A_392 : vector<16xf32>
        %parallel_loop3A_394 = arith.fptosi %parallel_loop3A_393 : vector<16xf32> to vector<16xi32>
        %parallel_loop3A_395 = vector.broadcast %scan3A_21 : f32 to vector<16xf32>
        %parallel_loop3A_396 = arith.mulf %parallel_loop3A_391, %parallel_loop3A_395 : vector<16xf32>
        %parallel_loop3A_397 = arith.fptosi %parallel_loop3A_396 : vector<16xf32> to vector<16xi32>
        %parallel_loop3A_398 = arith.constant 256 : i32
        %parallel_loop3A_399 = vector.broadcast %parallel_loop3A_398 : i32 to vector<16xi32>
        %parallel_loop3A_400 = arith.muli %parallel_loop3A_394, %parallel_loop3A_399 : vector<16xi32>
        %parallel_loop3A_401 = arith.addi %parallel_loop3A_400, %parallel_loop3A_397 : vector<16xi32>
        tpu.vector_store_idx %arg5[%parallel_loop3A_401], %broadcast_in_dim3A_20 : memref<65536xf32, #tpu.memory_space<vmem>>[vector<16xi32>], vector<16xf32>,
        %parallel_loop3A_402 = arith.index_cast %parallel_loop3A_81 : i32 to index
        %parallel_loop3A_403 = arith.constant 320 : index
        %parallel_loop3A_404 = tpu.vector_load %arg8[%parallel_loop3A_402, %parallel_loop3A_403] {strides = array<i32>} : memref<16x512xf32, #tpu.memory_space<vmem>>, vector<16xf32>,
        %parallel_loop3A_405 = arith.index_cast %parallel_loop3A_81 : i32 to index
        %parallel_loop3A_406 = arith.constant 320 : index
        %parallel_loop3A_407 = tpu.vector_load %arg9[%parallel_loop3A_405, %parallel_loop3A_406] {strides = array<i32>} : memref<16x512xf32, #tpu.memory_space<vmem>>, vector<16xf32>,
        %parallel_loop3A_408 = vector.broadcast %scan3A_21 : f32 to vector<16xf32>
        %parallel_loop3A_409 = arith.mulf %parallel_loop3A_404, %parallel_loop3A_408 : vector<16xf32>
        %parallel_loop3A_410 = arith.fptosi %parallel_loop3A_409 : vector<16xf32> to vector<16xi32>
        %parallel_loop3A_411 = vector.broadcast %scan3A_21 : f32 to vector<16xf32>
        %parallel_loop3A_412 = arith.mulf %parallel_loop3A_407, %parallel_loop3A_411 : vector<16xf32>
        %parallel_loop3A_413 = arith.fptosi %parallel_loop3A_412 : vector<16xf32> to vector<16xi32>
        %parallel_loop3A_414 = arith.constant 256 : i32
        %parallel_loop3A_415 = vector.broadcast %parallel_loop3A_414 : i32 to vector<16xi32>
        %parallel_loop3A_416 = arith.muli %parallel_loop3A_410, %parallel_loop3A_415 : vector<16xi32>
        %parallel_loop3A_417 = arith.addi %parallel_loop3A_416, %parallel_loop3A_413 : vector<16xi32>
        tpu.vector_store_idx %arg5[%parallel_loop3A_417], %broadcast_in_dim3A_20 : memref<65536xf32, #tpu.memory_space<vmem>>[vector<16xi32>], vector<16xf32>,
        %parallel_loop3A_418 = arith.index_cast %parallel_loop3A_81 : i32 to index
        %parallel_loop3A_419 = arith.constant 336 : index
        %parallel_loop3A_420 = tpu.vector_load %arg8[%parallel_loop3A_418, %parallel_loop3A_419] {strides = array<i32>} : memref<16x512xf32, #tpu.memory_space<vmem>>, vector<16xf32>,
        %parallel_loop3A_421 = arith.index_cast %parallel_loop3A_81 : i32 to index
        %parallel_loop3A_422 = arith.constant 336 : index
        %parallel_loop3A_423 = tpu.vector_load %arg9[%parallel_loop3A_421, %parallel_loop3A_422] {strides = array<i32>} : memref<16x512xf32, #tpu.memory_space<vmem>>, vector<16xf32>,
        %parallel_loop3A_424 = vector.broadcast %scan3A_21 : f32 to vector<16xf32>
        %parallel_loop3A_425 = arith.mulf %parallel_loop3A_420, %parallel_loop3A_424 : vector<16xf32>
        %parallel_loop3A_426 = arith.fptosi %parallel_loop3A_425 : vector<16xf32> to vector<16xi32>
        %parallel_loop3A_427 = vector.broadcast %scan3A_21 : f32 to vector<16xf32>
        %parallel_loop3A_428 = arith.mulf %parallel_loop3A_423, %parallel_loop3A_427 : vector<16xf32>
        %parallel_loop3A_429 = arith.fptosi %parallel_loop3A_428 : vector<16xf32> to vector<16xi32>
        %parallel_loop3A_430 = arith.constant 256 : i32
        %parallel_loop3A_431 = vector.broadcast %parallel_loop3A_430 : i32 to vector<16xi32>
        %parallel_loop3A_432 = arith.muli %parallel_loop3A_426, %parallel_loop3A_431 : vector<16xi32>
        %parallel_loop3A_433 = arith.addi %parallel_loop3A_432, %parallel_loop3A_429 : vector<16xi32>
        tpu.vector_store_idx %arg5[%parallel_loop3A_433], %broadcast_in_dim3A_20 : memref<65536xf32, #tpu.memory_space<vmem>>[vector<16xi32>], vector<16xf32>,
        %parallel_loop3A_434 = arith.index_cast %parallel_loop3A_81 : i32 to index
        %parallel_loop3A_435 = arith.constant 352 : index
        %parallel_loop3A_436 = tpu.vector_load %arg8[%parallel_loop3A_434, %parallel_loop3A_435] {strides = array<i32>} : memref<16x512xf32, #tpu.memory_space<vmem>>, vector<16xf32>,
        %parallel_loop3A_437 = arith.index_cast %parallel_loop3A_81 : i32 to index
        %parallel_loop3A_438 = arith.constant 352 : index
        %parallel_loop3A_439 = tpu.vector_load %arg9[%parallel_loop3A_437, %parallel_loop3A_438] {strides = array<i32>} : memref<16x512xf32, #tpu.memory_space<vmem>>, vector<16xf32>,
        %parallel_loop3A_440 = vector.broadcast %scan3A_21 : f32 to vector<16xf32>
        %parallel_loop3A_441 = arith.mulf %parallel_loop3A_436, %parallel_loop3A_440 : vector<16xf32>
        %parallel_loop3A_442 = arith.fptosi %parallel_loop3A_441 : vector<16xf32> to vector<16xi32>
        %parallel_loop3A_443 = vector.broadcast %scan3A_21 : f32 to vector<16xf32>
        %parallel_loop3A_444 = arith.mulf %parallel_loop3A_439, %parallel_loop3A_443 : vector<16xf32>
        %parallel_loop3A_445 = arith.fptosi %parallel_loop3A_444 : vector<16xf32> to vector<16xi32>
        %parallel_loop3A_446 = arith.constant 256 : i32
        %parallel_loop3A_447 = vector.broadcast %parallel_loop3A_446 : i32 to vector<16xi32>
        %parallel_loop3A_448 = arith.muli %parallel_loop3A_442, %parallel_loop3A_447 : vector<16xi32>
        %parallel_loop3A_449 = arith.addi %parallel_loop3A_448, %parallel_loop3A_445 : vector<16xi32>
        tpu.vector_store_idx %arg5[%parallel_loop3A_449], %broadcast_in_dim3A_20 : memref<65536xf32, #tpu.memory_space<vmem>>[vector<16xi32>], vector<16xf32>,
        %parallel_loop3A_450 = arith.index_cast %parallel_loop3A_81 : i32 to index
        %parallel_loop3A_451 = arith.constant 368 : index
        %parallel_loop3A_452 = tpu.vector_load %arg8[%parallel_loop3A_450, %parallel_loop3A_451] {strides = array<i32>} : memref<16x512xf32, #tpu.memory_space<vmem>>, vector<16xf32>,
        %parallel_loop3A_453 = arith.index_cast %parallel_loop3A_81 : i32 to index
        %parallel_loop3A_454 = arith.constant 368 : index
        %parallel_loop3A_455 = tpu.vector_load %arg9[%parallel_loop3A_453, %parallel_loop3A_454] {strides = array<i32>} : memref<16x512xf32, #tpu.memory_space<vmem>>, vector<16xf32>,
        %parallel_loop3A_456 = vector.broadcast %scan3A_21 : f32 to vector<16xf32>
        %parallel_loop3A_457 = arith.mulf %parallel_loop3A_452, %parallel_loop3A_456 : vector<16xf32>
        %parallel_loop3A_458 = arith.fptosi %parallel_loop3A_457 : vector<16xf32> to vector<16xi32>
        %parallel_loop3A_459 = vector.broadcast %scan3A_21 : f32 to vector<16xf32>
        %parallel_loop3A_460 = arith.mulf %parallel_loop3A_455, %parallel_loop3A_459 : vector<16xf32>
        %parallel_loop3A_461 = arith.fptosi %parallel_loop3A_460 : vector<16xf32> to vector<16xi32>
        %parallel_loop3A_462 = arith.constant 256 : i32
        %parallel_loop3A_463 = vector.broadcast %parallel_loop3A_462 : i32 to vector<16xi32>
        %parallel_loop3A_464 = arith.muli %parallel_loop3A_458, %parallel_loop3A_463 : vector<16xi32>
        %parallel_loop3A_465 = arith.addi %parallel_loop3A_464, %parallel_loop3A_461 : vector<16xi32>
        tpu.vector_store_idx %arg5[%parallel_loop3A_465], %broadcast_in_dim3A_20 : memref<65536xf32, #tpu.memory_space<vmem>>[vector<16xi32>], vector<16xf32>,
        %parallel_loop3A_466 = arith.index_cast %parallel_loop3A_81 : i32 to index
        %parallel_loop3A_467 = arith.constant 384 : index
        %parallel_loop3A_468 = tpu.vector_load %arg8[%parallel_loop3A_466, %parallel_loop3A_467] {strides = array<i32>} : memref<16x512xf32, #tpu.memory_space<vmem>>, vector<16xf32>,
        %parallel_loop3A_469 = arith.index_cast %parallel_loop3A_81 : i32 to index
        %parallel_loop3A_470 = arith.constant 384 : index
        %parallel_loop3A_471 = tpu.vector_load %arg9[%parallel_loop3A_469, %parallel_loop3A_470] {strides = array<i32>} : memref<16x512xf32, #tpu.memory_space<vmem>>, vector<16xf32>,
        %parallel_loop3A_472 = vector.broadcast %scan3A_21 : f32 to vector<16xf32>
        %parallel_loop3A_473 = arith.mulf %parallel_loop3A_468, %parallel_loop3A_472 : vector<16xf32>
        %parallel_loop3A_474 = arith.fptosi %parallel_loop3A_473 : vector<16xf32> to vector<16xi32>
        %parallel_loop3A_475 = vector.broadcast %scan3A_21 : f32 to vector<16xf32>
        %parallel_loop3A_476 = arith.mulf %parallel_loop3A_471, %parallel_loop3A_475 : vector<16xf32>
        %parallel_loop3A_477 = arith.fptosi %parallel_loop3A_476 : vector<16xf32> to vector<16xi32>
        %parallel_loop3A_478 = arith.constant 256 : i32
        %parallel_loop3A_479 = vector.broadcast %parallel_loop3A_478 : i32 to vector<16xi32>
        %parallel_loop3A_480 = arith.muli %parallel_loop3A_474, %parallel_loop3A_479 : vector<16xi32>
        %parallel_loop3A_481 = arith.addi %parallel_loop3A_480, %parallel_loop3A_477 : vector<16xi32>
        tpu.vector_store_idx %arg5[%parallel_loop3A_481], %broadcast_in_dim3A_20 : memref<65536xf32, #tpu.memory_space<vmem>>[vector<16xi32>], vector<16xf32>,
        %parallel_loop3A_482 = arith.index_cast %parallel_loop3A_81 : i32 to index
        %parallel_loop3A_483 = arith.constant 400 : index
        %parallel_loop3A_484 = tpu.vector_load %arg8[%parallel_loop3A_482, %parallel_loop3A_483] {strides = array<i32>} : memref<16x512xf32, #tpu.memory_space<vmem>>, vector<16xf32>,
        %parallel_loop3A_485 = arith.index_cast %parallel_loop3A_81 : i32 to index
        %parallel_loop3A_486 = arith.constant 400 : index
        %parallel_loop3A_487 = tpu.vector_load %arg9[%parallel_loop3A_485, %parallel_loop3A_486] {strides = array<i32>} : memref<16x512xf32, #tpu.memory_space<vmem>>, vector<16xf32>,
        %parallel_loop3A_488 = vector.broadcast %scan3A_21 : f32 to vector<16xf32>
        %parallel_loop3A_489 = arith.mulf %parallel_loop3A_484, %parallel_loop3A_488 : vector<16xf32>
        %parallel_loop3A_490 = arith.fptosi %parallel_loop3A_489 : vector<16xf32> to vector<16xi32>
        %parallel_loop3A_491 = vector.broadcast %scan3A_21 : f32 to vector<16xf32>
        %parallel_loop3A_492 = arith.mulf %parallel_loop3A_487, %parallel_loop3A_491 : vector<16xf32>
        %parallel_loop3A_493 = arith.fptosi %parallel_loop3A_492 : vector<16xf32> to vector<16xi32>
        %parallel_loop3A_494 = arith.constant 256 : i32
        %parallel_loop3A_495 = vector.broadcast %parallel_loop3A_494 : i32 to vector<16xi32>
        %parallel_loop3A_496 = arith.muli %parallel_loop3A_490, %parallel_loop3A_495 : vector<16xi32>
        %parallel_loop3A_497 = arith.addi %parallel_loop3A_496, %parallel_loop3A_493 : vector<16xi32>
        tpu.vector_store_idx %arg5[%parallel_loop3A_497], %broadcast_in_dim3A_20 : memref<65536xf32, #tpu.memory_space<vmem>>[vector<16xi32>], vector<16xf32>,
        %parallel_loop3A_498 = arith.index_cast %parallel_loop3A_81 : i32 to index
        %parallel_loop3A_499 = arith.constant 416 : index
        %parallel_loop3A_500 = tpu.vector_load %arg8[%parallel_loop3A_498, %parallel_loop3A_499] {strides = array<i32>} : memref<16x512xf32, #tpu.memory_space<vmem>>, vector<16xf32>,
        %parallel_loop3A_501 = arith.index_cast %parallel_loop3A_81 : i32 to index
        %parallel_loop3A_502 = arith.constant 416 : index
        %parallel_loop3A_503 = tpu.vector_load %arg9[%parallel_loop3A_501, %parallel_loop3A_502] {strides = array<i32>} : memref<16x512xf32, #tpu.memory_space<vmem>>, vector<16xf32>,
        %parallel_loop3A_504 = vector.broadcast %scan3A_21 : f32 to vector<16xf32>
        %parallel_loop3A_505 = arith.mulf %parallel_loop3A_500, %parallel_loop3A_504 : vector<16xf32>
        %parallel_loop3A_506 = arith.fptosi %parallel_loop3A_505 : vector<16xf32> to vector<16xi32>
        %parallel_loop3A_507 = vector.broadcast %scan3A_21 : f32 to vector<16xf32>
        %parallel_loop3A_508 = arith.mulf %parallel_loop3A_503, %parallel_loop3A_507 : vector<16xf32>
        %parallel_loop3A_509 = arith.fptosi %parallel_loop3A_508 : vector<16xf32> to vector<16xi32>
        %parallel_loop3A_510 = arith.constant 256 : i32
        %parallel_loop3A_511 = vector.broadcast %parallel_loop3A_510 : i32 to vector<16xi32>
        %parallel_loop3A_512 = arith.muli %parallel_loop3A_506, %parallel_loop3A_511 : vector<16xi32>
        %parallel_loop3A_513 = arith.addi %parallel_loop3A_512, %parallel_loop3A_509 : vector<16xi32>
        tpu.vector_store_idx %arg5[%parallel_loop3A_513], %broadcast_in_dim3A_20 : memref<65536xf32, #tpu.memory_space<vmem>>[vector<16xi32>], vector<16xf32>,
        %parallel_loop3A_514 = arith.index_cast %parallel_loop3A_81 : i32 to index
        %parallel_loop3A_515 = arith.constant 432 : index
        %parallel_loop3A_516 = tpu.vector_load %arg8[%parallel_loop3A_514, %parallel_loop3A_515] {strides = array<i32>} : memref<16x512xf32, #tpu.memory_space<vmem>>, vector<16xf32>,
        %parallel_loop3A_517 = arith.index_cast %parallel_loop3A_81 : i32 to index
        %parallel_loop3A_518 = arith.constant 432 : index
        %parallel_loop3A_519 = tpu.vector_load %arg9[%parallel_loop3A_517, %parallel_loop3A_518] {strides = array<i32>} : memref<16x512xf32, #tpu.memory_space<vmem>>, vector<16xf32>,
        %parallel_loop3A_520 = vector.broadcast %scan3A_21 : f32 to vector<16xf32>
        %parallel_loop3A_521 = arith.mulf %parallel_loop3A_516, %parallel_loop3A_520 : vector<16xf32>
        %parallel_loop3A_522 = arith.fptosi %parallel_loop3A_521 : vector<16xf32> to vector<16xi32>
        %parallel_loop3A_523 = vector.broadcast %scan3A_21 : f32 to vector<16xf32>
        %parallel_loop3A_524 = arith.mulf %parallel_loop3A_519, %parallel_loop3A_523 : vector<16xf32>
        %parallel_loop3A_525 = arith.fptosi %parallel_loop3A_524 : vector<16xf32> to vector<16xi32>
        %parallel_loop3A_526 = arith.constant 256 : i32
        %parallel_loop3A_527 = vector.broadcast %parallel_loop3A_526 : i32 to vector<16xi32>
        %parallel_loop3A_528 = arith.muli %parallel_loop3A_522, %parallel_loop3A_527 : vector<16xi32>
        %parallel_loop3A_529 = arith.addi %parallel_loop3A_528, %parallel_loop3A_525 : vector<16xi32>
        tpu.vector_store_idx %arg5[%parallel_loop3A_529], %broadcast_in_dim3A_20 : memref<65536xf32, #tpu.memory_space<vmem>>[vector<16xi32>], vector<16xf32>,
        %parallel_loop3A_530 = arith.index_cast %parallel_loop3A_81 : i32 to index
        %parallel_loop3A_531 = arith.constant 448 : index
        %parallel_loop3A_532 = tpu.vector_load %arg8[%parallel_loop3A_530, %parallel_loop3A_531] {strides = array<i32>} : memref<16x512xf32, #tpu.memory_space<vmem>>, vector<16xf32>,
        %parallel_loop3A_533 = arith.index_cast %parallel_loop3A_81 : i32 to index
        %parallel_loop3A_534 = arith.constant 448 : index
        %parallel_loop3A_535 = tpu.vector_load %arg9[%parallel_loop3A_533, %parallel_loop3A_534] {strides = array<i32>} : memref<16x512xf32, #tpu.memory_space<vmem>>, vector<16xf32>,
        %parallel_loop3A_536 = vector.broadcast %scan3A_21 : f32 to vector<16xf32>
        %parallel_loop3A_537 = arith.mulf %parallel_loop3A_532, %parallel_loop3A_536 : vector<16xf32>
        %parallel_loop3A_538 = arith.fptosi %parallel_loop3A_537 : vector<16xf32> to vector<16xi32>
        %parallel_loop3A_539 = vector.broadcast %scan3A_21 : f32 to vector<16xf32>
        %parallel_loop3A_540 = arith.mulf %parallel_loop3A_535, %parallel_loop3A_539 : vector<16xf32>
        %parallel_loop3A_541 = arith.fptosi %parallel_loop3A_540 : vector<16xf32> to vector<16xi32>
        %parallel_loop3A_542 = arith.constant 256 : i32
        %parallel_loop3A_543 = vector.broadcast %parallel_loop3A_542 : i32 to vector<16xi32>
        %parallel_loop3A_544 = arith.muli %parallel_loop3A_538, %parallel_loop3A_543 : vector<16xi32>
        %parallel_loop3A_545 = arith.addi %parallel_loop3A_544, %parallel_loop3A_541 : vector<16xi32>
        tpu.vector_store_idx %arg5[%parallel_loop3A_545], %broadcast_in_dim3A_20 : memref<65536xf32, #tpu.memory_space<vmem>>[vector<16xi32>], vector<16xf32>,
        %parallel_loop3A_546 = arith.index_cast %parallel_loop3A_81 : i32 to index
        %parallel_loop3A_547 = arith.constant 464 : index
        %parallel_loop3A_548 = tpu.vector_load %arg8[%parallel_loop3A_546, %parallel_loop3A_547] {strides = array<i32>} : memref<16x512xf32, #tpu.memory_space<vmem>>, vector<16xf32>,
        %parallel_loop3A_549 = arith.index_cast %parallel_loop3A_81 : i32 to index
        %parallel_loop3A_550 = arith.constant 464 : index
        %parallel_loop3A_551 = tpu.vector_load %arg9[%parallel_loop3A_549, %parallel_loop3A_550] {strides = array<i32>} : memref<16x512xf32, #tpu.memory_space<vmem>>, vector<16xf32>,
        %parallel_loop3A_552 = vector.broadcast %scan3A_21 : f32 to vector<16xf32>
        %parallel_loop3A_553 = arith.mulf %parallel_loop3A_548, %parallel_loop3A_552 : vector<16xf32>
        %parallel_loop3A_554 = arith.fptosi %parallel_loop3A_553 : vector<16xf32> to vector<16xi32>
        %parallel_loop3A_555 = vector.broadcast %scan3A_21 : f32 to vector<16xf32>
        %parallel_loop3A_556 = arith.mulf %parallel_loop3A_551, %parallel_loop3A_555 : vector<16xf32>
        %parallel_loop3A_557 = arith.fptosi %parallel_loop3A_556 : vector<16xf32> to vector<16xi32>
        %parallel_loop3A_558 = arith.constant 256 : i32
        %parallel_loop3A_559 = vector.broadcast %parallel_loop3A_558 : i32 to vector<16xi32>
        %parallel_loop3A_560 = arith.muli %parallel_loop3A_554, %parallel_loop3A_559 : vector<16xi32>
        %parallel_loop3A_561 = arith.addi %parallel_loop3A_560, %parallel_loop3A_557 : vector<16xi32>
        tpu.vector_store_idx %arg5[%parallel_loop3A_561], %broadcast_in_dim3A_20 : memref<65536xf32, #tpu.memory_space<vmem>>[vector<16xi32>], vector<16xf32>,
        %parallel_loop3A_562 = arith.index_cast %parallel_loop3A_81 : i32 to index
        %parallel_loop3A_563 = arith.constant 480 : index
        %parallel_loop3A_564 = tpu.vector_load %arg8[%parallel_loop3A_562, %parallel_loop3A_563] {strides = array<i32>} : memref<16x512xf32, #tpu.memory_space<vmem>>, vector<16xf32>,
        %parallel_loop3A_565 = arith.index_cast %parallel_loop3A_81 : i32 to index
        %parallel_loop3A_566 = arith.constant 480 : index
        %parallel_loop3A_567 = tpu.vector_load %arg9[%parallel_loop3A_565, %parallel_loop3A_566] {strides = array<i32>} : memref<16x512xf32, #tpu.memory_space<vmem>>, vector<16xf32>,
        %parallel_loop3A_568 = vector.broadcast %scan3A_21 : f32 to vector<16xf32>
        %parallel_loop3A_569 = arith.mulf %parallel_loop3A_564, %parallel_loop3A_568 : vector<16xf32>
        %parallel_loop3A_570 = arith.fptosi %parallel_loop3A_569 : vector<16xf32> to vector<16xi32>
        %parallel_loop3A_571 = vector.broadcast %scan3A_21 : f32 to vector<16xf32>
        %parallel_loop3A_572 = arith.mulf %parallel_loop3A_567, %parallel_loop3A_571 : vector<16xf32>
        %parallel_loop3A_573 = arith.fptosi %parallel_loop3A_572 : vector<16xf32> to vector<16xi32>
        %parallel_loop3A_574 = arith.constant 256 : i32
        %parallel_loop3A_575 = vector.broadcast %parallel_loop3A_574 : i32 to vector<16xi32>
        %parallel_loop3A_576 = arith.muli %parallel_loop3A_570, %parallel_loop3A_575 : vector<16xi32>
        %parallel_loop3A_577 = arith.addi %parallel_loop3A_576, %parallel_loop3A_573 : vector<16xi32>
        tpu.vector_store_idx %arg5[%parallel_loop3A_577], %broadcast_in_dim3A_20 : memref<65536xf32, #tpu.memory_space<vmem>>[vector<16xi32>], vector<16xf32>,
        %parallel_loop3A_578 = arith.index_cast %parallel_loop3A_81 : i32 to index
        %parallel_loop3A_579 = arith.constant 496 : index
        %parallel_loop3A_580 = tpu.vector_load %arg8[%parallel_loop3A_578, %parallel_loop3A_579] {strides = array<i32>} : memref<16x512xf32, #tpu.memory_space<vmem>>, vector<16xf32>,
        %parallel_loop3A_581 = arith.index_cast %parallel_loop3A_81 : i32 to index
        %parallel_loop3A_582 = arith.constant 496 : index
        %parallel_loop3A_583 = tpu.vector_load %arg9[%parallel_loop3A_581, %parallel_loop3A_582] {strides = array<i32>} : memref<16x512xf32, #tpu.memory_space<vmem>>, vector<16xf32>,
        %parallel_loop3A_584 = vector.broadcast %scan3A_21 : f32 to vector<16xf32>
        %parallel_loop3A_585 = arith.mulf %parallel_loop3A_580, %parallel_loop3A_584 : vector<16xf32>
        %parallel_loop3A_586 = arith.fptosi %parallel_loop3A_585 : vector<16xf32> to vector<16xi32>
        %parallel_loop3A_587 = vector.broadcast %scan3A_21 : f32 to vector<16xf32>
        %parallel_loop3A_588 = arith.mulf %parallel_loop3A_583, %parallel_loop3A_587 : vector<16xf32>
        %parallel_loop3A_589 = arith.fptosi %parallel_loop3A_588 : vector<16xf32> to vector<16xi32>
        %parallel_loop3A_590 = arith.constant 256 : i32
        %parallel_loop3A_591 = vector.broadcast %parallel_loop3A_590 : i32 to vector<16xi32>
        %parallel_loop3A_592 = arith.muli %parallel_loop3A_586, %parallel_loop3A_591 : vector<16xi32>
        %parallel_loop3A_593 = arith.addi %parallel_loop3A_592, %parallel_loop3A_589 : vector<16xi32>
        tpu.vector_store_idx %arg5[%parallel_loop3A_593], %broadcast_in_dim3A_20 : memref<65536xf32, #tpu.memory_space<vmem>>[vector<16xi32>], vector<16xf32>,
      } {sc.loop_unroll_factor = 2 : i64, sc.parallel_access}
    }
    %scan3A_26 = arith.constant 24 : i32
    "tpu.region"() ({
      %run_scoped3A = tpu.sem_alloc : memref<!tpu.dma_semaphore, #tpu.memory_space<semaphore_mem>>
      %dma_start3A_27 = arith.constant 0 : i32
      %dma_start3A_28 = tpu.memref_slice %arg4[%add3A, %dma_start3A_27] : memref<32x65536xf32, #tpu.memory_space<hbm>> -> memref<1x65536xf32, #tpu.memory_space<hbm>>
      %dma_start3A_29 = tpu.memref_squeeze %dma_start3A_28 : memref<1x65536xf32, #tpu.memory_space<hbm>> -> memref<65536xf32, #tpu.memory_space<hbm>>
      %dma_start3A_30 = arith.constant 0 : i32
      %dma_start3A_31 = tpu.memref_slice %arg4[%add3A, %dma_start3A_30] : memref<32x65536xf32, #tpu.memory_space<hbm>> -> memref<1x65536xf32, #tpu.memory_space<hbm>>
      %dma_start3A_32 = tpu.memref_squeeze %dma_start3A_31 : memref<1x65536xf32, #tpu.memory_space<hbm>> -> memref<65536xf32, #tpu.memory_space<hbm>>
      tpu.enqueue_dma source(%arg5 : memref<65536xf32, #tpu.memory_space<vmem>>) target(%dma_start3A_32 : memref<65536xf32, #tpu.memory_space<hbm>>) target_semaphore(%run_scoped3A : memref<!tpu.dma_semaphore, #tpu.memory_space<semaphore_mem>>)
      %dma_wait3A = arith.constant 0 : i32
      %dma_wait3A_33 = tpu.memref_slice %arg4[%add3A, %dma_wait3A] : memref<32x65536xf32, #tpu.memory_space<hbm>> -> memref<1x65536xf32, #tpu.memory_space<hbm>>
      %dma_wait3A_34 = tpu.memref_squeeze %dma_wait3A_33 : memref<1x65536xf32, #tpu.memory_space<hbm>> -> memref<65536xf32, #tpu.memory_space<hbm>>
      %dma_wait3A_35 = arith.constant 0 : i32
      %dma_wait3A_36 = tpu.memref_slice %arg4[%add3A, %dma_wait3A_35] : memref<32x65536xf32, #tpu.memory_space<hbm>> -> memref<1x65536xf32, #tpu.memory_space<hbm>>
      %dma_wait3A_37 = tpu.memref_squeeze %dma_wait3A_36 : memref<1x65536xf32, #tpu.memory_space<hbm>> -> memref<65536xf32, #tpu.memory_space<hbm>>
      tpu.wait_dma2 semaphore(%run_scoped3A : memref<!tpu.dma_semaphore, #tpu.memory_space<semaphore_mem>>) src(%arg5 : memref<65536xf32, #tpu.memory_space<vmem>>) dst(%dma_wait3A_37 : memref<65536xf32, #tpu.memory_space<hbm>>)
      tpu.yield
    }) : () -> ()
    return
  }
}

module attributes {stable_mosaic.version = 14 : i64} {
  func.func @_mi_body(%arg0: memref<32x65536xf32, #tpu.memory_space<vmem>>, %arg1: memref<1x1xf32, #tpu.memory_space<vmem>>) attributes {dimension_semantics = [], scalar_prefetch = 0 : i64, scratch_operands = 0 : i64, tpu.core_type = #tpu.core_type<tc>} {
    %get3A = arith.constant 0 : index
    %get3A_0 = arith.constant 0 : index
    %get3A_1 = vector.load %arg0[%get3A, %get3A_0] : memref<32x65536xf32, #tpu.memory_space<vmem>>, vector<32x65536xf32>
    %reduce_sum3A = arith.constant dense<0.000000e+00> : vector<65536xf32>
    %reduce_sum3A_2 = vector.multi_reduction <add>, %get3A_1, %reduce_sum3A [0] : vector<32x65536xf32> to vector<65536xf32>
    %reshape3A = vector.shape_cast %reduce_sum3A_2 : vector<65536xf32> to vector<256x256xf32>
    %gt3A = arith.constant 0.000000e+00 : f32
    %gt3A_3 = vector.broadcast %gt3A : f32 to vector<256x256xf32>
    %gt3A_4 = arith.cmpf ogt, %reshape3A, %gt3A_3 : vector<256x256xf32>
    %convert_element_type3A = arith.extui %gt3A_4 : vector<256x256xi1> to vector<256x256xi32>
    %convert_element_type3A_5 = arith.sitofp %convert_element_type3A : vector<256x256xi32> to vector<256x256xf32>
    %reduce_sum3A_6 = vector.shape_cast %convert_element_type3A_5 : vector<256x256xf32> to vector<1x256x256xf32>
    %reduce_sum3A_7 = arith.constant dense<0.000000e+00> : vector<1xf32>
    %reduce_sum3A_8 = vector.multi_reduction <add>, %reduce_sum3A_6, %reduce_sum3A_7 [1, 2] : vector<1x256x256xf32> to vector<1xf32>
    %reduce_sum3A_9 = vector.shape_cast %reduce_sum3A_8 : vector<1xf32> to vector<1x1x1xf32>
    %reduce_sum3A_10 = vector.extract %reduce_sum3A_9[0, 0, 0] : f32 from vector<1x1x1xf32>
    %div3A = vector.broadcast %reduce_sum3A_10 : f32 to vector<256x256xf32>
    %div3A_11 = arith.divf %convert_element_type3A_5, %div3A : vector<256x256xf32>
    %reduce_sum3A_12 = arith.constant dense<0.000000e+00> : vector<256xf32>
    %reduce_sum3A_13 = vector.multi_reduction <add>, %div3A_11, %reduce_sum3A_12 [1] : vector<256x256xf32> to vector<256xf32>
    %broadcast_in_dim3A = vector.shape_cast %reduce_sum3A_13 : vector<256xf32> to vector<256x1xf32>
    %reduce_sum3A_14 = arith.constant dense<0.000000e+00> : vector<256xf32>
    %reduce_sum3A_15 = vector.multi_reduction <add>, %div3A_11, %reduce_sum3A_14 [0] : vector<256x256xf32> to vector<256xf32>
    %broadcast_in_dim3A_16 = vector.shape_cast %reduce_sum3A_15 : vector<256xf32> to vector<1x256xf32>
    %mul3A = vector.broadcast %broadcast_in_dim3A : vector<256x1xf32> to vector<256x256xf32>
    %mul3A_17 = vector.broadcast %broadcast_in_dim3A_16 : vector<1x256xf32> to vector<256x256xf32>
    %mul3A_18 = arith.mulf %mul3A, %mul3A_17 : vector<256x256xf32>
    %add3A = arith.constant 1.000000e-10 : f32
    %add3A_19 = vector.broadcast %add3A : f32 to vector<256x256xf32>
    %add3A_20 = arith.addf %mul3A_18, %add3A_19 : vector<256x256xf32>
    %gt3A_21 = arith.constant 0.000000e+00 : f32
    %gt3A_22 = vector.broadcast %gt3A_21 : f32 to vector<256x256xf32>
    %gt3A_23 = arith.cmpf ogt, %reshape3A, %gt3A_22 : vector<256x256xf32>
    %jit3A = arith.constant 1.000000e+00 : f32
    %broadcast_in_dim3A_24 = vector.broadcast %jit3A : f32 to vector<256x256xf32>
    %select_n3A = arith.select %gt3A_23, %div3A_11, %broadcast_in_dim3A_24 : vector<256x256xi1>, vector<256x256xf32>
    %gt3A_25 = arith.constant 0.000000e+00 : f32
    %gt3A_26 = vector.broadcast %gt3A_25 : f32 to vector<256x256xf32>
    %gt3A_27 = arith.cmpf ogt, %reshape3A, %gt3A_26 : vector<256x256xf32>
    %div3A_28 = arith.divf %select_n3A, %add3A_20 : vector<256x256xf32>
    %log3A = math.log %div3A_28 : vector<256x256xf32>
    %mul3A_29 = arith.mulf %div3A_11, %log3A : vector<256x256xf32>
    %jit3A_30 = arith.constant 0.000000e+00 : f32
    %broadcast_in_dim3A_31 = vector.broadcast %jit3A_30 : f32 to vector<256x256xf32>
    %select_n3A_32 = arith.select %gt3A_27, %mul3A_29, %broadcast_in_dim3A_31 : vector<256x256xi1>, vector<256x256xf32>
    %reduce_sum3A_33 = vector.shape_cast %select_n3A_32 : vector<256x256xf32> to vector<1x256x256xf32>
    %reduce_sum3A_34 = arith.constant dense<0.000000e+00> : vector<1xf32>
    %reduce_sum3A_35 = vector.multi_reduction <add>, %reduce_sum3A_33, %reduce_sum3A_34 [1, 2] : vector<1x256x256xf32> to vector<1xf32>
    %reduce_sum3A_36 = vector.shape_cast %reduce_sum3A_35 : vector<1xf32> to vector<1x1x1xf32>
    %reduce_sum3A_37 = vector.extract %reduce_sum3A_36[0, 0, 0] : f32 from vector<1x1x1xf32>
    %tanh3A = math.tanh %reduce_sum3A_37 : f32
    %sub3A = arith.constant 1.000000e+00 : f32
    %sub3A_38 = arith.subf %sub3A, %tanh3A : f32
    %broadcast_in_dim3A_39 = vector.broadcast %sub3A_38 : f32 to vector<1x1xf32>
    %swap3A = arith.constant 0 : index
    %swap3A_40 = arith.constant 0 : index
    %swap3A_41 = vector.load %arg1[%swap3A, %swap3A_40] : memref<1x1xf32, #tpu.memory_space<vmem>>, vector<1x1xf32>
    tpu.vector_store %arg1[%swap3A, %swap3A_40], %broadcast_in_dim3A_39 {strides = array<i32>} : memref<1x1xf32, #tpu.memory_space<vmem>>, vector<1x1xf32>,
    return
  }
}

</mosaic_0001>

<sc_bundles>
// kernel: kernel.4.cloned.1.call-start
scs
__scs_entry_jumppad:
0x0: {  	(pc) =	sbr.rel $0x88, $3  }
0x1: {  	(tag) =	ssettag $0x0;
	lr =	simm.s32 $0x1  }
0x2: {  	[smem:$0x3F9F] =	sst lr;
	_ =	strace $0xD0000000  }
0x3: {  	_ = 	snop  }
0x4: {  	_ = 	snop  }
0x5: {  	_ = 	snop  }
0x6: {  	_ = 	snop  }
0x7: {  	_ = 	snop  }
__scs_overlays_trampoline_lowered:
0x8: {  	[smem:$0x3FAE] =	sst s0  }
0x9: {  	[smem:$0x3FAF] =	sst s1  }
0xa: {  	[smem:$0x3FB0] =	sst s2  }
0xb: {  	[smem:$0x3FB1] =	sst s3  }
0xc: {  	[smem:$0x3FB2] =	sst s4  }
0xd: {  	[smem:$0x3FB3] =	sst s5  }
0xe: {  	[smem:$0x3FB4] =	sst s6  }
0xf: {  	[smem:$0x3FB5] =	sst s7  }
0x10: {  	[smem:$0x3FB6] =	sst s8  }
0x11: {  	[smem:$0x3FB7] =	sst s9;
	s0 =	simm.s32 @!p0 $0x0  }
0x12: {  	s1 =	sld [smem:$0x3F9D];
	s0 =	simm.s32 @p0 $0x1  }
0x13: {  	[smem:$0x3FB8] =	sst s0;
	s0 =	simm.s32 @!p1 $0x0  }
0x14: {  	s2 =	sld [smem:$0x3F9C];
	s0 =	simm.s32 @p1 $0x1  }
0x15: {  	[smem:$0x3FB9] =	sst s0;
	s0 =	simm.s32 @!p2 $0x0  }
0x16: {  	s3 =	sld [smem:$0x3FDB];
	s0 =	simm.s32 @p2 $0x1  }
0x17: {  	s4 =	simm.s32 $0x1BF5;
	[smem:$0x3FBB] =	sst s0  }
0x18: {  	s0 =	sld [smem:$0x3F9E];
	_ =	swait.ge [sflag:s4], $0x0  }
0x19: {  	s7 =	sld [smem:$0x3F9F]  }
0x1a: {  	s8 =	sadd.s32 $0xFFFFE003, lr  }
0x1b: {  	s9 =	sadd.s32 $0xFFFFFEF7, lr;
	s5 =	simm.s32 $0xFFFFFFFF;
	p2 =	slt.u32 s8, $0xFFFFF086  }
0x1c: {  	p1 =	slt.u32 s9, $0xF7A;
	s5 =	simm.s32 @!p2 $0x0  }
0x1d: {  	s5 =	simm.s32 @p1 $0x1;
	p0 =	seq.s32 s7, s2  }
0x1e: {  	s7 =	smul.u32 @!p0 $0xF7A, s2;
	p2 =	seq.s32 @!p0 s5, $0x0  }
0x1f: {  	s9 =	smul.u32 $0xF7A, s1;
	s8 =	simm.s32 @!p0 $0x1BF5;
	p2 =	por !p2, p0  }
0x20: {  	[sflag:s8] =	ssyncset.s32 @!p0 $0xFFFFF086;
	s6 =	sadd.s32 @!p0 s3, s7;
	s7 =	simm.s32 @!p0 $0x108  }
0x21: {  	s3 =	sadd.s32 s3, s9;
	s6 =	sadd.s32 @!p0 $0x88, s6;
	s7 =	simm.s32 @p2 $0x1082  }
0x22: {  	[simem:s7], [sflag:s8] =	dma.local @!p0 [hbm:s6], $0xF7A  }
0x23: {  	s9 =	sor.u32 $0xD0000000, s2;
	s6 =	simm.s32 $0x108;
	_ =	swait.ge @!p0 [sflag:s8], $0x0  }
0x24: {  	s3 =	sadd.s32 $0x88, s3;
	s6 =	simm.s32 @!p1 $0x1082;
	[sflag:s4] =	ssyncset.s32 $0xFFFFF086  }
0x25: {  	[simem:s6], [sflag:s4] =	dma.local [hbm:s3], $0xF7A  }
0x26: {  	[smem:$0x3F9F] =	sst s1;
	(tag) =	ssettag s2;
	_ =	strace s9  }
0x27: {  	s1 =	sld [smem:$0x3FAF]  }
0x28: {  	s2 =	sld [smem:$0x3FB0]  }
0x29: {  	s4 =	sld [smem:$0x3FB2]  }
0x2a: {  	p0 =	seq.s32 s5, $0x0;
	s5 =	sld [smem:$0x3FB3]  }
0x2b: {  	s6 =	sld [smem:$0x3FB4]  }
0x2c: {  	s7 =	sld [smem:$0x3FB5]  }
0x2d: {  	s3 =	simm.s32 $0x108;
	s8 =	sld [smem:$0x3FB6]  }
0x2e: {  	s3 =	simm.s32 @!p0 $0x1082;
	s9 =	sld [smem:$0x3FB7]  }
0x2f: {  	lr =	sadd.s32 s0, s3;
	s0 =	sld [smem:$0x3FAE]  }
0x30: {  	s3 =	sld [smem:$0x3FB1]  }
0x31: {  	[smem:$0x3FBA] =	sst s10  }
0x32: {  	s10 =	sld [smem:$0x3FB8];
	_ =	sdelay $0x3  }
0x33: {  	p0 =	seq.s32 s10, $0x1;
	s10 =	sld [smem:$0x3FBA];
	_ =	sdelay $0x3  }
0x34: {  	[smem:$0x3FBA] =	sst s10  }
0x35: {  	s10 =	sld [smem:$0x3FB9];
	_ =	sdelay $0x3  }
0x36: {  	p1 =	seq.s32 s10, $0x1;
	s10 =	sld [smem:$0x3FBA];
	_ =	sdelay $0x3  }
0x37: {  	[smem:$0x3FBA] =	sst s10  }
0x38: {  	s10 =	sld [smem:$0x3FBB]  }
0x39: {  	_ = 	snop;
	(pc) =	sbr.ind lr, $3  }
0x3a: {  	_ = 	snop  }
0x3b: {  	_ = 	snop  }
0x3c: {  	p2 =	seq.s32 s10, $0x1;
	s10 =	sld [smem:$0x3FBA]  }
0x3d: {  	_ =	shalt  }
0x3e: {  	_ =	shalt  }
0x3f: {  	_ =	shalt  }
0x40: {  	_ =	shalt  }
0x41: {  	_ =	shalt  }
0x42: {  	_ =	shalt  }
0x43: {  	_ =	shalt  }
0x44: {  	_ =	shalt  }
0x45: {  	_ =	shalt  }
0x46: {  	_ =	shalt  }
0x47: {  	_ =	shalt  }
0x48: {  	_ =	shalt  }
0x49: {  	_ =	shalt  }
0x4a: {  	_ =	shalt  }
0x4b: {  	_ =	shalt  }
0x4c: {  	_ =	shalt  }
0x4d: {  	_ =	shalt  }
0x4e: {  	_ =	shalt  }
0x4f: {  	_ =	shalt  }
0x50: {  	_ =	shalt  }
0x51: {  	_ =	shalt  }
0x52: {  	_ =	shalt  }
0x53: {  	_ =	shalt  }
0x54: {  	_ =	shalt  }
0x55: {  	_ =	shalt  }
0x56: {  	_ =	shalt  }
0x57: {  	_ =	shalt  }
0x58: {  	_ =	shalt  }
0x59: {  	_ =	shalt  }
0x5a: {  	_ =	shalt  }
0x5b: {  	_ =	shalt  }
0x5c: {  	_ =	shalt  }
0x5d: {  	_ =	shalt  }
0x5e: {  	_ =	shalt  }
0x5f: {  	_ =	shalt  }
0x60: {  	_ =	shalt  }
0x61: {  	_ =	shalt  }
0x62: {  	_ =	shalt  }
0x63: {  	_ =	shalt  }
0x64: {  	_ =	shalt  }
0x65: {  	_ =	shalt  }
0x66: {  	_ =	shalt  }
0x67: {  	_ =	shalt  }
0x68: {  	_ =	shalt  }
0x69: {  	_ =	shalt  }
0x6a: {  	_ =	shalt  }
0x6b: {  	_ =	shalt  }
0x6c: {  	_ =	shalt  }
0x6d: {  	_ =	shalt  }
0x6e: {  	_ =	shalt  }
0x6f: {  	_ =	shalt  }
0x70: {  	_ =	shalt  }
0x71: {  	_ =	shalt  }
0x72: {  	_ =	shalt  }
0x73: {  	_ =	shalt  }
0x74: {  	_ =	shalt  }
0x75: {  	_ =	shalt  }
0x76: {  	_ =	shalt  }
0x77: {  	_ =	shalt  }
0x78: {  	_ =	shalt  }
0x79: {  	_ =	shalt  }
0x7a: {  	_ =	shalt  }
0x7b: {  	_ =	shalt  }
0x7c: {  	_ =	shalt  }
0x7d: {  	_ =	shalt  }
0x7e: {  	_ =	shalt  }
0x7f: {  	_ =	shalt  }
0x80: {  	_ =	shalt  }
0x81: {  	_ =	shalt  }
0x82: {  	_ =	shalt  }
0x83: {  	_ =	shalt  }
0x84: {  	_ =	shalt  }
0x85: {  	_ =	shalt  }
0x86: {  	_ =	shalt  }
0x87: {  	_ =	shalt  }
.Lfunc_end0:
.L_simem_size_0:
called_computation_lowered:
.L_overlay_start_0:
0x88: {  	s2 =	sld [smem:$0x3FD9]  }
0x89: {  	s3 =	sld [smem:$0x3FFE];
	_ =	sdelay $0x1  }
0x8a: {  	s1 =	srdreg.scid  }
0x8b: {  	s0 =	sand.u32 $0x1, s1  }
0x8c: {  	s17 =	sshll.u32 s0, $0xA;
	s2 =	sadd.s32 s3, s2  }
0x8d: {  	s2 =	sadd.s32 s2, s17  }
0x8e: {  	[smem:$0x3FC6] =	sst s2  }
0x8f: {  	_ = 	snop  }
0x90: {  	s2 =	sld [smem:$0x3FC9]  }
0x91: {  	s18 =	sld [smem:$0x3FC8];
	(tm) =	ssettm $0x1  }
0x92: {  	s4 =	sld [smem:$0x3FFB];
	_ =	sdelay $0x3  }
0x93: {  	_ =	strace s4  }
0x94: {  	s4 =	sld [smem:$0x3FFC];
	_ =	sdelay $0x3  }
0x95: {  	_ =	strace s4  }
0x96: {  	s4 =	sld [smem:$0x3FFD];
	_ =	sdelay $0x3  }
0x97: {  	_ =	strace s4  }
0x98: {  	_ =	strace $0x8FFFFFFF  }
0x99: {  	s19 =	sld [smem:$0x3FDB];
	_ =	sdelay $0x1  }
0x9a: {  	s5 =	simm.s32 $_scs_section_size  }
0x9b: {  	s6 =	simm.s32 $_size__tile_overlayer_lowered;
	s7 =	simm.s32 $_tile_overlayer_lowered  }
0x9c: {  	s22 =	simm.s32 $0x1BFF;
	s21 =	sshll.u32 s7, $0x1;
	s4 =	sadd.s32 s5, s19  }
0x9d: {  	s8 =	simm.s32 $0x0;
	s20 =	sshll.u32 s6, $0x1;
	s6 =	sadd.s32 s21, s4  }
0x9e: {  	[timem:s8], [sflag:s22] =	dma.local [hbm:s6], s20  }
0x9f: {  	_ =	swait.ge [sflag:s22], s20  }
0xa0: {  	s5 =	ssub.s32 $0x0, s20;
	[sflag:s22] =	ssyncset.done $0x0  }
0xa1: {  	[sflag:s22] =	ssyncadd.s32 s5;
	_ =	sdelay $0x1  }
0xa2: {  	s23 =	simm.s32 $0x1B8B  }
0xa3: {  	_ =	swait.ge [sflag:s23], $0x1  }
0xa4: {  	[sflag:s23] =	ssyncset.done $0x0  }
0xa5: {  	s25 =	simm.s32 $0x1B8E;
	s24 =	sld [smem:$0x3FFE];
	[sflag:s23] =	ssyncadd.s32 $0xFFFFFFFF  }
0xa6: {  	s26 =	simm.s32 $execute0_lowered;
	[smem:$0x3FD2] =	sst s25  }
0xa7: {  	s6 =	sshll.u32 s26, $0x1;
	_ =	strace $0x80000046;
	[dreg:$0x1] =	wrdreg $0xFFFFFFFF  }
0xa8: {  	s28 =	simm.s32 $_size_execute0_lowered;
	s4 =	sadd.s32 s4, s6;
	[dreg:$0x0] =	wrdreg $0x0  }
0xa9: {  	s6 =	sshll.u32 s28, $0x1;
	[dreg:$0x2] =	wrdreg s4  }
0xaa: {  	[dreg:$0x3] =	wrdreg s6  }
0xab: {  	[dreg:$0x4] =	wrdreg $0xC0  }
0xac: {  	_ =	task [dreg:s8], $0x5FFFF  }
0xad: {  	[dreg:$0x1] =	wrdreg $0xFFFFFFFF  }
0xae: {  	[dreg:$0x0] =	wrdreg $0x60  }
0xaf: {  	[dreg:$0x2] =	wrdreg s2  }
0xb0: {  	[dreg:$0x3] =	wrdreg s18  }
0xb1: {  	[dreg:$0x4] =	wrdreg s24  }
0xb2: {  	[dreg:$0x5] =	wrdreg $0x9  }
0xb3: {  	_ =	task.clear_ibuf [dreg:s8], $0x6FFFF;
	_ =	strace $0x90000046  }
0xb4: {  	s29 =	simm.s32 $0x9;
	_ =	strace $0x80000048  }
0xb5: {  	_ =	swait.ge [sflag:s29], $0x1  }
0xb6: {  	[sflag:s29] =	ssyncadd.s32 $0xFFFFFFFF  }
0xb7: {  	_ =	strace $0x90000048  }
0xb8: {  	_ =	sfence  }
0xb9: {  	s30 =	sld [smem:$0x0];
	_ =	sdelay $0x2  }
0xba: {  	s31 =	sshll.u32 s1, $0xD;
	s1 =	sshrl.u32 s1, $0x2  }
0xbb: {  	s3 =	sand.u32 $0x4000, s31;
	s1 =	sadd.s32 s1, s30  }
0xbc: {  	s0 =	sor.u32 s3, s0;
	s1 =	sshll.u32 s1, $0x11  }
0xbd: {  	s0 =	sor.u32 s1, s0  }
0xbe: {  	s0 =	sadd.s32 $0x8F2B, s0  }
0xbf: {  	[sflag:s0] =	ssyncadd.remote.s32 $0x1  }
0xc0: {  	_ =	sfence.sel $0xFFFF  }
0xc1: {  	[dreg:$0x0] =	wrdreg $0xFFFFFFFF;
	(pc) =	sbr.abs _section_cstart, $3  }
0xc2: {  	[dreg:$0x1] =	wrdreg $0xFFFFFFFF  }
0xc3: {  	_ =	task.clear_ibuf [dreg:s8], $0x2FFFF;
	_ =	strace $0x9FFFFFFF  }
0xc4: {  	(tm) =	ssettm $0x7FFFFFFF  }
0xc5: {  	_ =	shalt  }
tec
execute0_lowered:
.L_overlay_start_1:
0x0: {  	(tag) =	ssettag $0x1  }
0x1: {  	s3 =	rddreg [dreg:$0x0]  }
0x2: {  	s7 =	rddreg [dreg:$0x1]  }
0x3: {  	s0 =	rddreg [dreg:$0x2];
	s4 =	simm.s32 $0x0  }
0x4: {  	s6 =	stileid.u32;
	s1 =	srdreg.scid;
	s15 =	simm.s32 $0x1  }
0x5: {  	s16 =	simm.s32 $0x2;
	s21 =	simm.s32 $0x0;
	s1 =	sand.u32 $0x1, s1  }
0x6: {  	[smem:$0x7FF] =	sst s4;
	s2 =	sshll.u32 s6, $0x4;
	s5 =	sshll.u32 s1, $0x4  }
0x7: {  	_ =	strace $0x80000047;
	s2 =	sand.u32 $0x70, s2;
	s26 =	sor.u32 s6, s5  }
0x8: {  	s1 =	ssub.s32 $0x2, s1;
	s0 =	sadd.s32 s2, s0;
	s2 =	sshll.u32 s26, $0xA  }
0x9: {  	s28 =	sshrl.u32 s1, $0x1;
	s9 =	sshll.u32 s26, $0xD;
	s3 =	sadd.s32 s3, s2  }
0xa: {  	s1 =	ssub.s32 s1, s28;
	s2 =	sadd.s32 s7, s2;
	[dreg:$0x4] =	wrdreg s3  }
0xb: {  	s29 =	sand.u32 $0x30000, s9;
	s30 =	sor.u32 $0x80000, s9;
	[dreg:$0x5] =	wrdreg s2  }
0xc: {  	s31 =	smax.u32 s1, $0x1;
	[dreg:$0x6] =	wrdreg s30;
	s0 =	sadd.s32 s29, s0  }
0xd: {  	s5 =	smov.u32 s7;
	[dreg:$0x8] =	wrdreg s31;
	s0 =	sadd.s32 $0x600, s0  }
0xe: {  	v0 =	vimm.f32 $0.0e+00;
	v1 =	vimm.f32 $1.000000000e+00;
	s8 =	smov.u32 s9;
	s2 =	simm.s32 $0x0;
	[dreg:$0x7] =	wrdreg s0  }
.LBB2_1:
0xf: {  	s0 =	rddreg [dreg:$0x4];
	s1 =	simm.s32 $0x10000  }
0x10: {  	[tilespmem:s1], [sflag:$0x1] =	stream.linear.gather [hbm4b:s0+s4], $0x2000, $0x38;
	[tilespmem:$0x18000] =	vst v63  }
0x11: {  	s30 =	rddreg [dreg:$0x5];
	s31 =	simm.s32 $0x12000;
	s0 =	simm.s32 $0x40  }
0x12: {  	[tilespmem:s31], [sflag:$0x1] =	stream.linear.gather [hbm4b:s30+s4], $0x2000, $0x38;
	[tilespmem:$0x18000] =	vst v63  }
0x13: {  	[tilespmem:s0+$0xFFFFFFC0] =	vst v0  }
0x14: {  	[tilespmem:s0+$0x30] =	vst v0  }
0x15: {  	[tilespmem:s0+$0x20] =	vst v0  }
0x16: {  	[tilespmem:s0+$0x10] =	vst v0  }
0x17: {  	[tilespmem:s0+$0x0] =	vst v0  }
0x18: {  	[tilespmem:s0+$0xFFFFFFF0] =	vst v0  }
0x19: {  	s1 =	simm.s32 $0x0;
	[tilespmem:s0+$0xFFFFFFE0] =	vst v0  }
.LBB2_2:
0x1a: {  	s1 =	sadd.s32 $0x8, s1;
	[tilespmem:s0+$0xFFFFFFD0] =	vst v0;
	s0 =	sadd.s32 $0x80, s0  }
0x1b: {  	[tilespmem:s0+$0xFFFFFFC0] =	vst v0;
	p0 =	slt.u32 s1, $0xFF8  }
0x1c: {  	[tilespmem:s0+$0x30] =	vst v0  }
.Ltmp0:
0x1d: {  	[tilespmem:s0+$0x20] =	vst v0;
	(pc) =	sbr.rel @p0 .LBB2_2-.Ltmp0, $4  }
0x1e: {  	[tilespmem:s0+$0x10] =	vst v0  }
0x1f: {  	[tilespmem:s0+$0x0] =	vst v0  }
0x20: {  	[tilespmem:s0+$0xFFFFFFF0] =	vst v0  }
0x21: {  	[tilespmem:s0+$0xFFFFFFE0] =	vst v0  }
0x22: {  	[dreg:$0x9] =	wrdreg s2  }
0x23: {  	s22 =	simm.s32 $0x0;
	[tilespmem:s0+$0xFFFFFFD0] =	vst v0  }
.LBB2_4:
0x24: {  	s23 =	sshll.u32 s22, $0x13  }
0x25: {  	s0 =	sor.u32 s8, s23  }
0x26: {  	s0 =	sshrl.u32 s0, $0x3  }
0x27: {  	s1 =	rddreg [dreg:$0x0];
	s0 =	sor.u32 $0x8000, s0  }
0x28: {  	s2 =	simm.s32 $0x14000;
	s1 =	sadd.s32 s1, s0  }
0x29: {  	[tilespmem:s2], [sflag:$0x2] =	stream.linear.gather [hbm4b:s1+s21], $0x2000, $0x38;
	[tilespmem:$0x18000] =	vst v63  }
0x2a: {  	s0 =	sadd.s32 s5, s0;
	s2 =	simm.s32 $0x16000  }
0x2b: {  	[tilespmem:s2], [sflag:$0x2] =	stream.linear.gather [hbm4b:s0+s21], $0x2000, $0x38;
	[tilespmem:$0x18000] =	vst v63  }
0x2c: {  	_ =	swait.ge [sflag:s15], $0x2000  }
0x2d: {  	[sflag:s15] =	ssyncset.done $0x0  }
0x2e: {  	[sflag:s15] =	ssyncadd.s32 $0xFFFFE000  }
0x2f: {  	_ =	swait.ge [sflag:s15], $0x2000  }
0x30: {  	s3 =	sand.u32 $0x1000, s21;
	s6 =	sand.u32 $0x300, s21;
	[sflag:s15] =	ssyncset.done $0x0  }
0x31: {  	s11 =	sor.u32 s6, s3;
	[sflag:s15] =	ssyncadd.s32 $0xFFFFE000  }
0x32: {  	v2 =	vld [tilespmem:s11+$0x10080]  }
0x33: {  	v3 =	vld [tilespmem:s11+$0x12080];
	_ =	sdelay $0x3  }
0x34: {  	v2 =	vmul.f32 $2.550000000e+02, v2  }
0x35: {  	v3 =	vmul.f32 $2.550000000e+02, v3  }
0x36: {  	v2 =	vtrunc.f32 v2  }
0x37: {  	v3 =	vtrunc.f32 v3;
	v2 =	vcvt.f32.s32 v2  }
0x38: {  	v3 =	vcvt.f32.s32 v3  }
0x39: {  	v2 =	vshll.u32 v2, $0x8  }
0x3a: {  	v2 =	vadd.s32 v3, v2;
	_ =	sdelay $0x1  }
0x3b: {  	v3 =	vld [tilespmem:s11+$0x10000]  }
0x3c: {  	v4 =	vld [tilespmem:s11+$0x12000];
	_ =	sdelay $0x1  }
0x3d: {  	[tilespmem:v2+s4+$0x0] =	vst.idx.msk $0xffff, v1  }
0x3e: {  	v2 =	vld [tilespmem:s11+$0x10090]  }
0x3f: {  	v3 =	vmul.f32 $2.550000000e+02, v3;
	v5 =	vld [tilespmem:s11+$0x12090]  }
0x40: {  	v4 =	vmul.f32 $2.550000000e+02, v4  }
0x41: {  	v3 =	vtrunc.f32 v3  }
0x42: {  	v4 =	vtrunc.f32 v4;
	v3 =	vcvt.f32.s32 v3  }
0x43: {  	v4 =	vcvt.f32.s32 v4;
	v2 =	vmul.f32 $2.550000000e+02, v2  }
0x44: {  	v3 =	vshll.u32 v3, $0x8;
	v5 =	vmul.f32 $2.550000000e+02, v5  }
0x45: {  	v3 =	vadd.s32 v4, v3;
	v2 =	vtrunc.f32 v2  }
0x46: {  	v4 =	vtrunc.f32 v5;
	v2 =	vcvt.f32.s32 v2  }
0x47: {  	v4 =	vcvt.f32.s32 v4  }
0x48: {  	v2 =	vshll.u32 v2, $0x8  }
0x49: {  	v2 =	vadd.s32 v4, v2  }
0x4a: {  	[tilespmem:v3+s4+$0x0] =	vst.idx.msk $0xffff, v1  }
0x4b: {  	v3 =	vld [tilespmem:s11+$0x10010]  }
0x4c: {  	v4 =	vld [tilespmem:s11+$0x12010];
	_ =	sdelay $0x1  }
0x4d: {  	[tilespmem:v2+s4+$0x0] =	vst.idx.msk $0xffff, v1  }
0x4e: {  	v2 =	vld [tilespmem:s11+$0x100A0]  }
0x4f: {  	v3 =	vmul.f32 $2.550000000e+02, v3;
	v5 =	vld [tilespmem:s11+$0x120A0]  }
0x50: {  	v4 =	vmul.f32 $2.550000000e+02, v4  }
0x51: {  	v3 =	vtrunc.f32 v3  }
0x52: {  	v4 =	vtrunc.f32 v4;
	v3 =	vcvt.f32.s32 v3  }
0x53: {  	v4 =	vcvt.f32.s32 v4;
	v2 =	vmul.f32 $2.550000000e+02, v2  }
0x54: {  	v3 =	vshll.u32 v3, $0x8;
	v5 =	vmul.f32 $2.550000000e+02, v5  }
0x55: {  	v3 =	vadd.s32 v4, v3;
	v2 =	vtrunc.f32 v2  }
0x56: {  	v4 =	vtrunc.f32 v5;
	v2 =	vcvt.f32.s32 v2  }
0x57: {  	v4 =	vcvt.f32.s32 v4  }
0x58: {  	v2 =	vshll.u32 v2, $0x8  }
0x59: {  	v2 =	vadd.s32 v4, v2  }
0x5a: {  	[tilespmem:v3+s4+$0x0] =	vst.idx.msk $0xffff, v1  }
0x5b: {  	v3 =	vld [tilespmem:s11+$0x10020]  }
0x5c: {  	v4 =	vld [tilespmem:s11+$0x12020];
	_ =	sdelay $0x1  }
0x5d: {  	[tilespmem:v2+s4+$0x0] =	vst.idx.msk $0xffff, v1  }
0x5e: {  	v2 =	vld [tilespmem:s11+$0x100B0]  }
0x5f: {  	v3 =	vmul.f32 $2.550000000e+02, v3;
	v5 =	vld [tilespmem:s11+$0x120B0]  }
0x60: {  	v4 =	vmul.f32 $2.550000000e+02, v4  }
0x61: {  	v3 =	vtrunc.f32 v3  }
0x62: {  	v4 =	vtrunc.f32 v4;
	v3 =	vcvt.f32.s32 v3  }
0x63: {  	v4 =	vcvt.f32.s32 v4;
	v2 =	vmul.f32 $2.550000000e+02, v2  }
0x64: {  	v3 =	vshll.u32 v3, $0x8;
	v5 =	vmul.f32 $2.550000000e+02, v5  }
0x65: {  	v3 =	vadd.s32 v4, v3;
	v2 =	vtrunc.f32 v2  }
0x66: {  	v4 =	vtrunc.f32 v5;
	v2 =	vcvt.f32.s32 v2  }
0x67: {  	v4 =	vcvt.f32.s32 v4  }
0x68: {  	v2 =	vshll.u32 v2, $0x8  }
0x69: {  	v2 =	vadd.s32 v4, v2  }
0x6a: {  	[tilespmem:v3+s4+$0x0] =	vst.idx.msk $0xffff, v1  }
0x6b: {  	v3 =	vld [tilespmem:s11+$0x10030]  }
0x6c: {  	v4 =	vld [tilespmem:s11+$0x12030];
	_ =	sdelay $0x1  }
0x6d: {  	[tilespmem:v2+s4+$0x0] =	vst.idx.msk $0xffff, v1  }
0x6e: {  	v2 =	vld [tilespmem:s11+$0x100C0]  }
0x6f: {  	v3 =	vmul.f32 $2.550000000e+02, v3;
	v5 =	vld [tilespmem:s11+$0x120C0]  }
0x70: {  	v4 =	vmul.f32 $2.550000000e+02, v4  }
0x71: {  	v3 =	vtrunc.f32 v3  }
0x72: {  	v4 =	vtrunc.f32 v4;
	v3 =	vcvt.f32.s32 v3  }
0x73: {  	v4 =	vcvt.f32.s32 v4;
	v2 =	vmul.f32 $2.550000000e+02, v2  }
0x74: {  	v3 =	vshll.u32 v3, $0x8;
	v5 =	vmul.f32 $2.550000000e+02, v5  }
0x75: {  	v3 =	vadd.s32 v4, v3;
	v2 =	vtrunc.f32 v2  }
0x76: {  	v4 =	vtrunc.f32 v5;
	v2 =	vcvt.f32.s32 v2  }
0x77: {  	v4 =	vcvt.f32.s32 v4  }
0x78: {  	v2 =	vshll.u32 v2, $0x8  }
0x79: {  	v2 =	vadd.s32 v4, v2  }
0x7a: {  	[tilespmem:v3+s4+$0x0] =	vst.idx.msk $0xffff, v1  }
0x7b: {  	v3 =	vld [tilespmem:s11+$0x10040]  }
0x7c: {  	v4 =	vld [tilespmem:s11+$0x12040];
	_ =	sdelay $0x1  }
0x7d: {  	[tilespmem:v2+s4+$0x0] =	vst.idx.msk $0xffff, v1  }
0x7e: {  	v2 =	vld [tilespmem:s11+$0x100D0]  }
0x7f: {  	v3 =	vmul.f32 $2.550000000e+02, v3;
	v5 =	vld [tilespmem:s11+$0x120D0]  }
0x80: {  	v4 =	vmul.f32 $2.550000000e+02, v4  }
0x81: {  	v3 =	vtrunc.f32 v3  }
0x82: {  	v4 =	vtrunc.f32 v4;
	v3 =	vcvt.f32.s32 v3  }
0x83: {  	v4 =	vcvt.f32.s32 v4;
	v2 =	vmul.f32 $2.550000000e+02, v2  }
0x84: {  	v3 =	vshll.u32 v3, $0x8;
	v5 =	vmul.f32 $2.550000000e+02, v5  }
0x85: {  	v3 =	vadd.s32 v4, v3;
	v2 =	vtrunc.f32 v2  }
0x86: {  	v4 =	vtrunc.f32 v5;
	v2 =	vcvt.f32.s32 v2  }
0x87: {  	v4 =	vcvt.f32.s32 v4  }
0x88: {  	v2 =	vshll.u32 v2, $0x8  }
0x89: {  	v2 =	vadd.s32 v4, v2  }
0x8a: {  	[tilespmem:v3+s4+$0x0] =	vst.idx.msk $0xffff, v1  }
0x8b: {  	v3 =	vld [tilespmem:s11+$0x10050]  }
0x8c: {  	v4 =	vld [tilespmem:s11+$0x12050];
	_ =	sdelay $0x1  }
0x8d: {  	[tilespmem:v2+s4+$0x0] =	vst.idx.msk $0xffff, v1  }
0x8e: {  	v2 =	vld [tilespmem:s11+$0x100E0]  }
0x8f: {  	v3 =	vmul.f32 $2.550000000e+02, v3;
	v5 =	vld [tilespmem:s11+$0x120E0]  }
0x90: {  	v4 =	vmul.f32 $2.550000000e+02, v4  }
0x91: {  	v3 =	vtrunc.f32 v3  }
0x92: {  	v4 =	vtrunc.f32 v4;
	v3 =	vcvt.f32.s32 v3  }
0x93: {  	v4 =	vcvt.f32.s32 v4;
	v2 =	vmul.f32 $2.550000000e+02, v2  }
0x94: {  	v3 =	vshll.u32 v3, $0x8;
	v5 =	vmul.f32 $2.550000000e+02, v5  }
0x95: {  	v3 =	vadd.s32 v4, v3;
	v2 =	vtrunc.f32 v2  }
0x96: {  	v4 =	vtrunc.f32 v5;
	v2 =	vcvt.f32.s32 v2  }
0x97: {  	v4 =	vcvt.f32.s32 v4  }
0x98: {  	v2 =	vshll.u32 v2, $0x8  }
0x99: {  	v2 =	vadd.s32 v4, v2  }
0x9a: {  	[tilespmem:v3+s4+$0x0] =	vst.idx.msk $0xffff, v1  }
0x9b: {  	v3 =	vld [tilespmem:s11+$0x10060]  }
0x9c: {  	v4 =	vld [tilespmem:s11+$0x12060];
	_ =	sdelay $0x1  }
0x9d: {  	[tilespmem:v2+s4+$0x0] =	vst.idx.msk $0xffff, v1  }
0x9e: {  	v2 =	vld [tilespmem:s11+$0x100F0]  }
0x9f: {  	v3 =	vmul.f32 $2.550000000e+02, v3;
	v5 =	vld [tilespmem:s11+$0x120F0]  }
0xa0: {  	v4 =	vmul.f32 $2.550000000e+02, v4  }
0xa1: {  	v3 =	vtrunc.f32 v3  }
0xa2: {  	v4 =	vtrunc.f32 v4;
	v3 =	vcvt.f32.s32 v3  }
0xa3: {  	v4 =	vcvt.f32.s32 v4;
	v2 =	vmul.f32 $2.550000000e+02, v2  }
0xa4: {  	v3 =	vshll.u32 v3, $0x8;
	v5 =	vmul.f32 $2.550000000e+02, v5  }
0xa5: {  	v3 =	vadd.s32 v4, v3;
	v2 =	vtrunc.f32 v2  }
0xa6: {  	v4 =	vtrunc.f32 v5;
	v2 =	vcvt.f32.s32 v2  }
0xa7: {  	v4 =	vcvt.f32.s32 v4  }
0xa8: {  	v2 =	vshll.u32 v2, $0x8  }
0xa9: {  	v2 =	vadd.s32 v4, v2  }
0xaa: {  	[tilespmem:v3+s4+$0x0] =	vst.idx.msk $0xffff, v1  }
0xab: {  	v3 =	vld [tilespmem:s11+$0x10070]  }
0xac: {  	v4 =	vld [tilespmem:s11+$0x12070];
	_ =	sdelay $0x1  }
0xad: {  	[tilespmem:v2+s4+$0x0] =	vst.idx.msk $0xffff, v1  }
0xae: {  	v2 =	vld [tilespmem:s11+$0x10480]  }
0xaf: {  	v3 =	vmul.f32 $2.550000000e+02, v3;
	v5 =	vld [tilespmem:s11+$0x12480]  }
0xb0: {  	v4 =	vmul.f32 $2.550000000e+02, v4  }
0xb1: {  	v3 =	vtrunc.f32 v3  }
0xb2: {  	v4 =	vtrunc.f32 v4;
	v3 =	vcvt.f32.s32 v3  }
0xb3: {  	v4 =	vcvt.f32.s32 v4;
	v2 =	vmul.f32 $2.550000000e+02, v2  }
0xb4: {  	v3 =	vshll.u32 v3, $0x8;
	v5 =	vmul.f32 $2.550000000e+02, v5  }
0xb5: {  	v3 =	vadd.s32 v4, v3;
	v2 =	vtrunc.f32 v2  }
0xb6: {  	v4 =	vtrunc.f32 v5;
	v2 =	vcvt.f32.s32 v2  }
0xb7: {  	v4 =	vcvt.f32.s32 v4  }
0xb8: {  	v2 =	vshll.u32 v2, $0x8  }
0xb9: {  	v2 =	vadd.s32 v4, v2  }
0xba: {  	[tilespmem:v3+s4+$0x0] =	vst.idx.msk $0xffff, v1  }
0xbb: {  	v3 =	vld [tilespmem:s11+$0x10400]  }
0xbc: {  	v4 =	vld [tilespmem:s11+$0x12400];
	_ =	sdelay $0x1  }
0xbd: {  	[tilespmem:v2+s4+$0x0] =	vst.idx.msk $0xffff, v1  }
0xbe: {  	v2 =	vld [tilespmem:s11+$0x10490]  }
0xbf: {  	v3 =	vmul.f32 $2.550000000e+02, v3;
	v5 =	vld [tilespmem:s11+$0x12490]  }
0xc0: {  	v4 =	vmul.f32 $2.550000000e+02, v4  }
0xc1: {  	v3 =	vtrunc.f32 v3  }
0xc2: {  	v4 =	vtrunc.f32 v4;
	v3 =	vcvt.f32.s32 v3  }
0xc3: {  	v4 =	vcvt.f32.s32 v4;
	v2 =	vmul.f32 $2.550000000e+02, v2  }
0xc4: {  	v3 =	vshll.u32 v3, $0x8;
	v5 =	vmul.f32 $2.550000000e+02, v5  }
0xc5: {  	v3 =	vadd.s32 v4, v3;
	v2 =	vtrunc.f32 v2  }
0xc6: {  	v4 =	vtrunc.f32 v5;
	v2 =	vcvt.f32.s32 v2  }
0xc7: {  	v4 =	vcvt.f32.s32 v4  }
0xc8: {  	v2 =	vshll.u32 v2, $0x8  }
0xc9: {  	v2 =	vadd.s32 v4, v2  }
0xca: {  	[tilespmem:v3+s4+$0x0] =	vst.idx.msk $0xffff, v1  }
0xcb: {  	v3 =	vld [tilespmem:s11+$0x10410]  }
0xcc: {  	v4 =	vld [tilespmem:s11+$0x12410];
	_ =	sdelay $0x1  }
0xcd: {  	[tilespmem:v2+s4+$0x0] =	vst.idx.msk $0xffff, v1  }
0xce: {  	v2 =	vld [tilespmem:s11+$0x104A0]  }
0xcf: {  	v5 =	vld [tilespmem:s11+$0x124A0]  }
0xd0: {  	v3 =	vmul.f32 $2.550000000e+02, v3;
	v4 =	vmul.f32 $2.550000000e+02, v4;
	_ =	sdelay $0x1  }
0xd1: {  	v3 =	vtrunc.f32 v3;
	v4 =	vtrunc.f32 v4  }
0xd2: {  	v3 =	vcvt.f32.s32 v3;
	v2 =	vmul.f32 $2.550000000e+02, v2  }
0xd3: {  	v4 =	vcvt.f32.s32 v4;
	v5 =	vmul.f32 $2.550000000e+02, v5  }
0xd4: {  	v3 =	vshll.u32 v3, $0x8;
	v2 =	vtrunc.f32 v2  }
0xd5: {  	v3 =	vadd.s32 v4, v3;
	v4 =	vtrunc.f32 v5;
	v2 =	vcvt.f32.s32 v2  }
0xd6: {  	v4 =	vcvt.f32.s32 v4  }
0xd7: {  	v2 =	vshll.u32 v2, $0x8  }
0xd8: {  	v2 =	vadd.s32 v4, v2;
	_ =	sdelay $0x2  }
0xd9: {  	[tilespmem:v3+s4+$0x0] =	vst.idx.msk $0xffff, v1  }
0xda: {  	v3 =	vld [tilespmem:s11+$0x10420]  }
0xdb: {  	v4 =	vld [tilespmem:s11+$0x12420];
	[tilespmem:v2+s4+$0x0] =	vst.idx.msk $0xffff, v1  }
0xdc: {  	v2 =	vld [tilespmem:s11+$0x104B0]  }
0xdd: {  	s7 =	simm.s32 $0x100;
	s9 =	simm.s32 $0x400;
	v5 =	vld [tilespmem:s11+$0x124B0]  }
0xde: {  	s1 =	sand.u32 $0x1000, s9;
	s0 =	sand.u32 $0x300, s7  }
0xdf: {  	s0 =	sor.u32 s0, s1  }
0xe0: {  	v6 =	vld [tilespmem:s0+$0x10080]  }
0xe1: {  	v7 =	vld [tilespmem:s0+$0x12080];
	v2 =	vmul.f32 $2.550000000e+02, v2  }
0xe2: {  	v5 =	vmul.f32 $2.550000000e+02, v5  }
0xe3: {  	v2 =	vtrunc.f32 v2  }
0xe4: {  	v5 =	vtrunc.f32 v5;
	v2 =	vcvt.f32.s32 v2  }
0xe5: {  	v6 =	vmul.f32 $2.550000000e+02, v6;
	v5 =	vcvt.f32.s32 v5  }
0xe6: {  	v7 =	vmul.f32 $2.550000000e+02, v7;
	v2 =	vshll.u32 v2, $0x8  }
0xe7: {  	v2 =	vadd.s32 v5, v2;
	v5 =	vtrunc.f32 v6  }
0xe8: {  	v6 =	vtrunc.f32 v7;
	v5 =	vcvt.f32.s32 v5  }
0xe9: {  	v7 =	vld [tilespmem:s0+$0x10000];
	v6 =	vcvt.f32.s32 v6  }
0xea: {  	v8 =	vld [tilespmem:s0+$0x12000];
	v5 =	vshll.u32 v5, $0x8  }
0xeb: {  	v5 =	vadd.s32 v6, v5  }
0xec: {  	[tilespmem:v2+s4+$0x0] =	vst.idx.msk $0xffff, v1  }
0xed: {  	v2 =	vld [tilespmem:s11+$0x104C0]  }
0xee: {  	v6 =	vmul.f32 $2.550000000e+02, v7;
	v7 =	vld [tilespmem:s11+$0x124C0]  }
0xef: {  	v8 =	vmul.f32 $2.550000000e+02, v8  }
0xf0: {  	v6 =	vtrunc.f32 v6;
	[tilespmem:v5+s4+$0x0] =	vst.idx.msk $0xffff, v1  }
0xf1: {  	v5 =	vcvt.f32.s32 v6;
	v6 =	vtrunc.f32 v8;
	v8 =	vld [tilespmem:s0+$0x10090]  }
0xf2: {  	v6 =	vcvt.f32.s32 v6;
	v9 =	vld [tilespmem:s0+$0x12090];
	v2 =	vmul.f32 $2.550000000e+02, v2  }
0xf3: {  	v5 =	vshll.u32 v5, $0x8;
	v7 =	vmul.f32 $2.550000000e+02, v7  }
0xf4: {  	v5 =	vadd.s32 v6, v5;
	v2 =	vtrunc.f32 v2  }
0xf5: {  	v6 =	vtrunc.f32 v7;
	v2 =	vcvt.f32.s32 v2  }
0xf6: {  	v6 =	vcvt.f32.s32 v6;
	v7 =	vmul.f32 $2.550000000e+02, v8  }
0xf7: {  	v8 =	vmul.f32 $2.550000000e+02, v9;
	v2 =	vshll.u32 v2, $0x8  }
0xf8: {  	v2 =	vadd.s32 v6, v2;
	v6 =	vtrunc.f32 v7  }
0xf9: {  	[tilespmem:v5+s4+$0x0] =	vst.idx.msk $0xffff, v1;
	v5 =	vcvt.f32.s32 v6;
	v6 =	vtrunc.f32 v8  }
0xfa: {  	v7 =	vld [tilespmem:s0+$0x10010];
	v6 =	vcvt.f32.s32 v6  }
0xfb: {  	v8 =	vld [tilespmem:s0+$0x12010];
	v5 =	vshll.u32 v5, $0x8  }
0xfc: {  	v5 =	vadd.s32 v6, v5  }
0xfd: {  	[tilespmem:v2+s4+$0x0] =	vst.idx.msk $0xffff, v1  }
0xfe: {  	v2 =	vld [tilespmem:s11+$0x104D0]  }
0xff: {  	v6 =	vmul.f32 $2.550000000e+02, v7;
	v7 =	vld [tilespmem:s11+$0x124D0]  }
0x100: {  	v8 =	vmul.f32 $2.550000000e+02, v8  }
0x101: {  	v6 =	vtrunc.f32 v6;
	[tilespmem:v5+s4+$0x0] =	vst.idx.msk $0xffff, v1  }
0x102: {  	v5 =	vcvt.f32.s32 v6;
	v6 =	vtrunc.f32 v8;
	v8 =	vld [tilespmem:s0+$0x100A0]  }
0x103: {  	v6 =	vcvt.f32.s32 v6;
	v9 =	vld [tilespmem:s0+$0x120A0];
	v2 =	vmul.f32 $2.550000000e+02, v2  }
0x104: {  	v5 =	vshll.u32 v5, $0x8;
	v7 =	vmul.f32 $2.550000000e+02, v7  }
0x105: {  	v5 =	vadd.s32 v6, v5;
	v2 =	vtrunc.f32 v2  }
0x106: {  	v6 =	vtrunc.f32 v7;
	v2 =	vcvt.f32.s32 v2  }
0x107: {  	v6 =	vcvt.f32.s32 v6;
	v7 =	vmul.f32 $2.550000000e+02, v8  }
0x108: {  	v8 =	vmul.f32 $2.550000000e+02, v9;
	v2 =	vshll.u32 v2, $0x8  }
0x109: {  	v2 =	vadd.s32 v6, v2;
	v6 =	vtrunc.f32 v7  }
0x10a: {  	[tilespmem:v5+s4+$0x0] =	vst.idx.msk $0xffff, v1;
	v5 =	vcvt.f32.s32 v6;
	v6 =	vtrunc.f32 v8  }
0x10b: {  	v7 =	vld [tilespmem:s0+$0x10020];
	v6 =	vcvt.f32.s32 v6  }
0x10c: {  	v3 =	vmul.f32 $2.550000000e+02, v3;
	v8 =	vld [tilespmem:s0+$0x12020];
	v5 =	vshll.u32 v5, $0x8  }
0x10d: {  	v4 =	vmul.f32 $2.550000000e+02, v4;
	v5 =	vadd.s32 v6, v5  }
0x10e: {  	v3 =	vtrunc.f32 v3;
	[tilespmem:v2+s4+$0x0] =	vst.idx.msk $0xffff, v1  }
0x10f: {  	v2 =	vcvt.f32.s32 v3;
	v3 =	vtrunc.f32 v4;
	v4 =	vld [tilespmem:s11+$0x104E0]  }
0x110: {  	v3 =	vcvt.f32.s32 v3;
	v6 =	vmul.f32 $2.550000000e+02, v7;
	v7 =	vld [tilespmem:s11+$0x124E0]  }
0x111: {  	v8 =	vmul.f32 $2.550000000e+02, v8;
	v2 =	vshll.u32 v2, $0x8  }
0x112: {  	v2 =	vadd.s32 v3, v2;
	v3 =	vtrunc.f32 v6;
	[tilespmem:v5+s4+$0x0] =	vst.idx.msk $0xffff, v1  }
0x113: {  	v3 =	vcvt.f32.s32 v3;
	v5 =	vtrunc.f32 v8;
	v6 =	vld [tilespmem:s0+$0x100B0]  }
0x114: {  	v5 =	vcvt.f32.s32 v5;
	v8 =	vld [tilespmem:s0+$0x120B0];
	v4 =	vmul.f32 $2.550000000e+02, v4  }
0x115: {  	v3 =	vshll.u32 v3, $0x8;
	v7 =	vmul.f32 $2.550000000e+02, v7  }
0x116: {  	v3 =	vadd.s32 v5, v3;
	v4 =	vtrunc.f32 v4  }
0x117: {  	[tilespmem:v2+s4+$0x0] =	vst.idx.msk $0xffff, v1;
	v2 =	vcvt.f32.s32 v4;
	v4 =	vtrunc.f32 v7  }
0x118: {  	v5 =	vld [tilespmem:s11+$0x10430];
	v4 =	vcvt.f32.s32 v4;
	v6 =	vmul.f32 $2.550000000e+02, v6  }
0x119: {  	v7 =	vld [tilespmem:s11+$0x12430];
	v8 =	vmul.f32 $2.550000000e+02, v8;
	v2 =	vshll.u32 v2, $0x8  }
0x11a: {  	v2 =	vadd.s32 v4, v2;
	v4 =	vtrunc.f32 v6  }
0x11b: {  	[tilespmem:v3+s4+$0x0] =	vst.idx.msk $0xffff, v1;
	v3 =	vcvt.f32.s32 v4;
	v4 =	vtrunc.f32 v8  }
0x11c: {  	v6 =	vld [tilespmem:s0+$0x10030];
	v4 =	vcvt.f32.s32 v4  }
0x11d: {  	v8 =	vld [tilespmem:s0+$0x12030];
	v5 =	vmul.f32 $2.550000000e+02, v5;
	v3 =	vshll.u32 v3, $0x8  }
0x11e: {  	v7 =	vmul.f32 $2.550000000e+02, v7;
	v3 =	vadd.s32 v4, v3  }
0x11f: {  	v4 =	vtrunc.f32 v5;
	[tilespmem:v2+s4+$0x0] =	vst.idx.msk $0xffff, v1  }
0x120: {  	v2 =	vcvt.f32.s32 v4;
	v4 =	vtrunc.f32 v7;
	v5 =	vld [tilespmem:s11+$0x104F0]  }
0x121: {  	v4 =	vcvt.f32.s32 v4;
	v6 =	vmul.f32 $2.550000000e+02, v6;
	v7 =	vld [tilespmem:s11+$0x124F0]  }
0x122: {  	v8 =	vmul.f32 $2.550000000e+02, v8;
	v2 =	vshll.u32 v2, $0x8  }
0x123: {  	v2 =	vadd.s32 v4, v2;
	v4 =	vtrunc.f32 v6;
	[tilespmem:v3+s4+$0x0] =	vst.idx.msk $0xffff, v1  }
0x124: {  	v3 =	vcvt.f32.s32 v4;
	v4 =	vtrunc.f32 v8;
	v6 =	vld [tilespmem:s0+$0x100C0]  }
0x125: {  	v4 =	vcvt.f32.s32 v4;
	v8 =	vld [tilespmem:s0+$0x120C0];
	v5 =	vmul.f32 $2.550000000e+02, v5  }
0x126: {  	v3 =	vshll.u32 v3, $0x8;
	v7 =	vmul.f32 $2.550000000e+02, v7  }
0x127: {  	v3 =	vadd.s32 v4, v3;
	v4 =	vtrunc.f32 v5  }
0x128: {  	[tilespmem:v2+s4+$0x0] =	vst.idx.msk $0xffff, v1;
	v2 =	vcvt.f32.s32 v4;
	v4 =	vtrunc.f32 v7  }
0x129: {  	v5 =	vld [tilespmem:s11+$0x10440];
	v4 =	vcvt.f32.s32 v4;
	v6 =	vmul.f32 $2.550000000e+02, v6  }
0x12a: {  	v7 =	vld [tilespmem:s11+$0x12440];
	v8 =	vmul.f32 $2.550000000e+02, v8;
	v2 =	vshll.u32 v2, $0x8  }
0x12b: {  	v2 =	vadd.s32 v4, v2;
	v4 =	vtrunc.f32 v6  }
0x12c: {  	[tilespmem:v3+s4+$0x0] =	vst.idx.msk $0xffff, v1;
	v3 =	vcvt.f32.s32 v4;
	v4 =	vtrunc.f32 v8  }
0x12d: {  	v6 =	vld [tilespmem:s0+$0x10040];
	v4 =	vcvt.f32.s32 v4  }
0x12e: {  	v8 =	vld [tilespmem:s0+$0x12040];
	v5 =	vmul.f32 $2.550000000e+02, v5;
	v3 =	vshll.u32 v3, $0x8  }
0x12f: {  	v7 =	vmul.f32 $2.550000000e+02, v7;
	v3 =	vadd.s32 v4, v3  }
0x130: {  	v4 =	vtrunc.f32 v5;
	[tilespmem:v2+s4+$0x0] =	vst.idx.msk $0xffff, v1  }
0x131: {  	v2 =	vcvt.f32.s32 v4;
	v4 =	vtrunc.f32 v7;
	v5 =	vld [tilespmem:s11+$0x10880]  }
0x132: {  	v4 =	vcvt.f32.s32 v4;
	v6 =	vmul.f32 $2.550000000e+02, v6;
	v7 =	vld [tilespmem:s11+$0x12880]  }
0x133: {  	v8 =	vmul.f32 $2.550000000e+02, v8;
	v2 =	vshll.u32 v2, $0x8  }
0x134: {  	v2 =	vadd.s32 v4, v2;
	v4 =	vtrunc.f32 v6;
	[tilespmem:v3+s4+$0x0] =	vst.idx.msk $0xffff, v1  }
0x135: {  	v3 =	vcvt.f32.s32 v4;
	v4 =	vtrunc.f32 v8;
	v6 =	vld [tilespmem:s0+$0x100D0]  }
0x136: {  	v4 =	vcvt.f32.s32 v4;
	v8 =	vld [tilespmem:s0+$0x120D0];
	v5 =	vmul.f32 $2.550000000e+02, v5  }
0x137: {  	v3 =	vshll.u32 v3, $0x8;
	v7 =	vmul.f32 $2.550000000e+02, v7  }
0x138: {  	v3 =	vadd.s32 v4, v3;
	v4 =	vtrunc.f32 v5  }
0x139: {  	[tilespmem:v2+s4+$0x0] =	vst.idx.msk $0xffff, v1;
	v2 =	vcvt.f32.s32 v4;
	v4 =	vtrunc.f32 v7  }
0x13a: {  	v5 =	vld [tilespmem:s11+$0x10450];
	v4 =	vcvt.f32.s32 v4;
	v6 =	vmul.f32 $2.550000000e+02, v6  }
0x13b: {  	v7 =	vld [tilespmem:s11+$0x12450];
	v8 =	vmul.f32 $2.550000000e+02, v8;
	v2 =	vshll.u32 v2, $0x8  }
0x13c: {  	v2 =	vadd.s32 v4, v2;
	v4 =	vtrunc.f32 v6  }
0x13d: {  	[tilespmem:v3+s4+$0x0] =	vst.idx.msk $0xffff, v1;
	v3 =	vcvt.f32.s32 v4;
	v4 =	vtrunc.f32 v8  }
0x13e: {  	v6 =	vld [tilespmem:s0+$0x10050];
	v4 =	vcvt.f32.s32 v4  }
0x13f: {  	v8 =	vld [tilespmem:s0+$0x12050];
	v5 =	vmul.f32 $2.550000000e+02, v5;
	v3 =	vshll.u32 v3, $0x8  }
0x140: {  	v7 =	vmul.f32 $2.550000000e+02, v7;
	v3 =	vadd.s32 v4, v3  }
0x141: {  	v4 =	vtrunc.f32 v5;
	[tilespmem:v2+s4+$0x0] =	vst.idx.msk $0xffff, v1  }
0x142: {  	v2 =	vcvt.f32.s32 v4;
	v4 =	vtrunc.f32 v7;
	v5 =	vld [tilespmem:s11+$0x10890]  }
0x143: {  	v4 =	vcvt.f32.s32 v4;
	v6 =	vmul.f32 $2.550000000e+02, v6;
	v7 =	vld [tilespmem:s11+$0x12890]  }
0x144: {  	v8 =	vmul.f32 $2.550000000e+02, v8;
	v2 =	vshll.u32 v2, $0x8  }
0x145: {  	v2 =	vadd.s32 v4, v2;
	v4 =	vtrunc.f32 v6;
	[tilespmem:v3+s4+$0x0] =	vst.idx.msk $0xffff, v1  }
0x146: {  	v3 =	vcvt.f32.s32 v4;
	v4 =	vtrunc.f32 v8;
	v6 =	vld [tilespmem:s0+$0x100E0]  }
0x147: {  	v4 =	vcvt.f32.s32 v4;
	v8 =	vld [tilespmem:s0+$0x120E0];
	v5 =	vmul.f32 $2.550000000e+02, v5  }
0x148: {  	v3 =	vshll.u32 v3, $0x8;
	v7 =	vmul.f32 $2.550000000e+02, v7  }
0x149: {  	v3 =	vadd.s32 v4, v3;
	v4 =	vtrunc.f32 v5  }
0x14a: {  	[tilespmem:v2+s4+$0x0] =	vst.idx.msk $0xffff, v1;
	v2 =	vcvt.f32.s32 v4;
	v4 =	vtrunc.f32 v7  }
0x14b: {  	v5 =	vld [tilespmem:s11+$0x10460];
	v4 =	vcvt.f32.s32 v4;
	v6 =	vmul.f32 $2.550000000e+02, v6  }
0x14c: {  	v7 =	vmul.f32 $2.550000000e+02, v8;
	v8 =	vld [tilespmem:s11+$0x12460];
	v2 =	vshll.u32 v2, $0x8  }
0x14d: {  	v2 =	vadd.s32 v4, v2;
	v4 =	vtrunc.f32 v6  }
0x14e: {  	[tilespmem:v3+s4+$0x0] =	vst.idx.msk $0xffff, v1;
	v3 =	vcvt.f32.s32 v4;
	v4 =	vtrunc.f32 v7  }
0x14f: {  	v6 =	vld [tilespmem:s0+$0x10060];
	v4 =	vcvt.f32.s32 v4  }
0x150: {  	v7 =	vld [tilespmem:s0+$0x12060];
	v5 =	vmul.f32 $2.550000000e+02, v5;
	v3 =	vshll.u32 v3, $0x8  }
0x151: {  	v3 =	vadd.s32 v4, v3;
	v4 =	vmul.f32 $2.550000000e+02, v8  }
0x152: {  	v5 =	vtrunc.f32 v5;
	[tilespmem:v2+s4+$0x0] =	vst.idx.msk $0xffff, v1  }
0x153: {  	v2 =	vcvt.f32.s32 v5;
	v5 =	vld [tilespmem:s11+$0x108A0];
	v4 =	vtrunc.f32 v4  }
0x154: {  	v6 =	vmul.f32 $2.550000000e+02, v6;
	v8 =	vld [tilespmem:s11+$0x128A0];
	v4 =	vcvt.f32.s32 v4  }
0x155: {  	v7 =	vmul.f32 $2.550000000e+02, v7;
	v2 =	vshll.u32 v2, $0x8  }
0x156: {  	v6 =	vtrunc.f32 v6;
	[tilespmem:v3+s4+$0x0] =	vst.idx.msk $0xffff, v1;
	v2 =	vadd.s32 v4, v2  }
0x157: {  	v3 =	vcvt.f32.s32 v6;
	v4 =	vtrunc.f32 v7;
	v6 =	vld [tilespmem:s0+$0x100F0]  }
0x158: {  	v4 =	vcvt.f32.s32 v4;
	v7 =	vld [tilespmem:s0+$0x120F0];
	v5 =	vmul.f32 $2.550000000e+02, v5  }
0x159: {  	v3 =	vshll.u32 v3, $0x8;
	v8 =	vmul.f32 $2.550000000e+02, v8  }
0x15a: {  	v3 =	vadd.s32 v4, v3;
	v4 =	vtrunc.f32 v5  }
0x15b: {  	v5 =	vtrunc.f32 v8;
	v4 =	vcvt.f32.s32 v4;
	[tilespmem:v2+s4+$0x0] =	vst.idx.msk $0xffff, v1  }
0x15c: {  	v2 =	vcvt.f32.s32 v5;
	v5 =	vmul.f32 $2.550000000e+02, v6;
	v6 =	vld [tilespmem:s11+$0x10470]  }
0x15d: {  	v7 =	vmul.f32 $2.550000000e+02, v7;
	v8 =	vld [tilespmem:s11+$0x12470];
	v4 =	vshll.u32 v4, $0x8  }
0x15e: {  	v2 =	vadd.s32 v2, v4;
	v4 =	vtrunc.f32 v5  }
0x15f: {  	[tilespmem:v3+s4+$0x0] =	vst.idx.msk $0xffff, v1;
	v3 =	vtrunc.f32 v7;
	v4 =	vcvt.f32.s32 v4  }
0x160: {  	v5 =	vld [tilespmem:s0+$0x10070];
	v3 =	vcvt.f32.s32 v3  }
0x161: {  	v7 =	vld [tilespmem:s0+$0x12070];
	v4 =	vshll.u32 v4, $0x8  }
0x162: {  	v6 =	vmul.f32 $2.550000000e+02, v6;
	v3 =	vadd.s32 v3, v4;
	v4 =	vmul.f32 $2.550000000e+02, v8  }
0x163: {  	[tilespmem:v2+s4+$0x0] =	vst.idx.msk $0xffff, v1  }
0x164: {  	v2 =	vtrunc.f32 v6;
	v6 =	vld [tilespmem:s11+$0x108B0];
	v4 =	vtrunc.f32 v4  }
0x165: {  	v5 =	vmul.f32 $2.550000000e+02, v5;
	v8 =	vld [tilespmem:s11+$0x128B0];
	v2 =	vcvt.f32.s32 v2  }
0x166: {  	v7 =	vmul.f32 $2.550000000e+02, v7;
	v4 =	vcvt.f32.s32 v4  }
0x167: {  	v5 =	vtrunc.f32 v5;
	v2 =	vshll.u32 v2, $0x8;
	[tilespmem:v3+s4+$0x0] =	vst.idx.msk $0xffff, v1  }
0x168: {  	v3 =	vcvt.f32.s32 v5;
	v2 =	vadd.s32 v4, v2;
	v4 =	vtrunc.f32 v7;
	v5 =	vld [tilespmem:s0+$0x10480]  }
0x169: {  	v7 =	vld [tilespmem:s0+$0x12480];
	v4 =	vcvt.f32.s32 v4;
	v6 =	vmul.f32 $2.550000000e+02, v6  }
0x16a: {  	v8 =	vmul.f32 $2.550000000e+02, v8;
	v3 =	vshll.u32 v3, $0x8  }
0x16b: {  	v3 =	vadd.s32 v4, v3;
	v6 =	vtrunc.f32 v6  }
0x16c: {  	v4 =	vcvt.f32.s32 v6;
	v6 =	vtrunc.f32 v8  }
0x16d: {  	v6 =	vcvt.f32.s32 v6;
	v5 =	vmul.f32 $2.550000000e+02, v5  }
0x16e: {  	[tilespmem:v2+s4+$0x0] =	vst.idx.msk $0xffff, v1;
	v2 =	vshll.u32 v4, $0x8;
	v4 =	vmul.f32 $2.550000000e+02, v7  }
0x16f: {  	v7 =	vld [tilespmem:s11+$0x10800];
	v2 =	vadd.s32 v6, v2;
	v5 =	vtrunc.f32 v5  }
0x170: {  	v6 =	vld [tilespmem:s11+$0x12800];
	[tilespmem:v3+s4+$0x0] =	vst.idx.msk $0xffff, v1;
	v4 =	vtrunc.f32 v4;
	v5 =	vcvt.f32.s32 v5  }
0x171: {  	v8 =	vld [tilespmem:s0+$0x12400];
	v3 =	vcvt.f32.s32 v4  }
0x172: {  	v4 =	vld [tilespmem:s0+$0x10400];
	v5 =	vshll.u32 v5, $0x8  }
0x173: {  	v3 =	vadd.s32 v3, v5  }
0x174: {  	v5 =	vmul.f32 $2.550000000e+02, v7;
	[tilespmem:v2+s4+$0x0] =	vst.idx.msk $0xffff, v1  }
0x175: {  	v6 =	vmul.f32 $2.550000000e+02, v6;
	v2 =	vld [tilespmem:s11+$0x108C0]  }
0x176: {  	v5 =	vtrunc.f32 v5;
	v7 =	vld [tilespmem:s11+$0x128C0];
	v8 =	vmul.f32 $2.550000000e+02, v8  }
0x177: {  	v5 =	vcvt.f32.s32 v5;
	v4 =	vmul.f32 $2.550000000e+02, v4  }
0x178: {  	v6 =	vtrunc.f32 v6;
	v8 =	vtrunc.f32 v8;
	[tilespmem:v3+s4+$0x0] =	vst.idx.msk $0xffff, v1  }
0x179: {  	v3 =	vcvt.f32.s32 v6;
	v4 =	vtrunc.f32 v4;
	v6 =	vld [tilespmem:s0+$0x10490]  }
0x17a: {  	v5 =	vshll.u32 v5, $0x8;
	v9 =	vld [tilespmem:s0+$0x12490];
	v4 =	vcvt.f32.s32 v4;
	v2 =	vmul.f32 $2.550000000e+02, v2  }
0x17b: {  	v3 =	vadd.s32 v3, v5;
	v5 =	vcvt.f32.s32 v8;
	v7 =	vmul.f32 $2.550000000e+02, v7  }
0x17c: {  	v4 =	vshll.u32 v4, $0x8  }
0x17d: {  	v2 =	vtrunc.f32 v2;
	v4 =	vadd.s32 v5, v4;
	v5 =	vtrunc.f32 v7  }
0x17e: {  	v2 =	vcvt.f32.s32 v2;
	v6 =	vmul.f32 $2.550000000e+02, v6  }
0x17f: {  	v5 =	vcvt.f32.s32 v5;
	v7 =	vmul.f32 $2.550000000e+02, v9  }
0x180: {  	[tilespmem:v3+s4+$0x0] =	vst.idx.msk $0xffff, v1;
	v2 =	vshll.u32 v2, $0x8;
	v3 =	vtrunc.f32 v6  }
0x181: {  	v6 =	vld [tilespmem:s11+$0x10810];
	v2 =	vadd.s32 v5, v2;
	v5 =	vtrunc.f32 v7;
	v3 =	vcvt.f32.s32 v3  }
0x182: {  	v5 =	vcvt.f32.s32 v5  }
0x183: {  	v7 =	vld [tilespmem:s11+$0x12810];
	[tilespmem:v4+s4+$0x0] =	vst.idx.msk $0xffff, v1;
	v3 =	vshll.u32 v3, $0x8  }
0x184: {  	v4 =	vld [tilespmem:s0+$0x10410];
	v3 =	vadd.s32 v5, v3  }
0x185: {  	v5 =	vld [tilespmem:s0+$0x12410]  }
0x186: {  	v6 =	vmul.f32 $2.550000000e+02, v6;
	[tilespmem:v2+s4+$0x0] =	vst.idx.msk $0xffff, v1  }
0x187: {  	v2 =	vld [tilespmem:s11+$0x108D0]  }
0x188: {  	v7 =	vmul.f32 $2.550000000e+02, v7;
	v6 =	vtrunc.f32 v6  }
0x189: {  	v8 =	vld [tilespmem:s11+$0x128D0];
	v4 =	vmul.f32 $2.550000000e+02, v4;
	v6 =	vcvt.f32.s32 v6;
	[tilespmem:v3+s4+$0x0] =	vst.idx.msk $0xffff, v1  }
0x18a: {  	v3 =	vtrunc.f32 v7;
	v5 =	vmul.f32 $2.550000000e+02, v5;
	v7 =	vld [tilespmem:s0+$0x104A0]  }
0x18b: {  	v4 =	vtrunc.f32 v4;
	v3 =	vcvt.f32.s32 v3;
	v9 =	vld [tilespmem:s0+$0x124A0]  }
0x18c: {  	v6 =	vshll.u32 v6, $0x8;
	v5 =	vtrunc.f32 v5;
	v2 =	vmul.f32 $2.550000000e+02, v2  }
0x18d: {  	v4 =	vcvt.f32.s32 v4;
	v5 =	vcvt.f32.s32 v5;
	v3 =	vadd.s32 v3, v6  }
0x18e: {  	v6 =	vmul.f32 $2.550000000e+02, v8;
	v2 =	vtrunc.f32 v2  }
0x18f: {  	v2 =	vcvt.f32.s32 v2;
	v7 =	vmul.f32 $2.550000000e+02, v7  }
0x190: {  	v4 =	vshll.u32 v4, $0x8;
	v6 =	vtrunc.f32 v6;
	v8 =	vmul.f32 $2.550000000e+02, v9  }
0x191: {  	v4 =	vadd.s32 v5, v4;
	v6 =	vcvt.f32.s32 v6;
	v7 =	vtrunc.f32 v7  }
0x192: {  	v2 =	vshll.u32 v2, $0x8;
	[tilespmem:v3+s4+$0x0] =	vst.idx.msk $0xffff, v1;
	v5 =	vcvt.f32.s32 v7;
	v7 =	vtrunc.f32 v8  }
0x193: {  	v2 =	vadd.s32 v6, v2;
	v6 =	vld [tilespmem:s11+$0x12820];
	v3 =	vcvt.f32.s32 v7  }
0x194: {  	s10 =	simm.s32 $0x200;
	s24 =	simm.s32 $0x800;
	v7 =	vld [tilespmem:s11+$0x10820];
	v5 =	vshll.u32 v5, $0x8  }
0x195: {  	s12 =	sand.u32 $0x1000, s24;
	s1 =	sand.u32 $0x300, s10;
	v3 =	vadd.s32 v3, v5  }
0x196: {  	s25 =	sor.u32 s1, s12  }
0x197: {  	v11 =	vld [tilespmem:s25+$0x12000];
	[tilespmem:v4+s4+$0x0] =	vst.idx.msk $0xffff, v1  }
0x198: {  	v4 =	vld [tilespmem:s0+$0x10420];
	[tilespmem:v2+s4+$0x0] =	vst.idx.msk $0xffff, v1  }
0x199: {  	v2 =	vmul.f32 $2.550000000e+02, v6;
	v6 =	vld [tilespmem:s11+$0x108E0];
	v5 =	vmul.f32 $2.550000000e+02, v7  }
0x19a: {  	v7 =	vld [tilespmem:s0+$0x12420];
	[tilespmem:v3+s4+$0x0] =	vst.idx.msk $0xffff, v1  }
0x19b: {  	v3 =	vtrunc.f32 v5;
	v5 =	vld [tilespmem:s0+$0x104B0]  }
0x19c: {  	v2 =	vtrunc.f32 v2;
	v3 =	vcvt.f32.s32 v3;
	v8 =	vld [tilespmem:s0+$0x124B0]  }
0x19d: {  	v9 =	vld [tilespmem:s11+$0x128E0];
	v2 =	vcvt.f32.s32 v2  }
0x19e: {  	v3 =	vshll.u32 v3, $0x8  }
0x19f: {  	v11 =	vmul.f32 $2.550000000e+02, v11;
	v6 =	vmul.f32 $2.550000000e+02, v6;
	v2 =	vadd.s32 v2, v3  }
0x1a0: {  	v3 =	vmul.f32 $2.550000000e+02, v4;
	v5 =	vmul.f32 $2.550000000e+02, v5  }
0x1a1: {  	v4 =	vmul.f32 $2.550000000e+02, v7;
	v7 =	vmul.f32 $2.550000000e+02, v8  }
0x1a2: {  	v8 =	vmul.f32 $2.550000000e+02, v9;
	v5 =	vtrunc.f32 v5  }
0x1a3: {  	v9 =	vld [tilespmem:s25+$0x10080];
	v7 =	vtrunc.f32 v7;
	v5 =	vcvt.f32.s32 v5  }
0x1a4: {  	[tilespmem:v2+s4+$0x0] =	vst.idx.msk $0xffff, v1;
	v2 =	vtrunc.f32 v6;
	v6 =	vld [tilespmem:s25+$0x12080];
	v7 =	vcvt.f32.s32 v7  }
0x1a5: {  	v8 =	vtrunc.f32 v8;
	v2 =	vcvt.f32.s32 v2;
	v5 =	vshll.u32 v5, $0x8  }
0x1a6: {  	v8 =	vcvt.f32.s32 v8;
	v5 =	vadd.s32 v7, v5  }
0x1a7: {  	v11 =	vtrunc.f32 v11;
	v3 =	vtrunc.f32 v3;
	v10 =	vld [tilespmem:s11+$0x10830];
	v2 =	vshll.u32 v2, $0x8  }
0x1a8: {  	v4 =	vtrunc.f32 v4;
	v9 =	vmul.f32 $2.550000000e+02, v9;
	v2 =	vadd.s32 v8, v2;
	v8 =	vld [tilespmem:s25+$0x10000]  }
0x1a9: {  	v3 =	vcvt.f32.s32 v3;
	v7 =	vld [tilespmem:s11+$0x12830];
	v6 =	vmul.f32 $2.550000000e+02, v6  }
0x1aa: {  	v4 =	vcvt.f32.s32 v4;
	v9 =	vtrunc.f32 v9  }
0x1ab: {  	v9 =	vcvt.f32.s32 v9;
	v6 =	vtrunc.f32 v6;
	[tilespmem:v5+s4+$0x0] =	vst.idx.msk $0xffff, v1  }
0x1ac: {  	v3 =	vshll.u32 v3, $0x8;
	v10 =	vmul.f32 $2.550000000e+02, v10;
	v5 =	vcvt.f32.s32 v6;
	v6 =	vld [tilespmem:s0+$0x104C0]  }
0x1ad: {  	v3 =	vadd.s32 v4, v3;
	[tilespmem:v2+s4+$0x0] =	vst.idx.msk $0xffff, v1;
	v2 =	vmul.f32 $2.550000000e+02, v8;
	v8 =	vshll.u32 v9, $0x8;
	v9 =	vld [tilespmem:s0+$0x124C0]  }
0x1ae: {  	v4 =	vmul.f32 $2.550000000e+02, v7;
	v7 =	vtrunc.f32 v10;
	v10 =	vld [tilespmem:s11+$0x108F0];
	v5 =	vadd.s32 v5, v8  }
0x1af: {  	v11 =	vcvt.f32.s32 v11;
	v2 =	vtrunc.f32 v2  }
0x1b0: {  	v7 =	vcvt.f32.s32 v7;
	v8 =	vld [tilespmem:s11+$0x128F0];
	v2 =	vcvt.f32.s32 v2  }
0x1b1: {  	v4 =	vtrunc.f32 v4;
	v6 =	vmul.f32 $2.550000000e+02, v6  }
0x1b2: {  	[tilespmem:v3+s4+$0x0] =	vst.idx.msk $0xffff, v1;
	v3 =	vcvt.f32.s32 v4;
	v2 =	vshll.u32 v2, $0x8;
	v4 =	vmul.f32 $2.550000000e+02, v9  }
0x1b3: {  	v9 =	vld [tilespmem:s0+$0x10430];
	v10 =	vmul.f32 $2.550000000e+02, v10;
	[tilespmem:v5+s4+$0x0] =	vst.idx.msk $0xffff, v1;
	v2 =	vadd.s32 v11, v2;
	v5 =	vtrunc.f32 v6  }
0x1b4: {  	v6 =	vld [tilespmem:s25+$0x10090];
	v4 =	vtrunc.f32 v4;
	v5 =	vcvt.f32.s32 v5  }
0x1b5: {  	v7 =	vshll.u32 v7, $0x8;
	v8 =	vmul.f32 $2.550000000e+02, v8;
	v11 =	vld [tilespmem:s25+$0x12090];
	v4 =	vcvt.f32.s32 v4  }
0x1b6: {  	v3 =	vadd.s32 v3, v7;
	v5 =	vshll.u32 v5, $0x8  }
0x1b7: {  	v7 =	vtrunc.f32 v10;
	v8 =	vtrunc.f32 v8;
	v4 =	vadd.s32 v4, v5  }
0x1b8: {  	v7 =	vcvt.f32.s32 v7;
	v8 =	vcvt.f32.s32 v8;
	v5 =	vld [tilespmem:s0+$0x12430];
	[tilespmem:v2+s4+$0x0] =	vst.idx.msk $0xffff, v1  }
0x1b9: {  	v2 =	vmul.f32 $2.550000000e+02, v9;
	v6 =	vmul.f32 $2.550000000e+02, v6;
	v9 =	vld [tilespmem:s25+$0x10010]  }
0x1ba: {  	v7 =	vshll.u32 v7, $0x8;
	v10 =	vmul.f32 $2.550000000e+02, v11;
	v11 =	vld [tilespmem:s25+$0x12010]  }
0x1bb: {  	[tilespmem:v3+s4+$0x0] =	vst.idx.msk $0xffff, v1;
	v3 =	vadd.s32 v8, v7;
	v2 =	vtrunc.f32 v2;
	v6 =	vtrunc.f32 v6  }
0x1bc: {  	s13 =	sand.u32 $0x3, s21;
	v7 =	vld [tilespmem:s11+$0x10840];
	v8 =	vtrunc.f32 v10;
	v6 =	vcvt.f32.s32 v6;
	[tilespmem:v4+s4+$0x0] =	vst.idx.msk $0xffff, v1  }
0x1bd: {  	s1 =	sshll.u32 s13, $0x8;
	v4 =	vmul.f32 $2.550000000e+02, v5;
	v5 =	vcvt.f32.s32 v8;
	v8 =	vld [tilespmem:s0+$0x104D0]  }
0x1be: {  	s2 =	sadd.s32 $0x0, s1;
	v2 =	vcvt.f32.s32 v2;
	v6 =	vshll.u32 v6, $0x8;
	v9 =	vmul.f32 $2.550000000e+02, v9;
	v10 =	vld [tilespmem:s0+$0x124D0]  }
0x1bf: {  	s6 =	sadd.s32 $0x80, s2;
	v4 =	vtrunc.f32 v4;
	v5 =	vadd.s32 v5, v6;
	v6 =	vmul.f32 $2.550000000e+02, v11  }
0x1c0: {  	s14 =	sor.u32 $0xC00, s6;
	[tilespmem:v3+s4+$0x0] =	vst.idx.msk $0xffff, v1;
	v4 =	vcvt.f32.s32 v4;
	v3 =	vtrunc.f32 v9  }
0x1c1: {  	v2 =	vshll.u32 v2, $0x8;
	v9 =	vld [tilespmem:s14+$0x10000];
	v3 =	vcvt.f32.s32 v3;
	v6 =	vtrunc.f32 v6  }
0x1c2: {  	v7 =	vmul.f32 $2.550000000e+02, v7;
	v2 =	vadd.s32 v4, v2;
	v4 =	vld [tilespmem:s14+$0x12000];
	v6 =	vcvt.f32.s32 v6  }
0x1c3: {  	v8 =	vmul.f32 $2.550000000e+02, v8;
	v3 =	vshll.u32 v3, $0x8;
	v10 =	vmul.f32 $2.550000000e+02, v10  }
0x1c4: {  	v12 =	vld [tilespmem:s11+$0x12840];
	v7 =	vtrunc.f32 v7;
	[tilespmem:v5+s4+$0x0] =	vst.idx.msk $0xffff, v1;
	v3 =	vadd.s32 v6, v3  }
0x1c5: {  	v5 =	vtrunc.f32 v8;
	v6 =	vld [tilespmem:s25+$0x100A0];
	v8 =	vtrunc.f32 v10  }
0x1c6: {  	v9 =	vmul.f32 $2.550000000e+02, v9;
	v10 =	vld [tilespmem:s25+$0x120A0];
	v5 =	vcvt.f32.s32 v5  }
0x1c7: {  	v8 =	vcvt.f32.s32 v8;
	[tilespmem:v2+s4+$0x0] =	vst.idx.msk $0xffff, v1;
	v2 =	vmul.f32 $2.550000000e+02, v4  }
0x1c8: {  	v9 =	vtrunc.f32 v9;
	v4 =	vshll.u32 v5, $0x8;
	v5 =	vcvt.f32.s32 v7;
	v7 =	vld [tilespmem:s0+$0x10440]  }
0x1c9: {  	v11 =	vmul.f32 $2.550000000e+02, v12;
	v9 =	vcvt.f32.s32 v9;
	v4 =	vadd.s32 v8, v4;
	v8 =	vld [tilespmem:s0+$0x12440];
	[tilespmem:v3+s4+$0x0] =	vst.idx.msk $0xffff, v1  }
0x1ca: {  	v2 =	vtrunc.f32 v2;
	v3 =	vmul.f32 $2.550000000e+02, v6;
	v6 =	vld [tilespmem:s25+$0x10020]  }
0x1cb: {  	v2 =	vcvt.f32.s32 v2;
	v10 =	vmul.f32 $2.550000000e+02, v10;
	v52 =	vld [tilespmem:s25+$0x12020]  }
0x1cc: {  	v11 =	vtrunc.f32 v11;
	v9 =	vshll.u32 v9, $0x8;
	v3 =	vtrunc.f32 v3  }
0x1cd: {  	v2 =	vadd.s32 v2, v9;
	v9 =	vtrunc.f32 v10;
	v3 =	vcvt.f32.s32 v3  }
0x1ce: {  	[tilespmem:v4+s4+$0x0] =	vst.idx.msk $0xffff, v1;
	v4 =	vmul.f32 $2.550000000e+02, v7;
	v7 =	vcvt.f32.s32 v9  }
0x1cf: {  	v8 =	vmul.f32 $2.550000000e+02, v8;
	v9 =	vld [tilespmem:s0+$0x104E0];
	v3 =	vshll.u32 v3, $0x8;
	v6 =	vmul.f32 $2.550000000e+02, v6  }
0x1d0: {  	v10 =	vld [tilespmem:s0+$0x124E0];
	v4 =	vtrunc.f32 v4;
	v3 =	vadd.s32 v7, v3;
	v7 =	vmul.f32 $2.550000000e+02, v52  }
0x1d1: {  	v8 =	vtrunc.f32 v8;
	v4 =	vcvt.f32.s32 v4  }
0x1d2: {  	s17 =	sor.u32 $0xC10, s6;
	[tilespmem:v2+s4+$0x0] =	vst.idx.msk $0xffff, v1;
	v2 =	vtrunc.f32 v6;
	v8 =	vcvt.f32.s32 v8  }
0x1d3: {  	v6 =	vld [tilespmem:s17+$0x10000];
	v2 =	vcvt.f32.s32 v2;
	v7 =	vtrunc.f32 v7  }
0x1d4: {  	v53 =	vld [tilespmem:s17+$0x12000];
	v7 =	vcvt.f32.s32 v7;
	v4 =	vshll.u32 v4, $0x8;
	v9 =	vmul.f32 $2.550000000e+02, v9  }
0x1d5: {  	v2 =	vshll.u32 v2, $0x8;
	v10 =	vmul.f32 $2.550000000e+02, v10;
	v4 =	vadd.s32 v8, v4  }
0x1d6: {  	v11 =	vcvt.f32.s32 v11;
	[tilespmem:v3+s4+$0x0] =	vst.idx.msk $0xffff, v1;
	v2 =	vadd.s32 v7, v2;
	v3 =	vtrunc.f32 v9  }
0x1d7: {  	v5 =	vshll.u32 v5, $0x8;
	v7 =	vld [tilespmem:s25+$0x100B0];
	v9 =	vtrunc.f32 v10;
	v3 =	vcvt.f32.s32 v3  }
0x1d8: {  	v5 =	vadd.s32 v11, v5;
	v10 =	vld [tilespmem:s25+$0x120B0];
	v6 =	vmul.f32 $2.550000000e+02, v6;
	v9 =	vcvt.f32.s32 v9  }
0x1d9: {  	v8 =	vmul.f32 $2.550000000e+02, v53;
	v3 =	vshll.u32 v3, $0x8  }
0x1da: {  	v6 =	vtrunc.f32 v6;
	[tilespmem:v4+s4+$0x0] =	vst.idx.msk $0xffff, v1;
	v3 =	vadd.s32 v9, v3  }
0x1db: {  	v8 =	vtrunc.f32 v8;
	v6 =	vcvt.f32.s32 v6;
	[tilespmem:v2+s4+$0x0] =	vst.idx.msk $0xffff, v1;
	v11 =	vld [tilespmem:s0+$0x12450]  }
0x1dc: {  	v2 =	vcvt.f32.s32 v8;
	v7 =	vmul.f32 $2.550000000e+02, v7;
	v8 =	vld [tilespmem:s25+$0x10030]  }
0x1dd: {  	[tilespmem:v5+s4+$0x0] =	vst.idx.msk $0xffff, v1;
	v9 =	vld [tilespmem:s25+$0x12030];
	v5 =	vshll.u32 v6, $0x8;
	v6 =	vmul.f32 $2.550000000e+02, v10  }
0x1de: {  	v10 =	vld [tilespmem:s11+$0x10850];
	v2 =	vadd.s32 v2, v5;
	v4 =	vtrunc.f32 v7  }
0x1df: {  	v4 =	vcvt.f32.s32 v4;
	v6 =	vtrunc.f32 v6;
	[tilespmem:v3+s4+$0x0] =	vst.idx.msk $0xffff, v1  }
0x1e0: {  	v3 =	vcvt.f32.s32 v6;
	v6 =	vld [tilespmem:s0+$0x104F0]  }
0x1e1: {  	v4 =	vshll.u32 v4, $0x8;
	v7 =	vmul.f32 $2.550000000e+02, v8;
	v8 =	vld [tilespmem:s0+$0x124F0]  }
0x1e2: {  	v11 =	vmul.f32 $2.550000000e+02, v11;
	v3 =	vadd.s32 v3, v4;
	v4 =	vmul.f32 $2.550000000e+02, v9  }
0x1e3: {  	s18 =	sor.u32 $0xC20, s6;
	v5 =	vld [tilespmem:s0+$0x10450];
	v9 =	vmul.f32 $2.550000000e+02, v10;
	[tilespmem:v2+s4+$0x0] =	vst.idx.msk $0xffff, v1;
	v2 =	vtrunc.f32 v7  }
0x1e4: {  	v7 =	vld [tilespmem:s18+$0x10000];
	v2 =	vcvt.f32.s32 v2;
	v4 =	vtrunc.f32 v4  }
0x1e5: {  	v10 =	vld [tilespmem:s18+$0x12000];
	v4 =	vcvt.f32.s32 v4;
	v6 =	vmul.f32 $2.550000000e+02, v6  }
0x1e6: {  	v2 =	vshll.u32 v2, $0x8;
	v8 =	vmul.f32 $2.550000000e+02, v8  }
0x1e7: {  	v11 =	vtrunc.f32 v11;
	[tilespmem:v3+s4+$0x0] =	vst.idx.msk $0xffff, v1;
	v2 =	vadd.s32 v4, v2;
	v3 =	vtrunc.f32 v6  }
0x1e8: {  	v4 =	vld [tilespmem:s25+$0x100C0];
	v6 =	vtrunc.f32 v8;
	v3 =	vcvt.f32.s32 v3  }
0x1e9: {  	v8 =	vld [tilespmem:s25+$0x120C0];
	v7 =	vmul.f32 $2.550000000e+02, v7;
	v6 =	vcvt.f32.s32 v6  }
0x1ea: {  	v5 =	vmul.f32 $2.550000000e+02, v5;
	v10 =	vmul.f32 $2.550000000e+02, v10;
	v3 =	vshll.u32 v3, $0x8  }
0x1eb: {  	v11 =	vcvt.f32.s32 v11;
	v7 =	vtrunc.f32 v7;
	v3 =	vadd.s32 v6, v3  }
0x1ec: {  	v10 =	vtrunc.f32 v10;
	v6 =	vld [tilespmem:s11+$0x12850];
	v7 =	vcvt.f32.s32 v7;
	[tilespmem:v2+s4+$0x0] =	vst.idx.msk $0xffff, v1  }
0x1ed: {  	v2 =	vcvt.f32.s32 v10;
	v4 =	vmul.f32 $2.550000000e+02, v4;
	v10 =	vld [tilespmem:s25+$0x10040]  }
0x1ee: {  	v5 =	vtrunc.f32 v5;
	v8 =	vmul.f32 $2.550000000e+02, v8;
	v54 =	vld [tilespmem:s25+$0x12040];
	v7 =	vshll.u32 v7, $0x8  }
0x1ef: {  	v5 =	vcvt.f32.s32 v5;
	v2 =	vadd.s32 v2, v7;
	v4 =	vtrunc.f32 v4  }
0x1f0: {  	v7 =	vtrunc.f32 v8;
	v4 =	vcvt.f32.s32 v4;
	[tilespmem:v3+s4+$0x0] =	vst.idx.msk $0xffff, v1  }
0x1f1: {  	v5 =	vshll.u32 v5, $0x8;
	v3 =	vmul.f32 $2.550000000e+02, v6;
	v6 =	vcvt.f32.s32 v7;
	v7 =	vld [tilespmem:s0+$0x10880]  }
0x1f2: {  	v5 =	vadd.s32 v11, v5;
	v4 =	vshll.u32 v4, $0x8;
	v8 =	vmul.f32 $2.550000000e+02, v10;
	v10 =	vld [tilespmem:s0+$0x12880]  }
0x1f3: {  	v9 =	vtrunc.f32 v9;
	v4 =	vadd.s32 v6, v4;
	v6 =	vmul.f32 $2.550000000e+02, v54  }
0x1f4: {  	s19 =	sor.u32 $0xC30, s6;
	v9 =	vcvt.f32.s32 v9;
	[tilespmem:v2+s4+$0x0] =	vst.idx.msk $0xffff, v1;
	v2 =	vtrunc.f32 v8  }
0x1f5: {  	v8 =	vld [tilespmem:s19+$0x10000];
	v2 =	vcvt.f32.s32 v2;
	v6 =	vtrunc.f32 v6  }
0x1f6: {  	v6 =	vcvt.f32.s32 v6;
	v7 =	vmul.f32 $2.550000000e+02, v7  }
0x1f7: {  	[tilespmem:v5+s4+$0x0] =	vst.idx.msk $0xffff, v1;
	v3 =	vtrunc.f32 v3;
	v5 =	vld [tilespmem:s19+$0x12000];
	v2 =	vshll.u32 v2, $0x8;
	v10 =	vmul.f32 $2.550000000e+02, v10  }
0x1f8: {  	v11 =	vld [tilespmem:s0+$0x10460];
	v3 =	vcvt.f32.s32 v3;
	[tilespmem:v4+s4+$0x0] =	vst.idx.msk $0xffff, v1;
	v2 =	vadd.s32 v6, v2;
	v4 =	vtrunc.f32 v7  }
0x1f9: {  	v9 =	vshll.u32 v9, $0x8;
	v6 =	vld [tilespmem:s25+$0x100D0];
	v7 =	vtrunc.f32 v10;
	v4 =	vcvt.f32.s32 v4  }
0x1fa: {  	v3 =	vadd.s32 v3, v9;
	v10 =	vld [tilespmem:s25+$0x120D0];
	v8 =	vmul.f32 $2.550000000e+02, v8;
	v7 =	vcvt.f32.s32 v7  }
0x1fb: {  	v9 =	vld [tilespmem:s0+$0x12460];
	v4 =	vshll.u32 v4, $0x8  }
0x1fc: {  	v5 =	vmul.f32 $2.550000000e+02, v5;
	v8 =	vtrunc.f32 v8;
	v4 =	vadd.s32 v7, v4  }
0x1fd: {  	v7 =	vmul.f32 $2.550000000e+02, v11;
	v8 =	vcvt.f32.s32 v8;
	[tilespmem:v2+s4+$0x0] =	vst.idx.msk $0xffff, v1  }
0x1fe: {  	v2 =	vtrunc.f32 v5;
	v5 =	vmul.f32 $2.550000000e+02, v6;
	v6 =	vld [tilespmem:s25+$0x10050]  }
0x1ff: {  	[tilespmem:v3+s4+$0x0] =	vst.idx.msk $0xffff, v1;
	v2 =	vcvt.f32.s32 v2;
	v10 =	vmul.f32 $2.550000000e+02, v10;
	v11 =	vld [tilespmem:s25+$0x12050]  }
0x200: {  	v3 =	vmul.f32 $2.550000000e+02, v9;
	v9 =	vld [tilespmem:s11+$0x10860];
	v8 =	vshll.u32 v8, $0x8;
	v5 =	vtrunc.f32 v5  }
0x201: {  	v2 =	vadd.s32 v2, v8;
	v8 =	vtrunc.f32 v10;
	v5 =	vcvt.f32.s32 v5;
	[tilespmem:v4+s4+$0x0] =	vst.idx.msk $0xffff, v1  }
0x202: {  	v4 =	vtrunc.f32 v7;
	v7 =	vcvt.f32.s32 v8;
	v8 =	vld [tilespmem:s0+$0x10890]  }
0x203: {  	v3 =	vtrunc.f32 v3;
	v5 =	vshll.u32 v5, $0x8;
	v6 =	vmul.f32 $2.550000000e+02, v6;
	v10 =	vld [tilespmem:s0+$0x12890]  }
0x204: {  	v55 =	vld [tilespmem:s11+$0x12860];
	v3 =	vcvt.f32.s32 v3;
	v5 =	vadd.s32 v7, v5;
	v7 =	vmul.f32 $2.550000000e+02, v11  }
0x205: {  	v9 =	vmul.f32 $2.550000000e+02, v9;
	v6 =	vtrunc.f32 v6  }
0x206: {  	s20 =	sor.u32 $0xC40, s6;
	[tilespmem:v2+s4+$0x0] =	vst.idx.msk $0xffff, v1;
	v2 =	vcvt.f32.s32 v6;
	v6 =	vtrunc.f32 v7  }
0x207: {  	v7 =	vld [tilespmem:s20+$0x10000];
	v6 =	vcvt.f32.s32 v6;
	v8 =	vmul.f32 $2.550000000e+02, v8  }
0x208: {  	v4 =	vcvt.f32.s32 v4;
	v2 =	vshll.u32 v2, $0x8;
	v10 =	vmul.f32 $2.550000000e+02, v10  }
0x209: {  	v11 =	vmul.f32 $2.550000000e+02, v55;
	v56 =	vld [tilespmem:s20+$0x12000];
	[tilespmem:v5+s4+$0x0] =	vst.idx.msk $0xffff, v1;
	v2 =	vadd.s32 v6, v2;
	v5 =	vtrunc.f32 v8  }
0x20a: {  	v6 =	vld [tilespmem:s25+$0x100E0];
	v8 =	vtrunc.f32 v10;
	v5 =	vcvt.f32.s32 v5  }
0x20b: {  	v9 =	vtrunc.f32 v9;
	v10 =	vld [tilespmem:s25+$0x120E0];
	v8 =	vcvt.f32.s32 v8  }
0x20c: {  	v11 =	vtrunc.f32 v11;
	v7 =	vmul.f32 $2.550000000e+02, v7;
	v5 =	vshll.u32 v5, $0x8  }
0x20d: {  	v9 =	vcvt.f32.s32 v9;
	v11 =	vcvt.f32.s32 v11;
	v5 =	vadd.s32 v8, v5  }
0x20e: {  	v4 =	vshll.u32 v4, $0x8;
	v7 =	vtrunc.f32 v7;
	v8 =	vmul.f32 $2.550000000e+02, v56;
	[tilespmem:v2+s4+$0x0] =	vst.idx.msk $0xffff, v1  }
0x20f: {  	v2 =	vadd.s32 v3, v4;
	v3 =	vcvt.f32.s32 v7;
	v4 =	vmul.f32 $2.550000000e+02, v6;
	v6 =	vld [tilespmem:s25+$0x10060]  }
0x210: {  	v7 =	vtrunc.f32 v8;
	v8 =	vmul.f32 $2.550000000e+02, v10;
	v10 =	vld [tilespmem:s25+$0x12060]  }
0x211: {  	v9 =	vshll.u32 v9, $0x8;
	v7 =	vcvt.f32.s32 v7;
	v4 =	vtrunc.f32 v4  }
0x212: {  	v9 =	vadd.s32 v11, v9;
	v4 =	vcvt.f32.s32 v4;
	v8 =	vtrunc.f32 v8;
	[tilespmem:v5+s4+$0x0] =	vst.idx.msk $0xffff, v1  }
0x213: {  	v3 =	vshll.u32 v3, $0x8;
	v5 =	vcvt.f32.s32 v8;
	v8 =	vld [tilespmem:s0+$0x108A0]  }
0x214: {  	[tilespmem:v2+s4+$0x0] =	vst.idx.msk $0xffff, v1;
	v2 =	vadd.s32 v7, v3;
	v3 =	vshll.u32 v4, $0x8;
	v4 =	vmul.f32 $2.550000000e+02, v6;
	v6 =	vld [tilespmem:s0+$0x128A0]  }
0x215: {  	v7 =	vld [tilespmem:s0+$0x10470];
	v3 =	vadd.s32 v5, v3;
	v5 =	vmul.f32 $2.550000000e+02, v10  }
0x216: {  	v4 =	vtrunc.f32 v4  }
0x217: {  	[tilespmem:v9+s4+$0x0] =	vst.idx.msk $0xffff, v1;
	v10 =	vld [tilespmem:s0+$0x12470];
	v4 =	vcvt.f32.s32 v4;
	v5 =	vtrunc.f32 v5  }
0x218: {  	v11 =	vld [tilespmem:s11+$0x12870];
	v5 =	vcvt.f32.s32 v5;
	v8 =	vmul.f32 $2.550000000e+02, v8  }
0x219: {  	s26 =	sor.u32 $0xC50, s6;
	v9 =	vld [tilespmem:s11+$0x10870];
	[tilespmem:v2+s4+$0x0] =	vst.idx.msk $0xffff, v1;
	v2 =	vshll.u32 v4, $0x8;
	v4 =	vmul.f32 $2.550000000e+02, v6  }
0x21a: {  	v6 =	vmul.f32 $2.550000000e+02, v7;
	v7 =	vld [tilespmem:s26+$0x10000];
	[tilespmem:v3+s4+$0x0] =	vst.idx.msk $0xffff, v1;
	v2 =	vadd.s32 v5, v2;
	v3 =	vtrunc.f32 v8  }
0x21b: {  	v5 =	vld [tilespmem:s25+$0x100F0];
	v4 =	vtrunc.f32 v4;
	v3 =	vcvt.f32.s32 v3  }
0x21c: {  	v8 =	vmul.f32 $2.550000000e+02, v10;
	v10 =	vld [tilespmem:s25+$0x120F0];
	v4 =	vcvt.f32.s32 v4  }
0x21d: {  	v11 =	vmul.f32 $2.550000000e+02, v11;
	v6 =	vtrunc.f32 v6;
	v3 =	vshll.u32 v3, $0x8  }
0x21e: {  	v6 =	vcvt.f32.s32 v6;
	v8 =	vtrunc.f32 v8;
	v3 =	vadd.s32 v4, v3  }
0x21f: {  	v4 =	vcvt.f32.s32 v8;
	v8 =	vmul.f32 $2.550000000e+02, v9;
	[tilespmem:v2+s4+$0x0] =	vst.idx.msk $0xffff, v1  }
0x220: {  	v6 =	vshll.u32 v6, $0x8;
	v2 =	vmul.f32 $2.550000000e+02, v7;
	v5 =	vmul.f32 $2.550000000e+02, v5;
	v7 =	vld [tilespmem:s25+$0x10070]  }
0x221: {  	v10 =	vmul.f32 $2.550000000e+02, v10;
	v4 =	vadd.s32 v4, v6;
	v6 =	vtrunc.f32 v8;
	v8 =	vld [tilespmem:s25+$0x12070]  }
0x222: {  	v11 =	vtrunc.f32 v11;
	v9 =	vld [tilespmem:s26+$0x12000];
	v5 =	vtrunc.f32 v5  }
0x223: {  	v10 =	vtrunc.f32 v10;
	v5 =	vcvt.f32.s32 v5;
	[tilespmem:v3+s4+$0x0] =	vst.idx.msk $0xffff, v1  }
0x224: {  	v3 =	vcvt.f32.s32 v6;
	v6 =	vcvt.f32.s32 v10;
	v10 =	vld [tilespmem:s0+$0x108B0]  }
0x225: {  	v11 =	vcvt.f32.s32 v11;
	v5 =	vshll.u32 v5, $0x8;
	v57 =	vld [tilespmem:s0+$0x128B0]  }
0x226: {  	v7 =	vmul.f32 $2.550000000e+02, v7;
	v5 =	vadd.s32 v6, v5;
	[tilespmem:v4+s4+$0x0] =	vst.idx.msk $0xffff, v1;
	v4 =	vmul.f32 $2.550000000e+02, v8  }
0x227: {  	v2 =	vtrunc.f32 v2;
	v9 =	vmul.f32 $2.550000000e+02, v9;
	v3 =	vshll.u32 v3, $0x8  }
0x228: {  	v6 =	vtrunc.f32 v7;
	v7 =	vld [tilespmem:s0+$0x10800];
	v3 =	vadd.s32 v11, v3;
	v4 =	vtrunc.f32 v4  }
0x229: {  	v8 =	vld [tilespmem:s0+$0x12800];
	v6 =	vcvt.f32.s32 v6;
	v4 =	vcvt.f32.s32 v4  }
0x22a: {  	v10 =	vmul.f32 $2.550000000e+02, v10;
	v11 =	vmul.f32 $2.550000000e+02, v57  }
0x22b: {  	v2 =	vcvt.f32.s32 v2;
	v9 =	vtrunc.f32 v9;
	[tilespmem:v5+s4+$0x0] =	vst.idx.msk $0xffff, v1;
	v5 =	vshll.u32 v6, $0x8  }
0x22c: {  	v6 =	vtrunc.f32 v10;
	v4 =	vadd.s32 v4, v5;
	v5 =	vld [tilespmem:s25+$0x10480];
	v10 =	vtrunc.f32 v11  }
0x22d: {  	s3 =	sor.u32 $0xC00, s2;
	v7 =	vmul.f32 $2.550000000e+02, v7;
	[tilespmem:v3+s4+$0x0] =	vst.idx.msk $0xffff, v1;
	v3 =	vld [tilespmem:s25+$0x12480];
	v6 =	vcvt.f32.s32 v6  }
0x22e: {  	v2 =	vshll.u32 v2, $0x8;
	v8 =	vmul.f32 $2.550000000e+02, v8;
	v10 =	vcvt.f32.s32 v10;
	v11 =	vld [tilespmem:s3+$0x10000]  }
0x22f: {  	v9 =	vcvt.f32.s32 v9;
	v7 =	vtrunc.f32 v7;
	v6 =	vshll.u32 v6, $0x8  }
0x230: {  	v8 =	vtrunc.f32 v8;
	v7 =	vcvt.f32.s32 v7;
	v6 =	vadd.s32 v10, v6;
	v10 =	vld [tilespmem:s3+$0x12000]  }
0x231: {  	v2 =	vadd.s32 v9, v2;
	v8 =	vcvt.f32.s32 v8  }
0x232: {  	[tilespmem:v4+s4+$0x0] =	vst.idx.msk $0xffff, v1;
	v4 =	vmul.f32 $2.550000000e+02, v5;
	v5 =	vshll.u32 v7, $0x8;
	v3 =	vmul.f32 $2.550000000e+02, v3  }
0x233: {  	v7 =	vld [tilespmem:s25+$0x10400];
	v5 =	vadd.s32 v8, v5;
	v8 =	vmul.f32 $2.550000000e+02, v11  }
0x234: {  	v9 =	vld [tilespmem:s25+$0x12400];
	v4 =	vtrunc.f32 v4;
	v3 =	vtrunc.f32 v3  }
0x235: {  	v4 =	vcvt.f32.s32 v4;
	[tilespmem:v6+s4+$0x0] =	vst.idx.msk $0xffff, v1;
	v6 =	vmul.f32 $2.550000000e+02, v10  }
0x236: {  	v3 =	vcvt.f32.s32 v3;
	v10 =	vld [tilespmem:s0+$0x108C0]  }
0x237: {  	s7 =	sor.u32 $0xC60, s6;
	[tilespmem:v2+s4+$0x0] =	vst.idx.msk $0xffff, v1;
	v8 =	vtrunc.f32 v8;
	v4 =	vshll.u32 v4, $0x8;
	v11 =	vld [tilespmem:s0+$0x128C0];
	v2 =	vtrunc.f32 v6  }
0x238: {  	v6 =	vmul.f32 $2.550000000e+02, v7;
	v3 =	vadd.s32 v3, v4;
	v4 =	vld [tilespmem:s7+$0x10000];
	[tilespmem:v5+s4+$0x0] =	vst.idx.msk $0xffff, v1;
	v5 =	vcvt.f32.s32 v8  }
0x239: {  	v8 =	vmul.f32 $2.550000000e+02, v9;
	v9 =	vld [tilespmem:s7+$0x12000];
	v2 =	vcvt.f32.s32 v2  }
0x23a: {  	v6 =	vtrunc.f32 v6;
	v5 =	vshll.u32 v5, $0x8  }
0x23b: {  	v7 =	vld [tilespmem:s0+$0x10810];
	v6 =	vcvt.f32.s32 v6;
	v2 =	vadd.s32 v2, v5;
	v5 =	vtrunc.f32 v8  }
0x23c: {  	v10 =	vmul.f32 $2.550000000e+02, v10;
	v8 =	vmul.f32 $2.550000000e+02, v11  }
0x23d: {  	v58 =	vld [tilespmem:s0+$0x12810];
	v5 =	vcvt.f32.s32 v5;
	v4 =	vmul.f32 $2.550000000e+02, v4  }
0x23e: {  	[tilespmem:v3+s4+$0x0] =	vst.idx.msk $0xffff, v1;
	v9 =	vmul.f32 $2.550000000e+02, v9;
	v3 =	vtrunc.f32 v10  }
0x23f: {  	v6 =	vshll.u32 v6, $0x8;
	v10 =	vld [tilespmem:s25+$0x10490];
	v8 =	vtrunc.f32 v8;
	v3 =	vcvt.f32.s32 v3  }
0x240: {  	v7 =	vmul.f32 $2.550000000e+02, v7;
	v5 =	vadd.s32 v5, v6;
	v6 =	vld [tilespmem:s25+$0x12490];
	v8 =	vcvt.f32.s32 v8  }
0x241: {  	v4 =	vtrunc.f32 v4;
	v9 =	vtrunc.f32 v9;
	v3 =	vshll.u32 v3, $0x8  }
0x242: {  	s9 =	sor.u32 $0xC10, s2;
	[tilespmem:v2+s4+$0x0] =	vst.idx.msk $0xffff, v1;
	v2 =	vmul.f32 $2.550000000e+02, v58;
	v7 =	vtrunc.f32 v7;
	v3 =	vadd.s32 v8, v3  }
0x243: {  	v4 =	vcvt.f32.s32 v4;
	v7 =	vcvt.f32.s32 v7;
	v8 =	vld [tilespmem:s9+$0x10000]  }
0x244: {  	v11 =	vld [tilespmem:s9+$0x12000];
	v2 =	vtrunc.f32 v2;
	v10 =	vmul.f32 $2.550000000e+02, v10  }
0x245: {  	v2 =	vcvt.f32.s32 v2;
	[tilespmem:v5+s4+$0x0] =	vst.idx.msk $0xffff, v1;
	v5 =	vmul.f32 $2.550000000e+02, v6  }
0x246: {  	v9 =	vcvt.f32.s32 v9;
	v6 =	vshll.u32 v7, $0x8;
	v7 =	vld [tilespmem:s25+$0x10410];
	v10 =	vtrunc.f32 v10  }
0x247: {  	v2 =	vadd.s32 v2, v6;
	v6 =	vld [tilespmem:s25+$0x12410];
	v5 =	vtrunc.f32 v5;
	v10 =	vcvt.f32.s32 v10;
	[tilespmem:v3+s4+$0x0] =	vst.idx.msk $0xffff, v1  }
0x248: {  	v4 =	vshll.u32 v4, $0x8;
	v5 =	vcvt.f32.s32 v5;
	v3 =	vmul.f32 $2.550000000e+02, v8;
	v8 =	vld [tilespmem:s0+$0x108D0]  }
0x249: {  	v4 =	vadd.s32 v9, v4;
	v11 =	vmul.f32 $2.550000000e+02, v11;
	v10 =	vshll.u32 v10, $0x8;
	v59 =	vld [tilespmem:s0+$0x128D0]  }
0x24a: {  	v3 =	vtrunc.f32 v3;
	v5 =	vadd.s32 v5, v10  }
0x24b: {  	s12 =	simm.s32 $0x300;
	s26 =	simm.s32 $0xC00;
	v10 =	vtrunc.f32 v11;
	v3 =	vcvt.f32.s32 v3  }
0x24c: {  	s1 =	sand.u32 $0x300, s12;
	s7 =	sand.u32 $0x1000, s26;
	v9 =	vcvt.f32.s32 v10;
	[tilespmem:v2+s4+$0x0] =	vst.idx.msk $0xffff, v1;
	v6 =	vmul.f32 $2.550000000e+02, v6  }
0x24d: {  	s28 =	sor.u32 s1, s7;
	v2 =	vshll.u32 v3, $0x8;
	v3 =	vmul.f32 $2.550000000e+02, v7;
	v7 =	vld [tilespmem:s0+$0x10820];
	v8 =	vmul.f32 $2.550000000e+02, v8  }
0x24e: {  	v16 =	vld [tilespmem:s28+$0x12000];
	[tilespmem:v4+s4+$0x0] =	vst.idx.msk $0xffff, v1;
	v2 =	vadd.s32 v9, v2;
	v9 =	vmul.f32 $2.550000000e+02, v59  }
0x24f: {  	v10 =	vld [tilespmem:s0+$0x12820];
	v4 =	vtrunc.f32 v6;
	[tilespmem:v5+s4+$0x0] =	vst.idx.msk $0xffff, v1;
	v5 =	vtrunc.f32 v8  }
0x250: {  	v8 =	vld [tilespmem:s25+$0x104A0];
	v9 =	vtrunc.f32 v9;
	v5 =	vcvt.f32.s32 v5  }
0x251: {  	v3 =	vtrunc.f32 v3;
	v11 =	vld [tilespmem:s25+$0x124A0];
	v9 =	vcvt.f32.s32 v9  }
0x252: {  	s10 =	sor.u32 $0xC70, s6;
	v3 =	vcvt.f32.s32 v3;
	v6 =	vmul.f32 $2.550000000e+02, v7;
	v5 =	vshll.u32 v5, $0x8  }
0x253: {  	s11 =	sor.u32 $0xC20, s2;
	v22 =	vmul.f32 $2.550000000e+02, v16;
	v4 =	vcvt.f32.s32 v4;
	v7 =	vld [tilespmem:s10+$0x10000];
	[tilespmem:v2+s4+$0x0] =	vst.idx.msk $0xffff, v1;
	v2 =	vadd.s32 v9, v5  }
0x254: {  	v3 =	vshll.u32 v3, $0x8;
	v5 =	vld [tilespmem:s11+$0x10000];
	v9 =	vmul.f32 $2.550000000e+02, v10;
	v6 =	vtrunc.f32 v6  }
0x255: {  	v3 =	vadd.s32 v4, v3;
	v4 =	vld [tilespmem:s11+$0x12000];
	v6 =	vcvt.f32.s32 v6;
	v8 =	vmul.f32 $2.550000000e+02, v8  }
0x256: {  	v10 =	vld [tilespmem:s10+$0x12000];
	v11 =	vmul.f32 $2.550000000e+02, v11;
	v9 =	vtrunc.f32 v9  }
0x257: {  	v9 =	vcvt.f32.s32 v9;
	v8 =	vtrunc.f32 v8  }
0x258: {  	v6 =	vshll.u32 v6, $0x8;
	v11 =	vtrunc.f32 v11;
	v8 =	vcvt.f32.s32 v8;
	[tilespmem:v2+s4+$0x0] =	vst.idx.msk $0xffff, v1  }
0x259: {  	v2 =	vmul.f32 $2.550000000e+02, v5;
	v5 =	vadd.s32 v9, v6;
	v6 =	vcvt.f32.s32 v11;
	v9 =	vld [tilespmem:s0+$0x108E0]  }
0x25a: {  	v7 =	vmul.f32 $2.550000000e+02, v7;
	[tilespmem:v3+s4+$0x0] =	vst.idx.msk $0xffff, v1;
	v3 =	vmul.f32 $2.550000000e+02, v4;
	v4 =	vshll.u32 v8, $0x8;
	v8 =	vld [tilespmem:s0+$0x128E0]  }
0x25b: {  	v10 =	vmul.f32 $2.550000000e+02, v10;
	v11 =	vld [tilespmem:s25+$0x10420];
	v2 =	vtrunc.f32 v2;
	v4 =	vadd.s32 v6, v4  }
0x25c: {  	v6 =	vcvt.f32.s32 v2;
	v2 =	vtrunc.f32 v3  }
0x25d: {  	v3 =	vtrunc.f32 v7;
	v7 =	vld [tilespmem:s25+$0x12420];
	v60 =	vcvt.f32.s32 v2  }
0x25e: {  	v62 =	vld [tilespmem:s28+$0x12080];
	v2 =	vcvt.f32.s32 v3;
	v3 =	vshll.u32 v6, $0x8;
	[tilespmem:v5+s4+$0x0] =	vst.idx.msk $0xffff, v1;
	v5 =	vmul.f32 $2.550000000e+02, v9  }
0x25f: {  	v6 =	vtrunc.f32 v10;
	v9 =	vld [tilespmem:s0+$0x10830];
	v10 =	vadd.s32 v60, v3;
	v3 =	vmul.f32 $2.550000000e+02, v8  }
0x260: {  	v8 =	vmul.f32 $2.550000000e+02, v11;
	v11 =	vld [tilespmem:s0+$0x12830];
	[tilespmem:v4+s4+$0x0] =	vst.idx.msk $0xffff, v1;
	v4 =	vtrunc.f32 v5  }
0x261: {  	v5 =	vld [tilespmem:s25+$0x104B0];
	v3 =	vtrunc.f32 v3;
	v4 =	vcvt.f32.s32 v4  }
0x262: {  	v7 =	vmul.f32 $2.550000000e+02, v7;
	v61 =	vld [tilespmem:s25+$0x124B0];
	v13 =	vcvt.f32.s32 v3  }
0x263: {  	v3 =	vcvt.f32.s32 v6;
	v6 =	vtrunc.f32 v8;
	v4 =	vshll.u32 v4, $0x8  }
0x264: {  	v6 =	vcvt.f32.s32 v6;
	v7 =	vtrunc.f32 v7;
	v4 =	vadd.s32 v13, v4  }
0x265: {  	v7 =	vcvt.f32.s32 v7;
	v8 =	vmul.f32 $2.550000000e+02, v9  }
0x266: {  	s13 =	sor.u32 $0xC30, s2;
	[tilespmem:v10+s4+$0x0] =	vst.idx.msk $0xffff, v1;
	v10 =	vmul.f32 $2.550000000e+02, v11;
	v11 =	vld [tilespmem:s28+$0x10080];
	v5 =	vmul.f32 $2.550000000e+02, v5  }
0x267: {  	v9 =	vld [tilespmem:s13+$0x10000];
	v6 =	vshll.u32 v6, $0x8;
	v13 =	vmul.f32 $2.550000000e+02, v62;
	v12 =	vmul.f32 $2.550000000e+02, v61  }
0x268: {  	v8 =	vtrunc.f32 v8;
	v6 =	vadd.s32 v7, v6;
	v7 =	vld [tilespmem:s28+$0x10000];
	v5 =	vtrunc.f32 v5  }
0x269: {  	v12 =	vtrunc.f32 v12;
	v5 =	vcvt.f32.s32 v5;
	[tilespmem:v4+s4+$0x0] =	vst.idx.msk $0xffff, v1  }
0x26a: {  	v4 =	vtrunc.f32 v10;
	v10 =	vcvt.f32.s32 v12;
	v63 =	vld [tilespmem:s0+$0x108F0]  }
0x26b: {  	v11 =	vmul.f32 $2.550000000e+02, v11;
	v15 =	vcvt.f32.s32 v4;
	v4 =	vshll.u32 v5, $0x8;
	v5 =	vld [tilespmem:s0+$0x128F0]  }
0x26c: {  	v14 =	vld [tilespmem:s13+$0x12000];
	v8 =	vcvt.f32.s32 v8;
	v9 =	vmul.f32 $2.550000000e+02, v9;
	v10 =	vadd.s32 v10, v4  }
0x26d: {  	v11 =	vtrunc.f32 v11;
	v7 =	vmul.f32 $2.550000000e+02, v7  }
0x26e: {  	[tilespmem:v6+s4+$0x0] =	vst.idx.msk $0xffff, v1;
	v6 =	vshll.u32 v8, $0x8;
	v8 =	vcvt.f32.s32 v11;
	v11 =	vtrunc.f32 v13  }
0x26f: {  	v20 =	vld [tilespmem:s25+$0x10430];
	v11 =	vcvt.f32.s32 v11;
	v12 =	vmul.f32 $2.550000000e+02, v63  }
0x270: {  	v21 =	vld [tilespmem:s25+$0x12430];
	v6 =	vadd.s32 v15, v6;
	v8 =	vshll.u32 v8, $0x8;
	v5 =	vmul.f32 $2.550000000e+02, v5  }
0x271: {  	v4 =	vmul.f32 $2.550000000e+02, v14;
	v8 =	vadd.s32 v11, v8;
	[tilespmem:v10+s4+$0x0] =	vst.idx.msk $0xffff, v1;
	v10 =	vtrunc.f32 v12  }
0x272: {  	v11 =	vld [tilespmem:s25+$0x104C0];
	v5 =	vtrunc.f32 v5;
	v10 =	vcvt.f32.s32 v10  }
0x273: {  	v7 =	vtrunc.f32 v7;
	v23 =	vld [tilespmem:s25+$0x124C0];
	v5 =	vcvt.f32.s32 v5  }
0x274: {  	v15 =	vtrunc.f32 v22;
	v13 =	vmul.f32 $2.550000000e+02, v20;
	v10 =	vshll.u32 v10, $0x8  }
0x275: {  	s29 =	simm.s32 $0x1;
	v24 =	vmul.f32 $2.550000000e+02, v21;
	[tilespmem:v6+s4+$0x0] =	vst.idx.msk $0xffff, v1;
	v6 =	vcvt.f32.s32 v7;
	v5 =	vadd.s32 v5, v10  }
0x276: {  	s14 =	sand.u32 $0x3, s29;
	v7 =	vcvt.f32.s32 v15;
	v27 =	vld [tilespmem:s0+$0x12840];
	[tilespmem:v8+s4+$0x0] =	vst.idx.msk $0xffff, v1;
	v8 =	vtrunc.f32 v13  }
0x277: {  	s1 =	sshll.u32 s14, $0x8;
	v6 =	vshll.u32 v6, $0x8;
	v13 =	vtrunc.f32 v24;
	v25 =	vld [tilespmem:s28+$0x10090];
	v11 =	vmul.f32 $2.550000000e+02, v11  }
0x278: {  	s6 =	sadd.s32 $0x400, s1;
	v8 =	vcvt.f32.s32 v8;
	v26 =	vld [tilespmem:s28+$0x12090];
	v6 =	vadd.s32 v7, v6;
	v12 =	vmul.f32 $2.550000000e+02, v23  }
0x279: {  	s17 =	sadd.s32 $0x80, s6;
	v7 =	vcvt.f32.s32 v13;
	v10 =	vld [tilespmem:s0+$0x10840];
	v11 =	vtrunc.f32 v11  }
0x27a: {  	s18 =	sor.u32 $0xC00, s17;
	v12 =	vtrunc.f32 v12;
	v11 =	vcvt.f32.s32 v11;
	[tilespmem:v5+s4+$0x0] =	vst.idx.msk $0xffff, v1  }
0x27b: {  	v8 =	vshll.u32 v8, $0x8;
	v5 =	vtrunc.f32 v9;
	v9 =	vcvt.f32.s32 v12;
	v28 =	vld [tilespmem:s18+$0x10000]  }
0x27c: {  	v7 =	vadd.s32 v7, v8;
	v8 =	vmul.f32 $2.550000000e+02, v25;
	v11 =	vshll.u32 v11, $0x8;
	v29 =	vld [tilespmem:s18+$0x12000]  }
0x27d: {  	v30 =	vmul.f32 $2.550000000e+02, v26;
	[tilespmem:v6+s4+$0x0] =	vst.idx.msk $0xffff, v1;
	v6 =	vmul.f32 $2.550000000e+02, v27;
	v9 =	vadd.s32 v9, v11  }
0x27e: {  	v10 =	vmul.f32 $2.550000000e+02, v10;
	v8 =	vtrunc.f32 v8  }
0x27f: {  	v14 =	vtrunc.f32 v30;
	v11 =	vld [tilespmem:s28+$0x10010];
	v8 =	vcvt.f32.s32 v8  }
0x280: {  	v31 =	vld [tilespmem:s28+$0x12010];
	v14 =	vcvt.f32.s32 v14;
	v12 =	vmul.f32 $2.550000000e+02, v28  }
0x281: {  	v6 =	vtrunc.f32 v6;
	[tilespmem:v7+s4+$0x0] =	vst.idx.msk $0xffff, v1;
	v7 =	vshll.u32 v8, $0x8;
	v8 =	vmul.f32 $2.550000000e+02, v29  }
0x282: {  	v10 =	vtrunc.f32 v10;
	v32 =	vld [tilespmem:s25+$0x10440];
	v7 =	vadd.s32 v14, v7;
	[tilespmem:v9+s4+$0x0] =	vst.idx.msk $0xffff, v1;
	v9 =	vtrunc.f32 v12  }
0x283: {  	v33 =	vld [tilespmem:s25+$0x104D0];
	v8 =	vtrunc.f32 v8;
	v9 =	vcvt.f32.s32 v9  }
0x284: {  	v11 =	vmul.f32 $2.550000000e+02, v11;
	v34 =	vld [tilespmem:s25+$0x124D0];
	v8 =	vcvt.f32.s32 v8  }
0x285: {  	v6 =	vcvt.f32.s32 v6;
	v35 =	vld [tilespmem:s25+$0x12440];
	v15 =	vmul.f32 $2.550000000e+02, v31;
	v9 =	vshll.u32 v9, $0x8  }
0x286: {  	v10 =	vcvt.f32.s32 v10;
	v11 =	vtrunc.f32 v11;
	v8 =	vadd.s32 v8, v9  }
0x287: {  	[tilespmem:v7+s4+$0x0] =	vst.idx.msk $0xffff, v1;
	v9 =	vcvt.f32.s32 v11;
	v11 =	vtrunc.f32 v15  }
0x288: {  	v7 =	vcvt.f32.s32 v11;
	v11 =	vld [tilespmem:s28+$0x100A0];
	v12 =	vmul.f32 $2.550000000e+02, v33  }
0x289: {  	v13 =	vmul.f32 $2.550000000e+02, v32;
	v36 =	vld [tilespmem:s28+$0x120A0];
	v14 =	vmul.f32 $2.550000000e+02, v34;
	v9 =	vshll.u32 v9, $0x8  }
0x28a: {  	v16 =	vmul.f32 $2.550000000e+02, v35;
	v7 =	vadd.s32 v7, v9;
	v9 =	vtrunc.f32 v12  }
0x28b: {  	s19 =	sor.u32 $0xC10, s17;
	v10 =	vshll.u32 v10, $0x8;
	v37 =	vtrunc.f32 v14;
	v9 =	vcvt.f32.s32 v9;
	[tilespmem:v8+s4+$0x0] =	vst.idx.msk $0xffff, v1  }
0x28c: {  	v6 =	vadd.s32 v6, v10;
	v40 =	vtrunc.f32 v16;
	v10 =	vcvt.f32.s32 v37;
	v38 =	vld [tilespmem:s19+$0x10000]  }
0x28d: {  	v8 =	vtrunc.f32 v13;
	v11 =	vmul.f32 $2.550000000e+02, v11;
	v9 =	vshll.u32 v9, $0x8;
	v39 =	vld [tilespmem:s19+$0x12000]  }
0x28e: {  	v15 =	vmul.f32 $2.550000000e+02, v36;
	v8 =	vcvt.f32.s32 v8;
	v9 =	vadd.s32 v10, v9  }
0x28f: {  	v10 =	vcvt.f32.s32 v40;
	[tilespmem:v7+s4+$0x0] =	vst.idx.msk $0xffff, v1;
	v7 =	vtrunc.f32 v11  }
0x290: {  	v41 =	vtrunc.f32 v15;
	v8 =	vshll.u32 v8, $0x8;
	v11 =	vld [tilespmem:s28+$0x10020];
	v7 =	vcvt.f32.s32 v7  }
0x291: {  	[tilespmem:v6+s4+$0x0] =	vst.idx.msk $0xffff, v1;
	v6 =	vadd.s32 v10, v8;
	v8 =	vld [tilespmem:s28+$0x12020];
	v10 =	vcvt.f32.s32 v41;
	v12 =	vmul.f32 $2.550000000e+02, v38  }
0x292: {  	v42 =	vld [tilespmem:s0+$0x10850];
	v7 =	vshll.u32 v7, $0x8;
	v13 =	vmul.f32 $2.550000000e+02, v39  }
0x293: {  	v4 =	vtrunc.f32 v4;
	v7 =	vadd.s32 v10, v7;
	[tilespmem:v9+s4+$0x0] =	vst.idx.msk $0xffff, v1;
	v9 =	vtrunc.f32 v12  }
0x294: {  	v10 =	vld [tilespmem:s25+$0x104E0];
	v44 =	vtrunc.f32 v13;
	v9 =	vcvt.f32.s32 v9  }
0x295: {  	v45 =	vld [tilespmem:s25+$0x124E0];
	v11 =	vmul.f32 $2.550000000e+02, v11;
	v12 =	vcvt.f32.s32 v44  }
0x296: {  	v4 =	vcvt.f32.s32 v4;
	[tilespmem:v6+s4+$0x0] =	vst.idx.msk $0xffff, v1;
	v6 =	vmul.f32 $2.550000000e+02, v8;
	v8 =	vshll.u32 v9, $0x8  }
0x297: {  	v43 =	vld [tilespmem:s0+$0x12850];
	v9 =	vmul.f32 $2.550000000e+02, v42;
	v11 =	vtrunc.f32 v11;
	v8 =	vadd.s32 v12, v8  }
0x298: {  	v46 =	vld [tilespmem:s25+$0x10450];
	v6 =	vtrunc.f32 v6;
	v11 =	vcvt.f32.s32 v11;
	[tilespmem:v7+s4+$0x0] =	vst.idx.msk $0xffff, v1  }
0x299: {  	v6 =	vcvt.f32.s32 v6;
	v7 =	vld [tilespmem:s28+$0x100B0];
	v10 =	vmul.f32 $2.550000000e+02, v10  }
0x29a: {  	v5 =	vcvt.f32.s32 v5;
	v48 =	vld [tilespmem:s28+$0x120B0];
	v13 =	vmul.f32 $2.550000000e+02, v45;
	v11 =	vshll.u32 v11, $0x8  }
0x29b: {  	v47 =	vld [tilespmem:s25+$0x12450];
	v9 =	vtrunc.f32 v9;
	v6 =	vadd.s32 v6, v11;
	v10 =	vtrunc.f32 v10  }
0x29c: {  	s20 =	sor.u32 $0xC20, s17;
	v11 =	vtrunc.f32 v13;
	v10 =	vcvt.f32.s32 v10;
	[tilespmem:v8+s4+$0x0] =	vst.idx.msk $0xffff, v1  }
0x29d: {  	v8 =	vcvt.f32.s32 v9;
	v9 =	vcvt.f32.s32 v11;
	v11 =	vld [tilespmem:s20+$0x10000]  }
0x29e: {  	v15 =	vmul.f32 $2.550000000e+02, v43;
	v7 =	vmul.f32 $2.550000000e+02, v7;
	v10 =	vshll.u32 v10, $0x8;
	v50 =	vld [tilespmem:s20+$0x12000]  }
0x29f: {  	v49 =	vmul.f32 $2.550000000e+02, v46;
	v16 =	vmul.f32 $2.550000000e+02, v48;
	v9 =	vadd.s32 v9, v10  }
0x2a0: {  	v5 =	vshll.u32 v5, $0x8;
	v12 =	vmul.f32 $2.550000000e+02, v47;
	[tilespmem:v6+s4+$0x0] =	vst.idx.msk $0xffff, v1;
	v6 =	vtrunc.f32 v7  }
0x2a1: {  	v4 =	vadd.s32 v4, v5;
	v7 =	vtrunc.f32 v16;
	v5 =	vld [tilespmem:s28+$0x10030];
	v6 =	vcvt.f32.s32 v6  }
0x2a2: {  	v51 =	vld [tilespmem:s28+$0x12030];
	v7 =	vcvt.f32.s32 v7;
	v11 =	vmul.f32 $2.550000000e+02, v11  }
0x2a3: {  	v12 =	vtrunc.f32 v12;
	v6 =	vshll.u32 v6, $0x8;
	v14 =	vmul.f32 $2.550000000e+02, v50  }
0x2a4: {  	v10 =	vtrunc.f32 v49;
	v6 =	vadd.s32 v7, v6;
	[tilespmem:v9+s4+$0x0] =	vst.idx.msk $0xffff, v1;
	v7 =	vtrunc.f32 v11  }
0x2a5: {  	v9 =	vld [tilespmem:s25+$0x104F0];
	v11 =	vtrunc.f32 v14;
	v7 =	vcvt.f32.s32 v7  }
0x2a6: {  	[tilespmem:v4+s4+$0x0] =	vst.idx.msk $0xffff, v1;
	v4 =	vmul.f32 $2.550000000e+02, v5;
	v5 =	vld [tilespmem:s25+$0x124F0];
	v11 =	vcvt.f32.s32 v11  }
0x2a7: {  	s3 =	sor.u32 $0xC40, s2;
	v10 =	vcvt.f32.s32 v10;
	v13 =	vmul.f32 $2.550000000e+02, v51;
	v7 =	vshll.u32 v7, $0x8  }
0x2a8: {  	v52 =	vld [tilespmem:s3+$0x10000];
	v12 =	vcvt.f32.s32 v12;
	v4 =	vtrunc.f32 v4;
	v7 =	vadd.s32 v11, v7  }
0x2a9: {  	v10 =	vshll.u32 v10, $0x8;
	v13 =	vtrunc.f32 v13;
	v11 =	vld [tilespmem:s3+$0x12000];
	v4 =	vcvt.f32.s32 v4;
	[tilespmem:v6+s4+$0x0] =	vst.idx.msk $0xffff, v1  }
0x2aa: {  	v6 =	vadd.s32 v12, v10;
	v10 =	vcvt.f32.s32 v13;
	v53 =	vld [tilespmem:s28+$0x100C0];
	v9 =	vmul.f32 $2.550000000e+02, v9  }
0x2ab: {  	v15 =	vtrunc.f32 v15;
	v55 =	vld [tilespmem:s28+$0x120C0];
	v4 =	vshll.u32 v4, $0x8;
	v5 =	vmul.f32 $2.550000000e+02, v5  }
0x2ac: {  	v54 =	vcvt.f32.s32 v15;
	v4 =	vadd.s32 v10, v4;
	v9 =	vtrunc.f32 v9  }
0x2ad: {  	s9 =	sor.u32 $0xC30, s17;
	v9 =	vcvt.f32.s32 v9;
	v5 =	vtrunc.f32 v5;
	[tilespmem:v7+s4+$0x0] =	vst.idx.msk $0xffff, v1  }
0x2ae: {  	v14 =	vmul.f32 $2.550000000e+02, v52;
	v5 =	vcvt.f32.s32 v5;
	v10 =	vld [tilespmem:s9+$0x10000]  }
0x2af: {  	v7 =	vmul.f32 $2.550000000e+02, v11;
	v11 =	vmul.f32 $2.550000000e+02, v53;
	v9 =	vshll.u32 v9, $0x8;
	v56 =	vld [tilespmem:s9+$0x12000]  }
0x2b0: {  	[tilespmem:v6+s4+$0x0] =	vst.idx.msk $0xffff, v1;
	v6 =	vtrunc.f32 v14;
	v15 =	vmul.f32 $2.550000000e+02, v55;
	v5 =	vadd.s32 v5, v9  }
0x2b1: {  	v6 =	vcvt.f32.s32 v6;
	v9 =	vld [tilespmem:s25+$0x12460];
	[tilespmem:v4+s4+$0x0] =	vst.idx.msk $0xffff, v1;
	v4 =	vtrunc.f32 v11  }
0x2b2: {  	v8 =	vshll.u32 v8, $0x8;
	v15 =	vtrunc.f32 v15;
	v11 =	vld [tilespmem:s28+$0x10040];
	v4 =	vcvt.f32.s32 v4  }
0x2b3: {  	v8 =	vadd.s32 v54, v8;
	v58 =	vld [tilespmem:s28+$0x12040];
	v15 =	vcvt.f32.s32 v15;
	v10 =	vmul.f32 $2.550000000e+02, v10  }
0x2b4: {  	v57 =	vld [tilespmem:s25+$0x10460];
	v7 =	vtrunc.f32 v7;
	v4 =	vshll.u32 v4, $0x8;
	v12 =	vmul.f32 $2.550000000e+02, v56  }
0x2b5: {  	v7 =	vcvt.f32.s32 v7;
	v4 =	vadd.s32 v15, v4;
	[tilespmem:v5+s4+$0x0] =	vst.idx.msk $0xffff, v1;
	v5 =	vtrunc.f32 v10  }
0x2b6: {  	v10 =	vld [tilespmem:s25+$0x10880];
	v12 =	vtrunc.f32 v12;
	v5 =	vcvt.f32.s32 v5  }
0x2b7: {  	v59 =	vld [tilespmem:s25+$0x12880];
	v11 =	vmul.f32 $2.550000000e+02, v11;
	v12 =	vcvt.f32.s32 v12  }
0x2b8: {  	[tilespmem:v8+s4+$0x0] =	vst.idx.msk $0xffff, v1;
	v8 =	vmul.f32 $2.550000000e+02, v9;
	v9 =	vmul.f32 $2.550000000e+02, v58;
	v5 =	vshll.u32 v5, $0x8  }
0x2b9: {  	v14 =	vmul.f32 $2.550000000e+02, v57;
	v11 =	vtrunc.f32 v11;
	v5 =	vadd.s32 v12, v5  }
0x2ba: {  	v61 =	vld [tilespmem:s0+$0x12860];
	v9 =	vtrunc.f32 v9;
	v11 =	vcvt.f32.s32 v11;
	[tilespmem:v4+s4+$0x0] =	vst.idx.msk $0xffff, v1  }
0x2bb: {  	v4 =	vcvt.f32.s32 v9;
	v9 =	vld [tilespmem:s28+$0x100D0];
	v10 =	vmul.f32 $2.550000000e+02, v10  }
0x2bc: {  	v14 =	vtrunc.f32 v14;
	v62 =	vld [tilespmem:s28+$0x120D0];
	v15 =	vmul.f32 $2.550000000e+02, v59;
	v11 =	vshll.u32 v11, $0x8  }
0x2bd: {  	v60 =	vld [tilespmem:s0+$0x10860];
	v8 =	vtrunc.f32 v8;
	v4 =	vadd.s32 v4, v11;
	v10 =	vtrunc.f32 v10  }
0x2be: {  	s10 =	sor.u32 $0xC40, s17;
	v6 =	vshll.u32 v6, $0x8;
	v11 =	vtrunc.f32 v15;
	v10 =	vcvt.f32.s32 v10;
	[tilespmem:v5+s4+$0x0] =	vst.idx.msk $0xffff, v1  }
0x2bf: {  	v5 =	vadd.s32 v7, v6;
	v6 =	vcvt.f32.s32 v8;
	v7 =	vcvt.f32.s32 v11;
	v8 =	vld [tilespmem:s10+$0x10000]  }
0x2c0: {  	v14 =	vcvt.f32.s32 v14;
	v9 =	vmul.f32 $2.550000000e+02, v9;
	v10 =	vshll.u32 v10, $0x8;
	v63 =	vld [tilespmem:s10+$0x12000]  }
0x2c1: {  	v12 =	vmul.f32 $2.550000000e+02, v61;
	v18 =	vmul.f32 $2.550000000e+02, v62;
	v7 =	vadd.s32 v7, v10  }
0x2c2: {  	v11 =	vmul.f32 $2.550000000e+02, v60;
	v10 =	vshll.u32 v14, $0x8;
	[tilespmem:v4+s4+$0x0] =	vst.idx.msk $0xffff, v1;
	v4 =	vtrunc.f32 v9  }
0x2c3: {  	v6 =	vadd.s32 v6, v10;
	v10 =	vtrunc.f32 v18;
	v9 =	vld [tilespmem:s28+$0x10050];
	v4 =	vcvt.f32.s32 v4  }
0x2c4: {  	v10 =	vcvt.f32.s32 v10;
	[tilespmem:v5+s4+$0x0] =	vst.idx.msk $0xffff, v1;
	v5 =	vld [tilespmem:s28+$0x12050];
	v8 =	vmul.f32 $2.550000000e+02, v8  }
0x2c5: {  	v12 =	vtrunc.f32 v12;
	v4 =	vshll.u32 v4, $0x8;
	v13 =	vmul.f32 $2.550000000e+02, v63  }
0x2c6: {  	v11 =	vtrunc.f32 v11;
	v10 =	vadd.s32 v10, v4;
	[tilespmem:v7+s4+$0x0] =	vst.idx.msk $0xffff, v1;
	v4 =	vtrunc.f32 v8  }
0x2c7: {  	v7 =	vld [tilespmem:s25+$0x10890];
	v8 =	vtrunc.f32 v13;
	v4 =	vcvt.f32.s32 v4  }
0x2c8: {  	[tilespmem:v6+s4+$0x0] =	vst.idx.msk $0xffff, v1;
	v6 =	vmul.f32 $2.550000000e+02, v9;
	v9 =	vld [tilespmem:s25+$0x12890];
	v8 =	vcvt.f32.s32 v8  }
0x2c9: {  	v11 =	vcvt.f32.s32 v11;
	v20 =	vld [tilespmem:s25+$0x10470];
	v5 =	vmul.f32 $2.550000000e+02, v5;
	v21 =	vshll.u32 v4, $0x8  }
0x2ca: {  	v12 =	vcvt.f32.s32 v12;
	v6 =	vtrunc.f32 v6;
	v8 =	vadd.s32 v8, v21  }
0x2cb: {  	v22 =	vld [tilespmem:s25+$0x12470];
	v6 =	vcvt.f32.s32 v6;
	v5 =	vtrunc.f32 v5;
	[tilespmem:v10+s4+$0x0] =	vst.idx.msk $0xffff, v1;
	v10 =	vshll.u32 v11, $0x8  }
0x2cc: {  	v5 =	vcvt.f32.s32 v5;
	v11 =	vld [tilespmem:s28+$0x100E0];
	v7 =	vmul.f32 $2.550000000e+02, v7;
	v10 =	vadd.s32 v12, v10  }
0x2cd: {  	v24 =	vld [tilespmem:s28+$0x120E0];
	v6 =	vshll.u32 v6, $0x8;
	v9 =	vmul.f32 $2.550000000e+02, v9  }
0x2ce: {  	s11 =	sor.u32 $0xC50, s2;
	v23 =	vmul.f32 $2.550000000e+02, v20;
	v5 =	vadd.s32 v5, v6;
	v6 =	vtrunc.f32 v7  }
0x2cf: {  	s9 =	sor.u32 $0xC50, s17;
	v19 =	vld [tilespmem:s11+$0x10000];
	v6 =	vcvt.f32.s32 v6;
	v7 =	vtrunc.f32 v9;
	[tilespmem:v8+s4+$0x0] =	vst.idx.msk $0xffff, v1  }
0x2d0: {  	v12 =	vtrunc.f32 v23;
	v7 =	vcvt.f32.s32 v7;
	v9 =	vld [tilespmem:s9+$0x10000]  }
0x2d1: {  	v8 =	vmul.f32 $2.550000000e+02, v22;
	v11 =	vmul.f32 $2.550000000e+02, v11;
	v6 =	vshll.u32 v6, $0x8;
	[tilespmem:v10+s4+$0x0] =	vst.idx.msk $0xffff, v1;
	v26 =	vld [tilespmem:s9+$0x12000]  }
0x2d2: {  	v10 =	vcvt.f32.s32 v12;
	v13 =	vmul.f32 $2.550000000e+02, v24;
	v6 =	vadd.s32 v7, v6;
	v7 =	vld [tilespmem:s0+$0x10870]  }
0x2d3: {  	v8 =	vtrunc.f32 v8;
	[tilespmem:v5+s4+$0x0] =	vst.idx.msk $0xffff, v1;
	v5 =	vtrunc.f32 v11  }
0x2d4: {  	v8 =	vcvt.f32.s32 v8;
	v13 =	vtrunc.f32 v13;
	v11 =	vld [tilespmem:s28+$0x10060]  }
0x2d5: {  	v10 =	vshll.u32 v10, $0x8;
	v5 =	vcvt.f32.s32 v5;
	v27 =	vld [tilespmem:s28+$0x12060];
	v13 =	vcvt.f32.s32 v13  }
0x2d6: {  	v8 =	vadd.s32 v8, v10;
	v10 =	vld [tilespmem:s0+$0x12870];
	v9 =	vmul.f32 $2.550000000e+02, v9;
	v12 =	vmul.f32 $2.550000000e+02, v26  }
0x2d7: {  	v4 =	vmul.f32 $2.550000000e+02, v19;
	v5 =	vshll.u32 v5, $0x8;
	[tilespmem:v6+s4+$0x0] =	vst.idx.msk $0xffff, v1;
	v7 =	vmul.f32 $2.550000000e+02, v7  }
0x2d8: {  	v5 =	vadd.s32 v13, v5;
	v6 =	vtrunc.f32 v9;
	v9 =	vld [tilespmem:s25+$0x108A0];
	v12 =	vtrunc.f32 v12  }
0x2d9: {  	v28 =	vld [tilespmem:s25+$0x128A0];
	v6 =	vcvt.f32.s32 v6;
	v11 =	vmul.f32 $2.550000000e+02, v11  }
0x2da: {  	v12 =	vcvt.f32.s32 v12;
	v15 =	vmul.f32 $2.550000000e+02, v27  }
0x2db: {  	v10 =	vmul.f32 $2.550000000e+02, v10;
	[tilespmem:v8+s4+$0x0] =	vst.idx.msk $0xffff, v1;
	v6 =	vshll.u32 v6, $0x8;
	v8 =	vtrunc.f32 v11  }
0x2dc: {  	v11 =	vld [tilespmem:s25+$0x10800];
	v29 =	vtrunc.f32 v15;
	v6 =	vadd.s32 v12, v6;
	v8 =	vcvt.f32.s32 v8  }
0x2dd: {  	v30 =	vld [tilespmem:s25+$0x12800];
	[tilespmem:v5+s4+$0x0] =	vst.idx.msk $0xffff, v1;
	v5 =	vcvt.f32.s32 v29;
	v9 =	vmul.f32 $2.550000000e+02, v9  }
0x2de: {  	v7 =	vtrunc.f32 v7;
	v31 =	vld [tilespmem:s28+$0x120F0];
	v13 =	vmul.f32 $2.550000000e+02, v28;
	v8 =	vshll.u32 v8, $0x8  }
0x2df: {  	v10 =	vtrunc.f32 v10;
	v5 =	vadd.s32 v5, v8;
	v8 =	vld [tilespmem:s28+$0x100F0];
	v9 =	vtrunc.f32 v9  }
0x2e0: {  	v13 =	vtrunc.f32 v13;
	v9 =	vcvt.f32.s32 v9  }
0x2e1: {  	s12 =	sor.u32 $0xC60, s17;
	v11 =	vmul.f32 $2.550000000e+02, v11;
	[tilespmem:v6+s4+$0x0] =	vst.idx.msk $0xffff, v1;
	v6 =	vcvt.f32.s32 v13  }
0x2e2: {  	v7 =	vcvt.f32.s32 v7;
	v10 =	vcvt.f32.s32 v10;
	v32 =	vld [tilespmem:s12+$0x10000];
	v9 =	vshll.u32 v9, $0x8  }
0x2e3: {  	v15 =	vmul.f32 $2.550000000e+02, v30;
	v11 =	vtrunc.f32 v11;
	v6 =	vadd.s32 v6, v9;
	v9 =	vld [tilespmem:s12+$0x12000]  }
0x2e4: {  	v7 =	vshll.u32 v7, $0x8;
	v12 =	vmul.f32 $2.550000000e+02, v31;
	v8 =	vmul.f32 $2.550000000e+02, v8;
	[tilespmem:v5+s4+$0x0] =	vst.idx.msk $0xffff, v1  }
0x2e5: {  	v5 =	vadd.s32 v10, v7;
	v7 =	vcvt.f32.s32 v11;
	v10 =	vtrunc.f32 v15;
	v11 =	vld [tilespmem:s28+$0x10070]  }
0x2e6: {  	v12 =	vtrunc.f32 v12;
	v33 =	vld [tilespmem:s28+$0x12070];
	v8 =	vtrunc.f32 v8  }
0x2e7: {  	v8 =	vcvt.f32.s32 v8;
	v13 =	vmul.f32 $2.550000000e+02, v32  }
0x2e8: {  	v12 =	vcvt.f32.s32 v12;
	v9 =	vmul.f32 $2.550000000e+02, v9;
	[tilespmem:v6+s4+$0x0] =	vst.idx.msk $0xffff, v1  }
0x2e9: {  	v6 =	vshll.u32 v8, $0x8;
	v8 =	vcvt.f32.s32 v10;
	v10 =	vtrunc.f32 v13;
	v34 =	vld [tilespmem:s25+$0x108B0]  }
0x2ea: {  	v25 =	vld [tilespmem:s11+$0x12000];
	[tilespmem:v5+s4+$0x0] =	vst.idx.msk $0xffff, v1;
	v5 =	vadd.s32 v12, v6;
	v6 =	vcvt.f32.s32 v10;
	v10 =	vmul.f32 $2.550000000e+02, v11  }
0x2eb: {  	s13 =	sor.u32 $0xC00, s6;
	v7 =	vshll.u32 v7, $0x8;
	v11 =	vld [tilespmem:s25+$0x128B0];
	v9 =	vtrunc.f32 v9;
	v15 =	vmul.f32 $2.550000000e+02, v33  }
0x2ec: {  	v35 =	vld [tilespmem:s13+$0x10000];
	v7 =	vadd.s32 v8, v7;
	v8 =	vcvt.f32.s32 v9;
	v9 =	vtrunc.f32 v10  }
0x2ed: {  	v10 =	vld [tilespmem:s13+$0x12000];
	v6 =	vshll.u32 v6, $0x8;
	v15 =	vtrunc.f32 v15;
	v9 =	vcvt.f32.s32 v9  }
0x2ee: {  	v6 =	vadd.s32 v8, v6;
	v8 =	vcvt.f32.s32 v15;
	v13 =	vmul.f32 $2.550000000e+02, v34  }
0x2ef: {  	v14 =	vmul.f32 $2.550000000e+02, v25;
	v4 =	vtrunc.f32 v4;
	[tilespmem:v5+s4+$0x0] =	vst.idx.msk $0xffff, v1;
	v5 =	vshll.u32 v9, $0x8  }
0x2f0: {  	v9 =	vmul.f32 $2.550000000e+02, v11;
	v5 =	vadd.s32 v8, v5;
	v8 =	vtrunc.f32 v13  }
0x2f1: {  	v11 =	vmul.f32 $2.550000000e+02, v35;
	v36 =	vld [tilespmem:s28+$0x12480];
	v8 =	vcvt.f32.s32 v8  }
0x2f2: {  	v37 =	vld [tilespmem:s28+$0x10480];
	[tilespmem:v7+s4+$0x0] =	vst.idx.msk $0xffff, v1;
	v9 =	vtrunc.f32 v9;
	v7 =	vmul.f32 $2.550000000e+02, v10  }
0x2f3: {  	s14 =	sor.u32 $0xC70, s17;
	v10 =	vtrunc.f32 v11;
	v11 =	vld [tilespmem:s25+$0x10810];
	v9 =	vcvt.f32.s32 v9;
	[tilespmem:v6+s4+$0x0] =	vst.idx.msk $0xffff, v1  }
0x2f4: {  	v14 =	vtrunc.f32 v14;
	v6 =	vshll.u32 v8, $0x8;
	v8 =	vcvt.f32.s32 v10;
	v10 =	vld [tilespmem:s14+$0x10000]  }
0x2f5: {  	v4 =	vcvt.f32.s32 v4;
	v14 =	vcvt.f32.s32 v14;
	v6 =	vadd.s32 v9, v6  }
0x2f6: {  	v7 =	vtrunc.f32 v7;
	v9 =	vld [tilespmem:s14+$0x12000];
	v12 =	vmul.f32 $2.550000000e+02, v36;
	[tilespmem:v5+s4+$0x0] =	vst.idx.msk $0xffff, v1  }
0x2f7: {  	v5 =	vcvt.f32.s32 v7;
	v7 =	vmul.f32 $2.550000000e+02, v37;
	v38 =	vld [tilespmem:s28+$0x10400]  }
0x2f8: {  	v8 =	vshll.u32 v8, $0x8;
	v11 =	vmul.f32 $2.550000000e+02, v11;
	v39 =	vld [tilespmem:s28+$0x12400];
	v12 =	vtrunc.f32 v12  }
0x2f9: {  	v7 =	vtrunc.f32 v7;
	v5 =	vadd.s32 v5, v8;
	v8 =	vld [tilespmem:s25+$0x12810];
	v10 =	vmul.f32 $2.550000000e+02, v10  }
0x2fa: {  	v4 =	vshll.u32 v4, $0x8;
	v7 =	vcvt.f32.s32 v7;
	v12 =	vcvt.f32.s32 v12;
	[tilespmem:v6+s4+$0x0] =	vst.idx.msk $0xffff, v1  }
0x2fb: {  	v11 =	vtrunc.f32 v11;
	v6 =	vadd.s32 v14, v4;
	v9 =	vmul.f32 $2.550000000e+02, v9;
	v40 =	vld [tilespmem:s25+$0x108C0]  }
0x2fc: {  	v4 =	vtrunc.f32 v10;
	v7 =	vshll.u32 v7, $0x8;
	v41 =	vld [tilespmem:s25+$0x128C0];
	v10 =	vmul.f32 $2.550000000e+02, v38  }
0x2fd: {  	v11 =	vcvt.f32.s32 v11;
	v7 =	vadd.s32 v12, v7;
	v42 =	vmul.f32 $2.550000000e+02, v39  }
0x2fe: {  	s17 =	sor.u32 $0xC10, s6;
	[tilespmem:v5+s4+$0x0] =	vst.idx.msk $0xffff, v1;
	v5 =	vmul.f32 $2.550000000e+02, v8;
	v10 =	vtrunc.f32 v10  }
0x2ff: {  	v12 =	vtrunc.f32 v42;
	v8 =	vcvt.f32.s32 v10;
	v10 =	vld [tilespmem:s17+$0x10000]  }
0x300: {  	[tilespmem:v6+s4+$0x0] =	vst.idx.msk $0xffff, v1;
	v6 =	vld [tilespmem:s17+$0x12000];
	v12 =	vcvt.f32.s32 v12;
	v5 =	vtrunc.f32 v5  }
0x301: {  	s18 =	sor.u32 $0xC60, s2;
	v14 =	vmul.f32 $2.550000000e+02, v40;
	v13 =	vmul.f32 $2.550000000e+02, v41  }
0x302: {  	v4 =	vcvt.f32.s32 v4;
	v5 =	vcvt.f32.s32 v5;
	v46 =	vld [tilespmem:s18+$0x12000];
	v8 =	vshll.u32 v8, $0x8;
	[tilespmem:v7+s4+$0x0] =	vst.idx.msk $0xffff, v1  }
0x303: {  	v7 =	vtrunc.f32 v14;
	v8 =	vadd.s32 v12, v8;
	v44 =	vld [tilespmem:s28+$0x10490];
	v13 =	vtrunc.f32 v13  }
0x304: {  	v45 =	vld [tilespmem:s28+$0x12490];
	v7 =	vcvt.f32.s32 v7;
	v13 =	vcvt.f32.s32 v13  }
0x305: {  	v11 =	vshll.u32 v11, $0x8;
	v10 =	vmul.f32 $2.550000000e+02, v10;
	v6 =	vmul.f32 $2.550000000e+02, v6  }
0x306: {  	v9 =	vtrunc.f32 v9;
	v5 =	vadd.s32 v5, v11;
	v7 =	vshll.u32 v7, $0x8  }
0x307: {  	v43 =	vld [tilespmem:s18+$0x10000];
	v7 =	vadd.s32 v13, v7;
	v10 =	vtrunc.f32 v10;
	v6 =	vtrunc.f32 v6  }
0x308: {  	v13 =	vmul.f32 $2.550000000e+02, v46;
	[tilespmem:v8+s4+$0x0] =	vst.idx.msk $0xffff, v1;
	v8 =	vmul.f32 $2.550000000e+02, v44  }
0x309: {  	v10 =	vcvt.f32.s32 v10;
	v47 =	vmul.f32 $2.550000000e+02, v45;
	v11 =	vld [tilespmem:s28+$0x10410]  }
0x30a: {  	v6 =	vcvt.f32.s32 v6;
	v48 =	vld [tilespmem:s28+$0x12410];
	v8 =	vtrunc.f32 v8  }
0x30b: {  	[tilespmem:v5+s4+$0x0] =	vst.idx.msk $0xffff, v1;
	v12 =	vtrunc.f32 v47;
	v10 =	vshll.u32 v10, $0x8;
	v8 =	vcvt.f32.s32 v8  }
0x30c: {  	v15 =	vmul.f32 $2.550000000e+02, v43;
	v51 =	vld [tilespmem:s25+$0x12820];
	v6 =	vadd.s32 v6, v10;
	[tilespmem:v7+s4+$0x0] =	vst.idx.msk $0xffff, v1;
	v7 =	vcvt.f32.s32 v12  }
0x30d: {  	v9 =	vcvt.f32.s32 v9;
	v13 =	vtrunc.f32 v13;
	v49 =	vld [tilespmem:s25+$0x108D0];
	v8 =	vshll.u32 v8, $0x8  }
0x30e: {  	v10 =	vtrunc.f32 v15;
	v5 =	vmul.f32 $2.550000000e+02, v11;
	v11 =	vld [tilespmem:s25+$0x128D0];
	v7 =	vadd.s32 v7, v8  }
0x30f: {  	v50 =	vld [tilespmem:s25+$0x10820];
	v10 =	vcvt.f32.s32 v10;
	v8 =	vmul.f32 $2.550000000e+02, v48  }
0x310: {  	v13 =	vcvt.f32.s32 v13;
	v5 =	vtrunc.f32 v5  }
0x311: {  	s19 =	sor.u32 $0xC20, s6;
	v10 =	vshll.u32 v10, $0x8;
	v8 =	vtrunc.f32 v8;
	[tilespmem:v6+s4+$0x0] =	vst.idx.msk $0xffff, v1;
	v5 =	vcvt.f32.s32 v5  }
0x312: {  	v6 =	vadd.s32 v13, v10;
	v8 =	vcvt.f32.s32 v8;
	v54 =	vld [tilespmem:s19+$0x12000];
	v12 =	vmul.f32 $2.550000000e+02, v49  }
0x313: {  	v15 =	vmul.f32 $2.550000000e+02, v51;
	v5 =	vshll.u32 v5, $0x8;
	v10 =	vmul.f32 $2.550000000e+02, v11;
	v11 =	vld [tilespmem:s19+$0x10000];
	[tilespmem:v7+s4+$0x0] =	vst.idx.msk $0xffff, v1  }
0x314: {  	v7 =	vmul.f32 $2.550000000e+02, v50;
	v5 =	vadd.s32 v8, v5;
	v8 =	vtrunc.f32 v12;
	v52 =	vld [tilespmem:s28+$0x104A0]  }
0x315: {  	v53 =	vld [tilespmem:s28+$0x124A0];
	v8 =	vcvt.f32.s32 v8;
	v10 =	vtrunc.f32 v10  }
0x316: {  	v7 =	vtrunc.f32 v7;
	v10 =	vcvt.f32.s32 v10  }
0x317: {  	[tilespmem:v6+s4+$0x0] =	vst.idx.msk $0xffff, v1;
	v6 =	vcvt.f32.s32 v7;
	v7 =	vtrunc.f32 v15;
	v8 =	vshll.u32 v8, $0x8  }
0x318: {  	s20 =	sor.u32 $0xC70, s2;
	v14 =	vmul.f32 $2.550000000e+02, v54;
	v8 =	vadd.s32 v10, v8;
	v11 =	vmul.f32 $2.550000000e+02, v11  }
0x319: {  	v2 =	vshll.u32 v2, $0x8;
	v10 =	vld [tilespmem:s20+$0x10000];
	[tilespmem:v5+s4+$0x0] =	vst.idx.msk $0xffff, v1;
	v5 =	vcvt.f32.s32 v7;
	v7 =	vmul.f32 $2.550000000e+02, v52  }
0x31a: {  	v2 =	vadd.s32 v3, v2;
	v57 =	vtrunc.f32 v14;
	v13 =	vmul.f32 $2.550000000e+02, v53;
	v55 =	vld [tilespmem:s28+$0x10420]  }
0x31b: {  	v6 =	vshll.u32 v6, $0x8;
	v56 =	vld [tilespmem:s28+$0x12420];
	v3 =	vtrunc.f32 v11;
	v7 =	vtrunc.f32 v7  }
0x31c: {  	v5 =	vadd.s32 v5, v6;
	v6 =	vld [tilespmem:s20+$0x12000];
	v13 =	vtrunc.f32 v13;
	v7 =	vcvt.f32.s32 v7  }
0x31d: {  	v3 =	vcvt.f32.s32 v3;
	[tilespmem:v8+s4+$0x0] =	vst.idx.msk $0xffff, v1;
	v8 =	vcvt.f32.s32 v13  }
0x31e: {  	v13 =	vcvt.f32.s32 v57;
	v10 =	vmul.f32 $2.550000000e+02, v10;
	v11 =	vld [tilespmem:s25+$0x108E0];
	v7 =	vshll.u32 v7, $0x8  }
0x31f: {  	v3 =	vshll.u32 v3, $0x8;
	v12 =	vmul.f32 $2.550000000e+02, v55;
	v7 =	vadd.s32 v8, v7;
	v8 =	vld [tilespmem:s25+$0x128E0]  }
0x320: {  	v58 =	vmul.f32 $2.550000000e+02, v56;
	v3 =	vadd.s32 v13, v3;
	v10 =	vtrunc.f32 v10  }
0x321: {  	[tilespmem:v5+s4+$0x0] =	vst.idx.msk $0xffff, v1;
	v59 =	vmul.f32 $2.550000000e+02, v6;
	v5 =	vtrunc.f32 v12  }
0x322: {  	v4 =	vshll.u32 v4, $0x8;
	v6 =	vld [tilespmem:s25+$0x10830];
	v60 =	vtrunc.f32 v58;
	v5 =	vcvt.f32.s32 v5  }
0x323: {  	v4 =	vadd.s32 v9, v4;
	v61 =	vld [tilespmem:s25+$0x12830];
	v9 =	vcvt.f32.s32 v60;
	v11 =	vmul.f32 $2.550000000e+02, v11  }
0x324: {  	v62 =	vcvt.f32.s32 v10;
	v8 =	vmul.f32 $2.550000000e+02, v8;
	v5 =	vshll.u32 v5, $0x8;
	[tilespmem:v7+s4+$0x0] =	vst.idx.msk $0xffff, v1  }
0x325: {  	[tilespmem:v3+s4+$0x0] =	vst.idx.msk $0xffff, v1;
	v3 =	vtrunc.f32 v59;
	v7 =	vtrunc.f32 v11;
	v9 =	vadd.s32 v9, v5  }
0x326: {  	s31 =	sor.u32 $0xC60, s6;
	s30 =	sor.u32 $0xC70, s6;
	[tilespmem:v2+s4+$0x0] =	vst.idx.msk $0xffff, v1;
	v10 =	vld [tilespmem:s28+$0x104B0];
	v63 =	vcvt.f32.s32 v7;
	v2 =	vtrunc.f32 v8  }
0x327: {  	s2 =	sor.u32 $0xC40, s6;
	s11 =	sor.u32 $0xC30, s6;
	s0 =	sor.u32 $0xC50, s6;
	v11 =	vld [tilespmem:s28+$0x124B0];
	v7 =	vmul.f32 $2.550000000e+02, v6;
	v5 =	vcvt.f32.s32 v2  }
0x328: {  	s12 =	simm.s32 $0x6;
	s17 =	simm.s32 $0x400;
	s18 =	simm.s32 $0x1000;
	[tilespmem:v4+s4+$0x0] =	vst.idx.msk $0xffff, v1;
	v4 =	vld [tilespmem:s11+$0x10000];
	v8 =	vmul.f32 $2.550000000e+02, v61;
	v2 =	vshll.u32 v62, $0x8;
	v6 =	vshll.u32 v63, $0x8  }
.LBB2_5:
0x329: {  	s1 =	sand.u32 $0x1000, s18;
	s6 =	sand.u32 $0x300, s17;
	v7 =	vtrunc.f32 v7;
	v5 =	vadd.s32 v5, v6;
	v6 =	vld [tilespmem:s11+$0x12000];
	v3 =	vcvt.f32.s32 v3  }
0x32a: {  	s13 =	sor.u32 s6, s1;
	[tilespmem:v9+s4+$0x0] =	vst.idx.msk $0xffff, v1;
	v7 =	vcvt.f32.s32 v7;
	v8 =	vtrunc.f32 v8  }
0x32b: {  	v9 =	vld [tilespmem:s13+$0x10080];
	v10 =	vmul.f32 $2.550000000e+02, v10;
	v8 =	vcvt.f32.s32 v8;
	v3 =	vadd.s32 v3, v2  }
0x32c: {  	s12 =	sadd.s32 $0x2, s12;
	v12 =	vld [tilespmem:s13+$0x12080];
	v2 =	vmul.f32 $2.550000000e+02, v11;
	v7 =	vshll.u32 v7, $0x8  }
0x32d: {  	p0 =	slt.u32 s12, $0xE;
	v11 =	vld [tilespmem:s13+$0x10000];
	v10 =	vtrunc.f32 v10;
	v7 =	vadd.s32 v8, v7;
	v4 =	vmul.f32 $2.550000000e+02, v4  }
0x32e: {  	v8 =	vld [tilespmem:s13+$0x12000];
	v10 =	vcvt.f32.s32 v10;
	v2 =	vtrunc.f32 v2;
	[tilespmem:v5+s4+$0x0] =	vst.idx.msk $0xffff, v1  }
0x32f: {  	v5 =	vcvt.f32.s32 v2;
	v13 =	vld [tilespmem:s25+$0x108F0];
	v2 =	vmul.f32 $2.550000000e+02, v6  }
0x330: {  	v4 =	vtrunc.f32 v4;
	v6 =	vmul.f32 $2.550000000e+02, v9;
	v9 =	vshll.u32 v10, $0x8;
	v10 =	vld [tilespmem:s25+$0x128F0];
	[tilespmem:v3+s4+$0x0] =	vst.idx.msk $0xffff, v1  }
0x331: {  	v4 =	vcvt.f32.s32 v4;
	v3 =	vmul.f32 $2.550000000e+02, v12;
	v12 =	vld [tilespmem:s28+$0x10430];
	v5 =	vadd.s32 v5, v9  }
0x332: {  	v9 =	vmul.f32 $2.550000000e+02, v11;
	v6 =	vtrunc.f32 v6;
	v11 =	vld [tilespmem:s28+$0x12430];
	[tilespmem:v7+s4+$0x0] =	vst.idx.msk $0xffff, v1  }
0x333: {  	v6 =	vcvt.f32.s32 v6;
	v7 =	vtrunc.f32 v3;
	v14 =	vld [tilespmem:s25+$0x10840];
	v3 =	vshll.u32 v4, $0x8  }
0x334: {  	v4 =	vcvt.f32.s32 v7;
	v7 =	vld [tilespmem:s25+$0x12840];
	v13 =	vmul.f32 $2.550000000e+02, v13  }
0x335: {  	v8 =	vmul.f32 $2.550000000e+02, v8;
	v6 =	vshll.u32 v6, $0x8;
	v10 =	vmul.f32 $2.550000000e+02, v10  }
0x336: {  	v9 =	vtrunc.f32 v9;
	v4 =	vadd.s32 v4, v6;
	[tilespmem:v5+s4+$0x0] =	vst.idx.msk $0xffff, v1;
	v5 =	vtrunc.f32 v13  }
0x337: {  	v6 =	vld [tilespmem:s28+$0x104C0];
	v5 =	vcvt.f32.s32 v5;
	v10 =	vtrunc.f32 v10  }
0x338: {  	v9 =	vcvt.f32.s32 v9;
	v13 =	vld [tilespmem:s28+$0x124C0];
	v10 =	vcvt.f32.s32 v10  }
0x339: {  	v8 =	vtrunc.f32 v8;
	v12 =	vmul.f32 $2.550000000e+02, v12;
	v5 =	vshll.u32 v5, $0x8  }
0x33a: {  	s29 =	sadd.s32 $0x1, s29;
	v8 =	vcvt.f32.s32 v8;
	v9 =	vshll.u32 v9, $0x8;
	v5 =	vadd.s32 v10, v5  }
0x33b: {  	s1 =	sand.u32 $0x3, s29;
	v10 =	vmul.f32 $2.550000000e+02, v11;
	[tilespmem:v4+s4+$0x0] =	vst.idx.msk $0xffff, v1;
	v4 =	vtrunc.f32 v12  }
0x33c: {  	s1 =	sshll.u32 s1, $0x8;
	v8 =	vadd.s32 v8, v9;
	v9 =	vld [tilespmem:s13+$0x10090];
	v4 =	vcvt.f32.s32 v4;
	v6 =	vmul.f32 $2.550000000e+02, v6  }
0x33d: {  	s6 =	sadd.s32 s1, s24;
	s24 =	smov.u32 s26;
	s26 =	smov.u32 s18;
	v10 =	vtrunc.f32 v10;
	v11 =	vld [tilespmem:s13+$0x12090];
	v12 =	vmul.f32 $2.550000000e+02, v13  }
0x33e: {  	s20 =	sor.u32 $0xC00, s6;
	s9 =	sor.u32 $0xC10, s6;
	s19 =	sadd.s32 $0x80, s6;
	v10 =	vcvt.f32.s32 v10;
	v4 =	vshll.u32 v4, $0x8;
	v6 =	vtrunc.f32 v6  }
0x33f: {  	s7 =	sor.u32 $0xC20, s6;
	s11 =	sor.u32 $0xC30, s6;
	s3 =	sor.u32 $0xC00, s19;
	v6 =	vcvt.f32.s32 v6;
	v12 =	vtrunc.f32 v12;
	[tilespmem:v5+s4+$0x0] =	vst.idx.msk $0xffff, v1  }
0x340: {  	s1 =	sor.u32 $0xC40, s6;
	s14 =	sor.u32 $0xC50, s6;
	s10 =	sor.u32 $0xC60, s6;
	v4 =	vadd.s32 v10, v4;
	v10 =	vmul.f32 $2.550000000e+02, v14;
	v5 =	vcvt.f32.s32 v12;
	v12 =	vld [tilespmem:s3+$0x10000]  }
0x341: {  	s6 =	sor.u32 $0xC70, s6;
	v7 =	vmul.f32 $2.550000000e+02, v7;
	[tilespmem:v8+s4+$0x0] =	vst.idx.msk $0xffff, v1;
	v8 =	vmul.f32 $2.550000000e+02, v9;
	v6 =	vshll.u32 v6, $0x8;
	v9 =	vld [tilespmem:s3+$0x12000]  }
0x342: {  	v13 =	vld [tilespmem:s13+$0x10010];
	v11 =	vmul.f32 $2.550000000e+02, v11;
	v5 =	vadd.s32 v5, v6;
	v6 =	vtrunc.f32 v10  }
0x343: {  	v10 =	vld [tilespmem:s13+$0x12010];
	v8 =	vtrunc.f32 v8;
	v6 =	vcvt.f32.s32 v6  }
0x344: {  	v8 =	vcvt.f32.s32 v8;
	v11 =	vtrunc.f32 v11  }
0x345: {  	v11 =	vcvt.f32.s32 v11;
	[tilespmem:v4+s4+$0x0] =	vst.idx.msk $0xffff, v1;
	v4 =	vshll.u32 v6, $0x8;
	v6 =	vmul.f32 $2.550000000e+02, v12  }
0x346: {  	v7 =	vtrunc.f32 v7;
	v8 =	vshll.u32 v8, $0x8;
	v12 =	vld [tilespmem:s28+$0x10440];
	v9 =	vmul.f32 $2.550000000e+02, v9  }
0x347: {  	v13 =	vmul.f32 $2.550000000e+02, v13;
	v8 =	vadd.s32 v11, v8;
	v11 =	vld [tilespmem:s28+$0x12440];
	[tilespmem:v5+s4+$0x0] =	vst.idx.msk $0xffff, v1;
	v5 =	vtrunc.f32 v6  }
0x348: {  	v6 =	vld [tilespmem:s28+$0x104D0];
	v5 =	vcvt.f32.s32 v5;
	v9 =	vtrunc.f32 v9  }
0x349: {  	v10 =	vmul.f32 $2.550000000e+02, v10;
	v14 =	vld [tilespmem:s28+$0x124D0];
	v9 =	vcvt.f32.s32 v9  }
0x34a: {  	v7 =	vcvt.f32.s32 v7;
	v13 =	vtrunc.f32 v13;
	v5 =	vshll.u32 v5, $0x8  }
0x34b: {  	v13 =	vcvt.f32.s32 v13;
	v10 =	vtrunc.f32 v10;
	v5 =	vadd.s32 v9, v5  }
0x34c: {  	v4 =	vadd.s32 v7, v4;
	v9 =	vcvt.f32.s32 v10;
	[tilespmem:v8+s4+$0x0] =	vst.idx.msk $0xffff, v1;
	v8 =	vmul.f32 $2.550000000e+02, v12  }
0x34d: {  	v7 =	vshll.u32 v13, $0x8;
	v11 =	vmul.f32 $2.550000000e+02, v11;
	v10 =	vld [tilespmem:s13+$0x100A0];
	v6 =	vmul.f32 $2.550000000e+02, v6  }
0x34e: {  	v7 =	vadd.s32 v9, v7;
	v9 =	vld [tilespmem:s13+$0x120A0];
	v8 =	vtrunc.f32 v8;
	v12 =	vmul.f32 $2.550000000e+02, v14  }
0x34f: {  	v8 =	vcvt.f32.s32 v8;
	v6 =	vtrunc.f32 v6  }
0x350: {  	s3 =	sor.u32 $0xC10, s19;
	v6 =	vcvt.f32.s32 v6;
	v12 =	vtrunc.f32 v12;
	[tilespmem:v5+s4+$0x0] =	vst.idx.msk $0xffff, v1  }
0x351: {  	v5 =	vtrunc.f32 v11;
	v8 =	vshll.u32 v8, $0x8;
	v11 =	vcvt.f32.s32 v12;
	[tilespmem:v4+s4+$0x0] =	vst.idx.msk $0xffff, v1;
	v4 =	vld [tilespmem:s3+$0x10000]  }
0x352: {  	v5 =	vcvt.f32.s32 v5;
	v10 =	vmul.f32 $2.550000000e+02, v10;
	v6 =	vshll.u32 v6, $0x8;
	v12 =	vld [tilespmem:s3+$0x12000]  }
0x353: {  	v2 =	vtrunc.f32 v2;
	[tilespmem:v7+s4+$0x0] =	vst.idx.msk $0xffff, v1;
	v7 =	vmul.f32 $2.550000000e+02, v9;
	v6 =	vadd.s32 v11, v6;
	v9 =	vld [tilespmem:s25+$0x10850]  }
0x354: {  	v2 =	vcvt.f32.s32 v2;
	v5 =	vadd.s32 v5, v8;
	v11 =	vld [tilespmem:s13+$0x10020];
	v10 =	vtrunc.f32 v10  }
0x355: {  	v8 =	vld [tilespmem:s13+$0x12020];
	v10 =	vcvt.f32.s32 v10;
	v7 =	vtrunc.f32 v7  }
0x356: {  	v2 =	vadd.s32 v2, v3;
	v7 =	vcvt.f32.s32 v7;
	v13 =	vld [tilespmem:s25+$0x12850];
	v4 =	vmul.f32 $2.550000000e+02, v4  }
0x357: {  	v3 =	vshll.u32 v10, $0x8;
	v10 =	vmul.f32 $2.550000000e+02, v12  }
0x358: {  	v3 =	vadd.s32 v7, v3;
	[tilespmem:v6+s4+$0x0] =	vst.idx.msk $0xffff, v1;
	v6 =	vmul.f32 $2.550000000e+02, v9;
	v4 =	vtrunc.f32 v4  }
0x359: {  	[tilespmem:v5+s4+$0x0] =	vst.idx.msk $0xffff, v1;
	v5 =	vld [tilespmem:s28+$0x104E0];
	v4 =	vcvt.f32.s32 v4;
	v7 =	vtrunc.f32 v10  }
0x35a: {  	v9 =	vmul.f32 $2.550000000e+02, v11;
	v10 =	vld [tilespmem:s28+$0x124E0];
	v7 =	vcvt.f32.s32 v7  }
0x35b: {  	v8 =	vmul.f32 $2.550000000e+02, v8;
	v11 =	vld [tilespmem:s28+$0x10450];
	v12 =	vmul.f32 $2.550000000e+02, v13;
	v4 =	vshll.u32 v4, $0x8;
	[tilespmem:v2+s4+$0x0] =	vst.idx.msk $0xffff, v1  }
0x35c: {  	v6 =	vtrunc.f32 v6;
	v2 =	vtrunc.f32 v9;
	v9 =	vld [tilespmem:s28+$0x12450];
	v4 =	vadd.s32 v7, v4  }
0x35d: {  	v2 =	vcvt.f32.s32 v2;
	v7 =	vtrunc.f32 v8;
	[tilespmem:v3+s4+$0x0] =	vst.idx.msk $0xffff, v1;
	v3 =	vld [tilespmem:s2+$0x10000]  }
0x35e: {  	v7 =	vcvt.f32.s32 v7;
	v8 =	vld [tilespmem:s13+$0x100B0];
	v5 =	vmul.f32 $2.550000000e+02, v5  }
0x35f: {  	v6 =	vcvt.f32.s32 v6;
	v2 =	vshll.u32 v2, $0x8;
	v13 =	vld [tilespmem:s13+$0x120B0];
	v10 =	vmul.f32 $2.550000000e+02, v10  }
0x360: {  	v2 =	vadd.s32 v7, v2;
	v7 =	vmul.f32 $2.550000000e+02, v11;
	v5 =	vtrunc.f32 v5;
	v11 =	vld [tilespmem:s2+$0x12000];
	s2 =	smov.u32 s1  }
0x361: {  	v6 =	vshll.u32 v6, $0x8;
	s1 =	sor.u32 $0xC20, s19;
	v5 =	vcvt.f32.s32 v5;
	v10 =	vtrunc.f32 v10;
	[tilespmem:v4+s4+$0x0] =	vst.idx.msk $0xffff, v1  }
0x362: {  	v4 =	vmul.f32 $2.550000000e+02, v9;
	v9 =	vcvt.f32.s32 v10;
	v10 =	vld [tilespmem:s1+$0x10000]  }
0x363: {  	v7 =	vtrunc.f32 v7;
	v8 =	vmul.f32 $2.550000000e+02, v8;
	v5 =	vshll.u32 v5, $0x8;
	v14 =	vld [tilespmem:s1+$0x12000]  }
0x364: {  	v7 =	vcvt.f32.s32 v7;
	v13 =	vmul.f32 $2.550000000e+02, v13;
	v5 =	vadd.s32 v9, v5  }
0x365: {  	v4 =	vtrunc.f32 v4;
	[tilespmem:v2+s4+$0x0] =	vst.idx.msk $0xffff, v1;
	v2 =	vtrunc.f32 v8  }
0x366: {  	v7 =	vshll.u32 v7, $0x8;
	v8 =	vld [tilespmem:s13+$0x10030];
	v2 =	vcvt.f32.s32 v2;
	v9 =	vtrunc.f32 v13  }
0x367: {  	v13 =	vld [tilespmem:s13+$0x12030];
	v9 =	vcvt.f32.s32 v9;
	v10 =	vmul.f32 $2.550000000e+02, v10  }
0x368: {  	v4 =	vcvt.f32.s32 v4;
	v2 =	vshll.u32 v2, $0x8;
	v14 =	vmul.f32 $2.550000000e+02, v14  }
0x369: {  	v2 =	vadd.s32 v9, v2;
	[tilespmem:v5+s4+$0x0] =	vst.idx.msk $0xffff, v1;
	v5 =	vtrunc.f32 v12;
	v9 =	vtrunc.f32 v10  }
0x36a: {  	v4 =	vadd.s32 v4, v7;
	v7 =	vld [tilespmem:s28+$0x104F0];
	v9 =	vcvt.f32.s32 v9;
	v10 =	vtrunc.f32 v14  }
0x36b: {  	v8 =	vmul.f32 $2.550000000e+02, v8;
	v12 =	vld [tilespmem:s28+$0x124F0];
	v10 =	vcvt.f32.s32 v10  }
0x36c: {  	v5 =	vcvt.f32.s32 v5;
	v13 =	vmul.f32 $2.550000000e+02, v13;
	v9 =	vshll.u32 v9, $0x8  }
0x36d: {  	v3 =	vmul.f32 $2.550000000e+02, v3;
	v8 =	vtrunc.f32 v8;
	v9 =	vadd.s32 v10, v9  }
0x36e: {  	v8 =	vcvt.f32.s32 v8;
	v10 =	vtrunc.f32 v13;
	[tilespmem:v2+s4+$0x0] =	vst.idx.msk $0xffff, v1;
	v2 =	vadd.s32 v5, v6  }
0x36f: {  	v5 =	vcvt.f32.s32 v10;
	v6 =	vld [tilespmem:s13+$0x100C0];
	[tilespmem:v4+s4+$0x0] =	vst.idx.msk $0xffff, v1;
	v4 =	vmul.f32 $2.550000000e+02, v7  }
0x370: {  	v11 =	vmul.f32 $2.550000000e+02, v11;
	v7 =	vshll.u32 v8, $0x8;
	v8 =	vld [tilespmem:s13+$0x120C0];
	v10 =	vmul.f32 $2.550000000e+02, v12  }
0x371: {  	v3 =	vtrunc.f32 v3;
	v5 =	vadd.s32 v5, v7;
	v7 =	vld [tilespmem:s28+$0x10460];
	v4 =	vtrunc.f32 v4  }
0x372: {  	s1 =	sor.u32 $0xC30, s19;
	v12 =	vld [tilespmem:s28+$0x12460];
	v4 =	vcvt.f32.s32 v4;
	v10 =	vtrunc.f32 v10;
	[tilespmem:v9+s4+$0x0] =	vst.idx.msk $0xffff, v1  }
0x373: {  	v3 =	vcvt.f32.s32 v3;
	v9 =	vcvt.f32.s32 v10;
	[tilespmem:v2+s4+$0x0] =	vst.idx.msk $0xffff, v1;
	v2 =	vld [tilespmem:s1+$0x10000]  }
0x374: {  	v11 =	vtrunc.f32 v11;
	v6 =	vmul.f32 $2.550000000e+02, v6;
	v4 =	vshll.u32 v4, $0x8;
	v10 =	vld [tilespmem:s1+$0x12000]  }
0x375: {  	v11 =	vcvt.f32.s32 v11;
	v8 =	vmul.f32 $2.550000000e+02, v8;
	v4 =	vadd.s32 v9, v4;
	v9 =	vld [tilespmem:s25+$0x10860]  }
0x376: {  	v3 =	vshll.u32 v3, $0x8;
	[tilespmem:v5+s4+$0x0] =	vst.idx.msk $0xffff, v1;
	v5 =	vtrunc.f32 v6;
	v6 =	vmul.f32 $2.550000000e+02, v7;
	v7 =	vld [tilespmem:s25+$0x12860]  }
0x377: {  	v3 =	vadd.s32 v11, v3;
	v13 =	vld [tilespmem:s13+$0x10040];
	v5 =	vcvt.f32.s32 v5;
	v8 =	vtrunc.f32 v8  }
0x378: {  	v11 =	vld [tilespmem:s13+$0x12040];
	v8 =	vcvt.f32.s32 v8;
	v2 =	vmul.f32 $2.550000000e+02, v2  }
0x379: {  	v12 =	vmul.f32 $2.550000000e+02, v12;
	v5 =	vshll.u32 v5, $0x8;
	v10 =	vmul.f32 $2.550000000e+02, v10  }
0x37a: {  	v6 =	vtrunc.f32 v6;
	v5 =	vadd.s32 v8, v5;
	[tilespmem:v4+s4+$0x0] =	vst.idx.msk $0xffff, v1;
	v2 =	vtrunc.f32 v2  }
0x37b: {  	v4 =	vld [tilespmem:s28+$0x10880];
	v2 =	vcvt.f32.s32 v2;
	v8 =	vtrunc.f32 v10  }
0x37c: {  	v10 =	vmul.f32 $2.550000000e+02, v13;
	v13 =	vld [tilespmem:s28+$0x12880];
	v8 =	vcvt.f32.s32 v8;
	[tilespmem:v3+s4+$0x0] =	vst.idx.msk $0xffff, v1  }
0x37d: {  	v6 =	vcvt.f32.s32 v6;
	v3 =	vmul.f32 $2.550000000e+02, v11;
	v2 =	vshll.u32 v2, $0x8;
	v11 =	vld [tilespmem:s0+$0x10000]  }
0x37e: {  	v12 =	vtrunc.f32 v12;
	v10 =	vtrunc.f32 v10;
	v2 =	vadd.s32 v8, v2;
	v8 =	vld [tilespmem:s0+$0x12000];
	s0 =	smov.u32 s14  }
0x37f: {  	v10 =	vcvt.f32.s32 v10;
	v3 =	vtrunc.f32 v3;
	[tilespmem:v5+s4+$0x0] =	vst.idx.msk $0xffff, v1;
	v5 =	vshll.u32 v6, $0x8  }
0x380: {  	v3 =	vcvt.f32.s32 v3;
	v6 =	vld [tilespmem:s13+$0x100D0];
	v4 =	vmul.f32 $2.550000000e+02, v4  }
0x381: {  	v12 =	vcvt.f32.s32 v12;
	v10 =	vshll.u32 v10, $0x8;
	v14 =	vld [tilespmem:s13+$0x120D0];
	v13 =	vmul.f32 $2.550000000e+02, v13  }
0x382: {  	v9 =	vmul.f32 $2.550000000e+02, v9;
	v3 =	vadd.s32 v3, v10;
	v4 =	vtrunc.f32 v4  }
0x383: {  	s1 =	sor.u32 $0xC40, s19;
	v5 =	vadd.s32 v12, v5;
	v4 =	vcvt.f32.s32 v4;
	v10 =	vtrunc.f32 v13;
	[tilespmem:v2+s4+$0x0] =	vst.idx.msk $0xffff, v1  }
0x384: {  	v7 =	vmul.f32 $2.550000000e+02, v7;
	v2 =	vcvt.f32.s32 v10;
	v10 =	vld [tilespmem:s1+$0x10000]  }
0x385: {  	v9 =	vtrunc.f32 v9;
	v6 =	vmul.f32 $2.550000000e+02, v6;
	v4 =	vshll.u32 v4, $0x8;
	v12 =	vld [tilespmem:s1+$0x12000]  }
0x386: {  	v13 =	vmul.f32 $2.550000000e+02, v14;
	v2 =	vadd.s32 v2, v4;
	v4 =	vcvt.f32.s32 v9  }
0x387: {  	[tilespmem:v3+s4+$0x0] =	vst.idx.msk $0xffff, v1;
	v3 =	vtrunc.f32 v6;
	v6 =	vtrunc.f32 v7  }
0x388: {  	v7 =	vld [tilespmem:s13+$0x10050];
	v3 =	vcvt.f32.s32 v3;
	v9 =	vtrunc.f32 v13;
	[tilespmem:v5+s4+$0x0] =	vst.idx.msk $0xffff, v1;
	v4 =	vshll.u32 v4, $0x8  }
0x389: {  	v5 =	vld [tilespmem:s13+$0x12050];
	v9 =	vcvt.f32.s32 v9;
	v10 =	vmul.f32 $2.550000000e+02, v10  }
0x38a: {  	v6 =	vcvt.f32.s32 v6;
	v3 =	vshll.u32 v3, $0x8;
	v13 =	vld [tilespmem:s28+$0x10470];
	v12 =	vmul.f32 $2.550000000e+02, v12  }
0x38b: {  	v9 =	vadd.s32 v9, v3;
	v14 =	vld [tilespmem:s28+$0x12470];
	[tilespmem:v2+s4+$0x0] =	vst.idx.msk $0xffff, v1;
	v2 =	vtrunc.f32 v10;
	v3 =	vmul.f32 $2.550000000e+02, v11  }
0x38c: {  	v4 =	vadd.s32 v6, v4;
	v10 =	vld [tilespmem:s28+$0x10890];
	v2 =	vcvt.f32.s32 v2;
	v6 =	vtrunc.f32 v12  }
0x38d: {  	v7 =	vmul.f32 $2.550000000e+02, v7;
	v11 =	vld [tilespmem:s28+$0x12890];
	v6 =	vcvt.f32.s32 v6  }
0x38e: {  	v5 =	vmul.f32 $2.550000000e+02, v5;
	v12 =	vshll.u32 v2, $0x8;
	v2 =	vmul.f32 $2.550000000e+02, v8  }
0x38f: {  	v7 =	vtrunc.f32 v7;
	v8 =	vmul.f32 $2.550000000e+02, v13;
	v6 =	vadd.s32 v6, v12  }
0x390: {  	v7 =	vcvt.f32.s32 v7;
	v5 =	vtrunc.f32 v5;
	[tilespmem:v9+s4+$0x0] =	vst.idx.msk $0xffff, v1  }
0x391: {  	v5 =	vcvt.f32.s32 v5;
	v9 =	vld [tilespmem:s13+$0x100E0];
	v10 =	vmul.f32 $2.550000000e+02, v10;
	[tilespmem:v4+s4+$0x0] =	vst.idx.msk $0xffff, v1  }
0x392: {  	v12 =	vmul.f32 $2.550000000e+02, v14;
	v4 =	vshll.u32 v7, $0x8;
	v7 =	vld [tilespmem:s13+$0x120E0];
	v11 =	vmul.f32 $2.550000000e+02, v11  }
0x393: {  	v4 =	vadd.s32 v5, v4;
	v5 =	vtrunc.f32 v8;
	v8 =	vtrunc.f32 v10;
	v10 =	vld [tilespmem:s25+$0x10870]  }
0x394: {  	s1 =	sor.u32 $0xC50, s19;
	v8 =	vcvt.f32.s32 v8;
	v11 =	vtrunc.f32 v11;
	v13 =	vld [tilespmem:s25+$0x12870];
	[tilespmem:v6+s4+$0x0] =	vst.idx.msk $0xffff, v1;
	s25 =	smov.u32 s28;
	s28 =	smov.u32 s13  }
0x395: {  	v5 =	vcvt.f32.s32 v5;
	v6 =	vcvt.f32.s32 v11;
	v11 =	vld [tilespmem:s1+$0x10000]  }
0x396: {  	v12 =	vtrunc.f32 v12;
	v9 =	vmul.f32 $2.550000000e+02, v9;
	v8 =	vshll.u32 v8, $0x8;
	v14 =	vld [tilespmem:s1+$0x12000]  }
0x397: {  	v12 =	vcvt.f32.s32 v12;
	v7 =	vmul.f32 $2.550000000e+02, v7;
	v6 =	vadd.s32 v6, v8  }
0x398: {  	v5 =	vshll.u32 v5, $0x8;
	[tilespmem:v4+s4+$0x0] =	vst.idx.msk $0xffff, v1;
	v4 =	vtrunc.f32 v9;
	v8 =	vmul.f32 $2.550000000e+02, v10  }
0x399: {  	v5 =	vadd.s32 v12, v5;
	v9 =	vld [tilespmem:s28+$0x10060];
	v4 =	vcvt.f32.s32 v4;
	v7 =	vtrunc.f32 v7  }
0x39a: {  	v10 =	vld [tilespmem:s28+$0x12060];
	v7 =	vcvt.f32.s32 v7;
	v11 =	vmul.f32 $2.550000000e+02, v11  }
0x39b: {  	v12 =	vmul.f32 $2.550000000e+02, v13;
	v4 =	vshll.u32 v4, $0x8;
	v13 =	vmul.f32 $2.550000000e+02, v14  }
0x39c: {  	v4 =	vadd.s32 v7, v4;
	[tilespmem:v6+s4+$0x0] =	vst.idx.msk $0xffff, v1;
	v6 =	vtrunc.f32 v8;
	v7 =	vtrunc.f32 v11  }
0x39d: {  	v8 =	vld [tilespmem:s25+$0x108A0];
	v7 =	vcvt.f32.s32 v7;
	v11 =	vtrunc.f32 v13  }
0x39e: {  	v9 =	vmul.f32 $2.550000000e+02, v9;
	[tilespmem:v5+s4+$0x0] =	vst.idx.msk $0xffff, v1;
	v5 =	vld [tilespmem:s25+$0x128A0];
	v11 =	vcvt.f32.s32 v11  }
0x39f: {  	v6 =	vcvt.f32.s32 v6;
	v10 =	vmul.f32 $2.550000000e+02, v10;
	v13 =	vld [tilespmem:s25+$0x10800];
	v7 =	vshll.u32 v7, $0x8  }
0x3a0: {  	v12 =	vtrunc.f32 v12;
	v9 =	vtrunc.f32 v9;
	v14 =	vld [tilespmem:s25+$0x12800];
	v7 =	vadd.s32 v11, v7  }
0x3a1: {  	v9 =	vcvt.f32.s32 v9;
	v10 =	vtrunc.f32 v10;
	[tilespmem:v4+s4+$0x0] =	vst.idx.msk $0xffff, v1;
	v4 =	vshll.u32 v6, $0x8  }
0x3a2: {  	v6 =	vcvt.f32.s32 v10;
	v10 =	vld [tilespmem:s28+$0x120F0];
	v8 =	vmul.f32 $2.550000000e+02, v8  }
0x3a3: {  	v12 =	vcvt.f32.s32 v12;
	v9 =	vshll.u32 v9, $0x8;
	v11 =	vld [tilespmem:s28+$0x100F0];
	v5 =	vmul.f32 $2.550000000e+02, v5  }
0x3a4: {  	v6 =	vadd.s32 v6, v9;
	v9 =	vmul.f32 $2.550000000e+02, v13;
	v8 =	vtrunc.f32 v8  }
0x3a5: {  	s1 =	sor.u32 $0xC60, s19;
	v4 =	vadd.s32 v12, v4;
	v8 =	vcvt.f32.s32 v8;
	v5 =	vtrunc.f32 v5;
	[tilespmem:v7+s4+$0x0] =	vst.idx.msk $0xffff, v1  }
0x3a6: {  	v7 =	vmul.f32 $2.550000000e+02, v14;
	v5 =	vcvt.f32.s32 v5;
	v12 =	vld [tilespmem:s1+$0x10000]  }
0x3a7: {  	v3 =	vtrunc.f32 v3;
	v9 =	vtrunc.f32 v9;
	v8 =	vshll.u32 v8, $0x8;
	v13 =	vld [tilespmem:s1+$0x12000]  }
0x3a8: {  	v10 =	vmul.f32 $2.550000000e+02, v10;
	v11 =	vmul.f32 $2.550000000e+02, v11;
	v5 =	vadd.s32 v5, v8  }
0x3a9: {  	v7 =	vtrunc.f32 v7;
	[tilespmem:v6+s4+$0x0] =	vst.idx.msk $0xffff, v1;
	v6 =	vcvt.f32.s32 v9  }
0x3aa: {  	v10 =	vtrunc.f32 v10;
	v8 =	vld [tilespmem:s28+$0x10070];
	v9 =	vtrunc.f32 v11;
	[tilespmem:v4+s4+$0x0] =	vst.idx.msk $0xffff, v1  }
0x3ab: {  	v4 =	vld [tilespmem:s28+$0x12070];
	v9 =	vcvt.f32.s32 v9;
	v6 =	vshll.u32 v6, $0x8;
	v11 =	vmul.f32 $2.550000000e+02, v12  }
0x3ac: {  	v10 =	vcvt.f32.s32 v10;
	v12 =	vld [tilespmem:s20+$0x10000];
	v13 =	vmul.f32 $2.550000000e+02, v13  }
0x3ad: {  	v7 =	vcvt.f32.s32 v7;
	v9 =	vshll.u32 v9, $0x8;
	[tilespmem:v5+s4+$0x0] =	vst.idx.msk $0xffff, v1;
	v5 =	vld [tilespmem:s20+$0x12000];
	v11 =	vtrunc.f32 v11  }
0x3ae: {  	v9 =	vadd.s32 v10, v9;
	v10 =	vld [tilespmem:s25+$0x108B0];
	v11 =	vcvt.f32.s32 v11;
	v13 =	vtrunc.f32 v13  }
0x3af: {  	v6 =	vadd.s32 v7, v6;
	v8 =	vmul.f32 $2.550000000e+02, v8;
	v7 =	vld [tilespmem:s25+$0x128B0];
	v13 =	vcvt.f32.s32 v13  }
0x3b0: {  	v3 =	vcvt.f32.s32 v3;
	v4 =	vmul.f32 $2.550000000e+02, v4;
	v11 =	vshll.u32 v11, $0x8  }
0x3b1: {  	v8 =	vtrunc.f32 v8;
	v12 =	vmul.f32 $2.550000000e+02, v12;
	v11 =	vadd.s32 v13, v11  }
0x3b2: {  	v3 =	vshll.u32 v3, $0x8;
	v8 =	vcvt.f32.s32 v8;
	v4 =	vtrunc.f32 v4  }
0x3b3: {  	v4 =	vcvt.f32.s32 v4;
	[tilespmem:v9+s4+$0x0] =	vst.idx.msk $0xffff, v1;
	v9 =	vmul.f32 $2.550000000e+02, v10  }
0x3b4: {  	v5 =	vmul.f32 $2.550000000e+02, v5;
	v8 =	vshll.u32 v8, $0x8;
	v10 =	vld [tilespmem:s28+$0x12480];
	[tilespmem:v6+s4+$0x0] =	vst.idx.msk $0xffff, v1;
	v6 =	vmul.f32 $2.550000000e+02, v7  }
0x3b5: {  	v4 =	vadd.s32 v4, v8;
	v7 =	vld [tilespmem:s28+$0x10480];
	v8 =	vtrunc.f32 v9;
	v9 =	vtrunc.f32 v12  }
0x3b6: {  	s1 =	sor.u32 $0xC70, s19;
	v12 =	vld [tilespmem:s25+$0x10810];
	v8 =	vcvt.f32.s32 v8;
	v6 =	vtrunc.f32 v6;
	[tilespmem:v11+s4+$0x0] =	vst.idx.msk $0xffff, v1  }
0x3b7: {  	v9 =	vcvt.f32.s32 v9;
	v6 =	vcvt.f32.s32 v6;
	v11 =	vld [tilespmem:s1+$0x10000]  }
0x3b8: {  	v2 =	vtrunc.f32 v2;
	v5 =	vtrunc.f32 v5;
	v8 =	vshll.u32 v8, $0x8;
	v13 =	vld [tilespmem:s1+$0x12000]  }
0x3b9: {  	v5 =	vcvt.f32.s32 v5;
	v10 =	vmul.f32 $2.550000000e+02, v10;
	v14 =	vld [tilespmem:s25+$0x12810];
	v6 =	vadd.s32 v6, v8  }
0x3ba: {  	v2 =	vcvt.f32.s32 v2;
	[tilespmem:v4+s4+$0x0] =	vst.idx.msk $0xffff, v1;
	v4 =	vmul.f32 $2.550000000e+02, v7;
	v7 =	vshll.u32 v9, $0x8  }
0x3bb: {  	v8 =	vld [tilespmem:s28+$0x10400];
	v9 =	vtrunc.f32 v10;
	v10 =	vmul.f32 $2.550000000e+02, v12;
	v5 =	vadd.s32 v5, v7  }
0x3bc: {  	v2 =	vadd.s32 v2, v3;
	v7 =	vld [tilespmem:s28+$0x12400];
	v4 =	vtrunc.f32 v4;
	v11 =	vmul.f32 $2.550000000e+02, v11  }
0x3bd: {  	v3 =	vcvt.f32.s32 v9;
	v9 =	vmul.f32 $2.550000000e+02, v13  }
0x3be: {  	v4 =	vcvt.f32.s32 v4;
	[tilespmem:v6+s4+$0x0] =	vst.idx.msk $0xffff, v1;
	v6 =	vtrunc.f32 v11  }
0x3bf: {  	v11 =	vld [tilespmem:s25+$0x108C0];
	v6 =	vcvt.f32.s32 v6;
	v9 =	vtrunc.f32 v9  }
0x3c0: {  	v4 =	vshll.u32 v4, $0x8;
	v8 =	vmul.f32 $2.550000000e+02, v8;
	v12 =	vld [tilespmem:s25+$0x128C0];
	[tilespmem:v5+s4+$0x0] =	vst.idx.msk $0xffff, v1;
	v5 =	vcvt.f32.s32 v9  }
0x3c1: {  	v3 =	vadd.s32 v3, v4;
	v7 =	vmul.f32 $2.550000000e+02, v7;
	v4 =	vld [tilespmem:s9+$0x10000];
	v6 =	vshll.u32 v6, $0x8;
	[tilespmem:v2+s4+$0x0] =	vst.idx.msk $0xffff, v1  }
0x3c2: {  	v2 =	vtrunc.f32 v8;
	v8 =	vmul.f32 $2.550000000e+02, v14;
	v9 =	vld [tilespmem:s9+$0x12000];
	v5 =	vadd.s32 v5, v6  }
0x3c3: {  	v2 =	vcvt.f32.s32 v2;
	v6 =	vtrunc.f32 v7;
	v7 =	vld [tilespmem:s31+$0x10000]  }
0x3c4: {  	v6 =	vcvt.f32.s32 v6;
	v11 =	vmul.f32 $2.550000000e+02, v11;
	v13 =	vld [tilespmem:s31+$0x12000];
	s31 =	smov.u32 s10  }
0x3c5: {  	v10 =	vtrunc.f32 v10;
	v2 =	vshll.u32 v2, $0x8;
	v12 =	vmul.f32 $2.550000000e+02, v12  }
0x3c6: {  	v2 =	vadd.s32 v6, v2;
	[tilespmem:v3+s4+$0x0] =	vst.idx.msk $0xffff, v1;
	v3 =	vcvt.f32.s32 v10;
	v6 =	vtrunc.f32 v11  }
0x3c7: {  	v10 =	vld [tilespmem:s28+$0x10490];
	v6 =	vcvt.f32.s32 v6;
	v11 =	vtrunc.f32 v12;
	[tilespmem:v5+s4+$0x0] =	vst.idx.msk $0xffff, v1  }
0x3c8: {  	v8 =	vtrunc.f32 v8;
	v5 =	vld [tilespmem:s28+$0x12490];
	v3 =	vshll.u32 v3, $0x8;
	v11 =	vcvt.f32.s32 v11  }
0x3c9: {  	v8 =	vcvt.f32.s32 v8;
	v4 =	vmul.f32 $2.550000000e+02, v4;
	v6 =	vshll.u32 v6, $0x8  }
0x3ca: {  	v9 =	vmul.f32 $2.550000000e+02, v9;
	v7 =	vmul.f32 $2.550000000e+02, v7;
	v6 =	vadd.s32 v11, v6  }
0x3cb: {  	[tilespmem:v2+s4+$0x0] =	vst.idx.msk $0xffff, v1;
	v2 =	vadd.s32 v8, v3;
	v3 =	vtrunc.f32 v4;
	v4 =	vmul.f32 $2.550000000e+02, v13  }
0x3cc: {  	v8 =	vld [tilespmem:s28+$0x10410];
	v10 =	vmul.f32 $2.550000000e+02, v10;
	v3 =	vcvt.f32.s32 v3  }
0x3cd: {  	v9 =	vtrunc.f32 v9;
	v11 =	vld [tilespmem:s28+$0x12410];
	v5 =	vmul.f32 $2.550000000e+02, v5  }
0x3ce: {  	v9 =	vcvt.f32.s32 v9;
	v10 =	vtrunc.f32 v10;
	v3 =	vshll.u32 v3, $0x8  }
0x3cf: {  	v10 =	vcvt.f32.s32 v10;
	v5 =	vtrunc.f32 v5;
	[tilespmem:v6+s4+$0x0] =	vst.idx.msk $0xffff, v1  }
0x3d0: {  	v3 =	vadd.s32 v9, v3;
	v6 =	vtrunc.f32 v7;
	v5 =	vcvt.f32.s32 v5;
	[tilespmem:v2+s4+$0x0] =	vst.idx.msk $0xffff, v1;
	v2 =	vld [tilespmem:s25+$0x108D0]  }
0x3d1: {  	v6 =	vcvt.f32.s32 v6;
	v7 =	vmul.f32 $2.550000000e+02, v8;
	v8 =	vshll.u32 v10, $0x8;
	v9 =	vld [tilespmem:s25+$0x128D0]  }
0x3d2: {  	v4 =	vtrunc.f32 v4;
	v10 =	vmul.f32 $2.550000000e+02, v11;
	v5 =	vadd.s32 v5, v8;
	v8 =	vld [tilespmem:s25+$0x10820]  }
0x3d3: {  	v4 =	vcvt.f32.s32 v4;
	v6 =	vshll.u32 v6, $0x8;
	v7 =	vtrunc.f32 v7;
	v11 =	vld [tilespmem:s25+$0x12820]  }
0x3d4: {  	v7 =	vcvt.f32.s32 v7;
	v10 =	vtrunc.f32 v10  }
0x3d5: {  	v10 =	vcvt.f32.s32 v10;
	v2 =	vmul.f32 $2.550000000e+02, v2;
	[tilespmem:v3+s4+$0x0] =	vst.idx.msk $0xffff, v1;
	v3 =	vadd.s32 v4, v6  }
0x3d6: {  	v4 =	vshll.u32 v7, $0x8;
	v6 =	vmul.f32 $2.550000000e+02, v9;
	v7 =	vld [tilespmem:s7+$0x10000]  }
0x3d7: {  	v4 =	vadd.s32 v10, v4;
	[tilespmem:v5+s4+$0x0] =	vst.idx.msk $0xffff, v1;
	v5 =	vmul.f32 $2.550000000e+02, v8;
	v2 =	vtrunc.f32 v2;
	v8 =	vld [tilespmem:s7+$0x12000]  }
0x3d8: {  	v9 =	vld [tilespmem:s28+$0x104A0];
	v2 =	vcvt.f32.s32 v2;
	v6 =	vtrunc.f32 v6  }
0x3d9: {  	v11 =	vmul.f32 $2.550000000e+02, v11;
	v10 =	vld [tilespmem:s28+$0x124A0];
	v6 =	vcvt.f32.s32 v6  }
0x3da: {  	v5 =	vtrunc.f32 v5;
	v2 =	vshll.u32 v2, $0x8;
	[tilespmem:v3+s4+$0x0] =	vst.idx.msk $0xffff, v1  }
0x3db: {  	v3 =	vcvt.f32.s32 v5;
	v5 =	vtrunc.f32 v11;
	v2 =	vadd.s32 v6, v2;
	v6 =	vld [tilespmem:s30+$0x10000]  }
0x3dc: {  	[tilespmem:v4+s4+$0x0] =	vst.idx.msk $0xffff, v1;
	v4 =	vcvt.f32.s32 v5;
	v5 =	vmul.f32 $2.550000000e+02, v7;
	v7 =	vld [tilespmem:s30+$0x12000];
	s30 =	smov.u32 s6  }
0x3dd: {  	v3 =	vshll.u32 v3, $0x8;
	v8 =	vmul.f32 $2.550000000e+02, v8;
	v11 =	vld [tilespmem:s28+$0x10420];
	v9 =	vmul.f32 $2.550000000e+02, v9  }
0x3de: {  	v12 =	vld [tilespmem:s28+$0x12420];
	v10 =	vmul.f32 $2.550000000e+02, v10;
	v3 =	vadd.s32 v4, v3;
	v4 =	vtrunc.f32 v5  }
0x3df: {  	v5 =	vtrunc.f32 v9;
	v4 =	vcvt.f32.s32 v4  }
0x3e0: {  	v5 =	vcvt.f32.s32 v5;
	v9 =	vtrunc.f32 v10;
	[tilespmem:v2+s4+$0x0] =	vst.idx.msk $0xffff, v1  }
0x3e1: {  	v8 =	vtrunc.f32 v8;
	v2 =	vcvt.f32.s32 v9;
	v9 =	vld [tilespmem:s25+$0x108E0];
	v4 =	vshll.u32 v4, $0x8  }
0x3e2: {  	v8 =	vcvt.f32.s32 v8;
	v10 =	vmul.f32 $2.550000000e+02, v11;
	v5 =	vshll.u32 v5, $0x8;
	v11 =	vld [tilespmem:s25+$0x128E0]  }
0x3e3: {  	v12 =	vmul.f32 $2.550000000e+02, v12;
	v2 =	vadd.s32 v2, v5;
	[tilespmem:v3+s4+$0x0] =	vst.idx.msk $0xffff, v1;
	v3 =	vmul.f32 $2.550000000e+02, v6  }
0x3e4: {  	v13 =	vmul.f32 $2.550000000e+02, v7;
	v4 =	vadd.s32 v8, v4;
	v5 =	vtrunc.f32 v10;
	v6 =	vld [tilespmem:s25+$0x10830]  }
0x3e5: {  	v5 =	vcvt.f32.s32 v5;
	v7 =	vtrunc.f32 v12;
	v8 =	vld [tilespmem:s25+$0x12830]  }
0x3e6: {  	v7 =	vcvt.f32.s32 v7;
	v10 =	vmul.f32 $2.550000000e+02, v9  }
.Ltmp1:
0x3e7: {  	v3 =	vtrunc.f32 v3;
	v5 =	vshll.u32 v5, $0x8;
	v11 =	vmul.f32 $2.550000000e+02, v11;
	(pc) =	sbr.rel @p0 .LBB2_5-.Ltmp1, $4  }
0x3e8: {  	v3 =	vcvt.f32.s32 v3;
	v9 =	vadd.s32 v7, v5;
	[tilespmem:v2+s4+$0x0] =	vst.idx.msk $0xffff, v1;
	v2 =	vtrunc.f32 v10  }
0x3e9: {  	v10 =	vld [tilespmem:s28+$0x104B0];
	v12 =	vcvt.f32.s32 v2;
	v2 =	vtrunc.f32 v11;
	[tilespmem:v4+s4+$0x0] =	vst.idx.msk $0xffff, v1  }
0x3ea: {  	v7 =	vmul.f32 $2.550000000e+02, v6;
	v11 =	vld [tilespmem:s28+$0x124B0];
	v5 =	vcvt.f32.s32 v2;
	v2 =	vshll.u32 v3, $0x8  }
0x3eb: {  	s17 =	sadd.s32 $0x100, s17;
	s18 =	sadd.s32 $0x400, s18;
	v8 =	vmul.f32 $2.550000000e+02, v8;
	v3 =	vtrunc.f32 v13;
	v6 =	vshll.u32 v12, $0x8;
	v4 =	vld [tilespmem:s11+$0x10000]  }
0x3ec: {  	_ =	sdelay $0x2  }
0x3ed: {  	v10 =	vmul.f32 $2.550000000e+02, v10  }
0x3ee: {  	[tilespmem:v9+s4+$0x0] =	vst.idx.msk $0xffff, v1;
	v9 =	vmul.f32 $2.550000000e+02, v11  }
0x3ef: {  	v11 =	vld [tilespmem:s28+$0x10430];
	v10 =	vtrunc.f32 v10  }
0x3f0: {  	v12 =	vld [tilespmem:s28+$0x12430];
	v10 =	vcvt.f32.s32 v10;
	v9 =	vtrunc.f32 v9  }
0x3f1: {  	v9 =	vcvt.f32.s32 v9  }
0x3f2: {  	v10 =	vshll.u32 v10, $0x8  }
0x3f3: {  	v9 =	vadd.s32 v9, v10  }
0x3f4: {  	v10 =	vmul.f32 $2.550000000e+02, v11  }
0x3f5: {  	v11 =	vmul.f32 $2.550000000e+02, v12  }
0x3f6: {  	v10 =	vtrunc.f32 v10  }
0x3f7: {  	v11 =	vtrunc.f32 v11;
	v10 =	vcvt.f32.s32 v10  }
0x3f8: {  	[tilespmem:v9+s4+$0x0] =	vst.idx.msk $0xffff, v1;
	v9 =	vcvt.f32.s32 v11  }
0x3f9: {  	v10 =	vshll.u32 v10, $0x8;
	v11 =	vld [tilespmem:s28+$0x104C0]  }
0x3fa: {  	v24 =	vld [tilespmem:s28+$0x124C0];
	v9 =	vadd.s32 v9, v10;
	_ =	sdelay $0x3  }
0x3fb: {  	v10 =	vmul.f32 $2.550000000e+02, v11  }
0x3fc: {  	v11 =	vmul.f32 $2.550000000e+02, v24;
	[tilespmem:v9+s4+$0x0] =	vst.idx.msk $0xffff, v1  }
0x3fd: {  	v9 =	vtrunc.f32 v10;
	v10 =	vld [tilespmem:s28+$0x10440]  }
0x3fe: {  	v11 =	vtrunc.f32 v11;
	v25 =	vld [tilespmem:s28+$0x12440];
	v9 =	vcvt.f32.s32 v9  }
0x3ff: {  	v11 =	vcvt.f32.s32 v11  }
0x400: {  	v9 =	vshll.u32 v9, $0x8  }
0x401: {  	v9 =	vadd.s32 v11, v9  }
0x402: {  	v10 =	vmul.f32 $2.550000000e+02, v10  }
0x403: {  	v11 =	vmul.f32 $2.550000000e+02, v25  }
0x404: {  	v10 =	vtrunc.f32 v10  }
0x405: {  	v11 =	vtrunc.f32 v11;
	v10 =	vcvt.f32.s32 v10  }
0x406: {  	[tilespmem:v9+s4+$0x0] =	vst.idx.msk $0xffff, v1;
	v9 =	vcvt.f32.s32 v11  }
0x407: {  	v11 =	vld [tilespmem:s28+$0x104D0];
	v10 =	vshll.u32 v10, $0x8  }
0x408: {  	v26 =	vld [tilespmem:s28+$0x124D0];
	v9 =	vadd.s32 v9, v10;
	_ =	sdelay $0x3  }
0x409: {  	v10 =	vmul.f32 $2.550000000e+02, v11  }
0x40a: {  	v11 =	vmul.f32 $2.550000000e+02, v26;
	[tilespmem:v9+s4+$0x0] =	vst.idx.msk $0xffff, v1  }
0x40b: {  	v9 =	vtrunc.f32 v10;
	v10 =	vld [tilespmem:s28+$0x10450]  }
0x40c: {  	v11 =	vtrunc.f32 v11;
	v27 =	vld [tilespmem:s28+$0x12450];
	v9 =	vcvt.f32.s32 v9  }
0x40d: {  	v11 =	vcvt.f32.s32 v11  }
0x40e: {  	v9 =	vshll.u32 v9, $0x8  }
0x40f: {  	v9 =	vadd.s32 v11, v9  }
0x410: {  	v10 =	vmul.f32 $2.550000000e+02, v10  }
0x411: {  	v11 =	vmul.f32 $2.550000000e+02, v27  }
0x412: {  	v10 =	vtrunc.f32 v10  }
0x413: {  	v11 =	vtrunc.f32 v11;
	v10 =	vcvt.f32.s32 v10  }
0x414: {  	[tilespmem:v9+s4+$0x0] =	vst.idx.msk $0xffff, v1;
	v9 =	vcvt.f32.s32 v11  }
0x415: {  	v11 =	vld [tilespmem:s28+$0x104E0];
	v10 =	vshll.u32 v10, $0x8  }
0x416: {  	v28 =	vld [tilespmem:s28+$0x124E0];
	v9 =	vadd.s32 v9, v10;
	_ =	sdelay $0x3  }
0x417: {  	v10 =	vmul.f32 $2.550000000e+02, v11  }
0x418: {  	v11 =	vmul.f32 $2.550000000e+02, v28;
	[tilespmem:v9+s4+$0x0] =	vst.idx.msk $0xffff, v1  }
0x419: {  	v9 =	vtrunc.f32 v10;
	v10 =	vld [tilespmem:s28+$0x10460]  }
0x41a: {  	v11 =	vtrunc.f32 v11;
	v29 =	vld [tilespmem:s28+$0x12460];
	v9 =	vcvt.f32.s32 v9  }
0x41b: {  	v11 =	vcvt.f32.s32 v11  }
0x41c: {  	v9 =	vshll.u32 v9, $0x8  }
0x41d: {  	v9 =	vadd.s32 v11, v9  }
0x41e: {  	v10 =	vmul.f32 $2.550000000e+02, v10  }
0x41f: {  	v11 =	vmul.f32 $2.550000000e+02, v29  }
0x420: {  	v10 =	vtrunc.f32 v10  }
0x421: {  	v11 =	vtrunc.f32 v11;
	v10 =	vcvt.f32.s32 v10  }
0x422: {  	[tilespmem:v9+s4+$0x0] =	vst.idx.msk $0xffff, v1;
	v9 =	vcvt.f32.s32 v11  }
0x423: {  	v11 =	vld [tilespmem:s28+$0x104F0];
	v10 =	vshll.u32 v10, $0x8  }
0x424: {  	v30 =	vld [tilespmem:s28+$0x124F0];
	v9 =	vadd.s32 v9, v10;
	_ =	sdelay $0x3  }
0x425: {  	v10 =	vmul.f32 $2.550000000e+02, v11  }
0x426: {  	v11 =	vmul.f32 $2.550000000e+02, v30;
	[tilespmem:v9+s4+$0x0] =	vst.idx.msk $0xffff, v1  }
0x427: {  	v9 =	vtrunc.f32 v10;
	v10 =	vld [tilespmem:s28+$0x10470]  }
0x428: {  	v11 =	vtrunc.f32 v11;
	v31 =	vld [tilespmem:s28+$0x12470];
	v9 =	vcvt.f32.s32 v9  }
0x429: {  	v11 =	vcvt.f32.s32 v11  }
0x42a: {  	v9 =	vshll.u32 v9, $0x8  }
0x42b: {  	v9 =	vadd.s32 v11, v9  }
0x42c: {  	v10 =	vmul.f32 $2.550000000e+02, v10  }
0x42d: {  	v11 =	vmul.f32 $2.550000000e+02, v31  }
0x42e: {  	v10 =	vtrunc.f32 v10  }
0x42f: {  	v11 =	vtrunc.f32 v11;
	v10 =	vcvt.f32.s32 v10  }
0x430: {  	[tilespmem:v9+s4+$0x0] =	vst.idx.msk $0xffff, v1;
	v9 =	vcvt.f32.s32 v11  }
0x431: {  	v11 =	vld [tilespmem:s28+$0x10880];
	v10 =	vshll.u32 v10, $0x8  }
0x432: {  	v32 =	vld [tilespmem:s28+$0x12880];
	v9 =	vadd.s32 v9, v10;
	_ =	sdelay $0x3  }
0x433: {  	v10 =	vmul.f32 $2.550000000e+02, v11  }
0x434: {  	v11 =	vmul.f32 $2.550000000e+02, v32;
	[tilespmem:v9+s4+$0x0] =	vst.idx.msk $0xffff, v1  }
0x435: {  	v9 =	vtrunc.f32 v10;
	v10 =	vld [tilespmem:s28+$0x10800]  }
0x436: {  	v11 =	vtrunc.f32 v11;
	v33 =	vld [tilespmem:s28+$0x12800];
	v9 =	vcvt.f32.s32 v9  }
0x437: {  	v11 =	vcvt.f32.s32 v11  }
0x438: {  	v9 =	vshll.u32 v9, $0x8  }
0x439: {  	v9 =	vadd.s32 v11, v9  }
0x43a: {  	v10 =	vmul.f32 $2.550000000e+02, v10  }
0x43b: {  	v11 =	vmul.f32 $2.550000000e+02, v33  }
0x43c: {  	v10 =	vtrunc.f32 v10  }
0x43d: {  	v11 =	vtrunc.f32 v11;
	v10 =	vcvt.f32.s32 v10  }
0x43e: {  	[tilespmem:v9+s4+$0x0] =	vst.idx.msk $0xffff, v1;
	v9 =	vcvt.f32.s32 v11  }
0x43f: {  	v11 =	vld [tilespmem:s28+$0x10890];
	v10 =	vshll.u32 v10, $0x8  }
0x440: {  	v34 =	vld [tilespmem:s28+$0x12890];
	v9 =	vadd.s32 v9, v10;
	_ =	sdelay $0x3  }
0x441: {  	v10 =	vmul.f32 $2.550000000e+02, v11  }
0x442: {  	v11 =	vmul.f32 $2.550000000e+02, v34;
	[tilespmem:v9+s4+$0x0] =	vst.idx.msk $0xffff, v1  }
0x443: {  	v9 =	vtrunc.f32 v10;
	v10 =	vld [tilespmem:s28+$0x10810]  }
0x444: {  	v11 =	vtrunc.f32 v11;
	v35 =	vld [tilespmem:s28+$0x12810];
	v9 =	vcvt.f32.s32 v9  }
0x445: {  	v11 =	vcvt.f32.s32 v11  }
0x446: {  	v9 =	vshll.u32 v9, $0x8  }
0x447: {  	v9 =	vadd.s32 v11, v9  }
0x448: {  	v10 =	vmul.f32 $2.550000000e+02, v10  }
0x449: {  	v11 =	vmul.f32 $2.550000000e+02, v35  }
0x44a: {  	v10 =	vtrunc.f32 v10  }
0x44b: {  	v11 =	vtrunc.f32 v11;
	v10 =	vcvt.f32.s32 v10  }
0x44c: {  	[tilespmem:v9+s4+$0x0] =	vst.idx.msk $0xffff, v1;
	v9 =	vcvt.f32.s32 v11  }
0x44d: {  	v11 =	vld [tilespmem:s28+$0x108A0];
	v10 =	vshll.u32 v10, $0x8  }
0x44e: {  	v36 =	vld [tilespmem:s28+$0x128A0];
	v9 =	vadd.s32 v9, v10;
	_ =	sdelay $0x3  }
0x44f: {  	v10 =	vmul.f32 $2.550000000e+02, v11  }
0x450: {  	v11 =	vmul.f32 $2.550000000e+02, v36;
	[tilespmem:v9+s4+$0x0] =	vst.idx.msk $0xffff, v1  }
0x451: {  	v9 =	vtrunc.f32 v10;
	v10 =	vld [tilespmem:s28+$0x10820]  }
0x452: {  	v11 =	vtrunc.f32 v11;
	v37 =	vld [tilespmem:s28+$0x12820];
	v9 =	vcvt.f32.s32 v9  }
0x453: {  	v11 =	vcvt.f32.s32 v11  }
0x454: {  	v9 =	vshll.u32 v9, $0x8  }
0x455: {  	v9 =	vadd.s32 v11, v9  }
0x456: {  	v10 =	vmul.f32 $2.550000000e+02, v10  }
0x457: {  	v11 =	vmul.f32 $2.550000000e+02, v37  }
0x458: {  	v10 =	vtrunc.f32 v10  }
0x459: {  	v11 =	vtrunc.f32 v11;
	v10 =	vcvt.f32.s32 v10  }
0x45a: {  	[tilespmem:v9+s4+$0x0] =	vst.idx.msk $0xffff, v1;
	v9 =	vcvt.f32.s32 v11  }
0x45b: {  	v11 =	vld [tilespmem:s28+$0x108B0];
	v10 =	vshll.u32 v10, $0x8  }
0x45c: {  	v38 =	vld [tilespmem:s28+$0x128B0];
	v9 =	vadd.s32 v9, v10;
	_ =	sdelay $0x1  }
0x45d: {  	v7 =	vtrunc.f32 v7  }
0x45e: {  	v7 =	vcvt.f32.s32 v7;
	v8 =	vtrunc.f32 v8  }
0x45f: {  	v8 =	vcvt.f32.s32 v8;
	v10 =	vmul.f32 $2.550000000e+02, v11  }
0x460: {  	v7 =	vshll.u32 v7, $0x8;
	v11 =	vmul.f32 $2.550000000e+02, v38;
	[tilespmem:v9+s4+$0x0] =	vst.idx.msk $0xffff, v1  }
0x461: {  	v7 =	vadd.s32 v8, v7;
	v8 =	vtrunc.f32 v10;
	v9 =	vld [tilespmem:s28+$0x10830]  }
0x462: {  	v10 =	vtrunc.f32 v11;
	v11 =	vld [tilespmem:s28+$0x12830];
	v8 =	vcvt.f32.s32 v8  }
0x463: {  	v10 =	vcvt.f32.s32 v10  }
0x464: {  	v8 =	vshll.u32 v8, $0x8  }
0x465: {  	v8 =	vadd.s32 v10, v8  }
0x466: {  	[tilespmem:v7+s4+$0x0] =	vst.idx.msk $0xffff, v1;
	v7 =	vmul.f32 $2.550000000e+02, v9  }
0x467: {  	v9 =	vld [tilespmem:s25+$0x10840];
	v10 =	vmul.f32 $2.550000000e+02, v11  }
0x468: {  	v11 =	vld [tilespmem:s25+$0x12840];
	v7 =	vtrunc.f32 v7  }
0x469: {  	v10 =	vtrunc.f32 v10;
	v7 =	vcvt.f32.s32 v7  }
0x46a: {  	[tilespmem:v8+s4+$0x0] =	vst.idx.msk $0xffff, v1;
	v8 =	vcvt.f32.s32 v10  }
0x46b: {  	v10 =	vld [tilespmem:s28+$0x108C0];
	v7 =	vshll.u32 v7, $0x8  }
0x46c: {  	v9 =	vmul.f32 $2.550000000e+02, v9;
	v39 =	vld [tilespmem:s28+$0x128C0];
	v7 =	vadd.s32 v8, v7  }
0x46d: {  	v8 =	vmul.f32 $2.550000000e+02, v11  }
0x46e: {  	v9 =	vtrunc.f32 v9  }
0x46f: {  	v9 =	vcvt.f32.s32 v9;
	v8 =	vtrunc.f32 v8  }
0x470: {  	v8 =	vcvt.f32.s32 v8;
	v10 =	vmul.f32 $2.550000000e+02, v10  }
0x471: {  	v9 =	vshll.u32 v9, $0x8;
	v11 =	vmul.f32 $2.550000000e+02, v39;
	[tilespmem:v7+s4+$0x0] =	vst.idx.msk $0xffff, v1  }
0x472: {  	v7 =	vadd.s32 v8, v9;
	v8 =	vtrunc.f32 v10;
	v9 =	vld [tilespmem:s28+$0x10840]  }
0x473: {  	v10 =	vtrunc.f32 v11;
	v11 =	vld [tilespmem:s28+$0x12840];
	v8 =	vcvt.f32.s32 v8  }
0x474: {  	v10 =	vcvt.f32.s32 v10  }
0x475: {  	v8 =	vshll.u32 v8, $0x8  }
0x476: {  	v8 =	vadd.s32 v10, v8  }
0x477: {  	[tilespmem:v7+s4+$0x0] =	vst.idx.msk $0xffff, v1;
	v7 =	vmul.f32 $2.550000000e+02, v9  }
0x478: {  	v9 =	vld [tilespmem:s25+$0x10850];
	v10 =	vmul.f32 $2.550000000e+02, v11  }
0x479: {  	v11 =	vld [tilespmem:s25+$0x12850];
	v7 =	vtrunc.f32 v7  }
0x47a: {  	v10 =	vtrunc.f32 v10;
	v7 =	vcvt.f32.s32 v7  }
0x47b: {  	[tilespmem:v8+s4+$0x0] =	vst.idx.msk $0xffff, v1;
	v8 =	vcvt.f32.s32 v10  }
0x47c: {  	v10 =	vld [tilespmem:s28+$0x108D0];
	v7 =	vshll.u32 v7, $0x8  }
0x47d: {  	v9 =	vmul.f32 $2.550000000e+02, v9;
	v40 =	vld [tilespmem:s28+$0x128D0];
	v7 =	vadd.s32 v8, v7  }
0x47e: {  	v8 =	vmul.f32 $2.550000000e+02, v11  }
0x47f: {  	v9 =	vtrunc.f32 v9  }
0x480: {  	v9 =	vcvt.f32.s32 v9;
	v8 =	vtrunc.f32 v8  }
0x481: {  	v8 =	vcvt.f32.s32 v8;
	v10 =	vmul.f32 $2.550000000e+02, v10  }
0x482: {  	v9 =	vshll.u32 v9, $0x8;
	v11 =	vmul.f32 $2.550000000e+02, v40;
	[tilespmem:v7+s4+$0x0] =	vst.idx.msk $0xffff, v1  }
0x483: {  	v7 =	vadd.s32 v8, v9;
	v8 =	vtrunc.f32 v10;
	v9 =	vld [tilespmem:s28+$0x10850]  }
0x484: {  	v10 =	vtrunc.f32 v11;
	v11 =	vld [tilespmem:s28+$0x12850];
	v8 =	vcvt.f32.s32 v8  }
0x485: {  	v10 =	vcvt.f32.s32 v10  }
0x486: {  	v5 =	vadd.s32 v5, v6;
	v6 =	vshll.u32 v8, $0x8  }
0x487: {  	v6 =	vadd.s32 v10, v6  }
0x488: {  	[tilespmem:v7+s4+$0x0] =	vst.idx.msk $0xffff, v1;
	v7 =	vmul.f32 $2.550000000e+02, v9  }
0x489: {  	v8 =	vld [tilespmem:s25+$0x10860];
	v9 =	vmul.f32 $2.550000000e+02, v11  }
0x48a: {  	v10 =	vld [tilespmem:s25+$0x12860];
	v7 =	vtrunc.f32 v7  }
0x48b: {  	[tilespmem:v5+s4+$0x0] =	vst.idx.msk $0xffff, v1;
	v5 =	vcvt.f32.s32 v7;
	v7 =	vtrunc.f32 v9  }
0x48c: {  	v9 =	vld [tilespmem:s25+$0x108F0];
	[tilespmem:v6+s4+$0x0] =	vst.idx.msk $0xffff, v1;
	v6 =	vcvt.f32.s32 v7  }
0x48d: {  	v7 =	vld [tilespmem:s28+$0x108E0];
	v5 =	vshll.u32 v5, $0x8  }
0x48e: {  	v8 =	vmul.f32 $2.550000000e+02, v8;
	v11 =	vld [tilespmem:s28+$0x128E0];
	v5 =	vadd.s32 v6, v5  }
0x48f: {  	v10 =	vmul.f32 $2.550000000e+02, v10;
	v6 =	vld [tilespmem:s25+$0x128F0]  }
0x490: {  	v8 =	vtrunc.f32 v8  }
0x491: {  	v10 =	vtrunc.f32 v10;
	v8 =	vcvt.f32.s32 v8  }
0x492: {  	v10 =	vcvt.f32.s32 v10;
	v7 =	vmul.f32 $2.550000000e+02, v7  }
0x493: {  	v9 =	vmul.f32 $2.550000000e+02, v9;
	v8 =	vshll.u32 v8, $0x8;
	v11 =	vmul.f32 $2.550000000e+02, v11;
	[tilespmem:v5+s4+$0x0] =	vst.idx.msk $0xffff, v1  }
0x494: {  	v5 =	vmul.f32 $2.550000000e+02, v6;
	v6 =	vadd.s32 v10, v8;
	v7 =	vtrunc.f32 v7;
	v8 =	vld [tilespmem:s28+$0x10860]  }
0x495: {  	v10 =	vtrunc.f32 v11;
	v11 =	vld [tilespmem:s28+$0x12860];
	v7 =	vcvt.f32.s32 v7  }
0x496: {  	v9 =	vtrunc.f32 v9;
	v10 =	vcvt.f32.s32 v10  }
0x497: {  	v9 =	vcvt.f32.s32 v9;
	v5 =	vtrunc.f32 v5;
	v7 =	vshll.u32 v7, $0x8  }
0x498: {  	v5 =	vcvt.f32.s32 v5;
	v7 =	vadd.s32 v10, v7  }
0x499: {  	v9 =	vshll.u32 v9, $0x8;
	[tilespmem:v6+s4+$0x0] =	vst.idx.msk $0xffff, v1;
	v6 =	vmul.f32 $2.550000000e+02, v8  }
0x49a: {  	s1 =	sadd.s32 $0x1, s29;
	v5 =	vadd.s32 v5, v9;
	v8 =	vld [tilespmem:s25+$0x10870];
	v9 =	vmul.f32 $2.550000000e+02, v11  }
0x49b: {  	s3 =	sand.u32 $0x3, s1;
	v10 =	vld [tilespmem:s25+$0x12870];
	v6 =	vtrunc.f32 v6  }
0x49c: {  	s3 =	sshll.u32 s3, $0x8;
	v9 =	vtrunc.f32 v9;
	v6 =	vcvt.f32.s32 v6  }
0x49d: {  	s6 =	sadd.s32 s3, s24;
	[tilespmem:v7+s4+$0x0] =	vst.idx.msk $0xffff, v1;
	v7 =	vcvt.f32.s32 v9  }
0x49e: {  	s7 =	sadd.s32 $0x80, s6;
	v9 =	vld [tilespmem:s28+$0x108F0];
	v6 =	vshll.u32 v6, $0x8  }
0x49f: {  	s13 =	sor.u32 $0xC00, s7;
	[tilespmem:v5+s4+$0x0] =	vst.idx.msk $0xffff, v1;
	v5 =	vmul.f32 $2.550000000e+02, v8;
	v8 =	vld [tilespmem:s28+$0x128F0];
	v6 =	vadd.s32 v7, v6  }
0x4a0: {  	v10 =	vmul.f32 $2.550000000e+02, v10;
	v7 =	vld [tilespmem:s13+$0x10000]  }
0x4a1: {  	v5 =	vtrunc.f32 v5  }
0x4a2: {  	v10 =	vtrunc.f32 v10;
	v5 =	vcvt.f32.s32 v5  }
0x4a3: {  	v11 =	vld [tilespmem:s13+$0x12000];
	v10 =	vcvt.f32.s32 v10;
	v9 =	vmul.f32 $2.550000000e+02, v9  }
0x4a4: {  	v5 =	vshll.u32 v5, $0x8;
	v8 =	vmul.f32 $2.550000000e+02, v8;
	[tilespmem:v6+s4+$0x0] =	vst.idx.msk $0xffff, v1  }
0x4a5: {  	v6 =	vmul.f32 $2.550000000e+02, v7;
	v5 =	vadd.s32 v10, v5;
	v7 =	vtrunc.f32 v9;
	v9 =	vld [tilespmem:s28+$0x10870]  }
0x4a6: {  	v8 =	vtrunc.f32 v8;
	v10 =	vld [tilespmem:s28+$0x12870];
	v7 =	vcvt.f32.s32 v7  }
0x4a7: {  	v8 =	vcvt.f32.s32 v8  }
0x4a8: {  	v11 =	vmul.f32 $2.550000000e+02, v11;
	v6 =	vtrunc.f32 v6;
	v7 =	vshll.u32 v7, $0x8  }
0x4a9: {  	s1 =	sadd.s32 $0x1, s1;
	v6 =	vcvt.f32.s32 v6;
	v7 =	vadd.s32 v8, v7  }
0x4aa: {  	s1 =	sand.u32 $0x3, s1;
	s14 =	sor.u32 $0xC00, s6;
	v8 =	vtrunc.f32 v11;
	[tilespmem:v5+s4+$0x0] =	vst.idx.msk $0xffff, v1;
	v5 =	vmul.f32 $2.550000000e+02, v9  }
0x4ab: {  	s1 =	sshll.u32 s1, $0x8;
	v8 =	vcvt.f32.s32 v8;
	v9 =	vld [tilespmem:s14+$0x10000];
	v10 =	vmul.f32 $2.550000000e+02, v10  }
0x4ac: {  	s9 =	sadd.s32 s1, s26;
	v6 =	vshll.u32 v6, $0x8;
	v11 =	vld [tilespmem:s14+$0x12000];
	v5 =	vtrunc.f32 v5  }
0x4ad: {  	s10 =	sadd.s32 $0x80, s9;
	v6 =	vadd.s32 v8, v6;
	v8 =	vtrunc.f32 v10;
	v5 =	vcvt.f32.s32 v5  }
0x4ae: {  	s17 =	sor.u32 $0xC00, s10;
	[tilespmem:v7+s4+$0x0] =	vst.idx.msk $0xffff, v1;
	v7 =	vcvt.f32.s32 v8  }
0x4af: {  	v8 =	vld [tilespmem:s17+$0x10000];
	v5 =	vshll.u32 v5, $0x8  }
0x4b0: {  	v9 =	vmul.f32 $2.550000000e+02, v9;
	v10 =	vld [tilespmem:s17+$0x12000];
	v5 =	vadd.s32 v7, v5  }
0x4b1: {  	v7 =	vmul.f32 $2.550000000e+02, v11  }
0x4b2: {  	s18 =	sor.u32 $0xC10, s7;
	[tilespmem:v6+s4+$0x0] =	vst.idx.msk $0xffff, v1;
	v6 =	vtrunc.f32 v9  }
0x4b3: {  	v9 =	vld [tilespmem:s18+$0x10000];
	v6 =	vcvt.f32.s32 v6;
	v7 =	vtrunc.f32 v7  }
0x4b4: {  	v7 =	vcvt.f32.s32 v7;
	v8 =	vmul.f32 $2.550000000e+02, v8  }
0x4b5: {  	s19 =	sor.u32 $0xC00, s9;
	v11 =	vld [tilespmem:s18+$0x12000];
	v6 =	vshll.u32 v6, $0x8;
	v10 =	vmul.f32 $2.550000000e+02, v10;
	[tilespmem:v5+s4+$0x0] =	vst.idx.msk $0xffff, v1  }
0x4b6: {  	v5 =	vadd.s32 v7, v6;
	v6 =	vtrunc.f32 v8;
	v7 =	vld [tilespmem:s19+$0x10000]  }
0x4b7: {  	v8 =	vtrunc.f32 v10;
	v10 =	vld [tilespmem:s19+$0x12000];
	v6 =	vcvt.f32.s32 v6  }
0x4b8: {  	v9 =	vmul.f32 $2.550000000e+02, v9;
	v8 =	vcvt.f32.s32 v8  }
0x4b9: {  	v6 =	vshll.u32 v6, $0x8  }
0x4ba: {  	v11 =	vmul.f32 $2.550000000e+02, v11;
	v9 =	vtrunc.f32 v9;
	v6 =	vadd.s32 v8, v6  }
0x4bb: {  	s20 =	sor.u32 $0xC10, s6;
	v8 =	vcvt.f32.s32 v9;
	[tilespmem:v5+s4+$0x0] =	vst.idx.msk $0xffff, v1;
	v5 =	vmul.f32 $2.550000000e+02, v7  }
0x4bc: {  	v7 =	vtrunc.f32 v11;
	v9 =	vld [tilespmem:s20+$0x10000];
	v10 =	vmul.f32 $2.550000000e+02, v10  }
0x4bd: {  	v11 =	vld [tilespmem:s20+$0x12000];
	v7 =	vcvt.f32.s32 v7;
	v5 =	vtrunc.f32 v5  }
0x4be: {  	v10 =	vtrunc.f32 v10;
	v5 =	vcvt.f32.s32 v5  }
0x4bf: {  	s24 =	sor.u32 $0xC10, s10;
	v8 =	vshll.u32 v8, $0x8;
	[tilespmem:v6+s4+$0x0] =	vst.idx.msk $0xffff, v1;
	v6 =	vcvt.f32.s32 v10  }
0x4c0: {  	v7 =	vadd.s32 v7, v8;
	v8 =	vld [tilespmem:s24+$0x10000];
	v5 =	vshll.u32 v5, $0x8  }
0x4c1: {  	v9 =	vmul.f32 $2.550000000e+02, v9;
	v10 =	vld [tilespmem:s24+$0x12000];
	v5 =	vadd.s32 v6, v5  }
0x4c2: {  	v6 =	vmul.f32 $2.550000000e+02, v11  }
0x4c3: {  	v9 =	vtrunc.f32 v9  }
0x4c4: {  	v9 =	vcvt.f32.s32 v9;
	v6 =	vtrunc.f32 v6  }
0x4c5: {  	s25 =	sor.u32 $0xC20, s7;
	[tilespmem:v7+s4+$0x0] =	vst.idx.msk $0xffff, v1;
	v6 =	vcvt.f32.s32 v6;
	v7 =	vmul.f32 $2.550000000e+02, v8  }
0x4c6: {  	s26 =	sor.u32 $0xC10, s9;
	v8 =	vld [tilespmem:s25+$0x10000];
	v9 =	vshll.u32 v9, $0x8;
	v10 =	vmul.f32 $2.550000000e+02, v10;
	[tilespmem:v5+s4+$0x0] =	vst.idx.msk $0xffff, v1  }
0x4c7: {  	v5 =	vadd.s32 v6, v9;
	v6 =	vtrunc.f32 v7;
	v7 =	vld [tilespmem:s26+$0x10000]  }
0x4c8: {  	v9 =	vtrunc.f32 v10;
	v10 =	vld [tilespmem:s26+$0x12000];
	v6 =	vcvt.f32.s32 v6  }
0x4c9: {  	v11 =	vld [tilespmem:s25+$0x12000];
	v9 =	vcvt.f32.s32 v9  }
0x4ca: {  	v6 =	vshll.u32 v6, $0x8  }
0x4cb: {  	v6 =	vadd.s32 v9, v6  }
0x4cc: {  	s12 =	sor.u32 $0xC20, s6;
	[tilespmem:v5+s4+$0x0] =	vst.idx.msk $0xffff, v1;
	v5 =	vmul.f32 $2.550000000e+02, v7  }
0x4cd: {  	v7 =	vmul.f32 $2.550000000e+02, v8;
	v8 =	vld [tilespmem:s12+$0x10000];
	v9 =	vmul.f32 $2.550000000e+02, v10  }
0x4ce: {  	v10 =	vmul.f32 $2.550000000e+02, v11;
	v5 =	vtrunc.f32 v5  }
0x4cf: {  	v11 =	vld [tilespmem:s12+$0x12000];
	v9 =	vtrunc.f32 v9;
	v5 =	vcvt.f32.s32 v5  }
0x4d0: {  	s13 =	sor.u32 $0xC20, s10;
	v7 =	vtrunc.f32 v7;
	[tilespmem:v6+s4+$0x0] =	vst.idx.msk $0xffff, v1;
	v6 =	vcvt.f32.s32 v9  }
0x4d1: {  	v7 =	vcvt.f32.s32 v7;
	v9 =	vtrunc.f32 v10;
	v10 =	vld [tilespmem:s13+$0x10000];
	v5 =	vshll.u32 v5, $0x8  }
0x4d2: {  	v9 =	vcvt.f32.s32 v9;
	v8 =	vmul.f32 $2.550000000e+02, v8;
	v41 =	vld [tilespmem:s13+$0x12000];
	v5 =	vadd.s32 v6, v5  }
0x4d3: {  	v6 =	vshll.u32 v7, $0x8  }
0x4d4: {  	v7 =	vmul.f32 $2.550000000e+02, v11;
	v6 =	vadd.s32 v9, v6;
	v8 =	vtrunc.f32 v8  }
0x4d5: {  	v8 =	vcvt.f32.s32 v8  }
0x4d6: {  	v9 =	vld [tilespmem:s11+$0x12000];
	v7 =	vtrunc.f32 v7;
	v10 =	vmul.f32 $2.550000000e+02, v10  }
0x4d7: {  	s14 =	sor.u32 $0xC20, s9;
	v7 =	vcvt.f32.s32 v7;
	v11 =	vmul.f32 $2.550000000e+02, v41;
	[tilespmem:v5+s4+$0x0] =	vst.idx.msk $0xffff, v1  }
0x4d8: {  	v4 =	vmul.f32 $2.550000000e+02, v4;
	v5 =	vshll.u32 v8, $0x8;
	v8 =	vtrunc.f32 v10;
	v10 =	vld [tilespmem:s14+$0x10000]  }
0x4d9: {  	s17 =	sor.u32 $0xC30, s7;
	[tilespmem:v6+s4+$0x0] =	vst.idx.msk $0xffff, v1;
	v5 =	vadd.s32 v7, v5;
	v7 =	vtrunc.f32 v11;
	v6 =	vcvt.f32.s32 v8;
	v8 =	vld [tilespmem:s14+$0x12000]  }
0x4da: {  	v11 =	vld [tilespmem:s17+$0x10000];
	v7 =	vcvt.f32.s32 v7  }
0x4db: {  	v4 =	vtrunc.f32 v4;
	v9 =	vmul.f32 $2.550000000e+02, v9;
	v6 =	vshll.u32 v6, $0x8  }
0x4dc: {  	v4 =	vcvt.f32.s32 v4;
	v6 =	vadd.s32 v7, v6  }
0x4dd: {  	v7 =	vtrunc.f32 v9;
	v9 =	vld [tilespmem:s17+$0x12000];
	v10 =	vmul.f32 $2.550000000e+02, v10  }
0x4de: {  	s18 =	sor.u32 $0xC30, s6;
	v7 =	vcvt.f32.s32 v7;
	[tilespmem:v5+s4+$0x0] =	vst.idx.msk $0xffff, v1;
	v5 =	vmul.f32 $2.550000000e+02, v8  }
0x4df: {  	v8 =	vmul.f32 $2.550000000e+02, v11;
	v11 =	vld [tilespmem:s18+$0x10000];
	v10 =	vtrunc.f32 v10  }
0x4e0: {  	v4 =	vshll.u32 v4, $0x8;
	v10 =	vcvt.f32.s32 v10;
	v5 =	vtrunc.f32 v5  }
0x4e1: {  	s19 =	sor.u32 $0xC30, s10;
	v4 =	vadd.s32 v7, v4;
	v7 =	vld [tilespmem:s18+$0x12000];
	[tilespmem:v6+s4+$0x0] =	vst.idx.msk $0xffff, v1;
	v5 =	vcvt.f32.s32 v5  }
0x4e2: {  	v8 =	vtrunc.f32 v8;
	v6 =	vmul.f32 $2.550000000e+02, v9;
	v9 =	vld [tilespmem:s19+$0x10000];
	v10 =	vshll.u32 v10, $0x8  }
0x4e3: {  	v8 =	vcvt.f32.s32 v8;
	v42 =	vld [tilespmem:s19+$0x12000];
	v5 =	vadd.s32 v5, v10  }
0x4e4: {  	v6 =	vtrunc.f32 v6;
	v10 =	vmul.f32 $2.550000000e+02, v11  }
0x4e5: {  	v6 =	vcvt.f32.s32 v6  }
0x4e6: {  	[tilespmem:v4+s4+$0x0] =	vst.idx.msk $0xffff, v1;
	v4 =	vshll.u32 v8, $0x8;
	v7 =	vmul.f32 $2.550000000e+02, v7;
	v8 =	vtrunc.f32 v10  }
0x4e7: {  	v10 =	vld [tilespmem:s2+$0x10000];
	v4 =	vadd.s32 v6, v4;
	v6 =	vcvt.f32.s32 v8;
	v8 =	vmul.f32 $2.550000000e+02, v9  }
0x4e8: {  	s20 =	sor.u32 $0xC30, s9;
	v7 =	vtrunc.f32 v7;
	v9 =	vld [tilespmem:s2+$0x12000];
	v11 =	vmul.f32 $2.550000000e+02, v42;
	[tilespmem:v5+s4+$0x0] =	vst.idx.msk $0xffff, v1  }
0x4e9: {  	v5 =	vcvt.f32.s32 v7;
	v7 =	vtrunc.f32 v8;
	v8 =	vld [tilespmem:s20+$0x10000]  }
0x4ea: {  	v11 =	vtrunc.f32 v11;
	v43 =	vld [tilespmem:s20+$0x12000];
	v7 =	vcvt.f32.s32 v7  }
0x4eb: {  	v6 =	vshll.u32 v6, $0x8;
	v11 =	vcvt.f32.s32 v11  }
0x4ec: {  	s24 =	sor.u32 $0xC40, s7;
	[tilespmem:v4+s4+$0x0] =	vst.idx.msk $0xffff, v1;
	v4 =	vadd.s32 v5, v6;
	v5 =	vshll.u32 v7, $0x8  }
0x4ed: {  	v6 =	vmul.f32 $2.550000000e+02, v10;
	v7 =	vld [tilespmem:s24+$0x10000];
	v5 =	vadd.s32 v11, v5  }
0x4ee: {  	v9 =	vmul.f32 $2.550000000e+02, v9;
	v10 =	vld [tilespmem:s24+$0x12000];
	v8 =	vmul.f32 $2.550000000e+02, v8  }
0x4ef: {  	v6 =	vtrunc.f32 v6;
	v11 =	vmul.f32 $2.550000000e+02, v43  }
0x4f0: {  	v6 =	vcvt.f32.s32 v6;
	v8 =	vtrunc.f32 v8  }
0x4f1: {  	s25 =	sor.u32 $0xC40, s6;
	[tilespmem:v4+s4+$0x0] =	vst.idx.msk $0xffff, v1;
	v4 =	vcvt.f32.s32 v8;
	v8 =	vtrunc.f32 v11  }
0x4f2: {  	s26 =	sor.u32 $0xC40, s10;
	v7 =	vmul.f32 $2.550000000e+02, v7;
	v11 =	vld [tilespmem:s25+$0x10000];
	[tilespmem:v5+s4+$0x0] =	vst.idx.msk $0xffff, v1;
	v5 =	vcvt.f32.s32 v8  }
0x4f3: {  	v8 =	vtrunc.f32 v9;
	v9 =	vmul.f32 $2.550000000e+02, v10;
	v10 =	vld [tilespmem:s26+$0x10000];
	v4 =	vshll.u32 v4, $0x8  }
0x4f4: {  	v8 =	vcvt.f32.s32 v8;
	v7 =	vtrunc.f32 v7;
	v44 =	vld [tilespmem:s26+$0x12000];
	v4 =	vadd.s32 v5, v4  }
0x4f5: {  	v5 =	vcvt.f32.s32 v7;
	v7 =	vtrunc.f32 v9;
	v9 =	vld [tilespmem:s25+$0x12000]  }
0x4f6: {  	v6 =	vshll.u32 v6, $0x8;
	v7 =	vcvt.f32.s32 v7  }
0x4f7: {  	v6 =	vadd.s32 v8, v6;
	v5 =	vshll.u32 v5, $0x8  }
0x4f8: {  	v5 =	vadd.s32 v7, v5;
	v7 =	vmul.f32 $2.550000000e+02, v10  }
0x4f9: {  	s2 =	sor.u32 $0xC40, s9;
	v8 =	vmul.f32 $2.550000000e+02, v11;
	v10 =	vmul.f32 $2.550000000e+02, v44;
	[tilespmem:v4+s4+$0x0] =	vst.idx.msk $0xffff, v1  }
0x4fa: {  	v4 =	vmul.f32 $2.550000000e+02, v9;
	v7 =	vtrunc.f32 v7;
	v9 =	vld [tilespmem:s2+$0x10000]  }
0x4fb: {  	v10 =	vtrunc.f32 v10;
	v11 =	vld [tilespmem:s2+$0x12000];
	v7 =	vcvt.f32.s32 v7  }
0x4fc: {  	[tilespmem:v6+s4+$0x0] =	vst.idx.msk $0xffff, v1;
	v6 =	vtrunc.f32 v8;
	v8 =	vcvt.f32.s32 v10  }
0x4fd: {  	s3 =	sor.u32 $0xC50, s7;
	v10 =	vld [tilespmem:s0+$0x10000];
	v4 =	vtrunc.f32 v4;
	[tilespmem:v5+s4+$0x0] =	vst.idx.msk $0xffff, v1;
	v5 =	vcvt.f32.s32 v6;
	v6 =	vshll.u32 v7, $0x8  }
0x4fe: {  	v4 =	vcvt.f32.s32 v4;
	v7 =	vld [tilespmem:s3+$0x10000];
	v6 =	vadd.s32 v8, v6  }
0x4ff: {  	v8 =	vld [tilespmem:s3+$0x12000];
	v5 =	vshll.u32 v5, $0x8;
	v9 =	vmul.f32 $2.550000000e+02, v9  }
0x500: {  	v45 =	vld [tilespmem:s0+$0x12000];
	v4 =	vadd.s32 v4, v5;
	v5 =	vmul.f32 $2.550000000e+02, v11  }
0x501: {  	v9 =	vtrunc.f32 v9  }
0x502: {  	v5 =	vtrunc.f32 v5;
	v9 =	vcvt.f32.s32 v9  }
0x503: {  	s11 =	sor.u32 $0xC50, s10;
	v7 =	vmul.f32 $2.550000000e+02, v7;
	v5 =	vcvt.f32.s32 v5;
	[tilespmem:v6+s4+$0x0] =	vst.idx.msk $0xffff, v1  }
0x504: {  	v6 =	vmul.f32 $2.550000000e+02, v10;
	v8 =	vmul.f32 $2.550000000e+02, v8;
	v10 =	vld [tilespmem:s11+$0x10000];
	v9 =	vshll.u32 v9, $0x8  }
0x505: {  	s12 =	sor.u32 $0xC50, s6;
	v11 =	vmul.f32 $2.550000000e+02, v45;
	v7 =	vtrunc.f32 v7;
	[tilespmem:v4+s4+$0x0] =	vst.idx.msk $0xffff, v1;
	v4 =	vld [tilespmem:s11+$0x12000];
	v5 =	vadd.s32 v5, v9  }
0x506: {  	v7 =	vcvt.f32.s32 v7;
	v8 =	vtrunc.f32 v8;
	v9 =	vld [tilespmem:s12+$0x10000]  }
0x507: {  	v6 =	vtrunc.f32 v6;
	v8 =	vcvt.f32.s32 v8  }
0x508: {  	v46 =	vld [tilespmem:s12+$0x12000];
	v6 =	vcvt.f32.s32 v6;
	v7 =	vshll.u32 v7, $0x8  }
0x509: {  	v7 =	vadd.s32 v8, v7;
	v8 =	vtrunc.f32 v11;
	v10 =	vmul.f32 $2.550000000e+02, v10  }
0x50a: {  	s13 =	sor.u32 $0xC50, s9;
	v8 =	vcvt.f32.s32 v8;
	v4 =	vmul.f32 $2.550000000e+02, v4;
	[tilespmem:v5+s4+$0x0] =	vst.idx.msk $0xffff, v1  }
0x50b: {  	v5 =	vshll.u32 v6, $0x8;
	v6 =	vmul.f32 $2.550000000e+02, v9;
	v9 =	vtrunc.f32 v10;
	v10 =	vld [tilespmem:s13+$0x10000]  }
0x50c: {  	v5 =	vadd.s32 v8, v5;
	v4 =	vtrunc.f32 v4;
	v8 =	vcvt.f32.s32 v9;
	v9 =	vld [tilespmem:s13+$0x12000]  }
0x50d: {  	v11 =	vmul.f32 $2.550000000e+02, v46;
	v4 =	vcvt.f32.s32 v4  }
0x50e: {  	s14 =	sor.u32 $0xC60, s7;
	v6 =	vtrunc.f32 v6;
	[tilespmem:v7+s4+$0x0] =	vst.idx.msk $0xffff, v1;
	v7 =	vshll.u32 v8, $0x8  }
0x50f: {  	v6 =	vcvt.f32.s32 v6;
	v8 =	vld [tilespmem:s14+$0x10000];
	v4 =	vadd.s32 v4, v7;
	v7 =	vtrunc.f32 v11  }
0x510: {  	v11 =	vld [tilespmem:s14+$0x12000];
	v7 =	vcvt.f32.s32 v7;
	v10 =	vmul.f32 $2.550000000e+02, v10  }
0x511: {  	[tilespmem:v5+s4+$0x0] =	vst.idx.msk $0xffff, v1;
	v5 =	vshll.u32 v6, $0x8;
	v6 =	vmul.f32 $2.550000000e+02, v9  }
0x512: {  	v9 =	vld [tilespmem:s31+$0x10000];
	v5 =	vadd.s32 v7, v5;
	v7 =	vtrunc.f32 v10  }
0x513: {  	v7 =	vcvt.f32.s32 v7;
	v6 =	vtrunc.f32 v6  }
0x514: {  	s17 =	sor.u32 $0xC60, s10;
	v10 =	vld [tilespmem:s31+$0x12000];
	v8 =	vmul.f32 $2.550000000e+02, v8;
	[tilespmem:v4+s4+$0x0] =	vst.idx.msk $0xffff, v1;
	v4 =	vcvt.f32.s32 v6  }
0x515: {  	v6 =	vmul.f32 $2.550000000e+02, v11;
	v11 =	vld [tilespmem:s17+$0x10000];
	v7 =	vshll.u32 v7, $0x8  }
0x516: {  	v8 =	vtrunc.f32 v8;
	v47 =	vld [tilespmem:s17+$0x12000];
	v4 =	vadd.s32 v4, v7  }
0x517: {  	s18 =	sor.u32 $0xC60, s6;
	v6 =	vtrunc.f32 v6;
	v7 =	vmul.f32 $2.550000000e+02, v9;
	[tilespmem:v5+s4+$0x0] =	vst.idx.msk $0xffff, v1  }
0x518: {  	v5 =	vcvt.f32.s32 v8;
	v6 =	vcvt.f32.s32 v6;
	v8 =	vld [tilespmem:s18+$0x10000]  }
0x519: {  	v9 =	vmul.f32 $2.550000000e+02, v10;
	v7 =	vtrunc.f32 v7  }
0x51a: {  	v5 =	vshll.u32 v5, $0x8;
	v7 =	vcvt.f32.s32 v7;
	v10 =	vmul.f32 $2.550000000e+02, v11;
	v11 =	vld [tilespmem:s18+$0x12000]  }
0x51b: {  	s19 =	sor.u32 $0xC60, s9;
	v5 =	vadd.s32 v6, v5;
	v6 =	vtrunc.f32 v9;
	v9 =	vmul.f32 $2.550000000e+02, v47;
	[tilespmem:v4+s4+$0x0] =	vst.idx.msk $0xffff, v1  }
0x51c: {  	v4 =	vcvt.f32.s32 v6;
	v6 =	vtrunc.f32 v10;
	v10 =	vld [tilespmem:s19+$0x10000]  }
0x51d: {  	v7 =	vshll.u32 v7, $0x8;
	v9 =	vtrunc.f32 v9;
	v48 =	vld [tilespmem:s19+$0x12000];
	v8 =	vmul.f32 $2.550000000e+02, v8  }
0x51e: {  	v4 =	vadd.s32 v4, v7;
	v6 =	vcvt.f32.s32 v6;
	v7 =	vcvt.f32.s32 v9  }
0x51f: {  	v9 =	vmul.f32 $2.550000000e+02, v11;
	v8 =	vtrunc.f32 v8  }
0x520: {  	s20 =	sor.u32 $0xC70, s7;
	[tilespmem:v5+s4+$0x0] =	vst.idx.msk $0xffff, v1;
	v5 =	vshll.u32 v6, $0x8;
	v6 =	vcvt.f32.s32 v8  }
0x521: {  	v8 =	vld [tilespmem:s20+$0x10000];
	v5 =	vadd.s32 v7, v5;
	v7 =	vtrunc.f32 v9;
	v9 =	vmul.f32 $2.550000000e+02, v10  }
0x522: {  	v10 =	vld [tilespmem:s20+$0x12000];
	v11 =	vmul.f32 $2.550000000e+02, v48;
	v7 =	vcvt.f32.s32 v7  }
0x523: {  	[tilespmem:v4+s4+$0x0] =	vst.idx.msk $0xffff, v1;
	v4 =	vshll.u32 v6, $0x8;
	v6 =	vtrunc.f32 v9  }
0x524: {  	v9 =	vld [tilespmem:s30+$0x10000];
	v4 =	vadd.s32 v7, v4;
	v6 =	vcvt.f32.s32 v6;
	v7 =	vtrunc.f32 v11  }
0x525: {  	v7 =	vcvt.f32.s32 v7  }
0x526: {  	s24 =	sor.u32 $0xC70, s10;
	v11 =	vld [tilespmem:s30+$0x12000];
	v8 =	vmul.f32 $2.550000000e+02, v8;
	[tilespmem:v5+s4+$0x0] =	vst.idx.msk $0xffff, v1;
	v5 =	vshll.u32 v6, $0x8  }
0x527: {  	v6 =	vmul.f32 $2.550000000e+02, v10;
	v10 =	vld [tilespmem:s24+$0x10000];
	v5 =	vadd.s32 v7, v5  }
0x528: {  	v3 =	vcvt.f32.s32 v3;
	v7 =	vtrunc.f32 v8;
	v8 =	vld [tilespmem:s24+$0x12000]  }
0x529: {  	s25 =	sor.u32 $0xC70, s6;
	v6 =	vtrunc.f32 v6;
	v9 =	vmul.f32 $2.550000000e+02, v9;
	[tilespmem:v4+s4+$0x0] =	vst.idx.msk $0xffff, v1  }
0x52a: {  	v4 =	vcvt.f32.s32 v7;
	v6 =	vcvt.f32.s32 v6;
	v7 =	vld [tilespmem:s25+$0x10000]  }
0x52b: {  	v11 =	vmul.f32 $2.550000000e+02, v11;
	v9 =	vtrunc.f32 v9  }
0x52c: {  	s26 =	sor.u32 $0xC70, s9;
	v49 =	vld [tilespmem:s25+$0x12000];
	v9 =	vcvt.f32.s32 v9;
	v10 =	vmul.f32 $2.550000000e+02, v10;
	[tilespmem:v5+s4+$0x0] =	vst.idx.msk $0xffff, v1  }
0x52d: {  	v5 =	vtrunc.f32 v11;
	v8 =	vmul.f32 $2.550000000e+02, v8;
	v11 =	vld [tilespmem:s26+$0x10000]  }
0x52e: {  	v2 =	vadd.s32 v3, v2;
	v5 =	vcvt.f32.s32 v5;
	v10 =	vtrunc.f32 v10;
	v13 =	vld [tilespmem:s26+$0x12000]  }
0x52f: {  	v4 =	vshll.u32 v4, $0x8;
	v8 =	vtrunc.f32 v8;
	v7 =	vmul.f32 $2.550000000e+02, v7  }
0x530: {  	v4 =	vadd.s32 v6, v4;
	v3 =	vcvt.f32.s32 v10;
	v8 =	vcvt.f32.s32 v8  }
0x531: {  	v9 =	vshll.u32 v9, $0x8;
	v10 =	vmul.f32 $2.550000000e+02, v49;
	v7 =	vtrunc.f32 v7  }
0x532: {  	v5 =	vadd.s32 v5, v9;
	v6 =	vcvt.f32.s32 v7;
	v7 =	vmul.f32 $2.550000000e+02, v11  }
0x533: {  	v3 =	vshll.u32 v3, $0x8;
	v10 =	vtrunc.f32 v10;
	v11 =	vmul.f32 $2.550000000e+02, v13  }
0x534: {  	v3 =	vadd.s32 v8, v3;
	v9 =	vcvt.f32.s32 v10;
	v7 =	vtrunc.f32 v7  }
0x535: {  	v10 =	vtrunc.f32 v11;
	v7 =	vcvt.f32.s32 v7  }
0x536: {  	[tilespmem:v2+s4+$0x0] =	vst.idx.msk $0xffff, v1;
	v6 =	vshll.u32 v6, $0x8;
	v8 =	vcvt.f32.s32 v10  }
0x537: {  	[tilespmem:v4+s4+$0x0] =	vst.idx.msk $0xffff, v1;
	v6 =	vadd.s32 v9, v6;
	v7 =	vshll.u32 v7, $0x8  }
0x538: {  	[tilespmem:v5+s4+$0x0] =	vst.idx.msk $0xffff, v1;
	v2 =	vadd.s32 v8, v7  }
0x539: {  	[tilespmem:v3+s4+$0x0] =	vst.idx.msk $0xffff, v1  }
0x53a: {  	p0 =	seq.s32 s22, $0x17;
	s0 =	rddreg [dreg:$0x6]  }
0x53b: {  	s0 =	sadd.s32 @!p0 s0, s23  }
0x53c: {  	s1 =	rddreg [dreg:$0x0];
	s0 =	sshrl.u32 @!p0 s0, $0x3;
	[tilespmem:v6+s4+$0x0] =	vst.idx.msk $0xffff, v1  }
0x53d: {  	s2 =	simm.s32 @!p0 $0x0;
	s3 =	simm.s32 @!p0 $0x10000;
	s1 =	sadd.s32 @!p0 s1, s0;
	[tilespmem:v2+s4+$0x0] =	vst.idx.msk $0xffff, v1  }
0x53e: {  	[tilespmem:s3], [sflag:$0x1] =	stream.linear.gather @!p0 [hbm4b:s1+s2], $0x2000, $0x38;
	[tilespmem:$0x18000] =	vst v63  }
0x53f: {  	s0 =	sadd.s32 @!p0 s5, s0;
	s1 =	simm.s32 @!p0 $0x12000  }
0x540: {  	[tilespmem:s1], [sflag:$0x1] =	stream.linear.gather @!p0 [hbm4b:s0+s2], $0x2000, $0x38;
	[tilespmem:$0x18000] =	vst v63  }
0x541: {  	_ =	swait.ge [sflag:s16], $0x2000  }
0x542: {  	[sflag:s16] =	ssyncset.done $0x0  }
0x543: {  	[sflag:s16] =	ssyncadd.s32 $0xFFFFE000  }
0x544: {  	s31 =	simm.s32 $0x0;
	_ =	swait.ge [sflag:s16], $0x2000  }
0x545: {  	s6 =	sand.u32 $0x300, s31;
	s3 =	sand.u32 $0x1000, s31;
	[sflag:s16] =	ssyncset.done $0x0  }
0x546: {  	s7 =	sor.u32 s6, s3;
	[sflag:s16] =	ssyncadd.s32 $0xFFFFE000  }
0x547: {  	v2 =	vld [tilespmem:s7+$0x14080]  }
0x548: {  	v3 =	vld [tilespmem:s7+$0x16080];
	_ =	sdelay $0x3  }
0x549: {  	v2 =	vmul.f32 $2.550000000e+02, v2  }
0x54a: {  	v3 =	vmul.f32 $2.550000000e+02, v3  }
0x54b: {  	v2 =	vtrunc.f32 v2  }
0x54c: {  	v3 =	vtrunc.f32 v3;
	v2 =	vcvt.f32.s32 v2  }
0x54d: {  	v3 =	vcvt.f32.s32 v3  }
0x54e: {  	v2 =	vshll.u32 v2, $0x8  }
0x54f: {  	v2 =	vadd.s32 v3, v2;
	_ =	sdelay $0x1  }
0x550: {  	v3 =	vld [tilespmem:s7+$0x14000]  }
0x551: {  	v4 =	vld [tilespmem:s7+$0x16000];
	_ =	sdelay $0x1  }
0x552: {  	[tilespmem:v2+s4+$0x0] =	vst.idx.msk $0xffff, v1  }
0x553: {  	v2 =	vld [tilespmem:s7+$0x14090]  }
0x554: {  	v3 =	vmul.f32 $2.550000000e+02, v3;
	v5 =	vld [tilespmem:s7+$0x16090]  }
0x555: {  	v4 =	vmul.f32 $2.550000000e+02, v4  }
0x556: {  	v3 =	vtrunc.f32 v3  }
0x557: {  	v4 =	vtrunc.f32 v4;
	v3 =	vcvt.f32.s32 v3  }
0x558: {  	v4 =	vcvt.f32.s32 v4;
	v2 =	vmul.f32 $2.550000000e+02, v2  }
0x559: {  	v3 =	vshll.u32 v3, $0x8;
	v5 =	vmul.f32 $2.550000000e+02, v5  }
0x55a: {  	v3 =	vadd.s32 v4, v3;
	v2 =	vtrunc.f32 v2  }
0x55b: {  	v4 =	vtrunc.f32 v5;
	v2 =	vcvt.f32.s32 v2  }
0x55c: {  	v4 =	vcvt.f32.s32 v4  }
0x55d: {  	v2 =	vshll.u32 v2, $0x8  }
0x55e: {  	v2 =	vadd.s32 v4, v2  }
0x55f: {  	[tilespmem:v3+s4+$0x0] =	vst.idx.msk $0xffff, v1  }
0x560: {  	v3 =	vld [tilespmem:s7+$0x14010]  }
0x561: {  	v4 =	vld [tilespmem:s7+$0x16010];
	_ =	sdelay $0x1  }
0x562: {  	[tilespmem:v2+s4+$0x0] =	vst.idx.msk $0xffff, v1  }
0x563: {  	v2 =	vld [tilespmem:s7+$0x140A0]  }
0x564: {  	v3 =	vmul.f32 $2.550000000e+02, v3;
	v5 =	vld [tilespmem:s7+$0x160A0]  }
0x565: {  	v4 =	vmul.f32 $2.550000000e+02, v4  }
0x566: {  	v3 =	vtrunc.f32 v3  }
0x567: {  	v4 =	vtrunc.f32 v4;
	v3 =	vcvt.f32.s32 v3  }
0x568: {  	v4 =	vcvt.f32.s32 v4;
	v2 =	vmul.f32 $2.550000000e+02, v2  }
0x569: {  	v3 =	vshll.u32 v3, $0x8;
	v5 =	vmul.f32 $2.550000000e+02, v5  }
0x56a: {  	v3 =	vadd.s32 v4, v3;
	v2 =	vtrunc.f32 v2  }
0x56b: {  	v4 =	vtrunc.f32 v5;
	v2 =	vcvt.f32.s32 v2  }
0x56c: {  	v4 =	vcvt.f32.s32 v4  }
0x56d: {  	v2 =	vshll.u32 v2, $0x8  }
0x56e: {  	v2 =	vadd.s32 v4, v2  }
0x56f: {  	[tilespmem:v3+s4+$0x0] =	vst.idx.msk $0xffff, v1  }
0x570: {  	v3 =	vld [tilespmem:s7+$0x14020]  }
0x571: {  	v4 =	vld [tilespmem:s7+$0x16020];
	_ =	sdelay $0x1  }
0x572: {  	[tilespmem:v2+s4+$0x0] =	vst.idx.msk $0xffff, v1  }
0x573: {  	v2 =	vld [tilespmem:s7+$0x140B0]  }
0x574: {  	v3 =	vmul.f32 $2.550000000e+02, v3;
	v5 =	vld [tilespmem:s7+$0x160B0]  }
0x575: {  	v4 =	vmul.f32 $2.550000000e+02, v4  }
0x576: {  	v3 =	vtrunc.f32 v3  }
0x577: {  	v4 =	vtrunc.f32 v4;
	v3 =	vcvt.f32.s32 v3  }
0x578: {  	v4 =	vcvt.f32.s32 v4;
	v2 =	vmul.f32 $2.550000000e+02, v2  }
0x579: {  	v3 =	vshll.u32 v3, $0x8;
	v5 =	vmul.f32 $2.550000000e+02, v5  }
0x57a: {  	v3 =	vadd.s32 v4, v3;
	v2 =	vtrunc.f32 v2  }
0x57b: {  	v4 =	vtrunc.f32 v5;
	v2 =	vcvt.f32.s32 v2  }
0x57c: {  	v4 =	vcvt.f32.s32 v4  }
0x57d: {  	v2 =	vshll.u32 v2, $0x8  }
0x57e: {  	v2 =	vadd.s32 v4, v2  }
0x57f: {  	[tilespmem:v3+s4+$0x0] =	vst.idx.msk $0xffff, v1  }
0x580: {  	v3 =	vld [tilespmem:s7+$0x14030]  }
0x581: {  	v4 =	vld [tilespmem:s7+$0x16030];
	_ =	sdelay $0x1  }
0x582: {  	[tilespmem:v2+s4+$0x0] =	vst.idx.msk $0xffff, v1  }
0x583: {  	v2 =	vld [tilespmem:s7+$0x140C0]  }
0x584: {  	v3 =	vmul.f32 $2.550000000e+02, v3;
	v5 =	vld [tilespmem:s7+$0x160C0]  }
0x585: {  	v4 =	vmul.f32 $2.550000000e+02, v4  }
0x586: {  	v3 =	vtrunc.f32 v3  }
0x587: {  	v4 =	vtrunc.f32 v4;
	v3 =	vcvt.f32.s32 v3  }
0x588: {  	v4 =	vcvt.f32.s32 v4;
	v2 =	vmul.f32 $2.550000000e+02, v2  }
0x589: {  	v3 =	vshll.u32 v3, $0x8;
	v5 =	vmul.f32 $2.550000000e+02, v5  }
0x58a: {  	v3 =	vadd.s32 v4, v3;
	v2 =	vtrunc.f32 v2  }
0x58b: {  	v4 =	vtrunc.f32 v5;
	v2 =	vcvt.f32.s32 v2  }
0x58c: {  	v4 =	vcvt.f32.s32 v4  }
0x58d: {  	v2 =	vshll.u32 v2, $0x8  }
0x58e: {  	v2 =	vadd.s32 v4, v2  }
0x58f: {  	[tilespmem:v3+s4+$0x0] =	vst.idx.msk $0xffff, v1  }
0x590: {  	v3 =	vld [tilespmem:s7+$0x14040]  }
0x591: {  	v4 =	vld [tilespmem:s7+$0x16040];
	_ =	sdelay $0x1  }
0x592: {  	[tilespmem:v2+s4+$0x0] =	vst.idx.msk $0xffff, v1  }
0x593: {  	v2 =	vld [tilespmem:s7+$0x140D0]  }
0x594: {  	v3 =	vmul.f32 $2.550000000e+02, v3;
	v5 =	vld [tilespmem:s7+$0x160D0]  }
0x595: {  	v4 =	vmul.f32 $2.550000000e+02, v4  }
0x596: {  	v3 =	vtrunc.f32 v3  }
0x597: {  	v4 =	vtrunc.f32 v4;
	v3 =	vcvt.f32.s32 v3  }
0x598: {  	v4 =	vcvt.f32.s32 v4;
	v2 =	vmul.f32 $2.550000000e+02, v2  }
0x599: {  	v3 =	vshll.u32 v3, $0x8;
	v5 =	vmul.f32 $2.550000000e+02, v5  }
0x59a: {  	v3 =	vadd.s32 v4, v3;
	v2 =	vtrunc.f32 v2  }
0x59b: {  	v4 =	vtrunc.f32 v5;
	v2 =	vcvt.f32.s32 v2  }
0x59c: {  	v4 =	vcvt.f32.s32 v4  }
0x59d: {  	v2 =	vshll.u32 v2, $0x8  }
0x59e: {  	v2 =	vadd.s32 v4, v2  }
0x59f: {  	[tilespmem:v3+s4+$0x0] =	vst.idx.msk $0xffff, v1  }
0x5a0: {  	v3 =	vld [tilespmem:s7+$0x14050]  }
0x5a1: {  	v4 =	vld [tilespmem:s7+$0x16050];
	_ =	sdelay $0x1  }
0x5a2: {  	[tilespmem:v2+s4+$0x0] =	vst.idx.msk $0xffff, v1  }
0x5a3: {  	v2 =	vld [tilespmem:s7+$0x140E0]  }
0x5a4: {  	v3 =	vmul.f32 $2.550000000e+02, v3;
	v5 =	vld [tilespmem:s7+$0x160E0]  }
0x5a5: {  	v4 =	vmul.f32 $2.550000000e+02, v4  }
0x5a6: {  	v3 =	vtrunc.f32 v3  }
0x5a7: {  	v4 =	vtrunc.f32 v4;
	v3 =	vcvt.f32.s32 v3  }
0x5a8: {  	v4 =	vcvt.f32.s32 v4;
	v2 =	vmul.f32 $2.550000000e+02, v2  }
0x5a9: {  	v3 =	vshll.u32 v3, $0x8;
	v5 =	vmul.f32 $2.550000000e+02, v5  }
0x5aa: {  	v3 =	vadd.s32 v4, v3;
	v2 =	vtrunc.f32 v2  }
0x5ab: {  	v4 =	vtrunc.f32 v5;
	v2 =	vcvt.f32.s32 v2  }
0x5ac: {  	v4 =	vcvt.f32.s32 v4  }
0x5ad: {  	v2 =	vshll.u32 v2, $0x8  }
0x5ae: {  	v2 =	vadd.s32 v4, v2  }
0x5af: {  	[tilespmem:v3+s4+$0x0] =	vst.idx.msk $0xffff, v1  }
0x5b0: {  	v3 =	vld [tilespmem:s7+$0x14060]  }
0x5b1: {  	v4 =	vld [tilespmem:s7+$0x16060];
	_ =	sdelay $0x1  }
0x5b2: {  	[tilespmem:v2+s4+$0x0] =	vst.idx.msk $0xffff, v1  }
0x5b3: {  	v2 =	vld [tilespmem:s7+$0x140F0]  }
0x5b4: {  	v3 =	vmul.f32 $2.550000000e+02, v3;
	v5 =	vld [tilespmem:s7+$0x160F0]  }
0x5b5: {  	v4 =	vmul.f32 $2.550000000e+02, v4  }
0x5b6: {  	v3 =	vtrunc.f32 v3  }
0x5b7: {  	v4 =	vtrunc.f32 v4;
	v3 =	vcvt.f32.s32 v3  }
0x5b8: {  	v4 =	vcvt.f32.s32 v4;
	v2 =	vmul.f32 $2.550000000e+02, v2  }
0x5b9: {  	v3 =	vshll.u32 v3, $0x8;
	v5 =	vmul.f32 $2.550000000e+02, v5  }
0x5ba: {  	v3 =	vadd.s32 v4, v3;
	v2 =	vtrunc.f32 v2  }
0x5bb: {  	v4 =	vtrunc.f32 v5;
	v2 =	vcvt.f32.s32 v2  }
0x5bc: {  	v4 =	vcvt.f32.s32 v4  }
0x5bd: {  	v2 =	vshll.u32 v2, $0x8  }
0x5be: {  	v2 =	vadd.s32 v4, v2  }
0x5bf: {  	[tilespmem:v3+s4+$0x0] =	vst.idx.msk $0xffff, v1  }
0x5c0: {  	v3 =	vld [tilespmem:s7+$0x14070]  }
0x5c1: {  	v4 =	vld [tilespmem:s7+$0x16070];
	_ =	sdelay $0x1  }
0x5c2: {  	[tilespmem:v2+s4+$0x0] =	vst.idx.msk $0xffff, v1  }
0x5c3: {  	v2 =	vld [tilespmem:s7+$0x14480]  }
0x5c4: {  	v3 =	vmul.f32 $2.550000000e+02, v3;
	v5 =	vld [tilespmem:s7+$0x16480]  }
0x5c5: {  	v4 =	vmul.f32 $2.550000000e+02, v4  }
0x5c6: {  	v3 =	vtrunc.f32 v3  }
0x5c7: {  	v4 =	vtrunc.f32 v4;
	v3 =	vcvt.f32.s32 v3  }
0x5c8: {  	v4 =	vcvt.f32.s32 v4;
	v2 =	vmul.f32 $2.550000000e+02, v2  }
0x5c9: {  	v3 =	vshll.u32 v3, $0x8;
	v5 =	vmul.f32 $2.550000000e+02, v5  }
0x5ca: {  	v3 =	vadd.s32 v4, v3;
	v2 =	vtrunc.f32 v2  }
0x5cb: {  	v4 =	vtrunc.f32 v5;
	v2 =	vcvt.f32.s32 v2  }
0x5cc: {  	v4 =	vcvt.f32.s32 v4  }
0x5cd: {  	v2 =	vshll.u32 v2, $0x8  }
0x5ce: {  	v2 =	vadd.s32 v4, v2  }
0x5cf: {  	[tilespmem:v3+s4+$0x0] =	vst.idx.msk $0xffff, v1  }
0x5d0: {  	v3 =	vld [tilespmem:s7+$0x14400]  }
0x5d1: {  	v4 =	vld [tilespmem:s7+$0x16400];
	_ =	sdelay $0x1  }
0x5d2: {  	[tilespmem:v2+s4+$0x0] =	vst.idx.msk $0xffff, v1  }
0x5d3: {  	v2 =	vld [tilespmem:s7+$0x14490]  }
0x5d4: {  	v3 =	vmul.f32 $2.550000000e+02, v3;
	v5 =	vld [tilespmem:s7+$0x16490]  }
0x5d5: {  	v4 =	vmul.f32 $2.550000000e+02, v4  }
0x5d6: {  	v3 =	vtrunc.f32 v3  }
0x5d7: {  	v4 =	vtrunc.f32 v4;
	v3 =	vcvt.f32.s32 v3  }
0x5d8: {  	v4 =	vcvt.f32.s32 v4;
	v2 =	vmul.f32 $2.550000000e+02, v2  }
0x5d9: {  	v3 =	vshll.u32 v3, $0x8;
	v5 =	vmul.f32 $2.550000000e+02, v5  }
0x5da: {  	v3 =	vadd.s32 v4, v3;
	v2 =	vtrunc.f32 v2  }
0x5db: {  	v4 =	vtrunc.f32 v5;
	v2 =	vcvt.f32.s32 v2  }
0x5dc: {  	v4 =	vcvt.f32.s32 v4  }
0x5dd: {  	v2 =	vshll.u32 v2, $0x8  }
0x5de: {  	v2 =	vadd.s32 v4, v2  }
0x5df: {  	[tilespmem:v3+s4+$0x0] =	vst.idx.msk $0xffff, v1  }
0x5e0: {  	v3 =	vld [tilespmem:s7+$0x14410]  }
0x5e1: {  	v4 =	vld [tilespmem:s7+$0x16410];
	_ =	sdelay $0x1  }
0x5e2: {  	[tilespmem:v2+s4+$0x0] =	vst.idx.msk $0xffff, v1  }
0x5e3: {  	v2 =	vld [tilespmem:s7+$0x144A0]  }
0x5e4: {  	v5 =	vld [tilespmem:s7+$0x164A0]  }
0x5e5: {  	v3 =	vmul.f32 $2.550000000e+02, v3;
	v4 =	vmul.f32 $2.550000000e+02, v4;
	_ =	sdelay $0x1  }
0x5e6: {  	v3 =	vtrunc.f32 v3;
	v4 =	vtrunc.f32 v4  }
0x5e7: {  	v3 =	vcvt.f32.s32 v3;
	v2 =	vmul.f32 $2.550000000e+02, v2  }
0x5e8: {  	v4 =	vcvt.f32.s32 v4;
	v5 =	vmul.f32 $2.550000000e+02, v5  }
0x5e9: {  	v3 =	vshll.u32 v3, $0x8;
	v2 =	vtrunc.f32 v2  }
0x5ea: {  	v3 =	vadd.s32 v4, v3;
	v4 =	vtrunc.f32 v5;
	v2 =	vcvt.f32.s32 v2  }
0x5eb: {  	v4 =	vcvt.f32.s32 v4  }
0x5ec: {  	v2 =	vshll.u32 v2, $0x8  }
0x5ed: {  	v2 =	vadd.s32 v4, v2;
	_ =	sdelay $0x2  }
0x5ee: {  	[tilespmem:v3+s4+$0x0] =	vst.idx.msk $0xffff, v1  }
0x5ef: {  	v3 =	vld [tilespmem:s7+$0x14420]  }
0x5f0: {  	v4 =	vld [tilespmem:s7+$0x16420];
	[tilespmem:v2+s4+$0x0] =	vst.idx.msk $0xffff, v1  }
0x5f1: {  	v2 =	vld [tilespmem:s7+$0x144B0]  }
0x5f2: {  	s10 =	simm.s32 $0x400;
	s9 =	simm.s32 $0x100;
	v5 =	vld [tilespmem:s7+$0x164B0]  }
0x5f3: {  	s1 =	sand.u32 $0x1000, s10;
	s0 =	sand.u32 $0x300, s9  }
0x5f4: {  	s0 =	sor.u32 s0, s1  }
0x5f5: {  	v6 =	vld [tilespmem:s0+$0x14080]  }
0x5f6: {  	v7 =	vld [tilespmem:s0+$0x16080];
	v2 =	vmul.f32 $2.550000000e+02, v2  }
0x5f7: {  	v5 =	vmul.f32 $2.550000000e+02, v5  }
0x5f8: {  	v2 =	vtrunc.f32 v2  }
0x5f9: {  	v5 =	vtrunc.f32 v5;
	v2 =	vcvt.f32.s32 v2  }
0x5fa: {  	v6 =	vmul.f32 $2.550000000e+02, v6;
	v5 =	vcvt.f32.s32 v5  }
0x5fb: {  	v7 =	vmul.f32 $2.550000000e+02, v7;
	v2 =	vshll.u32 v2, $0x8  }
0x5fc: {  	v2 =	vadd.s32 v5, v2;
	v5 =	vtrunc.f32 v6  }
0x5fd: {  	v6 =	vtrunc.f32 v7;
	v5 =	vcvt.f32.s32 v5  }
0x5fe: {  	v7 =	vld [tilespmem:s0+$0x14000];
	v6 =	vcvt.f32.s32 v6  }
0x5ff: {  	v8 =	vld [tilespmem:s0+$0x16000];
	v5 =	vshll.u32 v5, $0x8  }
0x600: {  	v5 =	vadd.s32 v6, v5  }
0x601: {  	[tilespmem:v2+s4+$0x0] =	vst.idx.msk $0xffff, v1  }
0x602: {  	v2 =	vld [tilespmem:s7+$0x144C0]  }
0x603: {  	v6 =	vmul.f32 $2.550000000e+02, v7;
	v7 =	vld [tilespmem:s7+$0x164C0]  }
0x604: {  	v8 =	vmul.f32 $2.550000000e+02, v8  }
0x605: {  	v6 =	vtrunc.f32 v6;
	[tilespmem:v5+s4+$0x0] =	vst.idx.msk $0xffff, v1  }
0x606: {  	v5 =	vcvt.f32.s32 v6;
	v6 =	vtrunc.f32 v8;
	v8 =	vld [tilespmem:s0+$0x14090]  }
0x607: {  	v6 =	vcvt.f32.s32 v6;
	v9 =	vld [tilespmem:s0+$0x16090];
	v2 =	vmul.f32 $2.550000000e+02, v2  }
0x608: {  	v5 =	vshll.u32 v5, $0x8;
	v7 =	vmul.f32 $2.550000000e+02, v7  }
0x609: {  	v5 =	vadd.s32 v6, v5;
	v2 =	vtrunc.f32 v2  }
0x60a: {  	v6 =	vtrunc.f32 v7;
	v2 =	vcvt.f32.s32 v2  }
0x60b: {  	v6 =	vcvt.f32.s32 v6;
	v7 =	vmul.f32 $2.550000000e+02, v8  }
0x60c: {  	v8 =	vmul.f32 $2.550000000e+02, v9;
	v2 =	vshll.u32 v2, $0x8  }
0x60d: {  	v2 =	vadd.s32 v6, v2;
	v6 =	vtrunc.f32 v7  }
0x60e: {  	[tilespmem:v5+s4+$0x0] =	vst.idx.msk $0xffff, v1;
	v5 =	vcvt.f32.s32 v6;
	v6 =	vtrunc.f32 v8  }
0x60f: {  	v7 =	vld [tilespmem:s0+$0x14010];
	v6 =	vcvt.f32.s32 v6  }
0x610: {  	v8 =	vld [tilespmem:s0+$0x16010];
	v5 =	vshll.u32 v5, $0x8  }
0x611: {  	v5 =	vadd.s32 v6, v5  }
0x612: {  	[tilespmem:v2+s4+$0x0] =	vst.idx.msk $0xffff, v1  }
0x613: {  	v2 =	vld [tilespmem:s7+$0x144D0]  }
0x614: {  	v6 =	vmul.f32 $2.550000000e+02, v7;
	v7 =	vld [tilespmem:s7+$0x164D0]  }
0x615: {  	v8 =	vmul.f32 $2.550000000e+02, v8  }
0x616: {  	v6 =	vtrunc.f32 v6;
	[tilespmem:v5+s4+$0x0] =	vst.idx.msk $0xffff, v1  }
0x617: {  	v5 =	vcvt.f32.s32 v6;
	v6 =	vtrunc.f32 v8;
	v8 =	vld [tilespmem:s0+$0x140A0]  }
0x618: {  	v6 =	vcvt.f32.s32 v6;
	v9 =	vld [tilespmem:s0+$0x160A0];
	v2 =	vmul.f32 $2.550000000e+02, v2  }
0x619: {  	v5 =	vshll.u32 v5, $0x8;
	v7 =	vmul.f32 $2.550000000e+02, v7  }
0x61a: {  	v5 =	vadd.s32 v6, v5;
	v2 =	vtrunc.f32 v2  }
0x61b: {  	v6 =	vtrunc.f32 v7;
	v2 =	vcvt.f32.s32 v2  }
0x61c: {  	v6 =	vcvt.f32.s32 v6;
	v7 =	vmul.f32 $2.550000000e+02, v8  }
0x61d: {  	v8 =	vmul.f32 $2.550000000e+02, v9;
	v2 =	vshll.u32 v2, $0x8  }
0x61e: {  	v2 =	vadd.s32 v6, v2;
	v6 =	vtrunc.f32 v7  }
0x61f: {  	[tilespmem:v5+s4+$0x0] =	vst.idx.msk $0xffff, v1;
	v5 =	vcvt.f32.s32 v6;
	v6 =	vtrunc.f32 v8  }
0x620: {  	v7 =	vld [tilespmem:s0+$0x14020];
	v6 =	vcvt.f32.s32 v6  }
0x621: {  	v3 =	vmul.f32 $2.550000000e+02, v3;
	v8 =	vld [tilespmem:s0+$0x16020];
	v5 =	vshll.u32 v5, $0x8  }
0x622: {  	v4 =	vmul.f32 $2.550000000e+02, v4;
	v5 =	vadd.s32 v6, v5  }
0x623: {  	v3 =	vtrunc.f32 v3;
	[tilespmem:v2+s4+$0x0] =	vst.idx.msk $0xffff, v1  }
0x624: {  	v2 =	vcvt.f32.s32 v3;
	v3 =	vtrunc.f32 v4;
	v4 =	vld [tilespmem:s7+$0x144E0]  }
0x625: {  	v3 =	vcvt.f32.s32 v3;
	v6 =	vmul.f32 $2.550000000e+02, v7;
	v7 =	vld [tilespmem:s7+$0x164E0]  }
0x626: {  	v8 =	vmul.f32 $2.550000000e+02, v8;
	v2 =	vshll.u32 v2, $0x8  }
0x627: {  	v2 =	vadd.s32 v3, v2;
	v3 =	vtrunc.f32 v6;
	[tilespmem:v5+s4+$0x0] =	vst.idx.msk $0xffff, v1  }
0x628: {  	v3 =	vcvt.f32.s32 v3;
	v5 =	vtrunc.f32 v8;
	v6 =	vld [tilespmem:s0+$0x140B0]  }
0x629: {  	v5 =	vcvt.f32.s32 v5;
	v8 =	vld [tilespmem:s0+$0x160B0];
	v4 =	vmul.f32 $2.550000000e+02, v4  }
0x62a: {  	v3 =	vshll.u32 v3, $0x8;
	v7 =	vmul.f32 $2.550000000e+02, v7  }
0x62b: {  	v3 =	vadd.s32 v5, v3;
	v4 =	vtrunc.f32 v4  }
0x62c: {  	[tilespmem:v2+s4+$0x0] =	vst.idx.msk $0xffff, v1;
	v2 =	vcvt.f32.s32 v4;
	v4 =	vtrunc.f32 v7  }
0x62d: {  	v5 =	vld [tilespmem:s7+$0x14430];
	v4 =	vcvt.f32.s32 v4;
	v6 =	vmul.f32 $2.550000000e+02, v6  }
0x62e: {  	v7 =	vld [tilespmem:s7+$0x16430];
	v8 =	vmul.f32 $2.550000000e+02, v8;
	v2 =	vshll.u32 v2, $0x8  }
0x62f: {  	v2 =	vadd.s32 v4, v2;
	v4 =	vtrunc.f32 v6  }
0x630: {  	[tilespmem:v3+s4+$0x0] =	vst.idx.msk $0xffff, v1;
	v3 =	vcvt.f32.s32 v4;
	v4 =	vtrunc.f32 v8  }
0x631: {  	v6 =	vld [tilespmem:s0+$0x14030];
	v4 =	vcvt.f32.s32 v4  }
0x632: {  	v8 =	vld [tilespmem:s0+$0x16030];
	v5 =	vmul.f32 $2.550000000e+02, v5;
	v3 =	vshll.u32 v3, $0x8  }
0x633: {  	v7 =	vmul.f32 $2.550000000e+02, v7;
	v3 =	vadd.s32 v4, v3  }
0x634: {  	v4 =	vtrunc.f32 v5;
	[tilespmem:v2+s4+$0x0] =	vst.idx.msk $0xffff, v1  }
0x635: {  	v2 =	vcvt.f32.s32 v4;
	v4 =	vtrunc.f32 v7;
	v5 =	vld [tilespmem:s7+$0x144F0]  }
0x636: {  	v4 =	vcvt.f32.s32 v4;
	v6 =	vmul.f32 $2.550000000e+02, v6;
	v7 =	vld [tilespmem:s7+$0x164F0]  }
0x637: {  	v8 =	vmul.f32 $2.550000000e+02, v8;
	v2 =	vshll.u32 v2, $0x8  }
0x638: {  	v2 =	vadd.s32 v4, v2;
	v4 =	vtrunc.f32 v6;
	[tilespmem:v3+s4+$0x0] =	vst.idx.msk $0xffff, v1  }
0x639: {  	v3 =	vcvt.f32.s32 v4;
	v4 =	vtrunc.f32 v8;
	v6 =	vld [tilespmem:s0+$0x140C0]  }
0x63a: {  	v4 =	vcvt.f32.s32 v4;
	v8 =	vld [tilespmem:s0+$0x160C0];
	v5 =	vmul.f32 $2.550000000e+02, v5  }
0x63b: {  	v3 =	vshll.u32 v3, $0x8;
	v7 =	vmul.f32 $2.550000000e+02, v7  }
0x63c: {  	v3 =	vadd.s32 v4, v3;
	v4 =	vtrunc.f32 v5  }
0x63d: {  	[tilespmem:v2+s4+$0x0] =	vst.idx.msk $0xffff, v1;
	v2 =	vcvt.f32.s32 v4;
	v4 =	vtrunc.f32 v7  }
0x63e: {  	v5 =	vld [tilespmem:s7+$0x14440];
	v4 =	vcvt.f32.s32 v4;
	v6 =	vmul.f32 $2.550000000e+02, v6  }
0x63f: {  	v7 =	vld [tilespmem:s7+$0x16440];
	v8 =	vmul.f32 $2.550000000e+02, v8;
	v2 =	vshll.u32 v2, $0x8  }
0x640: {  	v2 =	vadd.s32 v4, v2;
	v4 =	vtrunc.f32 v6  }
0x641: {  	[tilespmem:v3+s4+$0x0] =	vst.idx.msk $0xffff, v1;
	v3 =	vcvt.f32.s32 v4;
	v4 =	vtrunc.f32 v8  }
0x642: {  	v6 =	vld [tilespmem:s0+$0x14040];
	v4 =	vcvt.f32.s32 v4  }
0x643: {  	v8 =	vld [tilespmem:s0+$0x16040];
	v5 =	vmul.f32 $2.550000000e+02, v5;
	v3 =	vshll.u32 v3, $0x8  }
0x644: {  	v7 =	vmul.f32 $2.550000000e+02, v7;
	v3 =	vadd.s32 v4, v3  }
0x645: {  	v4 =	vtrunc.f32 v5;
	[tilespmem:v2+s4+$0x0] =	vst.idx.msk $0xffff, v1  }
0x646: {  	v2 =	vcvt.f32.s32 v4;
	v4 =	vtrunc.f32 v7;
	v5 =	vld [tilespmem:s7+$0x14880]  }
0x647: {  	v4 =	vcvt.f32.s32 v4;
	v6 =	vmul.f32 $2.550000000e+02, v6;
	v7 =	vld [tilespmem:s7+$0x16880]  }
0x648: {  	v8 =	vmul.f32 $2.550000000e+02, v8;
	v2 =	vshll.u32 v2, $0x8  }
0x649: {  	v2 =	vadd.s32 v4, v2;
	v4 =	vtrunc.f32 v6;
	[tilespmem:v3+s4+$0x0] =	vst.idx.msk $0xffff, v1  }
0x64a: {  	v3 =	vcvt.f32.s32 v4;
	v4 =	vtrunc.f32 v8;
	v6 =	vld [tilespmem:s0+$0x140D0]  }
0x64b: {  	v4 =	vcvt.f32.s32 v4;
	v8 =	vld [tilespmem:s0+$0x160D0];
	v5 =	vmul.f32 $2.550000000e+02, v5  }
0x64c: {  	v3 =	vshll.u32 v3, $0x8;
	v7 =	vmul.f32 $2.550000000e+02, v7  }
0x64d: {  	v3 =	vadd.s32 v4, v3;
	v4 =	vtrunc.f32 v5  }
0x64e: {  	[tilespmem:v2+s4+$0x0] =	vst.idx.msk $0xffff, v1;
	v2 =	vcvt.f32.s32 v4;
	v4 =	vtrunc.f32 v7  }
0x64f: {  	v5 =	vld [tilespmem:s7+$0x14450];
	v4 =	vcvt.f32.s32 v4;
	v6 =	vmul.f32 $2.550000000e+02, v6  }
0x650: {  	v7 =	vld [tilespmem:s7+$0x16450];
	v8 =	vmul.f32 $2.550000000e+02, v8;
	v2 =	vshll.u32 v2, $0x8  }
0x651: {  	v2 =	vadd.s32 v4, v2;
	v4 =	vtrunc.f32 v6  }
0x652: {  	[tilespmem:v3+s4+$0x0] =	vst.idx.msk $0xffff, v1;
	v3 =	vcvt.f32.s32 v4;
	v4 =	vtrunc.f32 v8  }
0x653: {  	v6 =	vld [tilespmem:s0+$0x14050];
	v4 =	vcvt.f32.s32 v4  }
0x654: {  	v8 =	vld [tilespmem:s0+$0x16050];
	v5 =	vmul.f32 $2.550000000e+02, v5;
	v3 =	vshll.u32 v3, $0x8  }
0x655: {  	v7 =	vmul.f32 $2.550000000e+02, v7;
	v3 =	vadd.s32 v4, v3  }
0x656: {  	v4 =	vtrunc.f32 v5;
	[tilespmem:v2+s4+$0x0] =	vst.idx.msk $0xffff, v1  }
0x657: {  	v2 =	vcvt.f32.s32 v4;
	v4 =	vtrunc.f32 v7;
	v5 =	vld [tilespmem:s7+$0x14890]  }
0x658: {  	v4 =	vcvt.f32.s32 v4;
	v6 =	vmul.f32 $2.550000000e+02, v6;
	v7 =	vld [tilespmem:s7+$0x16890]  }
0x659: {  	v8 =	vmul.f32 $2.550000000e+02, v8;
	v2 =	vshll.u32 v2, $0x8  }
0x65a: {  	v2 =	vadd.s32 v4, v2;
	v4 =	vtrunc.f32 v6;
	[tilespmem:v3+s4+$0x0] =	vst.idx.msk $0xffff, v1  }
0x65b: {  	v3 =	vcvt.f32.s32 v4;
	v4 =	vtrunc.f32 v8;
	v6 =	vld [tilespmem:s0+$0x140E0]  }
0x65c: {  	v4 =	vcvt.f32.s32 v4;
	v8 =	vld [tilespmem:s0+$0x160E0];
	v5 =	vmul.f32 $2.550000000e+02, v5  }
0x65d: {  	v3 =	vshll.u32 v3, $0x8;
	v7 =	vmul.f32 $2.550000000e+02, v7  }
0x65e: {  	v3 =	vadd.s32 v4, v3;
	v4 =	vtrunc.f32 v5  }
0x65f: {  	[tilespmem:v2+s4+$0x0] =	vst.idx.msk $0xffff, v1;
	v2 =	vcvt.f32.s32 v4;
	v4 =	vtrunc.f32 v7  }
0x660: {  	v5 =	vld [tilespmem:s7+$0x14460];
	v4 =	vcvt.f32.s32 v4;
	v6 =	vmul.f32 $2.550000000e+02, v6  }
0x661: {  	v7 =	vmul.f32 $2.550000000e+02, v8;
	v8 =	vld [tilespmem:s7+$0x16460];
	v2 =	vshll.u32 v2, $0x8  }
0x662: {  	v2 =	vadd.s32 v4, v2;
	v4 =	vtrunc.f32 v6  }
0x663: {  	[tilespmem:v3+s4+$0x0] =	vst.idx.msk $0xffff, v1;
	v3 =	vcvt.f32.s32 v4;
	v4 =	vtrunc.f32 v7  }
0x664: {  	v6 =	vld [tilespmem:s0+$0x14060];
	v4 =	vcvt.f32.s32 v4  }
0x665: {  	v7 =	vld [tilespmem:s0+$0x16060];
	v5 =	vmul.f32 $2.550000000e+02, v5;
	v3 =	vshll.u32 v3, $0x8  }
0x666: {  	v3 =	vadd.s32 v4, v3;
	v4 =	vmul.f32 $2.550000000e+02, v8  }
0x667: {  	v5 =	vtrunc.f32 v5;
	[tilespmem:v2+s4+$0x0] =	vst.idx.msk $0xffff, v1  }
0x668: {  	v2 =	vcvt.f32.s32 v5;
	v5 =	vld [tilespmem:s7+$0x148A0];
	v4 =	vtrunc.f32 v4  }
0x669: {  	v6 =	vmul.f32 $2.550000000e+02, v6;
	v8 =	vld [tilespmem:s7+$0x168A0];
	v4 =	vcvt.f32.s32 v4  }
0x66a: {  	v7 =	vmul.f32 $2.550000000e+02, v7;
	v2 =	vshll.u32 v2, $0x8  }
0x66b: {  	v6 =	vtrunc.f32 v6;
	[tilespmem:v3+s4+$0x0] =	vst.idx.msk $0xffff, v1;
	v2 =	vadd.s32 v4, v2  }
0x66c: {  	v3 =	vcvt.f32.s32 v6;
	v4 =	vtrunc.f32 v7;
	v6 =	vld [tilespmem:s0+$0x140F0]  }
0x66d: {  	v4 =	vcvt.f32.s32 v4;
	v7 =	vld [tilespmem:s0+$0x160F0];
	v5 =	vmul.f32 $2.550000000e+02, v5  }
0x66e: {  	v3 =	vshll.u32 v3, $0x8;
	v8 =	vmul.f32 $2.550000000e+02, v8  }
0x66f: {  	v3 =	vadd.s32 v4, v3;
	v4 =	vtrunc.f32 v5  }
0x670: {  	v5 =	vtrunc.f32 v8;
	v4 =	vcvt.f32.s32 v4;
	[tilespmem:v2+s4+$0x0] =	vst.idx.msk $0xffff, v1  }
0x671: {  	v2 =	vcvt.f32.s32 v5;
	v5 =	vmul.f32 $2.550000000e+02, v6;
	v6 =	vld [tilespmem:s7+$0x14470]  }
0x672: {  	v7 =	vmul.f32 $2.550000000e+02, v7;
	v8 =	vld [tilespmem:s7+$0x16470];
	v4 =	vshll.u32 v4, $0x8  }
0x673: {  	v2 =	vadd.s32 v2, v4;
	v4 =	vtrunc.f32 v5  }
0x674: {  	[tilespmem:v3+s4+$0x0] =	vst.idx.msk $0xffff, v1;
	v3 =	vtrunc.f32 v7;
	v4 =	vcvt.f32.s32 v4  }
0x675: {  	v5 =	vld [tilespmem:s0+$0x14070];
	v3 =	vcvt.f32.s32 v3  }
0x676: {  	v7 =	vld [tilespmem:s0+$0x16070];
	v4 =	vshll.u32 v4, $0x8  }
0x677: {  	v6 =	vmul.f32 $2.550000000e+02, v6;
	v3 =	vadd.s32 v3, v4;
	v4 =	vmul.f32 $2.550000000e+02, v8  }
0x678: {  	[tilespmem:v2+s4+$0x0] =	vst.idx.msk $0xffff, v1  }
0x679: {  	v2 =	vtrunc.f32 v6;
	v6 =	vld [tilespmem:s7+$0x148B0];
	v4 =	vtrunc.f32 v4  }
0x67a: {  	v5 =	vmul.f32 $2.550000000e+02, v5;
	v8 =	vld [tilespmem:s7+$0x168B0];
	v2 =	vcvt.f32.s32 v2  }
0x67b: {  	v7 =	vmul.f32 $2.550000000e+02, v7;
	v4 =	vcvt.f32.s32 v4  }
0x67c: {  	v5 =	vtrunc.f32 v5;
	v2 =	vshll.u32 v2, $0x8;
	[tilespmem:v3+s4+$0x0] =	vst.idx.msk $0xffff, v1  }
0x67d: {  	v3 =	vcvt.f32.s32 v5;
	v2 =	vadd.s32 v4, v2;
	v4 =	vtrunc.f32 v7;
	v5 =	vld [tilespmem:s0+$0x14480]  }
0x67e: {  	v7 =	vld [tilespmem:s0+$0x16480];
	v4 =	vcvt.f32.s32 v4;
	v6 =	vmul.f32 $2.550000000e+02, v6  }
0x67f: {  	v8 =	vmul.f32 $2.550000000e+02, v8;
	v3 =	vshll.u32 v3, $0x8  }
0x680: {  	v3 =	vadd.s32 v4, v3;
	v6 =	vtrunc.f32 v6  }
0x681: {  	v4 =	vcvt.f32.s32 v6;
	v6 =	vtrunc.f32 v8  }
0x682: {  	v6 =	vcvt.f32.s32 v6;
	v5 =	vmul.f32 $2.550000000e+02, v5  }
0x683: {  	[tilespmem:v2+s4+$0x0] =	vst.idx.msk $0xffff, v1;
	v2 =	vshll.u32 v4, $0x8;
	v4 =	vmul.f32 $2.550000000e+02, v7  }
0x684: {  	v7 =	vld [tilespmem:s7+$0x14800];
	v2 =	vadd.s32 v6, v2;
	v5 =	vtrunc.f32 v5  }
0x685: {  	v6 =	vld [tilespmem:s7+$0x16800];
	[tilespmem:v3+s4+$0x0] =	vst.idx.msk $0xffff, v1;
	v4 =	vtrunc.f32 v4;
	v5 =	vcvt.f32.s32 v5  }
0x686: {  	v8 =	vld [tilespmem:s0+$0x16400];
	v3 =	vcvt.f32.s32 v4  }
0x687: {  	v4 =	vld [tilespmem:s0+$0x14400];
	v5 =	vshll.u32 v5, $0x8  }
0x688: {  	v3 =	vadd.s32 v3, v5  }
0x689: {  	v5 =	vmul.f32 $2.550000000e+02, v7;
	[tilespmem:v2+s4+$0x0] =	vst.idx.msk $0xffff, v1  }
0x68a: {  	v6 =	vmul.f32 $2.550000000e+02, v6;
	v2 =	vld [tilespmem:s7+$0x148C0]  }
0x68b: {  	v5 =	vtrunc.f32 v5;
	v7 =	vld [tilespmem:s7+$0x168C0];
	v8 =	vmul.f32 $2.550000000e+02, v8  }
0x68c: {  	v5 =	vcvt.f32.s32 v5;
	v4 =	vmul.f32 $2.550000000e+02, v4  }
0x68d: {  	v6 =	vtrunc.f32 v6;
	v8 =	vtrunc.f32 v8;
	[tilespmem:v3+s4+$0x0] =	vst.idx.msk $0xffff, v1  }
0x68e: {  	v3 =	vcvt.f32.s32 v6;
	v4 =	vtrunc.f32 v4;
	v6 =	vld [tilespmem:s0+$0x14490]  }
0x68f: {  	v5 =	vshll.u32 v5, $0x8;
	v9 =	vld [tilespmem:s0+$0x16490];
	v4 =	vcvt.f32.s32 v4;
	v2 =	vmul.f32 $2.550000000e+02, v2  }
0x690: {  	v3 =	vadd.s32 v3, v5;
	v5 =	vcvt.f32.s32 v8;
	v7 =	vmul.f32 $2.550000000e+02, v7  }
0x691: {  	v4 =	vshll.u32 v4, $0x8  }
0x692: {  	v2 =	vtrunc.f32 v2;
	v4 =	vadd.s32 v5, v4;
	v5 =	vtrunc.f32 v7  }
0x693: {  	v2 =	vcvt.f32.s32 v2;
	v6 =	vmul.f32 $2.550000000e+02, v6  }
0x694: {  	v5 =	vcvt.f32.s32 v5;
	v7 =	vmul.f32 $2.550000000e+02, v9  }
0x695: {  	[tilespmem:v3+s4+$0x0] =	vst.idx.msk $0xffff, v1;
	v2 =	vshll.u32 v2, $0x8;
	v3 =	vtrunc.f32 v6  }
0x696: {  	v6 =	vld [tilespmem:s7+$0x14810];
	v2 =	vadd.s32 v5, v2;
	v5 =	vtrunc.f32 v7;
	v3 =	vcvt.f32.s32 v3  }
0x697: {  	v5 =	vcvt.f32.s32 v5  }
0x698: {  	v7 =	vld [tilespmem:s7+$0x16810];
	[tilespmem:v4+s4+$0x0] =	vst.idx.msk $0xffff, v1;
	v3 =	vshll.u32 v3, $0x8  }
0x699: {  	v4 =	vld [tilespmem:s0+$0x14410];
	v3 =	vadd.s32 v5, v3  }
0x69a: {  	v5 =	vld [tilespmem:s0+$0x16410]  }
0x69b: {  	v6 =	vmul.f32 $2.550000000e+02, v6;
	[tilespmem:v2+s4+$0x0] =	vst.idx.msk $0xffff, v1  }
0x69c: {  	v2 =	vld [tilespmem:s7+$0x148D0]  }
0x69d: {  	v7 =	vmul.f32 $2.550000000e+02, v7;
	v6 =	vtrunc.f32 v6  }
0x69e: {  	v8 =	vld [tilespmem:s7+$0x168D0];
	v4 =	vmul.f32 $2.550000000e+02, v4;
	v6 =	vcvt.f32.s32 v6;
	[tilespmem:v3+s4+$0x0] =	vst.idx.msk $0xffff, v1  }
0x69f: {  	v3 =	vtrunc.f32 v7;
	v5 =	vmul.f32 $2.550000000e+02, v5;
	v7 =	vld [tilespmem:s0+$0x144A0]  }
0x6a0: {  	v4 =	vtrunc.f32 v4;
	v3 =	vcvt.f32.s32 v3;
	v9 =	vld [tilespmem:s0+$0x164A0]  }
0x6a1: {  	v6 =	vshll.u32 v6, $0x8;
	v5 =	vtrunc.f32 v5;
	v2 =	vmul.f32 $2.550000000e+02, v2  }
0x6a2: {  	v4 =	vcvt.f32.s32 v4;
	v5 =	vcvt.f32.s32 v5;
	v3 =	vadd.s32 v3, v6  }
0x6a3: {  	v6 =	vmul.f32 $2.550000000e+02, v8;
	v2 =	vtrunc.f32 v2  }
0x6a4: {  	v2 =	vcvt.f32.s32 v2;
	v7 =	vmul.f32 $2.550000000e+02, v7  }
0x6a5: {  	v4 =	vshll.u32 v4, $0x8;
	v6 =	vtrunc.f32 v6;
	v8 =	vmul.f32 $2.550000000e+02, v9  }
0x6a6: {  	v4 =	vadd.s32 v5, v4;
	v6 =	vcvt.f32.s32 v6;
	v7 =	vtrunc.f32 v7  }
0x6a7: {  	v2 =	vshll.u32 v2, $0x8;
	[tilespmem:v3+s4+$0x0] =	vst.idx.msk $0xffff, v1;
	v5 =	vcvt.f32.s32 v7;
	v7 =	vtrunc.f32 v8  }
0x6a8: {  	v2 =	vadd.s32 v6, v2;
	v6 =	vld [tilespmem:s7+$0x16820];
	v3 =	vcvt.f32.s32 v7  }
0x6a9: {  	s12 =	simm.s32 $0x200;
	s23 =	simm.s32 $0x800;
	v7 =	vld [tilespmem:s7+$0x14820];
	v5 =	vshll.u32 v5, $0x8  }
0x6aa: {  	s13 =	sand.u32 $0x1000, s23;
	s1 =	sand.u32 $0x300, s12;
	v3 =	vadd.s32 v3, v5  }
0x6ab: {  	s24 =	sor.u32 s1, s13  }
0x6ac: {  	v11 =	vld [tilespmem:s24+$0x16000];
	[tilespmem:v4+s4+$0x0] =	vst.idx.msk $0xffff, v1  }
0x6ad: {  	v4 =	vld [tilespmem:s0+$0x14420];
	[tilespmem:v2+s4+$0x0] =	vst.idx.msk $0xffff, v1  }
0x6ae: {  	v2 =	vmul.f32 $2.550000000e+02, v6;
	v6 =	vld [tilespmem:s7+$0x148E0];
	v5 =	vmul.f32 $2.550000000e+02, v7  }
0x6af: {  	v7 =	vld [tilespmem:s0+$0x16420];
	[tilespmem:v3+s4+$0x0] =	vst.idx.msk $0xffff, v1  }
0x6b0: {  	v3 =	vtrunc.f32 v5;
	v5 =	vld [tilespmem:s0+$0x144B0]  }
0x6b1: {  	v2 =	vtrunc.f32 v2;
	v3 =	vcvt.f32.s32 v3;
	v8 =	vld [tilespmem:s0+$0x164B0]  }
0x6b2: {  	v9 =	vld [tilespmem:s7+$0x168E0];
	v2 =	vcvt.f32.s32 v2  }
0x6b3: {  	v3 =	vshll.u32 v3, $0x8  }
0x6b4: {  	v11 =	vmul.f32 $2.550000000e+02, v11;
	v6 =	vmul.f32 $2.550000000e+02, v6;
	v2 =	vadd.s32 v2, v3  }
0x6b5: {  	v3 =	vmul.f32 $2.550000000e+02, v4;
	v5 =	vmul.f32 $2.550000000e+02, v5  }
0x6b6: {  	v4 =	vmul.f32 $2.550000000e+02, v7;
	v7 =	vmul.f32 $2.550000000e+02, v8  }
0x6b7: {  	v8 =	vmul.f32 $2.550000000e+02, v9;
	v5 =	vtrunc.f32 v5  }
0x6b8: {  	v9 =	vld [tilespmem:s24+$0x14080];
	v7 =	vtrunc.f32 v7;
	v5 =	vcvt.f32.s32 v5  }
0x6b9: {  	[tilespmem:v2+s4+$0x0] =	vst.idx.msk $0xffff, v1;
	v2 =	vtrunc.f32 v6;
	v6 =	vld [tilespmem:s24+$0x16080];
	v7 =	vcvt.f32.s32 v7  }
0x6ba: {  	v8 =	vtrunc.f32 v8;
	v2 =	vcvt.f32.s32 v2;
	v5 =	vshll.u32 v5, $0x8  }
0x6bb: {  	v8 =	vcvt.f32.s32 v8;
	v5 =	vadd.s32 v7, v5  }
0x6bc: {  	v11 =	vtrunc.f32 v11;
	v3 =	vtrunc.f32 v3;
	v10 =	vld [tilespmem:s7+$0x14830];
	v2 =	vshll.u32 v2, $0x8  }
0x6bd: {  	v4 =	vtrunc.f32 v4;
	v9 =	vmul.f32 $2.550000000e+02, v9;
	v2 =	vadd.s32 v8, v2;
	v8 =	vld [tilespmem:s24+$0x14000]  }
0x6be: {  	v3 =	vcvt.f32.s32 v3;
	v7 =	vld [tilespmem:s7+$0x16830];
	v6 =	vmul.f32 $2.550000000e+02, v6  }
0x6bf: {  	v4 =	vcvt.f32.s32 v4;
	v9 =	vtrunc.f32 v9  }
0x6c0: {  	v9 =	vcvt.f32.s32 v9;
	v6 =	vtrunc.f32 v6;
	[tilespmem:v5+s4+$0x0] =	vst.idx.msk $0xffff, v1  }
0x6c1: {  	v3 =	vshll.u32 v3, $0x8;
	v10 =	vmul.f32 $2.550000000e+02, v10;
	v5 =	vcvt.f32.s32 v6;
	v6 =	vld [tilespmem:s0+$0x144C0]  }
0x6c2: {  	v3 =	vadd.s32 v4, v3;
	[tilespmem:v2+s4+$0x0] =	vst.idx.msk $0xffff, v1;
	v2 =	vmul.f32 $2.550000000e+02, v8;
	v8 =	vshll.u32 v9, $0x8;
	v9 =	vld [tilespmem:s0+$0x164C0]  }
0x6c3: {  	v4 =	vmul.f32 $2.550000000e+02, v7;
	v7 =	vtrunc.f32 v10;
	v10 =	vld [tilespmem:s7+$0x148F0];
	v5 =	vadd.s32 v5, v8  }
0x6c4: {  	v11 =	vcvt.f32.s32 v11;
	v2 =	vtrunc.f32 v2  }
0x6c5: {  	v7 =	vcvt.f32.s32 v7;
	v8 =	vld [tilespmem:s7+$0x168F0];
	v2 =	vcvt.f32.s32 v2  }
0x6c6: {  	v4 =	vtrunc.f32 v4;
	v6 =	vmul.f32 $2.550000000e+02, v6  }
0x6c7: {  	[tilespmem:v3+s4+$0x0] =	vst.idx.msk $0xffff, v1;
	v3 =	vcvt.f32.s32 v4;
	v2 =	vshll.u32 v2, $0x8;
	v4 =	vmul.f32 $2.550000000e+02, v9  }
0x6c8: {  	v9 =	vld [tilespmem:s0+$0x14430];
	v10 =	vmul.f32 $2.550000000e+02, v10;
	[tilespmem:v5+s4+$0x0] =	vst.idx.msk $0xffff, v1;
	v2 =	vadd.s32 v11, v2;
	v5 =	vtrunc.f32 v6  }
0x6c9: {  	v6 =	vld [tilespmem:s24+$0x14090];
	v4 =	vtrunc.f32 v4;
	v5 =	vcvt.f32.s32 v5  }
0x6ca: {  	v7 =	vshll.u32 v7, $0x8;
	v8 =	vmul.f32 $2.550000000e+02, v8;
	v11 =	vld [tilespmem:s24+$0x16090];
	v4 =	vcvt.f32.s32 v4  }
0x6cb: {  	v3 =	vadd.s32 v3, v7;
	v5 =	vshll.u32 v5, $0x8  }
0x6cc: {  	v7 =	vtrunc.f32 v10;
	v8 =	vtrunc.f32 v8;
	v4 =	vadd.s32 v4, v5  }
0x6cd: {  	v7 =	vcvt.f32.s32 v7;
	v8 =	vcvt.f32.s32 v8;
	v5 =	vld [tilespmem:s0+$0x16430];
	[tilespmem:v2+s4+$0x0] =	vst.idx.msk $0xffff, v1  }
0x6ce: {  	v2 =	vmul.f32 $2.550000000e+02, v9;
	v6 =	vmul.f32 $2.550000000e+02, v6;
	v9 =	vld [tilespmem:s24+$0x14010]  }
0x6cf: {  	v7 =	vshll.u32 v7, $0x8;
	v10 =	vmul.f32 $2.550000000e+02, v11;
	v11 =	vld [tilespmem:s24+$0x16010]  }
0x6d0: {  	[tilespmem:v3+s4+$0x0] =	vst.idx.msk $0xffff, v1;
	v3 =	vadd.s32 v8, v7;
	v2 =	vtrunc.f32 v2;
	v6 =	vtrunc.f32 v6  }
0x6d1: {  	s14 =	sand.u32 $0x3, s31;
	v7 =	vld [tilespmem:s7+$0x14840];
	v8 =	vtrunc.f32 v10;
	v6 =	vcvt.f32.s32 v6;
	[tilespmem:v4+s4+$0x0] =	vst.idx.msk $0xffff, v1  }
0x6d2: {  	s1 =	sshll.u32 s14, $0x8;
	v4 =	vmul.f32 $2.550000000e+02, v5;
	v5 =	vcvt.f32.s32 v8;
	v8 =	vld [tilespmem:s0+$0x144D0]  }
0x6d3: {  	s2 =	sadd.s32 $0x0, s1;
	v2 =	vcvt.f32.s32 v2;
	v6 =	vshll.u32 v6, $0x8;
	v9 =	vmul.f32 $2.550000000e+02, v9;
	v10 =	vld [tilespmem:s0+$0x164D0]  }
0x6d4: {  	s17 =	sadd.s32 $0x80, s2;
	v4 =	vtrunc.f32 v4;
	v5 =	vadd.s32 v5, v6;
	v6 =	vmul.f32 $2.550000000e+02, v11  }
0x6d5: {  	s18 =	sor.u32 $0xC00, s17;
	[tilespmem:v3+s4+$0x0] =	vst.idx.msk $0xffff, v1;
	v4 =	vcvt.f32.s32 v4;
	v3 =	vtrunc.f32 v9  }
0x6d6: {  	v2 =	vshll.u32 v2, $0x8;
	v9 =	vld [tilespmem:s18+$0x14000];
	v3 =	vcvt.f32.s32 v3;
	v6 =	vtrunc.f32 v6  }
0x6d7: {  	v7 =	vmul.f32 $2.550000000e+02, v7;
	v2 =	vadd.s32 v4, v2;
	v4 =	vld [tilespmem:s18+$0x16000];
	v6 =	vcvt.f32.s32 v6  }
0x6d8: {  	v8 =	vmul.f32 $2.550000000e+02, v8;
	v3 =	vshll.u32 v3, $0x8;
	v10 =	vmul.f32 $2.550000000e+02, v10  }
0x6d9: {  	v50 =	vld [tilespmem:s7+$0x16840];
	v7 =	vtrunc.f32 v7;
	[tilespmem:v5+s4+$0x0] =	vst.idx.msk $0xffff, v1;
	v3 =	vadd.s32 v6, v3  }
0x6da: {  	v5 =	vtrunc.f32 v8;
	v6 =	vld [tilespmem:s24+$0x140A0];
	v8 =	vtrunc.f32 v10  }
0x6db: {  	v9 =	vmul.f32 $2.550000000e+02, v9;
	v10 =	vld [tilespmem:s24+$0x160A0];
	v5 =	vcvt.f32.s32 v5  }
0x6dc: {  	v8 =	vcvt.f32.s32 v8;
	[tilespmem:v2+s4+$0x0] =	vst.idx.msk $0xffff, v1;
	v2 =	vmul.f32 $2.550000000e+02, v4  }
0x6dd: {  	v9 =	vtrunc.f32 v9;
	v4 =	vshll.u32 v5, $0x8;
	v5 =	vcvt.f32.s32 v7;
	v7 =	vld [tilespmem:s0+$0x14440]  }
0x6de: {  	v11 =	vmul.f32 $2.550000000e+02, v50;
	v9 =	vcvt.f32.s32 v9;
	v4 =	vadd.s32 v8, v4;
	v8 =	vld [tilespmem:s0+$0x16440];
	[tilespmem:v3+s4+$0x0] =	vst.idx.msk $0xffff, v1  }
0x6df: {  	v2 =	vtrunc.f32 v2;
	v3 =	vmul.f32 $2.550000000e+02, v6;
	v6 =	vld [tilespmem:s24+$0x14020]  }
0x6e0: {  	v2 =	vcvt.f32.s32 v2;
	v10 =	vmul.f32 $2.550000000e+02, v10;
	v51 =	vld [tilespmem:s24+$0x16020]  }
0x6e1: {  	v11 =	vtrunc.f32 v11;
	v9 =	vshll.u32 v9, $0x8;
	v3 =	vtrunc.f32 v3  }
0x6e2: {  	v2 =	vadd.s32 v2, v9;
	v9 =	vtrunc.f32 v10;
	v3 =	vcvt.f32.s32 v3  }
0x6e3: {  	[tilespmem:v4+s4+$0x0] =	vst.idx.msk $0xffff, v1;
	v4 =	vmul.f32 $2.550000000e+02, v7;
	v7 =	vcvt.f32.s32 v9  }
0x6e4: {  	v8 =	vmul.f32 $2.550000000e+02, v8;
	v9 =	vld [tilespmem:s0+$0x144E0];
	v3 =	vshll.u32 v3, $0x8;
	v6 =	vmul.f32 $2.550000000e+02, v6  }
0x6e5: {  	v10 =	vld [tilespmem:s0+$0x164E0];
	v4 =	vtrunc.f32 v4;
	v3 =	vadd.s32 v7, v3;
	v7 =	vmul.f32 $2.550000000e+02, v51  }
0x6e6: {  	v8 =	vtrunc.f32 v8;
	v4 =	vcvt.f32.s32 v4  }
0x6e7: {  	s19 =	sor.u32 $0xC10, s17;
	[tilespmem:v2+s4+$0x0] =	vst.idx.msk $0xffff, v1;
	v2 =	vtrunc.f32 v6;
	v8 =	vcvt.f32.s32 v8  }
0x6e8: {  	v6 =	vld [tilespmem:s19+$0x14000];
	v2 =	vcvt.f32.s32 v2;
	v7 =	vtrunc.f32 v7  }
0x6e9: {  	v52 =	vld [tilespmem:s19+$0x16000];
	v7 =	vcvt.f32.s32 v7;
	v4 =	vshll.u32 v4, $0x8;
	v9 =	vmul.f32 $2.550000000e+02, v9  }
0x6ea: {  	v2 =	vshll.u32 v2, $0x8;
	v10 =	vmul.f32 $2.550000000e+02, v10;
	v4 =	vadd.s32 v8, v4  }
0x6eb: {  	v11 =	vcvt.f32.s32 v11;
	[tilespmem:v3+s4+$0x0] =	vst.idx.msk $0xffff, v1;
	v2 =	vadd.s32 v7, v2;
	v3 =	vtrunc.f32 v9  }
0x6ec: {  	v5 =	vshll.u32 v5, $0x8;
	v7 =	vld [tilespmem:s24+$0x140B0];
	v9 =	vtrunc.f32 v10;
	v3 =	vcvt.f32.s32 v3  }
0x6ed: {  	v5 =	vadd.s32 v11, v5;
	v10 =	vld [tilespmem:s24+$0x160B0];
	v6 =	vmul.f32 $2.550000000e+02, v6;
	v9 =	vcvt.f32.s32 v9  }
0x6ee: {  	v8 =	vmul.f32 $2.550000000e+02, v52;
	v3 =	vshll.u32 v3, $0x8  }
0x6ef: {  	v6 =	vtrunc.f32 v6;
	[tilespmem:v4+s4+$0x0] =	vst.idx.msk $0xffff, v1;
	v3 =	vadd.s32 v9, v3  }
0x6f0: {  	v8 =	vtrunc.f32 v8;
	v6 =	vcvt.f32.s32 v6;
	[tilespmem:v2+s4+$0x0] =	vst.idx.msk $0xffff, v1;
	v11 =	vld [tilespmem:s0+$0x16450]  }
0x6f1: {  	v2 =	vcvt.f32.s32 v8;
	v7 =	vmul.f32 $2.550000000e+02, v7;
	v8 =	vld [tilespmem:s24+$0x14030]  }
0x6f2: {  	[tilespmem:v5+s4+$0x0] =	vst.idx.msk $0xffff, v1;
	v9 =	vld [tilespmem:s24+$0x16030];
	v5 =	vshll.u32 v6, $0x8;
	v6 =	vmul.f32 $2.550000000e+02, v10  }
0x6f3: {  	v10 =	vld [tilespmem:s7+$0x14850];
	v2 =	vadd.s32 v2, v5;
	v4 =	vtrunc.f32 v7  }
0x6f4: {  	v4 =	vcvt.f32.s32 v4;
	v6 =	vtrunc.f32 v6;
	[tilespmem:v3+s4+$0x0] =	vst.idx.msk $0xffff, v1  }
0x6f5: {  	v3 =	vcvt.f32.s32 v6;
	v6 =	vld [tilespmem:s0+$0x144F0]  }
0x6f6: {  	v4 =	vshll.u32 v4, $0x8;
	v7 =	vmul.f32 $2.550000000e+02, v8;
	v8 =	vld [tilespmem:s0+$0x164F0]  }
0x6f7: {  	v11 =	vmul.f32 $2.550000000e+02, v11;
	v3 =	vadd.s32 v3, v4;
	v4 =	vmul.f32 $2.550000000e+02, v9  }
0x6f8: {  	s20 =	sor.u32 $0xC20, s17;
	v5 =	vld [tilespmem:s0+$0x14450];
	v9 =	vmul.f32 $2.550000000e+02, v10;
	[tilespmem:v2+s4+$0x0] =	vst.idx.msk $0xffff, v1;
	v2 =	vtrunc.f32 v7  }
0x6f9: {  	v7 =	vld [tilespmem:s20+$0x14000];
	v2 =	vcvt.f32.s32 v2;
	v4 =	vtrunc.f32 v4  }
0x6fa: {  	v10 =	vld [tilespmem:s20+$0x16000];
	v4 =	vcvt.f32.s32 v4;
	v6 =	vmul.f32 $2.550000000e+02, v6  }
0x6fb: {  	v2 =	vshll.u32 v2, $0x8;
	v8 =	vmul.f32 $2.550000000e+02, v8  }
0x6fc: {  	v11 =	vtrunc.f32 v11;
	[tilespmem:v3+s4+$0x0] =	vst.idx.msk $0xffff, v1;
	v2 =	vadd.s32 v4, v2;
	v3 =	vtrunc.f32 v6  }
0x6fd: {  	v4 =	vld [tilespmem:s24+$0x140C0];
	v6 =	vtrunc.f32 v8;
	v3 =	vcvt.f32.s32 v3  }
0x6fe: {  	v8 =	vld [tilespmem:s24+$0x160C0];
	v7 =	vmul.f32 $2.550000000e+02, v7;
	v6 =	vcvt.f32.s32 v6  }
0x6ff: {  	v5 =	vmul.f32 $2.550000000e+02, v5;
	v10 =	vmul.f32 $2.550000000e+02, v10;
	v3 =	vshll.u32 v3, $0x8  }
0x700: {  	v11 =	vcvt.f32.s32 v11;
	v7 =	vtrunc.f32 v7;
	v3 =	vadd.s32 v6, v3  }
0x701: {  	v10 =	vtrunc.f32 v10;
	v6 =	vld [tilespmem:s7+$0x16850];
	v7 =	vcvt.f32.s32 v7;
	[tilespmem:v2+s4+$0x0] =	vst.idx.msk $0xffff, v1  }
0x702: {  	v2 =	vcvt.f32.s32 v10;
	v4 =	vmul.f32 $2.550000000e+02, v4;
	v10 =	vld [tilespmem:s24+$0x14040]  }
0x703: {  	v5 =	vtrunc.f32 v5;
	v8 =	vmul.f32 $2.550000000e+02, v8;
	v53 =	vld [tilespmem:s24+$0x16040];
	v7 =	vshll.u32 v7, $0x8  }
0x704: {  	v5 =	vcvt.f32.s32 v5;
	v2 =	vadd.s32 v2, v7;
	v4 =	vtrunc.f32 v4  }
0x705: {  	v7 =	vtrunc.f32 v8;
	v4 =	vcvt.f32.s32 v4;
	[tilespmem:v3+s4+$0x0] =	vst.idx.msk $0xffff, v1  }
0x706: {  	v5 =	vshll.u32 v5, $0x8;
	v3 =	vmul.f32 $2.550000000e+02, v6;
	v6 =	vcvt.f32.s32 v7;
	v7 =	vld [tilespmem:s0+$0x14880]  }
0x707: {  	v5 =	vadd.s32 v11, v5;
	v4 =	vshll.u32 v4, $0x8;
	v8 =	vmul.f32 $2.550000000e+02, v10;
	v10 =	vld [tilespmem:s0+$0x16880]  }
0x708: {  	v9 =	vtrunc.f32 v9;
	v4 =	vadd.s32 v6, v4;
	v6 =	vmul.f32 $2.550000000e+02, v53  }
0x709: {  	s25 =	sor.u32 $0xC30, s17;
	v9 =	vcvt.f32.s32 v9;
	[tilespmem:v2+s4+$0x0] =	vst.idx.msk $0xffff, v1;
	v2 =	vtrunc.f32 v8  }
0x70a: {  	v8 =	vld [tilespmem:s25+$0x14000];
	v2 =	vcvt.f32.s32 v2;
	v6 =	vtrunc.f32 v6  }
0x70b: {  	v6 =	vcvt.f32.s32 v6;
	v7 =	vmul.f32 $2.550000000e+02, v7  }
0x70c: {  	[tilespmem:v5+s4+$0x0] =	vst.idx.msk $0xffff, v1;
	v3 =	vtrunc.f32 v3;
	v5 =	vld [tilespmem:s25+$0x16000];
	v2 =	vshll.u32 v2, $0x8;
	v10 =	vmul.f32 $2.550000000e+02, v10  }
0x70d: {  	v11 =	vld [tilespmem:s0+$0x14460];
	v3 =	vcvt.f32.s32 v3;
	[tilespmem:v4+s4+$0x0] =	vst.idx.msk $0xffff, v1;
	v2 =	vadd.s32 v6, v2;
	v4 =	vtrunc.f32 v7  }
0x70e: {  	v9 =	vshll.u32 v9, $0x8;
	v6 =	vld [tilespmem:s24+$0x140D0];
	v7 =	vtrunc.f32 v10;
	v4 =	vcvt.f32.s32 v4  }
0x70f: {  	v3 =	vadd.s32 v3, v9;
	v10 =	vld [tilespmem:s24+$0x160D0];
	v8 =	vmul.f32 $2.550000000e+02, v8;
	v7 =	vcvt.f32.s32 v7  }
0x710: {  	v9 =	vld [tilespmem:s0+$0x16460];
	v4 =	vshll.u32 v4, $0x8  }
0x711: {  	v5 =	vmul.f32 $2.550000000e+02, v5;
	v8 =	vtrunc.f32 v8;
	v4 =	vadd.s32 v7, v4  }
0x712: {  	v7 =	vmul.f32 $2.550000000e+02, v11;
	v8 =	vcvt.f32.s32 v8;
	[tilespmem:v2+s4+$0x0] =	vst.idx.msk $0xffff, v1  }
0x713: {  	v2 =	vtrunc.f32 v5;
	v5 =	vmul.f32 $2.550000000e+02, v6;
	v6 =	vld [tilespmem:s24+$0x14050]  }
0x714: {  	[tilespmem:v3+s4+$0x0] =	vst.idx.msk $0xffff, v1;
	v2 =	vcvt.f32.s32 v2;
	v10 =	vmul.f32 $2.550000000e+02, v10;
	v11 =	vld [tilespmem:s24+$0x16050]  }
0x715: {  	v3 =	vmul.f32 $2.550000000e+02, v9;
	v9 =	vld [tilespmem:s7+$0x14860];
	v8 =	vshll.u32 v8, $0x8;
	v5 =	vtrunc.f32 v5  }
0x716: {  	v2 =	vadd.s32 v2, v8;
	v8 =	vtrunc.f32 v10;
	v5 =	vcvt.f32.s32 v5;
	[tilespmem:v4+s4+$0x0] =	vst.idx.msk $0xffff, v1  }
0x717: {  	v4 =	vtrunc.f32 v7;
	v7 =	vcvt.f32.s32 v8;
	v8 =	vld [tilespmem:s0+$0x14890]  }
0x718: {  	v3 =	vtrunc.f32 v3;
	v5 =	vshll.u32 v5, $0x8;
	v6 =	vmul.f32 $2.550000000e+02, v6;
	v10 =	vld [tilespmem:s0+$0x16890]  }
0x719: {  	v54 =	vld [tilespmem:s7+$0x16860];
	v3 =	vcvt.f32.s32 v3;
	v5 =	vadd.s32 v7, v5;
	v7 =	vmul.f32 $2.550000000e+02, v11  }
0x71a: {  	v9 =	vmul.f32 $2.550000000e+02, v9;
	v6 =	vtrunc.f32 v6  }
0x71b: {  	s26 =	sor.u32 $0xC40, s17;
	[tilespmem:v2+s4+$0x0] =	vst.idx.msk $0xffff, v1;
	v2 =	vcvt.f32.s32 v6;
	v6 =	vtrunc.f32 v7  }
0x71c: {  	v7 =	vld [tilespmem:s26+$0x14000];
	v6 =	vcvt.f32.s32 v6;
	v8 =	vmul.f32 $2.550000000e+02, v8  }
0x71d: {  	v4 =	vcvt.f32.s32 v4;
	v2 =	vshll.u32 v2, $0x8;
	v10 =	vmul.f32 $2.550000000e+02, v10  }
0x71e: {  	v11 =	vmul.f32 $2.550000000e+02, v54;
	v55 =	vld [tilespmem:s26+$0x16000];
	[tilespmem:v5+s4+$0x0] =	vst.idx.msk $0xffff, v1;
	v2 =	vadd.s32 v6, v2;
	v5 =	vtrunc.f32 v8  }
0x71f: {  	v6 =	vld [tilespmem:s24+$0x140E0];
	v8 =	vtrunc.f32 v10;
	v5 =	vcvt.f32.s32 v5  }
0x720: {  	v9 =	vtrunc.f32 v9;
	v10 =	vld [tilespmem:s24+$0x160E0];
	v8 =	vcvt.f32.s32 v8  }
0x721: {  	v11 =	vtrunc.f32 v11;
	v7 =	vmul.f32 $2.550000000e+02, v7;
	v5 =	vshll.u32 v5, $0x8  }
0x722: {  	v9 =	vcvt.f32.s32 v9;
	v11 =	vcvt.f32.s32 v11;
	v5 =	vadd.s32 v8, v5  }
0x723: {  	v4 =	vshll.u32 v4, $0x8;
	v7 =	vtrunc.f32 v7;
	v8 =	vmul.f32 $2.550000000e+02, v55;
	[tilespmem:v2+s4+$0x0] =	vst.idx.msk $0xffff, v1  }
0x724: {  	v2 =	vadd.s32 v3, v4;
	v3 =	vcvt.f32.s32 v7;
	v4 =	vmul.f32 $2.550000000e+02, v6;
	v6 =	vld [tilespmem:s24+$0x14060]  }
0x725: {  	v7 =	vtrunc.f32 v8;
	v8 =	vmul.f32 $2.550000000e+02, v10;
	v10 =	vld [tilespmem:s24+$0x16060]  }
0x726: {  	v9 =	vshll.u32 v9, $0x8;
	v7 =	vcvt.f32.s32 v7;
	v4 =	vtrunc.f32 v4  }
0x727: {  	v9 =	vadd.s32 v11, v9;
	v4 =	vcvt.f32.s32 v4;
	v8 =	vtrunc.f32 v8;
	[tilespmem:v5+s4+$0x0] =	vst.idx.msk $0xffff, v1  }
0x728: {  	v3 =	vshll.u32 v3, $0x8;
	v5 =	vcvt.f32.s32 v8;
	v8 =	vld [tilespmem:s0+$0x148A0]  }
0x729: {  	[tilespmem:v2+s4+$0x0] =	vst.idx.msk $0xffff, v1;
	v2 =	vadd.s32 v7, v3;
	v3 =	vshll.u32 v4, $0x8;
	v4 =	vmul.f32 $2.550000000e+02, v6;
	v6 =	vld [tilespmem:s0+$0x168A0]  }
0x72a: {  	v7 =	vld [tilespmem:s0+$0x14470];
	v3 =	vadd.s32 v5, v3;
	v5 =	vmul.f32 $2.550000000e+02, v10  }
0x72b: {  	v4 =	vtrunc.f32 v4  }
0x72c: {  	[tilespmem:v9+s4+$0x0] =	vst.idx.msk $0xffff, v1;
	v10 =	vld [tilespmem:s0+$0x16470];
	v4 =	vcvt.f32.s32 v4;
	v5 =	vtrunc.f32 v5  }
0x72d: {  	v11 =	vld [tilespmem:s7+$0x16870];
	v5 =	vcvt.f32.s32 v5;
	v8 =	vmul.f32 $2.550000000e+02, v8  }
0x72e: {  	s31 =	sor.u32 $0xC50, s17;
	v9 =	vld [tilespmem:s7+$0x14870];
	[tilespmem:v2+s4+$0x0] =	vst.idx.msk $0xffff, v1;
	v2 =	vshll.u32 v4, $0x8;
	v4 =	vmul.f32 $2.550000000e+02, v6  }
0x72f: {  	v6 =	vmul.f32 $2.550000000e+02, v7;
	v7 =	vld [tilespmem:s31+$0x14000];
	[tilespmem:v3+s4+$0x0] =	vst.idx.msk $0xffff, v1;
	v2 =	vadd.s32 v5, v2;
	v3 =	vtrunc.f32 v8  }
0x730: {  	v5 =	vld [tilespmem:s24+$0x140F0];
	v4 =	vtrunc.f32 v4;
	v3 =	vcvt.f32.s32 v3  }
0x731: {  	v8 =	vmul.f32 $2.550000000e+02, v10;
	v10 =	vld [tilespmem:s24+$0x160F0];
	v4 =	vcvt.f32.s32 v4  }
0x732: {  	v11 =	vmul.f32 $2.550000000e+02, v11;
	v6 =	vtrunc.f32 v6;
	v3 =	vshll.u32 v3, $0x8  }
0x733: {  	v6 =	vcvt.f32.s32 v6;
	v8 =	vtrunc.f32 v8;
	v3 =	vadd.s32 v4, v3  }
0x734: {  	v4 =	vcvt.f32.s32 v8;
	v8 =	vmul.f32 $2.550000000e+02, v9;
	[tilespmem:v2+s4+$0x0] =	vst.idx.msk $0xffff, v1  }
0x735: {  	v6 =	vshll.u32 v6, $0x8;
	v2 =	vmul.f32 $2.550000000e+02, v7;
	v5 =	vmul.f32 $2.550000000e+02, v5;
	v7 =	vld [tilespmem:s24+$0x14070]  }
0x736: {  	v10 =	vmul.f32 $2.550000000e+02, v10;
	v4 =	vadd.s32 v4, v6;
	v6 =	vtrunc.f32 v8;
	v8 =	vld [tilespmem:s24+$0x16070]  }
0x737: {  	v11 =	vtrunc.f32 v11;
	v9 =	vld [tilespmem:s31+$0x16000];
	v5 =	vtrunc.f32 v5  }
0x738: {  	v10 =	vtrunc.f32 v10;
	v5 =	vcvt.f32.s32 v5;
	[tilespmem:v3+s4+$0x0] =	vst.idx.msk $0xffff, v1  }
0x739: {  	v3 =	vcvt.f32.s32 v6;
	v6 =	vcvt.f32.s32 v10;
	v10 =	vld [tilespmem:s0+$0x148B0]  }
0x73a: {  	v11 =	vcvt.f32.s32 v11;
	v5 =	vshll.u32 v5, $0x8;
	v56 =	vld [tilespmem:s0+$0x168B0]  }
0x73b: {  	v7 =	vmul.f32 $2.550000000e+02, v7;
	v5 =	vadd.s32 v6, v5;
	[tilespmem:v4+s4+$0x0] =	vst.idx.msk $0xffff, v1;
	v4 =	vmul.f32 $2.550000000e+02, v8  }
0x73c: {  	v2 =	vtrunc.f32 v2;
	v9 =	vmul.f32 $2.550000000e+02, v9;
	v3 =	vshll.u32 v3, $0x8  }
0x73d: {  	v6 =	vtrunc.f32 v7;
	v7 =	vld [tilespmem:s0+$0x14800];
	v3 =	vadd.s32 v11, v3;
	v4 =	vtrunc.f32 v4  }
0x73e: {  	v8 =	vld [tilespmem:s0+$0x16800];
	v6 =	vcvt.f32.s32 v6;
	v4 =	vcvt.f32.s32 v4  }
0x73f: {  	v10 =	vmul.f32 $2.550000000e+02, v10;
	v11 =	vmul.f32 $2.550000000e+02, v56  }
0x740: {  	v2 =	vcvt.f32.s32 v2;
	v9 =	vtrunc.f32 v9;
	[tilespmem:v5+s4+$0x0] =	vst.idx.msk $0xffff, v1;
	v5 =	vshll.u32 v6, $0x8  }
0x741: {  	v6 =	vtrunc.f32 v10;
	v4 =	vadd.s32 v4, v5;
	v5 =	vld [tilespmem:s24+$0x14480];
	v10 =	vtrunc.f32 v11  }
0x742: {  	s3 =	sor.u32 $0xC00, s2;
	v7 =	vmul.f32 $2.550000000e+02, v7;
	[tilespmem:v3+s4+$0x0] =	vst.idx.msk $0xffff, v1;
	v3 =	vld [tilespmem:s24+$0x16480];
	v6 =	vcvt.f32.s32 v6  }
0x743: {  	v2 =	vshll.u32 v2, $0x8;
	v8 =	vmul.f32 $2.550000000e+02, v8;
	v10 =	vcvt.f32.s32 v10;
	v11 =	vld [tilespmem:s3+$0x14000]  }
0x744: {  	v9 =	vcvt.f32.s32 v9;
	v7 =	vtrunc.f32 v7;
	v6 =	vshll.u32 v6, $0x8  }
0x745: {  	v8 =	vtrunc.f32 v8;
	v7 =	vcvt.f32.s32 v7;
	v6 =	vadd.s32 v10, v6;
	v10 =	vld [tilespmem:s3+$0x16000]  }
0x746: {  	v2 =	vadd.s32 v9, v2;
	v8 =	vcvt.f32.s32 v8  }
0x747: {  	[tilespmem:v4+s4+$0x0] =	vst.idx.msk $0xffff, v1;
	v4 =	vmul.f32 $2.550000000e+02, v5;
	v5 =	vshll.u32 v7, $0x8;
	v3 =	vmul.f32 $2.550000000e+02, v3  }
0x748: {  	v7 =	vld [tilespmem:s24+$0x14400];
	v5 =	vadd.s32 v8, v5;
	v8 =	vmul.f32 $2.550000000e+02, v11  }
0x749: {  	v9 =	vld [tilespmem:s24+$0x16400];
	v4 =	vtrunc.f32 v4;
	v3 =	vtrunc.f32 v3  }
0x74a: {  	v4 =	vcvt.f32.s32 v4;
	[tilespmem:v6+s4+$0x0] =	vst.idx.msk $0xffff, v1;
	v6 =	vmul.f32 $2.550000000e+02, v10  }
0x74b: {  	v3 =	vcvt.f32.s32 v3;
	v10 =	vld [tilespmem:s0+$0x148C0]  }
0x74c: {  	s7 =	sor.u32 $0xC60, s17;
	[tilespmem:v2+s4+$0x0] =	vst.idx.msk $0xffff, v1;
	v8 =	vtrunc.f32 v8;
	v4 =	vshll.u32 v4, $0x8;
	v11 =	vld [tilespmem:s0+$0x168C0];
	v2 =	vtrunc.f32 v6  }
0x74d: {  	v6 =	vmul.f32 $2.550000000e+02, v7;
	v3 =	vadd.s32 v3, v4;
	v4 =	vld [tilespmem:s7+$0x14000];
	[tilespmem:v5+s4+$0x0] =	vst.idx.msk $0xffff, v1;
	v5 =	vcvt.f32.s32 v8  }
0x74e: {  	v8 =	vmul.f32 $2.550000000e+02, v9;
	v9 =	vld [tilespmem:s7+$0x16000];
	v2 =	vcvt.f32.s32 v2  }
0x74f: {  	v6 =	vtrunc.f32 v6;
	v5 =	vshll.u32 v5, $0x8  }
0x750: {  	v7 =	vld [tilespmem:s0+$0x14810];
	v6 =	vcvt.f32.s32 v6;
	v2 =	vadd.s32 v2, v5;
	v5 =	vtrunc.f32 v8  }
0x751: {  	v10 =	vmul.f32 $2.550000000e+02, v10;
	v8 =	vmul.f32 $2.550000000e+02, v11  }
0x752: {  	v57 =	vld [tilespmem:s0+$0x16810];
	v5 =	vcvt.f32.s32 v5;
	v4 =	vmul.f32 $2.550000000e+02, v4  }
0x753: {  	[tilespmem:v3+s4+$0x0] =	vst.idx.msk $0xffff, v1;
	v9 =	vmul.f32 $2.550000000e+02, v9;
	v3 =	vtrunc.f32 v10  }
0x754: {  	v6 =	vshll.u32 v6, $0x8;
	v10 =	vld [tilespmem:s24+$0x14490];
	v8 =	vtrunc.f32 v8;
	v3 =	vcvt.f32.s32 v3  }
0x755: {  	v7 =	vmul.f32 $2.550000000e+02, v7;
	v5 =	vadd.s32 v5, v6;
	v6 =	vld [tilespmem:s24+$0x16490];
	v8 =	vcvt.f32.s32 v8  }
0x756: {  	v4 =	vtrunc.f32 v4;
	v9 =	vtrunc.f32 v9;
	v3 =	vshll.u32 v3, $0x8  }
0x757: {  	s9 =	sor.u32 $0xC10, s2;
	[tilespmem:v2+s4+$0x0] =	vst.idx.msk $0xffff, v1;
	v2 =	vmul.f32 $2.550000000e+02, v57;
	v7 =	vtrunc.f32 v7;
	v3 =	vadd.s32 v8, v3  }
0x758: {  	v4 =	vcvt.f32.s32 v4;
	v7 =	vcvt.f32.s32 v7;
	v8 =	vld [tilespmem:s9+$0x14000]  }
0x759: {  	v11 =	vld [tilespmem:s9+$0x16000];
	v2 =	vtrunc.f32 v2;
	v10 =	vmul.f32 $2.550000000e+02, v10  }
0x75a: {  	v2 =	vcvt.f32.s32 v2;
	[tilespmem:v5+s4+$0x0] =	vst.idx.msk $0xffff, v1;
	v5 =	vmul.f32 $2.550000000e+02, v6  }
0x75b: {  	v9 =	vcvt.f32.s32 v9;
	v6 =	vshll.u32 v7, $0x8;
	v7 =	vld [tilespmem:s24+$0x14410];
	v10 =	vtrunc.f32 v10  }
0x75c: {  	v2 =	vadd.s32 v2, v6;
	v6 =	vld [tilespmem:s24+$0x16410];
	v5 =	vtrunc.f32 v5;
	v10 =	vcvt.f32.s32 v10;
	[tilespmem:v3+s4+$0x0] =	vst.idx.msk $0xffff, v1  }
0x75d: {  	v4 =	vshll.u32 v4, $0x8;
	v5 =	vcvt.f32.s32 v5;
	v3 =	vmul.f32 $2.550000000e+02, v8;
	v8 =	vld [tilespmem:s0+$0x148D0]  }
0x75e: {  	v4 =	vadd.s32 v9, v4;
	v11 =	vmul.f32 $2.550000000e+02, v11;
	v10 =	vshll.u32 v10, $0x8;
	v58 =	vld [tilespmem:s0+$0x168D0]  }
0x75f: {  	v3 =	vtrunc.f32 v3;
	v5 =	vadd.s32 v5, v10  }
0x760: {  	s12 =	simm.s32 $0x300;
	s25 =	simm.s32 $0xC00;
	v10 =	vtrunc.f32 v11;
	v3 =	vcvt.f32.s32 v3  }
0x761: {  	s1 =	sand.u32 $0x300, s12;
	s14 =	sand.u32 $0x1000, s25;
	v9 =	vcvt.f32.s32 v10;
	[tilespmem:v2+s4+$0x0] =	vst.idx.msk $0xffff, v1;
	v6 =	vmul.f32 $2.550000000e+02, v6  }
0x762: {  	s26 =	sor.u32 s1, s14;
	v2 =	vshll.u32 v3, $0x8;
	v3 =	vmul.f32 $2.550000000e+02, v7;
	v7 =	vld [tilespmem:s0+$0x14820];
	v8 =	vmul.f32 $2.550000000e+02, v8  }
0x763: {  	v62 =	vld [tilespmem:s26+$0x16080];
	[tilespmem:v4+s4+$0x0] =	vst.idx.msk $0xffff, v1;
	v2 =	vadd.s32 v9, v2;
	v9 =	vmul.f32 $2.550000000e+02, v58  }
0x764: {  	v10 =	vld [tilespmem:s0+$0x16820];
	v4 =	vtrunc.f32 v6;
	[tilespmem:v5+s4+$0x0] =	vst.idx.msk $0xffff, v1;
	v5 =	vtrunc.f32 v8  }
0x765: {  	v8 =	vld [tilespmem:s24+$0x144A0];
	v9 =	vtrunc.f32 v9;
	v5 =	vcvt.f32.s32 v5  }
0x766: {  	v3 =	vtrunc.f32 v3;
	v11 =	vld [tilespmem:s24+$0x164A0];
	v9 =	vcvt.f32.s32 v9  }
0x767: {  	s10 =	sor.u32 $0xC70, s17;
	v3 =	vcvt.f32.s32 v3;
	v6 =	vmul.f32 $2.550000000e+02, v7;
	v5 =	vshll.u32 v5, $0x8  }
0x768: {  	s11 =	sor.u32 $0xC20, s2;
	v13 =	vmul.f32 $2.550000000e+02, v62;
	v4 =	vcvt.f32.s32 v4;
	v7 =	vld [tilespmem:s10+$0x14000];
	[tilespmem:v2+s4+$0x0] =	vst.idx.msk $0xffff, v1;
	v2 =	vadd.s32 v9, v5  }
0x769: {  	v3 =	vshll.u32 v3, $0x8;
	v5 =	vld [tilespmem:s11+$0x14000];
	v9 =	vmul.f32 $2.550000000e+02, v10;
	v6 =	vtrunc.f32 v6  }
0x76a: {  	v3 =	vadd.s32 v4, v3;
	v4 =	vld [tilespmem:s11+$0x16000];
	v6 =	vcvt.f32.s32 v6;
	v8 =	vmul.f32 $2.550000000e+02, v8  }
0x76b: {  	v10 =	vld [tilespmem:s10+$0x16000];
	v11 =	vmul.f32 $2.550000000e+02, v11;
	v9 =	vtrunc.f32 v9  }
0x76c: {  	v9 =	vcvt.f32.s32 v9;
	v8 =	vtrunc.f32 v8  }
0x76d: {  	v6 =	vshll.u32 v6, $0x8;
	v11 =	vtrunc.f32 v11;
	v8 =	vcvt.f32.s32 v8;
	[tilespmem:v2+s4+$0x0] =	vst.idx.msk $0xffff, v1  }
0x76e: {  	v2 =	vmul.f32 $2.550000000e+02, v5;
	v5 =	vadd.s32 v9, v6;
	v6 =	vcvt.f32.s32 v11;
	v9 =	vld [tilespmem:s0+$0x148E0]  }
0x76f: {  	v7 =	vmul.f32 $2.550000000e+02, v7;
	[tilespmem:v3+s4+$0x0] =	vst.idx.msk $0xffff, v1;
	v3 =	vmul.f32 $2.550000000e+02, v4;
	v4 =	vshll.u32 v8, $0x8;
	v8 =	vld [tilespmem:s0+$0x168E0]  }
0x770: {  	v10 =	vmul.f32 $2.550000000e+02, v10;
	v11 =	vld [tilespmem:s24+$0x14420];
	v2 =	vtrunc.f32 v2;
	v4 =	vadd.s32 v6, v4  }
0x771: {  	v6 =	vcvt.f32.s32 v2;
	v2 =	vtrunc.f32 v3  }
0x772: {  	v3 =	vtrunc.f32 v7;
	v7 =	vld [tilespmem:s24+$0x16420];
	v59 =	vcvt.f32.s32 v2  }
0x773: {  	v16 =	vld [tilespmem:s26+$0x16000];
	v2 =	vcvt.f32.s32 v3;
	v3 =	vshll.u32 v6, $0x8;
	[tilespmem:v5+s4+$0x0] =	vst.idx.msk $0xffff, v1;
	v5 =	vmul.f32 $2.550000000e+02, v9  }
0x774: {  	v6 =	vtrunc.f32 v10;
	v9 =	vld [tilespmem:s0+$0x14830];
	v10 =	vadd.s32 v59, v3;
	v3 =	vmul.f32 $2.550000000e+02, v8  }
0x775: {  	v8 =	vmul.f32 $2.550000000e+02, v11;
	v11 =	vld [tilespmem:s0+$0x16830];
	[tilespmem:v4+s4+$0x0] =	vst.idx.msk $0xffff, v1;
	v4 =	vtrunc.f32 v5  }
0x776: {  	v5 =	vld [tilespmem:s24+$0x144B0];
	v3 =	vtrunc.f32 v3;
	v4 =	vcvt.f32.s32 v4  }
0x777: {  	v7 =	vmul.f32 $2.550000000e+02, v7;
	v60 =	vld [tilespmem:s24+$0x164B0];
	v61 =	vcvt.f32.s32 v3  }
0x778: {  	v3 =	vcvt.f32.s32 v6;
	v6 =	vtrunc.f32 v8;
	v4 =	vshll.u32 v4, $0x8  }
0x779: {  	v6 =	vcvt.f32.s32 v6;
	v7 =	vtrunc.f32 v7;
	v4 =	vadd.s32 v61, v4  }
0x77a: {  	v7 =	vcvt.f32.s32 v7;
	v8 =	vmul.f32 $2.550000000e+02, v9  }
0x77b: {  	s13 =	sor.u32 $0xC30, s2;
	[tilespmem:v10+s4+$0x0] =	vst.idx.msk $0xffff, v1;
	v10 =	vmul.f32 $2.550000000e+02, v11;
	v11 =	vld [tilespmem:s26+$0x14080];
	v5 =	vmul.f32 $2.550000000e+02, v5  }
0x77c: {  	v22 =	vmul.f32 $2.550000000e+02, v16;
	v9 =	vld [tilespmem:s13+$0x14000];
	v6 =	vshll.u32 v6, $0x8;
	v12 =	vmul.f32 $2.550000000e+02, v60  }
0x77d: {  	v8 =	vtrunc.f32 v8;
	v6 =	vadd.s32 v7, v6;
	v7 =	vld [tilespmem:s26+$0x14000];
	v5 =	vtrunc.f32 v5  }
0x77e: {  	v12 =	vtrunc.f32 v12;
	v5 =	vcvt.f32.s32 v5;
	[tilespmem:v4+s4+$0x0] =	vst.idx.msk $0xffff, v1  }
0x77f: {  	v4 =	vtrunc.f32 v10;
	v10 =	vcvt.f32.s32 v12;
	v63 =	vld [tilespmem:s0+$0x148F0]  }
0x780: {  	v11 =	vmul.f32 $2.550000000e+02, v11;
	v15 =	vcvt.f32.s32 v4;
	v4 =	vshll.u32 v5, $0x8;
	v5 =	vld [tilespmem:s0+$0x168F0]  }
0x781: {  	v14 =	vld [tilespmem:s13+$0x16000];
	v8 =	vcvt.f32.s32 v8;
	v9 =	vmul.f32 $2.550000000e+02, v9;
	v10 =	vadd.s32 v10, v4  }
0x782: {  	v11 =	vtrunc.f32 v11;
	v7 =	vmul.f32 $2.550000000e+02, v7  }
0x783: {  	[tilespmem:v6+s4+$0x0] =	vst.idx.msk $0xffff, v1;
	v6 =	vshll.u32 v8, $0x8;
	v8 =	vcvt.f32.s32 v11;
	v11 =	vtrunc.f32 v13  }
0x784: {  	v20 =	vld [tilespmem:s24+$0x14430];
	v11 =	vcvt.f32.s32 v11;
	v12 =	vmul.f32 $2.550000000e+02, v63  }
0x785: {  	v21 =	vld [tilespmem:s24+$0x16430];
	v6 =	vadd.s32 v15, v6;
	v8 =	vshll.u32 v8, $0x8;
	v5 =	vmul.f32 $2.550000000e+02, v5  }
0x786: {  	v4 =	vmul.f32 $2.550000000e+02, v14;
	v8 =	vadd.s32 v11, v8;
	[tilespmem:v10+s4+$0x0] =	vst.idx.msk $0xffff, v1;
	v10 =	vtrunc.f32 v12  }
0x787: {  	v11 =	vld [tilespmem:s24+$0x144C0];
	v5 =	vtrunc.f32 v5;
	v10 =	vcvt.f32.s32 v10  }
0x788: {  	v7 =	vtrunc.f32 v7;
	v23 =	vld [tilespmem:s24+$0x164C0];
	v5 =	vcvt.f32.s32 v5  }
0x789: {  	v15 =	vtrunc.f32 v22;
	v13 =	vmul.f32 $2.550000000e+02, v20;
	v10 =	vshll.u32 v10, $0x8  }
0x78a: {  	s28 =	simm.s32 $0x1;
	v24 =	vmul.f32 $2.550000000e+02, v21;
	[tilespmem:v6+s4+$0x0] =	vst.idx.msk $0xffff, v1;
	v6 =	vcvt.f32.s32 v7;
	v5 =	vadd.s32 v5, v10  }
0x78b: {  	s17 =	sand.u32 $0x3, s28;
	v7 =	vcvt.f32.s32 v15;
	v27 =	vld [tilespmem:s0+$0x16840];
	[tilespmem:v8+s4+$0x0] =	vst.idx.msk $0xffff, v1;
	v8 =	vtrunc.f32 v13  }
0x78c: {  	s1 =	sshll.u32 s17, $0x8;
	v6 =	vshll.u32 v6, $0x8;
	v13 =	vtrunc.f32 v24;
	v25 =	vld [tilespmem:s26+$0x14090];
	v11 =	vmul.f32 $2.550000000e+02, v11  }
0x78d: {  	s6 =	sadd.s32 $0x400, s1;
	v8 =	vcvt.f32.s32 v8;
	v26 =	vld [tilespmem:s26+$0x16090];
	v6 =	vadd.s32 v7, v6;
	v12 =	vmul.f32 $2.550000000e+02, v23  }
0x78e: {  	s18 =	sadd.s32 $0x80, s6;
	v7 =	vcvt.f32.s32 v13;
	v10 =	vld [tilespmem:s0+$0x14840];
	v11 =	vtrunc.f32 v11  }
0x78f: {  	s19 =	sor.u32 $0xC00, s18;
	v12 =	vtrunc.f32 v12;
	v11 =	vcvt.f32.s32 v11;
	[tilespmem:v5+s4+$0x0] =	vst.idx.msk $0xffff, v1  }
0x790: {  	v8 =	vshll.u32 v8, $0x8;
	v5 =	vtrunc.f32 v9;
	v9 =	vcvt.f32.s32 v12;
	v28 =	vld [tilespmem:s19+$0x14000]  }
0x791: {  	v7 =	vadd.s32 v7, v8;
	v8 =	vmul.f32 $2.550000000e+02, v25;
	v11 =	vshll.u32 v11, $0x8;
	v29 =	vld [tilespmem:s19+$0x16000]  }
0x792: {  	v30 =	vmul.f32 $2.550000000e+02, v26;
	[tilespmem:v6+s4+$0x0] =	vst.idx.msk $0xffff, v1;
	v6 =	vmul.f32 $2.550000000e+02, v27;
	v9 =	vadd.s32 v9, v11  }
0x793: {  	v10 =	vmul.f32 $2.550000000e+02, v10;
	v8 =	vtrunc.f32 v8  }
0x794: {  	v14 =	vtrunc.f32 v30;
	v11 =	vld [tilespmem:s26+$0x14010];
	v8 =	vcvt.f32.s32 v8  }
0x795: {  	v31 =	vld [tilespmem:s26+$0x16010];
	v14 =	vcvt.f32.s32 v14;
	v12 =	vmul.f32 $2.550000000e+02, v28  }
0x796: {  	v6 =	vtrunc.f32 v6;
	[tilespmem:v7+s4+$0x0] =	vst.idx.msk $0xffff, v1;
	v7 =	vshll.u32 v8, $0x8;
	v8 =	vmul.f32 $2.550000000e+02, v29  }
0x797: {  	v10 =	vtrunc.f32 v10;
	v32 =	vld [tilespmem:s24+$0x14440];
	v7 =	vadd.s32 v14, v7;
	[tilespmem:v9+s4+$0x0] =	vst.idx.msk $0xffff, v1;
	v9 =	vtrunc.f32 v12  }
0x798: {  	v33 =	vld [tilespmem:s24+$0x144D0];
	v8 =	vtrunc.f32 v8;
	v9 =	vcvt.f32.s32 v9  }
0x799: {  	v11 =	vmul.f32 $2.550000000e+02, v11;
	v34 =	vld [tilespmem:s24+$0x164D0];
	v8 =	vcvt.f32.s32 v8  }
0x79a: {  	v6 =	vcvt.f32.s32 v6;
	v35 =	vld [tilespmem:s24+$0x16440];
	v15 =	vmul.f32 $2.550000000e+02, v31;
	v9 =	vshll.u32 v9, $0x8  }
0x79b: {  	v10 =	vcvt.f32.s32 v10;
	v11 =	vtrunc.f32 v11;
	v8 =	vadd.s32 v8, v9  }
0x79c: {  	[tilespmem:v7+s4+$0x0] =	vst.idx.msk $0xffff, v1;
	v9 =	vcvt.f32.s32 v11;
	v11 =	vtrunc.f32 v15  }
0x79d: {  	v7 =	vcvt.f32.s32 v11;
	v11 =	vld [tilespmem:s26+$0x140A0];
	v12 =	vmul.f32 $2.550000000e+02, v33  }
0x79e: {  	v13 =	vmul.f32 $2.550000000e+02, v32;
	v36 =	vld [tilespmem:s26+$0x160A0];
	v14 =	vmul.f32 $2.550000000e+02, v34;
	v9 =	vshll.u32 v9, $0x8  }
0x79f: {  	v16 =	vmul.f32 $2.550000000e+02, v35;
	v7 =	vadd.s32 v7, v9;
	v9 =	vtrunc.f32 v12  }
0x7a0: {  	s20 =	sor.u32 $0xC10, s18;
	v10 =	vshll.u32 v10, $0x8;
	v37 =	vtrunc.f32 v14;
	v9 =	vcvt.f32.s32 v9;
	[tilespmem:v8+s4+$0x0] =	vst.idx.msk $0xffff, v1  }
0x7a1: {  	v6 =	vadd.s32 v6, v10;
	v40 =	vtrunc.f32 v16;
	v10 =	vcvt.f32.s32 v37;
	v38 =	vld [tilespmem:s20+$0x14000]  }
0x7a2: {  	v8 =	vtrunc.f32 v13;
	v11 =	vmul.f32 $2.550000000e+02, v11;
	v9 =	vshll.u32 v9, $0x8;
	v39 =	vld [tilespmem:s20+$0x16000]  }
0x7a3: {  	v15 =	vmul.f32 $2.550000000e+02, v36;
	v8 =	vcvt.f32.s32 v8;
	v9 =	vadd.s32 v10, v9  }
0x7a4: {  	v10 =	vcvt.f32.s32 v40;
	[tilespmem:v7+s4+$0x0] =	vst.idx.msk $0xffff, v1;
	v7 =	vtrunc.f32 v11  }
0x7a5: {  	v41 =	vtrunc.f32 v15;
	v8 =	vshll.u32 v8, $0x8;
	v11 =	vld [tilespmem:s26+$0x14020];
	v7 =	vcvt.f32.s32 v7  }
0x7a6: {  	[tilespmem:v6+s4+$0x0] =	vst.idx.msk $0xffff, v1;
	v6 =	vadd.s32 v10, v8;
	v8 =	vld [tilespmem:s26+$0x16020];
	v10 =	vcvt.f32.s32 v41;
	v12 =	vmul.f32 $2.550000000e+02, v38  }
0x7a7: {  	v42 =	vld [tilespmem:s0+$0x14850];
	v7 =	vshll.u32 v7, $0x8;
	v13 =	vmul.f32 $2.550000000e+02, v39  }
0x7a8: {  	v4 =	vtrunc.f32 v4;
	v7 =	vadd.s32 v10, v7;
	[tilespmem:v9+s4+$0x0] =	vst.idx.msk $0xffff, v1;
	v9 =	vtrunc.f32 v12  }
0x7a9: {  	v10 =	vld [tilespmem:s24+$0x144E0];
	v44 =	vtrunc.f32 v13;
	v9 =	vcvt.f32.s32 v9  }
0x7aa: {  	v45 =	vld [tilespmem:s24+$0x164E0];
	v11 =	vmul.f32 $2.550000000e+02, v11;
	v12 =	vcvt.f32.s32 v44  }
0x7ab: {  	v4 =	vcvt.f32.s32 v4;
	[tilespmem:v6+s4+$0x0] =	vst.idx.msk $0xffff, v1;
	v6 =	vmul.f32 $2.550000000e+02, v8;
	v8 =	vshll.u32 v9, $0x8  }
0x7ac: {  	v43 =	vld [tilespmem:s0+$0x16850];
	v9 =	vmul.f32 $2.550000000e+02, v42;
	v11 =	vtrunc.f32 v11;
	v8 =	vadd.s32 v12, v8  }
0x7ad: {  	v46 =	vld [tilespmem:s24+$0x14450];
	v6 =	vtrunc.f32 v6;
	v11 =	vcvt.f32.s32 v11;
	[tilespmem:v7+s4+$0x0] =	vst.idx.msk $0xffff, v1  }
0x7ae: {  	v6 =	vcvt.f32.s32 v6;
	v7 =	vld [tilespmem:s26+$0x140B0];
	v10 =	vmul.f32 $2.550000000e+02, v10  }
0x7af: {  	v5 =	vcvt.f32.s32 v5;
	v48 =	vld [tilespmem:s26+$0x160B0];
	v13 =	vmul.f32 $2.550000000e+02, v45;
	v11 =	vshll.u32 v11, $0x8  }
0x7b0: {  	v47 =	vld [tilespmem:s24+$0x16450];
	v9 =	vtrunc.f32 v9;
	v6 =	vadd.s32 v6, v11;
	v10 =	vtrunc.f32 v10  }
0x7b1: {  	s31 =	sor.u32 $0xC20, s18;
	v11 =	vtrunc.f32 v13;
	v10 =	vcvt.f32.s32 v10;
	[tilespmem:v8+s4+$0x0] =	vst.idx.msk $0xffff, v1  }
0x7b2: {  	v8 =	vcvt.f32.s32 v9;
	v9 =	vcvt.f32.s32 v11;
	v11 =	vld [tilespmem:s31+$0x14000]  }
0x7b3: {  	v15 =	vmul.f32 $2.550000000e+02, v43;
	v7 =	vmul.f32 $2.550000000e+02, v7;
	v10 =	vshll.u32 v10, $0x8;
	v50 =	vld [tilespmem:s31+$0x16000]  }
0x7b4: {  	v49 =	vmul.f32 $2.550000000e+02, v46;
	v16 =	vmul.f32 $2.550000000e+02, v48;
	v9 =	vadd.s32 v9, v10  }
0x7b5: {  	v5 =	vshll.u32 v5, $0x8;
	v12 =	vmul.f32 $2.550000000e+02, v47;
	[tilespmem:v6+s4+$0x0] =	vst.idx.msk $0xffff, v1;
	v6 =	vtrunc.f32 v7  }
0x7b6: {  	v4 =	vadd.s32 v4, v5;
	v7 =	vtrunc.f32 v16;
	v5 =	vld [tilespmem:s26+$0x14030];
	v6 =	vcvt.f32.s32 v6  }
0x7b7: {  	v51 =	vld [tilespmem:s26+$0x16030];
	v7 =	vcvt.f32.s32 v7;
	v11 =	vmul.f32 $2.550000000e+02, v11  }
0x7b8: {  	v12 =	vtrunc.f32 v12;
	v6 =	vshll.u32 v6, $0x8;
	v14 =	vmul.f32 $2.550000000e+02, v50  }
0x7b9: {  	v10 =	vtrunc.f32 v49;
	v6 =	vadd.s32 v7, v6;
	[tilespmem:v9+s4+$0x0] =	vst.idx.msk $0xffff, v1;
	v7 =	vtrunc.f32 v11  }
0x7ba: {  	v9 =	vld [tilespmem:s24+$0x144F0];
	v11 =	vtrunc.f32 v14;
	v7 =	vcvt.f32.s32 v7  }
0x7bb: {  	[tilespmem:v4+s4+$0x0] =	vst.idx.msk $0xffff, v1;
	v4 =	vmul.f32 $2.550000000e+02, v5;
	v5 =	vld [tilespmem:s24+$0x164F0];
	v11 =	vcvt.f32.s32 v11  }
0x7bc: {  	s3 =	sor.u32 $0xC40, s2;
	v10 =	vcvt.f32.s32 v10;
	v13 =	vmul.f32 $2.550000000e+02, v51;
	v7 =	vshll.u32 v7, $0x8  }
0x7bd: {  	v52 =	vld [tilespmem:s3+$0x14000];
	v12 =	vcvt.f32.s32 v12;
	v4 =	vtrunc.f32 v4;
	v7 =	vadd.s32 v11, v7  }
0x7be: {  	v10 =	vshll.u32 v10, $0x8;
	v13 =	vtrunc.f32 v13;
	v11 =	vld [tilespmem:s3+$0x16000];
	v4 =	vcvt.f32.s32 v4;
	[tilespmem:v6+s4+$0x0] =	vst.idx.msk $0xffff, v1  }
0x7bf: {  	v6 =	vadd.s32 v12, v10;
	v10 =	vcvt.f32.s32 v13;
	v53 =	vld [tilespmem:s26+$0x140C0];
	v9 =	vmul.f32 $2.550000000e+02, v9  }
0x7c0: {  	v15 =	vtrunc.f32 v15;
	v55 =	vld [tilespmem:s26+$0x160C0];
	v4 =	vshll.u32 v4, $0x8;
	v5 =	vmul.f32 $2.550000000e+02, v5  }
0x7c1: {  	v54 =	vcvt.f32.s32 v15;
	v4 =	vadd.s32 v10, v4;
	v9 =	vtrunc.f32 v9  }
0x7c2: {  	s9 =	sor.u32 $0xC30, s18;
	v9 =	vcvt.f32.s32 v9;
	v5 =	vtrunc.f32 v5;
	[tilespmem:v7+s4+$0x0] =	vst.idx.msk $0xffff, v1  }
0x7c3: {  	v14 =	vmul.f32 $2.550000000e+02, v52;
	v5 =	vcvt.f32.s32 v5;
	v10 =	vld [tilespmem:s9+$0x14000]  }
0x7c4: {  	v7 =	vmul.f32 $2.550000000e+02, v11;
	v11 =	vmul.f32 $2.550000000e+02, v53;
	v9 =	vshll.u32 v9, $0x8;
	v56 =	vld [tilespmem:s9+$0x16000]  }
0x7c5: {  	[tilespmem:v6+s4+$0x0] =	vst.idx.msk $0xffff, v1;
	v6 =	vtrunc.f32 v14;
	v15 =	vmul.f32 $2.550000000e+02, v55;
	v5 =	vadd.s32 v5, v9  }
0x7c6: {  	v6 =	vcvt.f32.s32 v6;
	v9 =	vld [tilespmem:s24+$0x16460];
	[tilespmem:v4+s4+$0x0] =	vst.idx.msk $0xffff, v1;
	v4 =	vtrunc.f32 v11  }
0x7c7: {  	v8 =	vshll.u32 v8, $0x8;
	v15 =	vtrunc.f32 v15;
	v11 =	vld [tilespmem:s26+$0x14040];
	v4 =	vcvt.f32.s32 v4  }
0x7c8: {  	v8 =	vadd.s32 v54, v8;
	v58 =	vld [tilespmem:s26+$0x16040];
	v15 =	vcvt.f32.s32 v15;
	v10 =	vmul.f32 $2.550000000e+02, v10  }
0x7c9: {  	v57 =	vld [tilespmem:s24+$0x14460];
	v7 =	vtrunc.f32 v7;
	v4 =	vshll.u32 v4, $0x8;
	v12 =	vmul.f32 $2.550000000e+02, v56  }
0x7ca: {  	v7 =	vcvt.f32.s32 v7;
	v4 =	vadd.s32 v15, v4;
	[tilespmem:v5+s4+$0x0] =	vst.idx.msk $0xffff, v1;
	v5 =	vtrunc.f32 v10  }
0x7cb: {  	v10 =	vld [tilespmem:s24+$0x14880];
	v12 =	vtrunc.f32 v12;
	v5 =	vcvt.f32.s32 v5  }
0x7cc: {  	v59 =	vld [tilespmem:s24+$0x16880];
	v11 =	vmul.f32 $2.550000000e+02, v11;
	v12 =	vcvt.f32.s32 v12  }
0x7cd: {  	[tilespmem:v8+s4+$0x0] =	vst.idx.msk $0xffff, v1;
	v8 =	vmul.f32 $2.550000000e+02, v9;
	v9 =	vmul.f32 $2.550000000e+02, v58;
	v5 =	vshll.u32 v5, $0x8  }
0x7ce: {  	v14 =	vmul.f32 $2.550000000e+02, v57;
	v11 =	vtrunc.f32 v11;
	v5 =	vadd.s32 v12, v5  }
0x7cf: {  	v61 =	vld [tilespmem:s0+$0x16860];
	v9 =	vtrunc.f32 v9;
	v11 =	vcvt.f32.s32 v11;
	[tilespmem:v4+s4+$0x0] =	vst.idx.msk $0xffff, v1  }
0x7d0: {  	v4 =	vcvt.f32.s32 v9;
	v9 =	vld [tilespmem:s26+$0x140D0];
	v10 =	vmul.f32 $2.550000000e+02, v10  }
0x7d1: {  	v14 =	vtrunc.f32 v14;
	v62 =	vld [tilespmem:s26+$0x160D0];
	v15 =	vmul.f32 $2.550000000e+02, v59;
	v11 =	vshll.u32 v11, $0x8  }
0x7d2: {  	v60 =	vld [tilespmem:s0+$0x14860];
	v8 =	vtrunc.f32 v8;
	v4 =	vadd.s32 v4, v11;
	v10 =	vtrunc.f32 v10  }
0x7d3: {  	s10 =	sor.u32 $0xC40, s18;
	v6 =	vshll.u32 v6, $0x8;
	v11 =	vtrunc.f32 v15;
	v10 =	vcvt.f32.s32 v10;
	[tilespmem:v5+s4+$0x0] =	vst.idx.msk $0xffff, v1  }
0x7d4: {  	v5 =	vadd.s32 v7, v6;
	v6 =	vcvt.f32.s32 v8;
	v7 =	vcvt.f32.s32 v11;
	v8 =	vld [tilespmem:s10+$0x14000]  }
0x7d5: {  	v14 =	vcvt.f32.s32 v14;
	v9 =	vmul.f32 $2.550000000e+02, v9;
	v10 =	vshll.u32 v10, $0x8;
	v63 =	vld [tilespmem:s10+$0x16000]  }
0x7d6: {  	v12 =	vmul.f32 $2.550000000e+02, v61;
	v18 =	vmul.f32 $2.550000000e+02, v62;
	v7 =	vadd.s32 v7, v10  }
0x7d7: {  	v11 =	vmul.f32 $2.550000000e+02, v60;
	v10 =	vshll.u32 v14, $0x8;
	[tilespmem:v4+s4+$0x0] =	vst.idx.msk $0xffff, v1;
	v4 =	vtrunc.f32 v9  }
0x7d8: {  	v6 =	vadd.s32 v6, v10;
	v10 =	vtrunc.f32 v18;
	v9 =	vld [tilespmem:s26+$0x14050];
	v4 =	vcvt.f32.s32 v4  }
0x7d9: {  	v10 =	vcvt.f32.s32 v10;
	[tilespmem:v5+s4+$0x0] =	vst.idx.msk $0xffff, v1;
	v5 =	vld [tilespmem:s26+$0x16050];
	v8 =	vmul.f32 $2.550000000e+02, v8  }
0x7da: {  	v12 =	vtrunc.f32 v12;
	v4 =	vshll.u32 v4, $0x8;
	v13 =	vmul.f32 $2.550000000e+02, v63  }
0x7db: {  	v11 =	vtrunc.f32 v11;
	v10 =	vadd.s32 v10, v4;
	[tilespmem:v7+s4+$0x0] =	vst.idx.msk $0xffff, v1;
	v4 =	vtrunc.f32 v8  }
0x7dc: {  	v7 =	vld [tilespmem:s24+$0x14890];
	v8 =	vtrunc.f32 v13;
	v4 =	vcvt.f32.s32 v4  }
0x7dd: {  	[tilespmem:v6+s4+$0x0] =	vst.idx.msk $0xffff, v1;
	v6 =	vmul.f32 $2.550000000e+02, v9;
	v9 =	vld [tilespmem:s24+$0x16890];
	v8 =	vcvt.f32.s32 v8  }
0x7de: {  	v11 =	vcvt.f32.s32 v11;
	v20 =	vld [tilespmem:s24+$0x14470];
	v5 =	vmul.f32 $2.550000000e+02, v5;
	v21 =	vshll.u32 v4, $0x8  }
0x7df: {  	v12 =	vcvt.f32.s32 v12;
	v6 =	vtrunc.f32 v6;
	v8 =	vadd.s32 v8, v21  }
0x7e0: {  	v22 =	vld [tilespmem:s24+$0x16470];
	v6 =	vcvt.f32.s32 v6;
	v5 =	vtrunc.f32 v5;
	[tilespmem:v10+s4+$0x0] =	vst.idx.msk $0xffff, v1;
	v10 =	vshll.u32 v11, $0x8  }
0x7e1: {  	v5 =	vcvt.f32.s32 v5;
	v11 =	vld [tilespmem:s26+$0x140E0];
	v7 =	vmul.f32 $2.550000000e+02, v7;
	v10 =	vadd.s32 v12, v10  }
0x7e2: {  	v24 =	vld [tilespmem:s26+$0x160E0];
	v6 =	vshll.u32 v6, $0x8;
	v9 =	vmul.f32 $2.550000000e+02, v9  }
0x7e3: {  	s11 =	sor.u32 $0xC50, s2;
	v23 =	vmul.f32 $2.550000000e+02, v20;
	v5 =	vadd.s32 v5, v6;
	v6 =	vtrunc.f32 v7  }
0x7e4: {  	s12 =	sor.u32 $0xC50, s18;
	v19 =	vld [tilespmem:s11+$0x14000];
	v6 =	vcvt.f32.s32 v6;
	v7 =	vtrunc.f32 v9;
	[tilespmem:v8+s4+$0x0] =	vst.idx.msk $0xffff, v1  }
0x7e5: {  	v12 =	vtrunc.f32 v23;
	v7 =	vcvt.f32.s32 v7;
	v9 =	vld [tilespmem:s12+$0x14000]  }
0x7e6: {  	v8 =	vmul.f32 $2.550000000e+02, v22;
	v11 =	vmul.f32 $2.550000000e+02, v11;
	v6 =	vshll.u32 v6, $0x8;
	[tilespmem:v10+s4+$0x0] =	vst.idx.msk $0xffff, v1;
	v26 =	vld [tilespmem:s12+$0x16000]  }
0x7e7: {  	v10 =	vcvt.f32.s32 v12;
	v13 =	vmul.f32 $2.550000000e+02, v24;
	v6 =	vadd.s32 v7, v6;
	v7 =	vld [tilespmem:s0+$0x14870]  }
0x7e8: {  	v8 =	vtrunc.f32 v8;
	[tilespmem:v5+s4+$0x0] =	vst.idx.msk $0xffff, v1;
	v5 =	vtrunc.f32 v11  }
0x7e9: {  	v8 =	vcvt.f32.s32 v8;
	v13 =	vtrunc.f32 v13;
	v11 =	vld [tilespmem:s26+$0x14060]  }
0x7ea: {  	v10 =	vshll.u32 v10, $0x8;
	v5 =	vcvt.f32.s32 v5;
	v27 =	vld [tilespmem:s26+$0x16060];
	v13 =	vcvt.f32.s32 v13  }
0x7eb: {  	v8 =	vadd.s32 v8, v10;
	v10 =	vld [tilespmem:s0+$0x16870];
	v9 =	vmul.f32 $2.550000000e+02, v9;
	v12 =	vmul.f32 $2.550000000e+02, v26  }
0x7ec: {  	v4 =	vmul.f32 $2.550000000e+02, v19;
	v5 =	vshll.u32 v5, $0x8;
	[tilespmem:v6+s4+$0x0] =	vst.idx.msk $0xffff, v1;
	v7 =	vmul.f32 $2.550000000e+02, v7  }
0x7ed: {  	v5 =	vadd.s32 v13, v5;
	v6 =	vtrunc.f32 v9;
	v9 =	vld [tilespmem:s24+$0x148A0];
	v12 =	vtrunc.f32 v12  }
0x7ee: {  	v28 =	vld [tilespmem:s24+$0x168A0];
	v6 =	vcvt.f32.s32 v6;
	v11 =	vmul.f32 $2.550000000e+02, v11  }
0x7ef: {  	v12 =	vcvt.f32.s32 v12;
	v15 =	vmul.f32 $2.550000000e+02, v27  }
0x7f0: {  	v10 =	vmul.f32 $2.550000000e+02, v10;
	[tilespmem:v8+s4+$0x0] =	vst.idx.msk $0xffff, v1;
	v6 =	vshll.u32 v6, $0x8;
	v8 =	vtrunc.f32 v11  }
0x7f1: {  	v11 =	vld [tilespmem:s24+$0x14800];
	v29 =	vtrunc.f32 v15;
	v6 =	vadd.s32 v12, v6;
	v8 =	vcvt.f32.s32 v8  }
0x7f2: {  	v30 =	vld [tilespmem:s24+$0x16800];
	[tilespmem:v5+s4+$0x0] =	vst.idx.msk $0xffff, v1;
	v5 =	vcvt.f32.s32 v29;
	v9 =	vmul.f32 $2.550000000e+02, v9  }
0x7f3: {  	v7 =	vtrunc.f32 v7;
	v31 =	vld [tilespmem:s26+$0x160F0];
	v13 =	vmul.f32 $2.550000000e+02, v28;
	v8 =	vshll.u32 v8, $0x8  }
0x7f4: {  	v10 =	vtrunc.f32 v10;
	v5 =	vadd.s32 v5, v8;
	v8 =	vld [tilespmem:s26+$0x140F0];
	v9 =	vtrunc.f32 v9  }
0x7f5: {  	v13 =	vtrunc.f32 v13;
	v9 =	vcvt.f32.s32 v9  }
0x7f6: {  	s13 =	sor.u32 $0xC60, s18;
	v11 =	vmul.f32 $2.550000000e+02, v11;
	[tilespmem:v6+s4+$0x0] =	vst.idx.msk $0xffff, v1;
	v6 =	vcvt.f32.s32 v13  }
0x7f7: {  	v7 =	vcvt.f32.s32 v7;
	v10 =	vcvt.f32.s32 v10;
	v32 =	vld [tilespmem:s13+$0x14000];
	v9 =	vshll.u32 v9, $0x8  }
0x7f8: {  	v15 =	vmul.f32 $2.550000000e+02, v30;
	v11 =	vtrunc.f32 v11;
	v6 =	vadd.s32 v6, v9;
	v9 =	vld [tilespmem:s13+$0x16000]  }
0x7f9: {  	v7 =	vshll.u32 v7, $0x8;
	v12 =	vmul.f32 $2.550000000e+02, v31;
	v8 =	vmul.f32 $2.550000000e+02, v8;
	[tilespmem:v5+s4+$0x0] =	vst.idx.msk $0xffff, v1  }
0x7fa: {  	v5 =	vadd.s32 v10, v7;
	v7 =	vcvt.f32.s32 v11;
	v10 =	vtrunc.f32 v15;
	v11 =	vld [tilespmem:s26+$0x14070]  }
0x7fb: {  	v12 =	vtrunc.f32 v12;
	v33 =	vld [tilespmem:s26+$0x16070];
	v8 =	vtrunc.f32 v8  }
0x7fc: {  	v8 =	vcvt.f32.s32 v8;
	v13 =	vmul.f32 $2.550000000e+02, v32  }
0x7fd: {  	v12 =	vcvt.f32.s32 v12;
	v9 =	vmul.f32 $2.550000000e+02, v9;
	[tilespmem:v6+s4+$0x0] =	vst.idx.msk $0xffff, v1  }
0x7fe: {  	v6 =	vshll.u32 v8, $0x8;
	v8 =	vcvt.f32.s32 v10;
	v10 =	vtrunc.f32 v13;
	v34 =	vld [tilespmem:s24+$0x148B0]  }
0x7ff: {  	v25 =	vld [tilespmem:s11+$0x16000];
	[tilespmem:v5+s4+$0x0] =	vst.idx.msk $0xffff, v1;
	v5 =	vadd.s32 v12, v6;
	v6 =	vcvt.f32.s32 v10;
	v10 =	vmul.f32 $2.550000000e+02, v11  }
0x800: {  	s14 =	sor.u32 $0xC00, s6;
	v7 =	vshll.u32 v7, $0x8;
	v11 =	vld [tilespmem:s24+$0x168B0];
	v9 =	vtrunc.f32 v9;
	v15 =	vmul.f32 $2.550000000e+02, v33  }
0x801: {  	v35 =	vld [tilespmem:s14+$0x14000];
	v7 =	vadd.s32 v8, v7;
	v8 =	vcvt.f32.s32 v9;
	v9 =	vtrunc.f32 v10  }
0x802: {  	v10 =	vld [tilespmem:s14+$0x16000];
	v6 =	vshll.u32 v6, $0x8;
	v15 =	vtrunc.f32 v15;
	v9 =	vcvt.f32.s32 v9  }
0x803: {  	v6 =	vadd.s32 v8, v6;
	v8 =	vcvt.f32.s32 v15;
	v13 =	vmul.f32 $2.550000000e+02, v34  }
0x804: {  	v14 =	vmul.f32 $2.550000000e+02, v25;
	v4 =	vtrunc.f32 v4;
	[tilespmem:v5+s4+$0x0] =	vst.idx.msk $0xffff, v1;
	v5 =	vshll.u32 v9, $0x8  }
0x805: {  	v9 =	vmul.f32 $2.550000000e+02, v11;
	v5 =	vadd.s32 v8, v5;
	v8 =	vtrunc.f32 v13  }
0x806: {  	v11 =	vmul.f32 $2.550000000e+02, v35;
	v36 =	vld [tilespmem:s26+$0x16480];
	v8 =	vcvt.f32.s32 v8  }
0x807: {  	v37 =	vld [tilespmem:s26+$0x14480];
	[tilespmem:v7+s4+$0x0] =	vst.idx.msk $0xffff, v1;
	v9 =	vtrunc.f32 v9;
	v7 =	vmul.f32 $2.550000000e+02, v10  }
0x808: {  	s17 =	sor.u32 $0xC70, s18;
	v10 =	vtrunc.f32 v11;
	v11 =	vld [tilespmem:s24+$0x14810];
	v9 =	vcvt.f32.s32 v9;
	[tilespmem:v6+s4+$0x0] =	vst.idx.msk $0xffff, v1  }
0x809: {  	v14 =	vtrunc.f32 v14;
	v6 =	vshll.u32 v8, $0x8;
	v8 =	vcvt.f32.s32 v10;
	v10 =	vld [tilespmem:s17+$0x14000]  }
0x80a: {  	v4 =	vcvt.f32.s32 v4;
	v14 =	vcvt.f32.s32 v14;
	v6 =	vadd.s32 v9, v6  }
0x80b: {  	v7 =	vtrunc.f32 v7;
	v9 =	vld [tilespmem:s17+$0x16000];
	v12 =	vmul.f32 $2.550000000e+02, v36;
	[tilespmem:v5+s4+$0x0] =	vst.idx.msk $0xffff, v1  }
0x80c: {  	v5 =	vcvt.f32.s32 v7;
	v7 =	vmul.f32 $2.550000000e+02, v37;
	v38 =	vld [tilespmem:s26+$0x14400]  }
0x80d: {  	v8 =	vshll.u32 v8, $0x8;
	v11 =	vmul.f32 $2.550000000e+02, v11;
	v39 =	vld [tilespmem:s26+$0x16400];
	v12 =	vtrunc.f32 v12  }
0x80e: {  	v7 =	vtrunc.f32 v7;
	v5 =	vadd.s32 v5, v8;
	v8 =	vld [tilespmem:s24+$0x16810];
	v10 =	vmul.f32 $2.550000000e+02, v10  }
0x80f: {  	v4 =	vshll.u32 v4, $0x8;
	v7 =	vcvt.f32.s32 v7;
	v12 =	vcvt.f32.s32 v12;
	[tilespmem:v6+s4+$0x0] =	vst.idx.msk $0xffff, v1  }
0x810: {  	v11 =	vtrunc.f32 v11;
	v6 =	vadd.s32 v14, v4;
	v9 =	vmul.f32 $2.550000000e+02, v9;
	v40 =	vld [tilespmem:s24+$0x148C0]  }
0x811: {  	v4 =	vtrunc.f32 v10;
	v7 =	vshll.u32 v7, $0x8;
	v41 =	vld [tilespmem:s24+$0x168C0];
	v10 =	vmul.f32 $2.550000000e+02, v38  }
0x812: {  	v11 =	vcvt.f32.s32 v11;
	v7 =	vadd.s32 v12, v7;
	v42 =	vmul.f32 $2.550000000e+02, v39  }
0x813: {  	s18 =	sor.u32 $0xC10, s6;
	[tilespmem:v5+s4+$0x0] =	vst.idx.msk $0xffff, v1;
	v5 =	vmul.f32 $2.550000000e+02, v8;
	v10 =	vtrunc.f32 v10  }
0x814: {  	v12 =	vtrunc.f32 v42;
	v8 =	vcvt.f32.s32 v10;
	v10 =	vld [tilespmem:s18+$0x14000]  }
0x815: {  	[tilespmem:v6+s4+$0x0] =	vst.idx.msk $0xffff, v1;
	v6 =	vld [tilespmem:s18+$0x16000];
	v12 =	vcvt.f32.s32 v12;
	v5 =	vtrunc.f32 v5  }
0x816: {  	s19 =	sor.u32 $0xC60, s2;
	v14 =	vmul.f32 $2.550000000e+02, v40;
	v13 =	vmul.f32 $2.550000000e+02, v41  }
0x817: {  	v4 =	vcvt.f32.s32 v4;
	v5 =	vcvt.f32.s32 v5;
	v46 =	vld [tilespmem:s19+$0x16000];
	v8 =	vshll.u32 v8, $0x8;
	[tilespmem:v7+s4+$0x0] =	vst.idx.msk $0xffff, v1  }
0x818: {  	v7 =	vtrunc.f32 v14;
	v8 =	vadd.s32 v12, v8;
	v44 =	vld [tilespmem:s26+$0x14490];
	v13 =	vtrunc.f32 v13  }
0x819: {  	v45 =	vld [tilespmem:s26+$0x16490];
	v7 =	vcvt.f32.s32 v7;
	v13 =	vcvt.f32.s32 v13  }
0x81a: {  	v11 =	vshll.u32 v11, $0x8;
	v10 =	vmul.f32 $2.550000000e+02, v10;
	v6 =	vmul.f32 $2.550000000e+02, v6  }
0x81b: {  	v9 =	vtrunc.f32 v9;
	v5 =	vadd.s32 v5, v11;
	v7 =	vshll.u32 v7, $0x8  }
0x81c: {  	v43 =	vld [tilespmem:s19+$0x14000];
	v7 =	vadd.s32 v13, v7;
	v10 =	vtrunc.f32 v10;
	v6 =	vtrunc.f32 v6  }
0x81d: {  	v13 =	vmul.f32 $2.550000000e+02, v46;
	[tilespmem:v8+s4+$0x0] =	vst.idx.msk $0xffff, v1;
	v8 =	vmul.f32 $2.550000000e+02, v44  }
0x81e: {  	v10 =	vcvt.f32.s32 v10;
	v47 =	vmul.f32 $2.550000000e+02, v45;
	v11 =	vld [tilespmem:s26+$0x14410]  }
0x81f: {  	v6 =	vcvt.f32.s32 v6;
	v48 =	vld [tilespmem:s26+$0x16410];
	v8 =	vtrunc.f32 v8  }
0x820: {  	[tilespmem:v5+s4+$0x0] =	vst.idx.msk $0xffff, v1;
	v12 =	vtrunc.f32 v47;
	v10 =	vshll.u32 v10, $0x8;
	v8 =	vcvt.f32.s32 v8  }
0x821: {  	v15 =	vmul.f32 $2.550000000e+02, v43;
	v51 =	vld [tilespmem:s24+$0x16820];
	v6 =	vadd.s32 v6, v10;
	[tilespmem:v7+s4+$0x0] =	vst.idx.msk $0xffff, v1;
	v7 =	vcvt.f32.s32 v12  }
0x822: {  	v9 =	vcvt.f32.s32 v9;
	v13 =	vtrunc.f32 v13;
	v49 =	vld [tilespmem:s24+$0x148D0];
	v8 =	vshll.u32 v8, $0x8  }
0x823: {  	v10 =	vtrunc.f32 v15;
	v5 =	vmul.f32 $2.550000000e+02, v11;
	v11 =	vld [tilespmem:s24+$0x168D0];
	v7 =	vadd.s32 v7, v8  }
0x824: {  	v50 =	vld [tilespmem:s24+$0x14820];
	v10 =	vcvt.f32.s32 v10;
	v8 =	vmul.f32 $2.550000000e+02, v48  }
0x825: {  	v13 =	vcvt.f32.s32 v13;
	v5 =	vtrunc.f32 v5  }
0x826: {  	s20 =	sor.u32 $0xC20, s6;
	v10 =	vshll.u32 v10, $0x8;
	v8 =	vtrunc.f32 v8;
	[tilespmem:v6+s4+$0x0] =	vst.idx.msk $0xffff, v1;
	v5 =	vcvt.f32.s32 v5  }
0x827: {  	v6 =	vadd.s32 v13, v10;
	v8 =	vcvt.f32.s32 v8;
	v54 =	vld [tilespmem:s20+$0x16000];
	v12 =	vmul.f32 $2.550000000e+02, v49  }
0x828: {  	v15 =	vmul.f32 $2.550000000e+02, v51;
	v5 =	vshll.u32 v5, $0x8;
	v10 =	vmul.f32 $2.550000000e+02, v11;
	v11 =	vld [tilespmem:s20+$0x14000];
	[tilespmem:v7+s4+$0x0] =	vst.idx.msk $0xffff, v1  }
0x829: {  	v7 =	vmul.f32 $2.550000000e+02, v50;
	v5 =	vadd.s32 v8, v5;
	v8 =	vtrunc.f32 v12;
	v52 =	vld [tilespmem:s26+$0x144A0]  }
0x82a: {  	v53 =	vld [tilespmem:s26+$0x164A0];
	v8 =	vcvt.f32.s32 v8;
	v10 =	vtrunc.f32 v10  }
0x82b: {  	v7 =	vtrunc.f32 v7;
	v10 =	vcvt.f32.s32 v10  }
0x82c: {  	[tilespmem:v6+s4+$0x0] =	vst.idx.msk $0xffff, v1;
	v6 =	vcvt.f32.s32 v7;
	v7 =	vtrunc.f32 v15;
	v8 =	vshll.u32 v8, $0x8  }
0x82d: {  	s31 =	sor.u32 $0xC70, s2;
	v14 =	vmul.f32 $2.550000000e+02, v54;
	v8 =	vadd.s32 v10, v8;
	v11 =	vmul.f32 $2.550000000e+02, v11  }
0x82e: {  	v2 =	vshll.u32 v2, $0x8;
	v10 =	vld [tilespmem:s31+$0x14000];
	[tilespmem:v5+s4+$0x0] =	vst.idx.msk $0xffff, v1;
	v5 =	vcvt.f32.s32 v7;
	v7 =	vmul.f32 $2.550000000e+02, v52  }
0x82f: {  	v2 =	vadd.s32 v3, v2;
	v57 =	vtrunc.f32 v14;
	v13 =	vmul.f32 $2.550000000e+02, v53;
	v55 =	vld [tilespmem:s26+$0x14420]  }
0x830: {  	v6 =	vshll.u32 v6, $0x8;
	v56 =	vld [tilespmem:s26+$0x16420];
	v3 =	vtrunc.f32 v11;
	v7 =	vtrunc.f32 v7  }
0x831: {  	v5 =	vadd.s32 v5, v6;
	v6 =	vld [tilespmem:s31+$0x16000];
	v13 =	vtrunc.f32 v13;
	v7 =	vcvt.f32.s32 v7  }
0x832: {  	v3 =	vcvt.f32.s32 v3;
	[tilespmem:v8+s4+$0x0] =	vst.idx.msk $0xffff, v1;
	v8 =	vcvt.f32.s32 v13  }
0x833: {  	v13 =	vcvt.f32.s32 v57;
	v10 =	vmul.f32 $2.550000000e+02, v10;
	v11 =	vld [tilespmem:s24+$0x148E0];
	v7 =	vshll.u32 v7, $0x8  }
0x834: {  	v3 =	vshll.u32 v3, $0x8;
	v12 =	vmul.f32 $2.550000000e+02, v55;
	v7 =	vadd.s32 v8, v7;
	v8 =	vld [tilespmem:s24+$0x168E0]  }
0x835: {  	v58 =	vmul.f32 $2.550000000e+02, v56;
	v3 =	vadd.s32 v13, v3;
	v10 =	vtrunc.f32 v10  }
0x836: {  	[tilespmem:v5+s4+$0x0] =	vst.idx.msk $0xffff, v1;
	v59 =	vmul.f32 $2.550000000e+02, v6;
	v5 =	vtrunc.f32 v12  }
0x837: {  	v4 =	vshll.u32 v4, $0x8;
	v6 =	vld [tilespmem:s24+$0x14830];
	v60 =	vtrunc.f32 v58;
	v5 =	vcvt.f32.s32 v5  }
0x838: {  	v4 =	vadd.s32 v9, v4;
	v61 =	vld [tilespmem:s24+$0x16830];
	v9 =	vcvt.f32.s32 v60;
	v11 =	vmul.f32 $2.550000000e+02, v11  }
0x839: {  	v62 =	vcvt.f32.s32 v10;
	v8 =	vmul.f32 $2.550000000e+02, v8;
	v5 =	vshll.u32 v5, $0x8;
	[tilespmem:v7+s4+$0x0] =	vst.idx.msk $0xffff, v1  }
0x83a: {  	[tilespmem:v3+s4+$0x0] =	vst.idx.msk $0xffff, v1;
	v3 =	vtrunc.f32 v59;
	v7 =	vtrunc.f32 v11;
	v9 =	vadd.s32 v9, v5  }
0x83b: {  	s30 =	sor.u32 $0xC60, s6;
	s29 =	sor.u32 $0xC70, s6;
	[tilespmem:v2+s4+$0x0] =	vst.idx.msk $0xffff, v1;
	v10 =	vld [tilespmem:s26+$0x144B0];
	v63 =	vcvt.f32.s32 v7;
	v2 =	vtrunc.f32 v8  }
0x83c: {  	s2 =	sor.u32 $0xC40, s6;
	s11 =	sor.u32 $0xC30, s6;
	s12 =	simm.s32 $0x6;
	v11 =	vld [tilespmem:s26+$0x164B0];
	v7 =	vmul.f32 $2.550000000e+02, v6;
	v5 =	vcvt.f32.s32 v2  }
0x83d: {  	s0 =	sor.u32 $0xC50, s6;
	s17 =	simm.s32 $0x400;
	s18 =	simm.s32 $0x1000;
	[tilespmem:v4+s4+$0x0] =	vst.idx.msk $0xffff, v1;
	v4 =	vld [tilespmem:s11+$0x14000];
	v8 =	vmul.f32 $2.550000000e+02, v61;
	v2 =	vshll.u32 v62, $0x8;
	v6 =	vshll.u32 v63, $0x8  }
.LBB2_7:
0x83e: {  	s1 =	sand.u32 $0x1000, s18;
	s3 =	sand.u32 $0x300, s17;
	v7 =	vtrunc.f32 v7;
	v5 =	vadd.s32 v5, v6;
	v6 =	vld [tilespmem:s11+$0x16000];
	v3 =	vcvt.f32.s32 v3  }
0x83f: {  	s13 =	sor.u32 s3, s1;
	[tilespmem:v9+s4+$0x0] =	vst.idx.msk $0xffff, v1;
	v7 =	vcvt.f32.s32 v7;
	v8 =	vtrunc.f32 v8  }
0x840: {  	v9 =	vld [tilespmem:s13+$0x14080];
	v10 =	vmul.f32 $2.550000000e+02, v10;
	v8 =	vcvt.f32.s32 v8;
	v3 =	vadd.s32 v3, v2  }
0x841: {  	s12 =	sadd.s32 $0x2, s12;
	v12 =	vld [tilespmem:s13+$0x16080];
	v2 =	vmul.f32 $2.550000000e+02, v11;
	v7 =	vshll.u32 v7, $0x8  }
0x842: {  	p0 =	slt.u32 s12, $0xE;
	v11 =	vld [tilespmem:s13+$0x14000];
	v10 =	vtrunc.f32 v10;
	v7 =	vadd.s32 v8, v7;
	v4 =	vmul.f32 $2.550000000e+02, v4  }
0x843: {  	v8 =	vld [tilespmem:s13+$0x16000];
	v10 =	vcvt.f32.s32 v10;
	v2 =	vtrunc.f32 v2;
	[tilespmem:v5+s4+$0x0] =	vst.idx.msk $0xffff, v1  }
0x844: {  	v5 =	vcvt.f32.s32 v2;
	v13 =	vld [tilespmem:s24+$0x148F0];
	v2 =	vmul.f32 $2.550000000e+02, v6  }
0x845: {  	v4 =	vtrunc.f32 v4;
	v6 =	vmul.f32 $2.550000000e+02, v9;
	v9 =	vshll.u32 v10, $0x8;
	v10 =	vld [tilespmem:s24+$0x168F0];
	[tilespmem:v3+s4+$0x0] =	vst.idx.msk $0xffff, v1  }
0x846: {  	v4 =	vcvt.f32.s32 v4;
	v3 =	vmul.f32 $2.550000000e+02, v12;
	v12 =	vld [tilespmem:s26+$0x14430];
	v5 =	vadd.s32 v5, v9  }
0x847: {  	v9 =	vmul.f32 $2.550000000e+02, v11;
	v6 =	vtrunc.f32 v6;
	v11 =	vld [tilespmem:s26+$0x16430];
	[tilespmem:v7+s4+$0x0] =	vst.idx.msk $0xffff, v1  }
0x848: {  	v6 =	vcvt.f32.s32 v6;
	v7 =	vtrunc.f32 v3;
	v14 =	vld [tilespmem:s24+$0x14840];
	v3 =	vshll.u32 v4, $0x8  }
0x849: {  	v4 =	vcvt.f32.s32 v7;
	v7 =	vld [tilespmem:s24+$0x16840];
	v13 =	vmul.f32 $2.550000000e+02, v13  }
0x84a: {  	v8 =	vmul.f32 $2.550000000e+02, v8;
	v6 =	vshll.u32 v6, $0x8;
	v10 =	vmul.f32 $2.550000000e+02, v10  }
0x84b: {  	v9 =	vtrunc.f32 v9;
	v4 =	vadd.s32 v4, v6;
	[tilespmem:v5+s4+$0x0] =	vst.idx.msk $0xffff, v1;
	v5 =	vtrunc.f32 v13  }
0x84c: {  	v6 =	vld [tilespmem:s26+$0x144C0];
	v5 =	vcvt.f32.s32 v5;
	v10 =	vtrunc.f32 v10  }
0x84d: {  	v9 =	vcvt.f32.s32 v9;
	v13 =	vld [tilespmem:s26+$0x164C0];
	v10 =	vcvt.f32.s32 v10  }
0x84e: {  	v8 =	vtrunc.f32 v8;
	v12 =	vmul.f32 $2.550000000e+02, v12;
	v5 =	vshll.u32 v5, $0x8  }
0x84f: {  	s28 =	sadd.s32 $0x1, s28;
	v8 =	vcvt.f32.s32 v8;
	v9 =	vshll.u32 v9, $0x8;
	v5 =	vadd.s32 v10, v5  }
0x850: {  	s1 =	sand.u32 $0x3, s28;
	v10 =	vmul.f32 $2.550000000e+02, v11;
	[tilespmem:v4+s4+$0x0] =	vst.idx.msk $0xffff, v1;
	v4 =	vtrunc.f32 v12  }
0x851: {  	s1 =	sshll.u32 s1, $0x8;
	v8 =	vadd.s32 v8, v9;
	v9 =	vld [tilespmem:s13+$0x14090];
	v4 =	vcvt.f32.s32 v4;
	v6 =	vmul.f32 $2.550000000e+02, v6  }
0x852: {  	s3 =	sadd.s32 s1, s23;
	s23 =	smov.u32 s25;
	s25 =	smov.u32 s18;
	v10 =	vtrunc.f32 v10;
	v11 =	vld [tilespmem:s13+$0x16090];
	v12 =	vmul.f32 $2.550000000e+02, v13  }
0x853: {  	s20 =	sor.u32 $0xC00, s3;
	s9 =	sor.u32 $0xC10, s3;
	s19 =	sadd.s32 $0x80, s3;
	v10 =	vcvt.f32.s32 v10;
	v4 =	vshll.u32 v4, $0x8;
	v6 =	vtrunc.f32 v6  }
0x854: {  	s7 =	sor.u32 $0xC20, s3;
	s11 =	sor.u32 $0xC30, s3;
	s31 =	sor.u32 $0xC00, s19;
	v6 =	vcvt.f32.s32 v6;
	v12 =	vtrunc.f32 v12;
	[tilespmem:v5+s4+$0x0] =	vst.idx.msk $0xffff, v1  }
0x855: {  	s1 =	sor.u32 $0xC40, s3;
	s14 =	sor.u32 $0xC50, s3;
	s10 =	sor.u32 $0xC60, s3;
	v4 =	vadd.s32 v10, v4;
	v10 =	vmul.f32 $2.550000000e+02, v14;
	v5 =	vcvt.f32.s32 v12;
	v12 =	vld [tilespmem:s31+$0x14000]  }
0x856: {  	s6 =	sor.u32 $0xC70, s3;
	v7 =	vmul.f32 $2.550000000e+02, v7;
	[tilespmem:v8+s4+$0x0] =	vst.idx.msk $0xffff, v1;
	v8 =	vmul.f32 $2.550000000e+02, v9;
	v6 =	vshll.u32 v6, $0x8;
	v9 =	vld [tilespmem:s31+$0x16000]  }
0x857: {  	v13 =	vld [tilespmem:s13+$0x14010];
	v11 =	vmul.f32 $2.550000000e+02, v11;
	v5 =	vadd.s32 v5, v6;
	v6 =	vtrunc.f32 v10  }
0x858: {  	v10 =	vld [tilespmem:s13+$0x16010];
	v8 =	vtrunc.f32 v8;
	v6 =	vcvt.f32.s32 v6  }
0x859: {  	v8 =	vcvt.f32.s32 v8;
	v11 =	vtrunc.f32 v11  }
0x85a: {  	v11 =	vcvt.f32.s32 v11;
	[tilespmem:v4+s4+$0x0] =	vst.idx.msk $0xffff, v1;
	v4 =	vshll.u32 v6, $0x8;
	v6 =	vmul.f32 $2.550000000e+02, v12  }
0x85b: {  	v7 =	vtrunc.f32 v7;
	v8 =	vshll.u32 v8, $0x8;
	v12 =	vld [tilespmem:s26+$0x14440];
	v9 =	vmul.f32 $2.550000000e+02, v9  }
0x85c: {  	v13 =	vmul.f32 $2.550000000e+02, v13;
	v8 =	vadd.s32 v11, v8;
	v11 =	vld [tilespmem:s26+$0x16440];
	[tilespmem:v5+s4+$0x0] =	vst.idx.msk $0xffff, v1;
	v5 =	vtrunc.f32 v6  }
0x85d: {  	v6 =	vld [tilespmem:s26+$0x144D0];
	v5 =	vcvt.f32.s32 v5;
	v9 =	vtrunc.f32 v9  }
0x85e: {  	v10 =	vmul.f32 $2.550000000e+02, v10;
	v14 =	vld [tilespmem:s26+$0x164D0];
	v9 =	vcvt.f32.s32 v9  }
0x85f: {  	v7 =	vcvt.f32.s32 v7;
	v13 =	vtrunc.f32 v13;
	v5 =	vshll.u32 v5, $0x8  }
0x860: {  	v13 =	vcvt.f32.s32 v13;
	v10 =	vtrunc.f32 v10;
	v5 =	vadd.s32 v9, v5  }
0x861: {  	v4 =	vadd.s32 v7, v4;
	v9 =	vcvt.f32.s32 v10;
	[tilespmem:v8+s4+$0x0] =	vst.idx.msk $0xffff, v1;
	v8 =	vmul.f32 $2.550000000e+02, v12  }
0x862: {  	v7 =	vshll.u32 v13, $0x8;
	v11 =	vmul.f32 $2.550000000e+02, v11;
	v10 =	vld [tilespmem:s13+$0x140A0];
	v6 =	vmul.f32 $2.550000000e+02, v6  }
0x863: {  	v7 =	vadd.s32 v9, v7;
	v9 =	vld [tilespmem:s13+$0x160A0];
	v8 =	vtrunc.f32 v8;
	v12 =	vmul.f32 $2.550000000e+02, v14  }
0x864: {  	v8 =	vcvt.f32.s32 v8;
	v6 =	vtrunc.f32 v6  }
0x865: {  	s3 =	sor.u32 $0xC10, s19;
	v6 =	vcvt.f32.s32 v6;
	v12 =	vtrunc.f32 v12;
	[tilespmem:v5+s4+$0x0] =	vst.idx.msk $0xffff, v1  }
0x866: {  	v5 =	vtrunc.f32 v11;
	v8 =	vshll.u32 v8, $0x8;
	v11 =	vcvt.f32.s32 v12;
	[tilespmem:v4+s4+$0x0] =	vst.idx.msk $0xffff, v1;
	v4 =	vld [tilespmem:s3+$0x14000]  }
0x867: {  	v5 =	vcvt.f32.s32 v5;
	v10 =	vmul.f32 $2.550000000e+02, v10;
	v6 =	vshll.u32 v6, $0x8;
	v12 =	vld [tilespmem:s3+$0x16000]  }
0x868: {  	v2 =	vtrunc.f32 v2;
	[tilespmem:v7+s4+$0x0] =	vst.idx.msk $0xffff, v1;
	v7 =	vmul.f32 $2.550000000e+02, v9;
	v6 =	vadd.s32 v11, v6;
	v9 =	vld [tilespmem:s24+$0x14850]  }
0x869: {  	v2 =	vcvt.f32.s32 v2;
	v5 =	vadd.s32 v5, v8;
	v11 =	vld [tilespmem:s13+$0x14020];
	v10 =	vtrunc.f32 v10  }
0x86a: {  	v8 =	vld [tilespmem:s13+$0x16020];
	v10 =	vcvt.f32.s32 v10;
	v7 =	vtrunc.f32 v7  }
0x86b: {  	v2 =	vadd.s32 v2, v3;
	v7 =	vcvt.f32.s32 v7;
	v13 =	vld [tilespmem:s24+$0x16850];
	v4 =	vmul.f32 $2.550000000e+02, v4  }
0x86c: {  	v3 =	vshll.u32 v10, $0x8;
	v10 =	vmul.f32 $2.550000000e+02, v12  }
0x86d: {  	v3 =	vadd.s32 v7, v3;
	[tilespmem:v6+s4+$0x0] =	vst.idx.msk $0xffff, v1;
	v6 =	vmul.f32 $2.550000000e+02, v9;
	v4 =	vtrunc.f32 v4  }
0x86e: {  	[tilespmem:v5+s4+$0x0] =	vst.idx.msk $0xffff, v1;
	v5 =	vld [tilespmem:s26+$0x144E0];
	v4 =	vcvt.f32.s32 v4;
	v7 =	vtrunc.f32 v10  }
0x86f: {  	v9 =	vmul.f32 $2.550000000e+02, v11;
	v10 =	vld [tilespmem:s26+$0x164E0];
	v7 =	vcvt.f32.s32 v7  }
0x870: {  	v8 =	vmul.f32 $2.550000000e+02, v8;
	v11 =	vld [tilespmem:s26+$0x14450];
	v12 =	vmul.f32 $2.550000000e+02, v13;
	v4 =	vshll.u32 v4, $0x8;
	[tilespmem:v2+s4+$0x0] =	vst.idx.msk $0xffff, v1  }
0x871: {  	v6 =	vtrunc.f32 v6;
	v2 =	vtrunc.f32 v9;
	v9 =	vld [tilespmem:s26+$0x16450];
	v4 =	vadd.s32 v7, v4  }
0x872: {  	v2 =	vcvt.f32.s32 v2;
	v7 =	vtrunc.f32 v8;
	[tilespmem:v3+s4+$0x0] =	vst.idx.msk $0xffff, v1;
	v3 =	vld [tilespmem:s2+$0x14000]  }
0x873: {  	v7 =	vcvt.f32.s32 v7;
	v8 =	vld [tilespmem:s13+$0x140B0];
	v5 =	vmul.f32 $2.550000000e+02, v5  }
0x874: {  	v6 =	vcvt.f32.s32 v6;
	v2 =	vshll.u32 v2, $0x8;
	v13 =	vld [tilespmem:s13+$0x160B0];
	v10 =	vmul.f32 $2.550000000e+02, v10  }
0x875: {  	v2 =	vadd.s32 v7, v2;
	v7 =	vmul.f32 $2.550000000e+02, v11;
	v5 =	vtrunc.f32 v5;
	v11 =	vld [tilespmem:s2+$0x16000];
	s2 =	smov.u32 s1  }
0x876: {  	v6 =	vshll.u32 v6, $0x8;
	s1 =	sor.u32 $0xC20, s19;
	v5 =	vcvt.f32.s32 v5;
	v10 =	vtrunc.f32 v10;
	[tilespmem:v4+s4+$0x0] =	vst.idx.msk $0xffff, v1  }
0x877: {  	v4 =	vmul.f32 $2.550000000e+02, v9;
	v9 =	vcvt.f32.s32 v10;
	v10 =	vld [tilespmem:s1+$0x14000]  }
0x878: {  	v7 =	vtrunc.f32 v7;
	v8 =	vmul.f32 $2.550000000e+02, v8;
	v5 =	vshll.u32 v5, $0x8;
	v14 =	vld [tilespmem:s1+$0x16000]  }
0x879: {  	v7 =	vcvt.f32.s32 v7;
	v13 =	vmul.f32 $2.550000000e+02, v13;
	v5 =	vadd.s32 v9, v5  }
0x87a: {  	v4 =	vtrunc.f32 v4;
	[tilespmem:v2+s4+$0x0] =	vst.idx.msk $0xffff, v1;
	v2 =	vtrunc.f32 v8  }
0x87b: {  	v7 =	vshll.u32 v7, $0x8;
	v8 =	vld [tilespmem:s13+$0x14030];
	v2 =	vcvt.f32.s32 v2;
	v9 =	vtrunc.f32 v13  }
0x87c: {  	v13 =	vld [tilespmem:s13+$0x16030];
	v9 =	vcvt.f32.s32 v9;
	v10 =	vmul.f32 $2.550000000e+02, v10  }
0x87d: {  	v4 =	vcvt.f32.s32 v4;
	v2 =	vshll.u32 v2, $0x8;
	v14 =	vmul.f32 $2.550000000e+02, v14  }
0x87e: {  	v2 =	vadd.s32 v9, v2;
	[tilespmem:v5+s4+$0x0] =	vst.idx.msk $0xffff, v1;
	v5 =	vtrunc.f32 v12;
	v9 =	vtrunc.f32 v10  }
0x87f: {  	v4 =	vadd.s32 v4, v7;
	v7 =	vld [tilespmem:s26+$0x144F0];
	v9 =	vcvt.f32.s32 v9;
	v10 =	vtrunc.f32 v14  }
0x880: {  	v8 =	vmul.f32 $2.550000000e+02, v8;
	v12 =	vld [tilespmem:s26+$0x164F0];
	v10 =	vcvt.f32.s32 v10  }
0x881: {  	v5 =	vcvt.f32.s32 v5;
	v13 =	vmul.f32 $2.550000000e+02, v13;
	v9 =	vshll.u32 v9, $0x8  }
0x882: {  	v3 =	vmul.f32 $2.550000000e+02, v3;
	v8 =	vtrunc.f32 v8;
	v9 =	vadd.s32 v10, v9  }
0x883: {  	v8 =	vcvt.f32.s32 v8;
	v10 =	vtrunc.f32 v13;
	[tilespmem:v2+s4+$0x0] =	vst.idx.msk $0xffff, v1;
	v2 =	vadd.s32 v5, v6  }
0x884: {  	v5 =	vcvt.f32.s32 v10;
	v6 =	vld [tilespmem:s13+$0x140C0];
	[tilespmem:v4+s4+$0x0] =	vst.idx.msk $0xffff, v1;
	v4 =	vmul.f32 $2.550000000e+02, v7  }
0x885: {  	v11 =	vmul.f32 $2.550000000e+02, v11;
	v7 =	vshll.u32 v8, $0x8;
	v8 =	vld [tilespmem:s13+$0x160C0];
	v10 =	vmul.f32 $2.550000000e+02, v12  }
0x886: {  	v3 =	vtrunc.f32 v3;
	v5 =	vadd.s32 v5, v7;
	v7 =	vld [tilespmem:s26+$0x14460];
	v4 =	vtrunc.f32 v4  }
0x887: {  	s1 =	sor.u32 $0xC30, s19;
	v12 =	vld [tilespmem:s26+$0x16460];
	v4 =	vcvt.f32.s32 v4;
	v10 =	vtrunc.f32 v10;
	[tilespmem:v9+s4+$0x0] =	vst.idx.msk $0xffff, v1  }
0x888: {  	v3 =	vcvt.f32.s32 v3;
	v9 =	vcvt.f32.s32 v10;
	[tilespmem:v2+s4+$0x0] =	vst.idx.msk $0xffff, v1;
	v2 =	vld [tilespmem:s1+$0x14000]  }
0x889: {  	v11 =	vtrunc.f32 v11;
	v6 =	vmul.f32 $2.550000000e+02, v6;
	v4 =	vshll.u32 v4, $0x8;
	v10 =	vld [tilespmem:s1+$0x16000]  }
0x88a: {  	v11 =	vcvt.f32.s32 v11;
	v8 =	vmul.f32 $2.550000000e+02, v8;
	v4 =	vadd.s32 v9, v4;
	v9 =	vld [tilespmem:s24+$0x14860]  }
0x88b: {  	v3 =	vshll.u32 v3, $0x8;
	[tilespmem:v5+s4+$0x0] =	vst.idx.msk $0xffff, v1;
	v5 =	vtrunc.f32 v6;
	v6 =	vmul.f32 $2.550000000e+02, v7;
	v7 =	vld [tilespmem:s24+$0x16860]  }
0x88c: {  	v3 =	vadd.s32 v11, v3;
	v13 =	vld [tilespmem:s13+$0x14040];
	v5 =	vcvt.f32.s32 v5;
	v8 =	vtrunc.f32 v8  }
0x88d: {  	v11 =	vld [tilespmem:s13+$0x16040];
	v8 =	vcvt.f32.s32 v8;
	v2 =	vmul.f32 $2.550000000e+02, v2  }
0x88e: {  	v12 =	vmul.f32 $2.550000000e+02, v12;
	v5 =	vshll.u32 v5, $0x8;
	v10 =	vmul.f32 $2.550000000e+02, v10  }
0x88f: {  	v6 =	vtrunc.f32 v6;
	v5 =	vadd.s32 v8, v5;
	[tilespmem:v4+s4+$0x0] =	vst.idx.msk $0xffff, v1;
	v2 =	vtrunc.f32 v2  }
0x890: {  	v4 =	vld [tilespmem:s26+$0x14880];
	v2 =	vcvt.f32.s32 v2;
	v8 =	vtrunc.f32 v10  }
0x891: {  	v10 =	vmul.f32 $2.550000000e+02, v13;
	v13 =	vld [tilespmem:s26+$0x16880];
	v8 =	vcvt.f32.s32 v8;
	[tilespmem:v3+s4+$0x0] =	vst.idx.msk $0xffff, v1  }
0x892: {  	v6 =	vcvt.f32.s32 v6;
	v3 =	vmul.f32 $2.550000000e+02, v11;
	v2 =	vshll.u32 v2, $0x8;
	v11 =	vld [tilespmem:s0+$0x14000]  }
0x893: {  	v12 =	vtrunc.f32 v12;
	v10 =	vtrunc.f32 v10;
	v2 =	vadd.s32 v8, v2;
	v8 =	vld [tilespmem:s0+$0x16000];
	s0 =	smov.u32 s14  }
0x894: {  	v10 =	vcvt.f32.s32 v10;
	v3 =	vtrunc.f32 v3;
	[tilespmem:v5+s4+$0x0] =	vst.idx.msk $0xffff, v1;
	v5 =	vshll.u32 v6, $0x8  }
0x895: {  	v3 =	vcvt.f32.s32 v3;
	v6 =	vld [tilespmem:s13+$0x140D0];
	v4 =	vmul.f32 $2.550000000e+02, v4  }
0x896: {  	v12 =	vcvt.f32.s32 v12;
	v10 =	vshll.u32 v10, $0x8;
	v14 =	vld [tilespmem:s13+$0x160D0];
	v13 =	vmul.f32 $2.550000000e+02, v13  }
0x897: {  	v9 =	vmul.f32 $2.550000000e+02, v9;
	v3 =	vadd.s32 v3, v10;
	v4 =	vtrunc.f32 v4  }
0x898: {  	s1 =	sor.u32 $0xC40, s19;
	v5 =	vadd.s32 v12, v5;
	v4 =	vcvt.f32.s32 v4;
	v10 =	vtrunc.f32 v13;
	[tilespmem:v2+s4+$0x0] =	vst.idx.msk $0xffff, v1  }
0x899: {  	v7 =	vmul.f32 $2.550000000e+02, v7;
	v2 =	vcvt.f32.s32 v10;
	v10 =	vld [tilespmem:s1+$0x14000]  }
0x89a: {  	v9 =	vtrunc.f32 v9;
	v6 =	vmul.f32 $2.550000000e+02, v6;
	v4 =	vshll.u32 v4, $0x8;
	v12 =	vld [tilespmem:s1+$0x16000]  }
0x89b: {  	v13 =	vmul.f32 $2.550000000e+02, v14;
	v2 =	vadd.s32 v2, v4;
	v4 =	vcvt.f32.s32 v9  }
0x89c: {  	[tilespmem:v3+s4+$0x0] =	vst.idx.msk $0xffff, v1;
	v3 =	vtrunc.f32 v6;
	v6 =	vtrunc.f32 v7  }
0x89d: {  	v7 =	vld [tilespmem:s13+$0x14050];
	v3 =	vcvt.f32.s32 v3;
	v9 =	vtrunc.f32 v13;
	[tilespmem:v5+s4+$0x0] =	vst.idx.msk $0xffff, v1;
	v4 =	vshll.u32 v4, $0x8  }
0x89e: {  	v5 =	vld [tilespmem:s13+$0x16050];
	v9 =	vcvt.f32.s32 v9;
	v10 =	vmul.f32 $2.550000000e+02, v10  }
0x89f: {  	v6 =	vcvt.f32.s32 v6;
	v3 =	vshll.u32 v3, $0x8;
	v13 =	vld [tilespmem:s26+$0x14470];
	v12 =	vmul.f32 $2.550000000e+02, v12  }
0x8a0: {  	v9 =	vadd.s32 v9, v3;
	v14 =	vld [tilespmem:s26+$0x16470];
	[tilespmem:v2+s4+$0x0] =	vst.idx.msk $0xffff, v1;
	v2 =	vtrunc.f32 v10;
	v3 =	vmul.f32 $2.550000000e+02, v11  }
0x8a1: {  	v4 =	vadd.s32 v6, v4;
	v10 =	vld [tilespmem:s26+$0x14890];
	v2 =	vcvt.f32.s32 v2;
	v6 =	vtrunc.f32 v12  }
0x8a2: {  	v7 =	vmul.f32 $2.550000000e+02, v7;
	v11 =	vld [tilespmem:s26+$0x16890];
	v6 =	vcvt.f32.s32 v6  }
0x8a3: {  	v5 =	vmul.f32 $2.550000000e+02, v5;
	v12 =	vshll.u32 v2, $0x8;
	v2 =	vmul.f32 $2.550000000e+02, v8  }
0x8a4: {  	v7 =	vtrunc.f32 v7;
	v8 =	vmul.f32 $2.550000000e+02, v13;
	v6 =	vadd.s32 v6, v12  }
0x8a5: {  	v7 =	vcvt.f32.s32 v7;
	v5 =	vtrunc.f32 v5;
	[tilespmem:v9+s4+$0x0] =	vst.idx.msk $0xffff, v1  }
0x8a6: {  	v5 =	vcvt.f32.s32 v5;
	v9 =	vld [tilespmem:s13+$0x140E0];
	v10 =	vmul.f32 $2.550000000e+02, v10;
	[tilespmem:v4+s4+$0x0] =	vst.idx.msk $0xffff, v1  }
0x8a7: {  	v12 =	vmul.f32 $2.550000000e+02, v14;
	v4 =	vshll.u32 v7, $0x8;
	v7 =	vld [tilespmem:s13+$0x160E0];
	v11 =	vmul.f32 $2.550000000e+02, v11  }
0x8a8: {  	v4 =	vadd.s32 v5, v4;
	v5 =	vtrunc.f32 v8;
	v8 =	vtrunc.f32 v10;
	v10 =	vld [tilespmem:s24+$0x14870]  }
0x8a9: {  	s1 =	sor.u32 $0xC50, s19;
	v8 =	vcvt.f32.s32 v8;
	v11 =	vtrunc.f32 v11;
	v13 =	vld [tilespmem:s24+$0x16870];
	[tilespmem:v6+s4+$0x0] =	vst.idx.msk $0xffff, v1;
	s24 =	smov.u32 s26;
	s26 =	smov.u32 s13  }
0x8aa: {  	v5 =	vcvt.f32.s32 v5;
	v6 =	vcvt.f32.s32 v11;
	v11 =	vld [tilespmem:s1+$0x14000]  }
0x8ab: {  	v12 =	vtrunc.f32 v12;
	v9 =	vmul.f32 $2.550000000e+02, v9;
	v8 =	vshll.u32 v8, $0x8;
	v14 =	vld [tilespmem:s1+$0x16000]  }
0x8ac: {  	v12 =	vcvt.f32.s32 v12;
	v7 =	vmul.f32 $2.550000000e+02, v7;
	v6 =	vadd.s32 v6, v8  }
0x8ad: {  	v5 =	vshll.u32 v5, $0x8;
	[tilespmem:v4+s4+$0x0] =	vst.idx.msk $0xffff, v1;
	v4 =	vtrunc.f32 v9;
	v8 =	vmul.f32 $2.550000000e+02, v10  }
0x8ae: {  	v5 =	vadd.s32 v12, v5;
	v9 =	vld [tilespmem:s26+$0x14060];
	v4 =	vcvt.f32.s32 v4;
	v7 =	vtrunc.f32 v7  }
0x8af: {  	v10 =	vld [tilespmem:s26+$0x16060];
	v7 =	vcvt.f32.s32 v7;
	v11 =	vmul.f32 $2.550000000e+02, v11  }
0x8b0: {  	v12 =	vmul.f32 $2.550000000e+02, v13;
	v4 =	vshll.u32 v4, $0x8;
	v13 =	vmul.f32 $2.550000000e+02, v14  }
0x8b1: {  	v4 =	vadd.s32 v7, v4;
	[tilespmem:v6+s4+$0x0] =	vst.idx.msk $0xffff, v1;
	v6 =	vtrunc.f32 v8;
	v7 =	vtrunc.f32 v11  }
0x8b2: {  	v8 =	vld [tilespmem:s24+$0x148A0];
	v7 =	vcvt.f32.s32 v7;
	v11 =	vtrunc.f32 v13  }
0x8b3: {  	v9 =	vmul.f32 $2.550000000e+02, v9;
	[tilespmem:v5+s4+$0x0] =	vst.idx.msk $0xffff, v1;
	v5 =	vld [tilespmem:s24+$0x168A0];
	v11 =	vcvt.f32.s32 v11  }
0x8b4: {  	v6 =	vcvt.f32.s32 v6;
	v10 =	vmul.f32 $2.550000000e+02, v10;
	v13 =	vld [tilespmem:s24+$0x14800];
	v7 =	vshll.u32 v7, $0x8  }
0x8b5: {  	v12 =	vtrunc.f32 v12;
	v9 =	vtrunc.f32 v9;
	v14 =	vld [tilespmem:s24+$0x16800];
	v7 =	vadd.s32 v11, v7  }
0x8b6: {  	v9 =	vcvt.f32.s32 v9;
	v10 =	vtrunc.f32 v10;
	[tilespmem:v4+s4+$0x0] =	vst.idx.msk $0xffff, v1;
	v4 =	vshll.u32 v6, $0x8  }
0x8b7: {  	v6 =	vcvt.f32.s32 v10;
	v10 =	vld [tilespmem:s26+$0x160F0];
	v8 =	vmul.f32 $2.550000000e+02, v8  }
0x8b8: {  	v12 =	vcvt.f32.s32 v12;
	v9 =	vshll.u32 v9, $0x8;
	v11 =	vld [tilespmem:s26+$0x140F0];
	v5 =	vmul.f32 $2.550000000e+02, v5  }
0x8b9: {  	v6 =	vadd.s32 v6, v9;
	v9 =	vmul.f32 $2.550000000e+02, v13;
	v8 =	vtrunc.f32 v8  }
0x8ba: {  	s1 =	sor.u32 $0xC60, s19;
	v4 =	vadd.s32 v12, v4;
	v8 =	vcvt.f32.s32 v8;
	v5 =	vtrunc.f32 v5;
	[tilespmem:v7+s4+$0x0] =	vst.idx.msk $0xffff, v1  }
0x8bb: {  	v7 =	vmul.f32 $2.550000000e+02, v14;
	v5 =	vcvt.f32.s32 v5;
	v12 =	vld [tilespmem:s1+$0x14000]  }
0x8bc: {  	v3 =	vtrunc.f32 v3;
	v9 =	vtrunc.f32 v9;
	v8 =	vshll.u32 v8, $0x8;
	v13 =	vld [tilespmem:s1+$0x16000]  }
0x8bd: {  	v10 =	vmul.f32 $2.550000000e+02, v10;
	v11 =	vmul.f32 $2.550000000e+02, v11;
	v5 =	vadd.s32 v5, v8  }
0x8be: {  	v7 =	vtrunc.f32 v7;
	[tilespmem:v6+s4+$0x0] =	vst.idx.msk $0xffff, v1;
	v6 =	vcvt.f32.s32 v9  }
0x8bf: {  	v10 =	vtrunc.f32 v10;
	v8 =	vld [tilespmem:s26+$0x14070];
	v9 =	vtrunc.f32 v11;
	[tilespmem:v4+s4+$0x0] =	vst.idx.msk $0xffff, v1  }
0x8c0: {  	v4 =	vld [tilespmem:s26+$0x16070];
	v9 =	vcvt.f32.s32 v9;
	v6 =	vshll.u32 v6, $0x8;
	v11 =	vmul.f32 $2.550000000e+02, v12  }
0x8c1: {  	v10 =	vcvt.f32.s32 v10;
	v12 =	vld [tilespmem:s20+$0x14000];
	v13 =	vmul.f32 $2.550000000e+02, v13  }
0x8c2: {  	v7 =	vcvt.f32.s32 v7;
	v9 =	vshll.u32 v9, $0x8;
	[tilespmem:v5+s4+$0x0] =	vst.idx.msk $0xffff, v1;
	v5 =	vld [tilespmem:s20+$0x16000];
	v11 =	vtrunc.f32 v11  }
0x8c3: {  	v9 =	vadd.s32 v10, v9;
	v10 =	vld [tilespmem:s24+$0x148B0];
	v11 =	vcvt.f32.s32 v11;
	v13 =	vtrunc.f32 v13  }
0x8c4: {  	v6 =	vadd.s32 v7, v6;
	v8 =	vmul.f32 $2.550000000e+02, v8;
	v7 =	vld [tilespmem:s24+$0x168B0];
	v13 =	vcvt.f32.s32 v13  }
0x8c5: {  	v3 =	vcvt.f32.s32 v3;
	v4 =	vmul.f32 $2.550000000e+02, v4;
	v11 =	vshll.u32 v11, $0x8  }
0x8c6: {  	v8 =	vtrunc.f32 v8;
	v12 =	vmul.f32 $2.550000000e+02, v12;
	v11 =	vadd.s32 v13, v11  }
0x8c7: {  	v3 =	vshll.u32 v3, $0x8;
	v8 =	vcvt.f32.s32 v8;
	v4 =	vtrunc.f32 v4  }
0x8c8: {  	v4 =	vcvt.f32.s32 v4;
	[tilespmem:v9+s4+$0x0] =	vst.idx.msk $0xffff, v1;
	v9 =	vmul.f32 $2.550000000e+02, v10  }
0x8c9: {  	v5 =	vmul.f32 $2.550000000e+02, v5;
	v8 =	vshll.u32 v8, $0x8;
	v10 =	vld [tilespmem:s26+$0x16480];
	[tilespmem:v6+s4+$0x0] =	vst.idx.msk $0xffff, v1;
	v6 =	vmul.f32 $2.550000000e+02, v7  }
0x8ca: {  	v4 =	vadd.s32 v4, v8;
	v7 =	vld [tilespmem:s26+$0x14480];
	v8 =	vtrunc.f32 v9;
	v9 =	vtrunc.f32 v12  }
0x8cb: {  	s1 =	sor.u32 $0xC70, s19;
	v12 =	vld [tilespmem:s24+$0x14810];
	v8 =	vcvt.f32.s32 v8;
	v6 =	vtrunc.f32 v6;
	[tilespmem:v11+s4+$0x0] =	vst.idx.msk $0xffff, v1  }
0x8cc: {  	v9 =	vcvt.f32.s32 v9;
	v6 =	vcvt.f32.s32 v6;
	v11 =	vld [tilespmem:s1+$0x14000]  }
0x8cd: {  	v2 =	vtrunc.f32 v2;
	v5 =	vtrunc.f32 v5;
	v8 =	vshll.u32 v8, $0x8;
	v13 =	vld [tilespmem:s1+$0x16000]  }
0x8ce: {  	v5 =	vcvt.f32.s32 v5;
	v10 =	vmul.f32 $2.550000000e+02, v10;
	v14 =	vld [tilespmem:s24+$0x16810];
	v6 =	vadd.s32 v6, v8  }
0x8cf: {  	v2 =	vcvt.f32.s32 v2;
	[tilespmem:v4+s4+$0x0] =	vst.idx.msk $0xffff, v1;
	v4 =	vmul.f32 $2.550000000e+02, v7;
	v7 =	vshll.u32 v9, $0x8  }
0x8d0: {  	v8 =	vld [tilespmem:s26+$0x14400];
	v9 =	vtrunc.f32 v10;
	v10 =	vmul.f32 $2.550000000e+02, v12;
	v5 =	vadd.s32 v5, v7  }
0x8d1: {  	v2 =	vadd.s32 v2, v3;
	v7 =	vld [tilespmem:s26+$0x16400];
	v4 =	vtrunc.f32 v4;
	v11 =	vmul.f32 $2.550000000e+02, v11  }
0x8d2: {  	v3 =	vcvt.f32.s32 v9;
	v9 =	vmul.f32 $2.550000000e+02, v13  }
0x8d3: {  	v4 =	vcvt.f32.s32 v4;
	[tilespmem:v6+s4+$0x0] =	vst.idx.msk $0xffff, v1;
	v6 =	vtrunc.f32 v11  }
0x8d4: {  	v11 =	vld [tilespmem:s24+$0x148C0];
	v6 =	vcvt.f32.s32 v6;
	v9 =	vtrunc.f32 v9  }
0x8d5: {  	v4 =	vshll.u32 v4, $0x8;
	v8 =	vmul.f32 $2.550000000e+02, v8;
	v12 =	vld [tilespmem:s24+$0x168C0];
	[tilespmem:v5+s4+$0x0] =	vst.idx.msk $0xffff, v1;
	v5 =	vcvt.f32.s32 v9  }
0x8d6: {  	v3 =	vadd.s32 v3, v4;
	v7 =	vmul.f32 $2.550000000e+02, v7;
	v4 =	vld [tilespmem:s9+$0x14000];
	v6 =	vshll.u32 v6, $0x8;
	[tilespmem:v2+s4+$0x0] =	vst.idx.msk $0xffff, v1  }
0x8d7: {  	v2 =	vtrunc.f32 v8;
	v8 =	vmul.f32 $2.550000000e+02, v14;
	v9 =	vld [tilespmem:s9+$0x16000];
	v5 =	vadd.s32 v5, v6  }
0x8d8: {  	v2 =	vcvt.f32.s32 v2;
	v6 =	vtrunc.f32 v7;
	v7 =	vld [tilespmem:s30+$0x14000]  }
0x8d9: {  	v6 =	vcvt.f32.s32 v6;
	v11 =	vmul.f32 $2.550000000e+02, v11;
	v13 =	vld [tilespmem:s30+$0x16000];
	s30 =	smov.u32 s10  }
0x8da: {  	v10 =	vtrunc.f32 v10;
	v2 =	vshll.u32 v2, $0x8;
	v12 =	vmul.f32 $2.550000000e+02, v12  }
0x8db: {  	v2 =	vadd.s32 v6, v2;
	[tilespmem:v3+s4+$0x0] =	vst.idx.msk $0xffff, v1;
	v3 =	vcvt.f32.s32 v10;
	v6 =	vtrunc.f32 v11  }
0x8dc: {  	v10 =	vld [tilespmem:s26+$0x14490];
	v6 =	vcvt.f32.s32 v6;
	v11 =	vtrunc.f32 v12;
	[tilespmem:v5+s4+$0x0] =	vst.idx.msk $0xffff, v1  }
0x8dd: {  	v8 =	vtrunc.f32 v8;
	v5 =	vld [tilespmem:s26+$0x16490];
	v3 =	vshll.u32 v3, $0x8;
	v11 =	vcvt.f32.s32 v11  }
0x8de: {  	v8 =	vcvt.f32.s32 v8;
	v4 =	vmul.f32 $2.550000000e+02, v4;
	v6 =	vshll.u32 v6, $0x8  }
0x8df: {  	v9 =	vmul.f32 $2.550000000e+02, v9;
	v7 =	vmul.f32 $2.550000000e+02, v7;
	v6 =	vadd.s32 v11, v6  }
0x8e0: {  	[tilespmem:v2+s4+$0x0] =	vst.idx.msk $0xffff, v1;
	v2 =	vadd.s32 v8, v3;
	v3 =	vtrunc.f32 v4;
	v4 =	vmul.f32 $2.550000000e+02, v13  }
0x8e1: {  	v8 =	vld [tilespmem:s26+$0x14410];
	v10 =	vmul.f32 $2.550000000e+02, v10;
	v3 =	vcvt.f32.s32 v3  }
0x8e2: {  	v9 =	vtrunc.f32 v9;
	v11 =	vld [tilespmem:s26+$0x16410];
	v5 =	vmul.f32 $2.550000000e+02, v5  }
0x8e3: {  	v9 =	vcvt.f32.s32 v9;
	v10 =	vtrunc.f32 v10;
	v3 =	vshll.u32 v3, $0x8  }
0x8e4: {  	v10 =	vcvt.f32.s32 v10;
	v5 =	vtrunc.f32 v5;
	[tilespmem:v6+s4+$0x0] =	vst.idx.msk $0xffff, v1  }
0x8e5: {  	v3 =	vadd.s32 v9, v3;
	v6 =	vtrunc.f32 v7;
	v5 =	vcvt.f32.s32 v5;
	[tilespmem:v2+s4+$0x0] =	vst.idx.msk $0xffff, v1;
	v2 =	vld [tilespmem:s24+$0x148D0]  }
0x8e6: {  	v6 =	vcvt.f32.s32 v6;
	v7 =	vmul.f32 $2.550000000e+02, v8;
	v8 =	vshll.u32 v10, $0x8;
	v9 =	vld [tilespmem:s24+$0x168D0]  }
0x8e7: {  	v4 =	vtrunc.f32 v4;
	v10 =	vmul.f32 $2.550000000e+02, v11;
	v5 =	vadd.s32 v5, v8;
	v8 =	vld [tilespmem:s24+$0x14820]  }
0x8e8: {  	v4 =	vcvt.f32.s32 v4;
	v6 =	vshll.u32 v6, $0x8;
	v7 =	vtrunc.f32 v7;
	v11 =	vld [tilespmem:s24+$0x16820]  }
0x8e9: {  	v7 =	vcvt.f32.s32 v7;
	v10 =	vtrunc.f32 v10  }
0x8ea: {  	v10 =	vcvt.f32.s32 v10;
	v2 =	vmul.f32 $2.550000000e+02, v2;
	[tilespmem:v3+s4+$0x0] =	vst.idx.msk $0xffff, v1;
	v3 =	vadd.s32 v4, v6  }
0x8eb: {  	v4 =	vshll.u32 v7, $0x8;
	v6 =	vmul.f32 $2.550000000e+02, v9;
	v7 =	vld [tilespmem:s7+$0x14000]  }
0x8ec: {  	v4 =	vadd.s32 v10, v4;
	[tilespmem:v5+s4+$0x0] =	vst.idx.msk $0xffff, v1;
	v5 =	vmul.f32 $2.550000000e+02, v8;
	v2 =	vtrunc.f32 v2;
	v8 =	vld [tilespmem:s7+$0x16000]  }
0x8ed: {  	v9 =	vld [tilespmem:s26+$0x144A0];
	v2 =	vcvt.f32.s32 v2;
	v6 =	vtrunc.f32 v6  }
0x8ee: {  	v11 =	vmul.f32 $2.550000000e+02, v11;
	v10 =	vld [tilespmem:s26+$0x164A0];
	v6 =	vcvt.f32.s32 v6  }
0x8ef: {  	v5 =	vtrunc.f32 v5;
	v2 =	vshll.u32 v2, $0x8;
	[tilespmem:v3+s4+$0x0] =	vst.idx.msk $0xffff, v1  }
0x8f0: {  	v3 =	vcvt.f32.s32 v5;
	v5 =	vtrunc.f32 v11;
	v2 =	vadd.s32 v6, v2;
	v6 =	vld [tilespmem:s29+$0x14000]  }
0x8f1: {  	[tilespmem:v4+s4+$0x0] =	vst.idx.msk $0xffff, v1;
	v4 =	vcvt.f32.s32 v5;
	v5 =	vmul.f32 $2.550000000e+02, v7;
	v7 =	vld [tilespmem:s29+$0x16000];
	s29 =	smov.u32 s6  }
0x8f2: {  	v3 =	vshll.u32 v3, $0x8;
	v8 =	vmul.f32 $2.550000000e+02, v8;
	v11 =	vld [tilespmem:s26+$0x14420];
	v9 =	vmul.f32 $2.550000000e+02, v9  }
0x8f3: {  	v12 =	vld [tilespmem:s26+$0x16420];
	v10 =	vmul.f32 $2.550000000e+02, v10;
	v3 =	vadd.s32 v4, v3;
	v4 =	vtrunc.f32 v5  }
0x8f4: {  	v5 =	vtrunc.f32 v9;
	v4 =	vcvt.f32.s32 v4  }
0x8f5: {  	v5 =	vcvt.f32.s32 v5;
	v9 =	vtrunc.f32 v10;
	[tilespmem:v2+s4+$0x0] =	vst.idx.msk $0xffff, v1  }
0x8f6: {  	v8 =	vtrunc.f32 v8;
	v2 =	vcvt.f32.s32 v9;
	v9 =	vld [tilespmem:s24+$0x148E0];
	v4 =	vshll.u32 v4, $0x8  }
0x8f7: {  	v8 =	vcvt.f32.s32 v8;
	v10 =	vmul.f32 $2.550000000e+02, v11;
	v5 =	vshll.u32 v5, $0x8;
	v11 =	vld [tilespmem:s24+$0x168E0]  }
0x8f8: {  	v12 =	vmul.f32 $2.550000000e+02, v12;
	v2 =	vadd.s32 v2, v5;
	[tilespmem:v3+s4+$0x0] =	vst.idx.msk $0xffff, v1;
	v3 =	vmul.f32 $2.550000000e+02, v6  }
0x8f9: {  	v13 =	vmul.f32 $2.550000000e+02, v7;
	v4 =	vadd.s32 v8, v4;
	v5 =	vtrunc.f32 v10;
	v6 =	vld [tilespmem:s24+$0x14830]  }
0x8fa: {  	v5 =	vcvt.f32.s32 v5;
	v7 =	vtrunc.f32 v12;
	v8 =	vld [tilespmem:s24+$0x16830]  }
0x8fb: {  	v7 =	vcvt.f32.s32 v7;
	v10 =	vmul.f32 $2.550000000e+02, v9  }
.Ltmp2:
0x8fc: {  	v3 =	vtrunc.f32 v3;
	v5 =	vshll.u32 v5, $0x8;
	v11 =	vmul.f32 $2.550000000e+02, v11;
	(pc) =	sbr.rel @p0 .LBB2_7-.Ltmp2, $4  }
0x8fd: {  	v3 =	vcvt.f32.s32 v3;
	v9 =	vadd.s32 v7, v5;
	[tilespmem:v2+s4+$0x0] =	vst.idx.msk $0xffff, v1;
	v2 =	vtrunc.f32 v10  }
0x8fe: {  	v10 =	vld [tilespmem:s26+$0x144B0];
	v12 =	vcvt.f32.s32 v2;
	v2 =	vtrunc.f32 v11;
	[tilespmem:v4+s4+$0x0] =	vst.idx.msk $0xffff, v1  }
0x8ff: {  	v7 =	vmul.f32 $2.550000000e+02, v6;
	v11 =	vld [tilespmem:s26+$0x164B0];
	v5 =	vcvt.f32.s32 v2;
	v2 =	vshll.u32 v3, $0x8  }
0x900: {  	s17 =	sadd.s32 $0x100, s17;
	s18 =	sadd.s32 $0x400, s18;
	v8 =	vmul.f32 $2.550000000e+02, v8;
	v3 =	vtrunc.f32 v13;
	v6 =	vshll.u32 v12, $0x8;
	v4 =	vld [tilespmem:s11+$0x14000]  }
0x901: {  	_ =	sdelay $0x3  }
0x902: {  	[tilespmem:v9+s4+$0x0] =	vst.idx.msk $0xffff, v1  }
0x903: {  	v53 =	vld [tilespmem:s26+$0x14430];
	v10 =	vmul.f32 $2.550000000e+02, v10  }
0x904: {  	v12 =	vld [tilespmem:s26+$0x16430];
	v52 =	vmul.f32 $2.550000000e+02, v11  }
0x905: {  	v10 =	vtrunc.f32 v10  }
0x906: {  	v10 =	vcvt.f32.s32 v10;
	v9 =	vtrunc.f32 v52  }
0x907: {  	v9 =	vcvt.f32.s32 v9  }
0x908: {  	v54 =	vmul.f32 $2.550000000e+02, v53;
	v10 =	vshll.u32 v10, $0x8  }
0x909: {  	v55 =	vmul.f32 $2.550000000e+02, v12;
	v9 =	vadd.s32 v9, v10  }
0x90a: {  	v10 =	vtrunc.f32 v54  }
0x90b: {  	v11 =	vtrunc.f32 v55;
	v10 =	vcvt.f32.s32 v10  }
0x90c: {  	v56 =	vcvt.f32.s32 v11  }
0x90d: {  	v10 =	vshll.u32 v10, $0x8  }
0x90e: {  	[tilespmem:v9+s4+$0x0] =	vst.idx.msk $0xffff, v1;
	v9 =	vadd.s32 v56, v10  }
0x90f: {  	v57 =	vld [tilespmem:s26+$0x144C0]  }
0x910: {  	v58 =	vld [tilespmem:s26+$0x164C0];
	_ =	sdelay $0x2  }
0x911: {  	[tilespmem:v9+s4+$0x0] =	vst.idx.msk $0xffff, v1  }
0x912: {  	v59 =	vmul.f32 $2.550000000e+02, v57;
	v62 =	vld [tilespmem:s26+$0x14440]  }
0x913: {  	v60 =	vmul.f32 $2.550000000e+02, v58;
	v63 =	vld [tilespmem:s26+$0x16440]  }
0x914: {  	v61 =	vtrunc.f32 v59  }
0x915: {  	v11 =	vtrunc.f32 v60;
	v9 =	vcvt.f32.s32 v61  }
0x916: {  	v11 =	vcvt.f32.s32 v11  }
0x917: {  	v9 =	vshll.u32 v9, $0x8;
	v10 =	vmul.f32 $2.550000000e+02, v62  }
0x918: {  	v16 =	vmul.f32 $2.550000000e+02, v63;
	v9 =	vadd.s32 v11, v9  }
0x919: {  	v10 =	vtrunc.f32 v10  }
0x91a: {  	v11 =	vtrunc.f32 v16;
	v10 =	vcvt.f32.s32 v10  }
0x91b: {  	v17 =	vcvt.f32.s32 v11  }
0x91c: {  	v10 =	vshll.u32 v10, $0x8  }
0x91d: {  	[tilespmem:v9+s4+$0x0] =	vst.idx.msk $0xffff, v1;
	v9 =	vadd.s32 v17, v10  }
0x91e: {  	v18 =	vld [tilespmem:s26+$0x144D0]  }
0x91f: {  	v19 =	vld [tilespmem:s26+$0x164D0];
	_ =	sdelay $0x2  }
0x920: {  	[tilespmem:v9+s4+$0x0] =	vst.idx.msk $0xffff, v1  }
0x921: {  	v20 =	vmul.f32 $2.550000000e+02, v18;
	v23 =	vld [tilespmem:s26+$0x14450]  }
0x922: {  	v21 =	vmul.f32 $2.550000000e+02, v19;
	v24 =	vld [tilespmem:s26+$0x16450]  }
0x923: {  	v22 =	vtrunc.f32 v20  }
0x924: {  	v11 =	vtrunc.f32 v21;
	v9 =	vcvt.f32.s32 v22  }
0x925: {  	v11 =	vcvt.f32.s32 v11  }
0x926: {  	v9 =	vshll.u32 v9, $0x8;
	v10 =	vmul.f32 $2.550000000e+02, v23  }
0x927: {  	v25 =	vmul.f32 $2.550000000e+02, v24;
	v9 =	vadd.s32 v11, v9  }
0x928: {  	v10 =	vtrunc.f32 v10  }
0x929: {  	v11 =	vtrunc.f32 v25;
	v10 =	vcvt.f32.s32 v10  }
0x92a: {  	v26 =	vcvt.f32.s32 v11  }
0x92b: {  	v10 =	vshll.u32 v10, $0x8  }
0x92c: {  	[tilespmem:v9+s4+$0x0] =	vst.idx.msk $0xffff, v1;
	v9 =	vadd.s32 v26, v10  }
0x92d: {  	v27 =	vld [tilespmem:s26+$0x144E0]  }
0x92e: {  	v28 =	vld [tilespmem:s26+$0x164E0];
	_ =	sdelay $0x2  }
0x92f: {  	[tilespmem:v9+s4+$0x0] =	vst.idx.msk $0xffff, v1  }
0x930: {  	v29 =	vmul.f32 $2.550000000e+02, v27;
	v32 =	vld [tilespmem:s26+$0x14460]  }
0x931: {  	v30 =	vmul.f32 $2.550000000e+02, v28;
	v33 =	vld [tilespmem:s26+$0x16460]  }
0x932: {  	v31 =	vtrunc.f32 v29  }
0x933: {  	v11 =	vtrunc.f32 v30;
	v9 =	vcvt.f32.s32 v31  }
0x934: {  	v11 =	vcvt.f32.s32 v11  }
0x935: {  	v9 =	vshll.u32 v9, $0x8;
	v10 =	vmul.f32 $2.550000000e+02, v32  }
0x936: {  	v34 =	vmul.f32 $2.550000000e+02, v33;
	v9 =	vadd.s32 v11, v9  }
0x937: {  	v10 =	vtrunc.f32 v10  }
0x938: {  	v11 =	vtrunc.f32 v34;
	v10 =	vcvt.f32.s32 v10  }
0x939: {  	v35 =	vcvt.f32.s32 v11  }
0x93a: {  	v10 =	vshll.u32 v10, $0x8  }
0x93b: {  	[tilespmem:v9+s4+$0x0] =	vst.idx.msk $0xffff, v1;
	v9 =	vadd.s32 v35, v10  }
0x93c: {  	v36 =	vld [tilespmem:s26+$0x144F0]  }
0x93d: {  	v37 =	vld [tilespmem:s26+$0x164F0];
	_ =	sdelay $0x2  }
0x93e: {  	[tilespmem:v9+s4+$0x0] =	vst.idx.msk $0xffff, v1  }
0x93f: {  	v38 =	vmul.f32 $2.550000000e+02, v36;
	v41 =	vld [tilespmem:s26+$0x14470]  }
0x940: {  	v39 =	vmul.f32 $2.550000000e+02, v37;
	v42 =	vld [tilespmem:s26+$0x16470]  }
0x941: {  	v40 =	vtrunc.f32 v38  }
0x942: {  	v11 =	vtrunc.f32 v39;
	v9 =	vcvt.f32.s32 v40  }
0x943: {  	v11 =	vcvt.f32.s32 v11  }
0x944: {  	v9 =	vshll.u32 v9, $0x8;
	v10 =	vmul.f32 $2.550000000e+02, v41  }
0x945: {  	v43 =	vmul.f32 $2.550000000e+02, v42;
	v9 =	vadd.s32 v11, v9  }
0x946: {  	v10 =	vtrunc.f32 v10  }
0x947: {  	v11 =	vtrunc.f32 v43;
	v10 =	vcvt.f32.s32 v10  }
0x948: {  	v44 =	vcvt.f32.s32 v11  }
0x949: {  	v10 =	vshll.u32 v10, $0x8  }
0x94a: {  	[tilespmem:v9+s4+$0x0] =	vst.idx.msk $0xffff, v1;
	v9 =	vadd.s32 v44, v10  }
0x94b: {  	v45 =	vld [tilespmem:s26+$0x14880]  }
0x94c: {  	v46 =	vld [tilespmem:s26+$0x16880];
	_ =	sdelay $0x2  }
0x94d: {  	[tilespmem:v9+s4+$0x0] =	vst.idx.msk $0xffff, v1  }
0x94e: {  	v47 =	vmul.f32 $2.550000000e+02, v45;
	v50 =	vld [tilespmem:s26+$0x14800]  }
0x94f: {  	v48 =	vmul.f32 $2.550000000e+02, v46;
	v51 =	vld [tilespmem:s26+$0x16800]  }
0x950: {  	v49 =	vtrunc.f32 v47  }
0x951: {  	v11 =	vtrunc.f32 v48;
	v9 =	vcvt.f32.s32 v49  }
0x952: {  	v11 =	vcvt.f32.s32 v11  }
0x953: {  	v9 =	vshll.u32 v9, $0x8;
	v10 =	vmul.f32 $2.550000000e+02, v50  }
0x954: {  	v52 =	vmul.f32 $2.550000000e+02, v51;
	v9 =	vadd.s32 v11, v9  }
0x955: {  	v10 =	vtrunc.f32 v10  }
0x956: {  	v11 =	vtrunc.f32 v52;
	v10 =	vcvt.f32.s32 v10  }
0x957: {  	v53 =	vcvt.f32.s32 v11  }
0x958: {  	v10 =	vshll.u32 v10, $0x8  }
0x959: {  	[tilespmem:v9+s4+$0x0] =	vst.idx.msk $0xffff, v1;
	v9 =	vadd.s32 v53, v10  }
0x95a: {  	v54 =	vld [tilespmem:s26+$0x14890]  }
0x95b: {  	v55 =	vld [tilespmem:s26+$0x16890];
	_ =	sdelay $0x2  }
0x95c: {  	[tilespmem:v9+s4+$0x0] =	vst.idx.msk $0xffff, v1  }
0x95d: {  	v56 =	vmul.f32 $2.550000000e+02, v54;
	v59 =	vld [tilespmem:s26+$0x14810]  }
0x95e: {  	v57 =	vmul.f32 $2.550000000e+02, v55;
	v60 =	vld [tilespmem:s26+$0x16810]  }
0x95f: {  	v58 =	vtrunc.f32 v56  }
0x960: {  	v11 =	vtrunc.f32 v57;
	v9 =	vcvt.f32.s32 v58  }
0x961: {  	v11 =	vcvt.f32.s32 v11  }
0x962: {  	v9 =	vshll.u32 v9, $0x8;
	v10 =	vmul.f32 $2.550000000e+02, v59  }
0x963: {  	v61 =	vmul.f32 $2.550000000e+02, v60;
	v9 =	vadd.s32 v11, v9  }
0x964: {  	v10 =	vtrunc.f32 v10  }
0x965: {  	v11 =	vtrunc.f32 v61;
	v10 =	vcvt.f32.s32 v10  }
0x966: {  	v62 =	vcvt.f32.s32 v11  }
0x967: {  	v10 =	vshll.u32 v10, $0x8  }
0x968: {  	[tilespmem:v9+s4+$0x0] =	vst.idx.msk $0xffff, v1;
	v9 =	vadd.s32 v62, v10  }
0x969: {  	v63 =	vld [tilespmem:s26+$0x148A0]  }
0x96a: {  	v16 =	vld [tilespmem:s26+$0x168A0];
	_ =	sdelay $0x2  }
0x96b: {  	[tilespmem:v9+s4+$0x0] =	vst.idx.msk $0xffff, v1  }
0x96c: {  	v17 =	vmul.f32 $2.550000000e+02, v63;
	v20 =	vld [tilespmem:s26+$0x14820]  }
0x96d: {  	v18 =	vmul.f32 $2.550000000e+02, v16;
	v21 =	vld [tilespmem:s26+$0x16820]  }
0x96e: {  	v19 =	vtrunc.f32 v17  }
0x96f: {  	v11 =	vtrunc.f32 v18;
	v9 =	vcvt.f32.s32 v19  }
0x970: {  	v11 =	vcvt.f32.s32 v11  }
0x971: {  	v9 =	vshll.u32 v9, $0x8;
	v10 =	vmul.f32 $2.550000000e+02, v20  }
0x972: {  	v22 =	vmul.f32 $2.550000000e+02, v21;
	v9 =	vadd.s32 v11, v9  }
0x973: {  	v10 =	vtrunc.f32 v10  }
0x974: {  	v11 =	vtrunc.f32 v22;
	v10 =	vcvt.f32.s32 v10  }
0x975: {  	v23 =	vcvt.f32.s32 v11  }
0x976: {  	v10 =	vshll.u32 v10, $0x8  }
0x977: {  	[tilespmem:v9+s4+$0x0] =	vst.idx.msk $0xffff, v1;
	v9 =	vadd.s32 v23, v10  }
0x978: {  	v24 =	vld [tilespmem:s26+$0x148B0]  }
0x979: {  	v25 =	vld [tilespmem:s26+$0x168B0];
	_ =	sdelay $0x1  }
0x97a: {  	v7 =	vtrunc.f32 v7  }
0x97b: {  	v7 =	vcvt.f32.s32 v7;
	v8 =	vtrunc.f32 v8;
	[tilespmem:v9+s4+$0x0] =	vst.idx.msk $0xffff, v1  }
0x97c: {  	v8 =	vcvt.f32.s32 v8;
	v26 =	vmul.f32 $2.550000000e+02, v24;
	v9 =	vld [tilespmem:s26+$0x14830]  }
0x97d: {  	v7 =	vshll.u32 v7, $0x8;
	v27 =	vmul.f32 $2.550000000e+02, v25;
	v30 =	vld [tilespmem:s26+$0x16830]  }
0x97e: {  	v7 =	vadd.s32 v8, v7;
	v28 =	vtrunc.f32 v26  }
0x97f: {  	v29 =	vtrunc.f32 v27;
	v8 =	vcvt.f32.s32 v28  }
0x980: {  	v10 =	vcvt.f32.s32 v29  }
0x981: {  	v8 =	vshll.u32 v8, $0x8;
	v31 =	vmul.f32 $2.550000000e+02, v9  }
0x982: {  	v33 =	vmul.f32 $2.550000000e+02, v30;
	v8 =	vadd.s32 v10, v8  }
0x983: {  	[tilespmem:v7+s4+$0x0] =	vst.idx.msk $0xffff, v1;
	v7 =	vtrunc.f32 v31  }
0x984: {  	v32 =	vld [tilespmem:s24+$0x14840];
	v10 =	vtrunc.f32 v33;
	v7 =	vcvt.f32.s32 v7  }
0x985: {  	v34 =	vld [tilespmem:s24+$0x16840];
	v35 =	vcvt.f32.s32 v10  }
0x986: {  	v7 =	vshll.u32 v7, $0x8  }
0x987: {  	[tilespmem:v8+s4+$0x0] =	vst.idx.msk $0xffff, v1;
	v7 =	vadd.s32 v35, v7  }
0x988: {  	v36 =	vld [tilespmem:s26+$0x148C0]  }
0x989: {  	v9 =	vmul.f32 $2.550000000e+02, v32;
	v37 =	vld [tilespmem:s26+$0x168C0]  }
0x98a: {  	v38 =	vmul.f32 $2.550000000e+02, v34  }
0x98b: {  	v9 =	vtrunc.f32 v9  }
0x98c: {  	v9 =	vcvt.f32.s32 v9;
	v8 =	vtrunc.f32 v38;
	[tilespmem:v7+s4+$0x0] =	vst.idx.msk $0xffff, v1  }
0x98d: {  	v8 =	vcvt.f32.s32 v8;
	v10 =	vmul.f32 $2.550000000e+02, v36;
	v42 =	vld [tilespmem:s26+$0x14840]  }
0x98e: {  	v9 =	vshll.u32 v9, $0x8;
	v39 =	vmul.f32 $2.550000000e+02, v37;
	v44 =	vld [tilespmem:s26+$0x16840]  }
0x98f: {  	v40 =	vadd.s32 v8, v9;
	v41 =	vtrunc.f32 v10  }
0x990: {  	v43 =	vtrunc.f32 v39;
	v8 =	vcvt.f32.s32 v41  }
0x991: {  	v10 =	vcvt.f32.s32 v43  }
0x992: {  	v8 =	vshll.u32 v8, $0x8;
	v45 =	vmul.f32 $2.550000000e+02, v42  }
0x993: {  	v47 =	vmul.f32 $2.550000000e+02, v44;
	v8 =	vadd.s32 v10, v8  }
0x994: {  	[tilespmem:v40+s4+$0x0] =	vst.idx.msk $0xffff, v1;
	v7 =	vtrunc.f32 v45  }
0x995: {  	v46 =	vld [tilespmem:s24+$0x14850];
	v10 =	vtrunc.f32 v47;
	v7 =	vcvt.f32.s32 v7  }
0x996: {  	v48 =	vld [tilespmem:s24+$0x16850];
	v49 =	vcvt.f32.s32 v10  }
0x997: {  	v7 =	vshll.u32 v7, $0x8  }
0x998: {  	[tilespmem:v8+s4+$0x0] =	vst.idx.msk $0xffff, v1;
	v7 =	vadd.s32 v49, v7  }
0x999: {  	v50 =	vld [tilespmem:s26+$0x148D0]  }
0x99a: {  	v9 =	vmul.f32 $2.550000000e+02, v46;
	v51 =	vld [tilespmem:s26+$0x168D0]  }
0x99b: {  	v52 =	vmul.f32 $2.550000000e+02, v48  }
0x99c: {  	v9 =	vtrunc.f32 v9  }
0x99d: {  	v9 =	vcvt.f32.s32 v9;
	v8 =	vtrunc.f32 v52;
	[tilespmem:v7+s4+$0x0] =	vst.idx.msk $0xffff, v1  }
0x99e: {  	v5 =	vadd.s32 v5, v6;
	v8 =	vcvt.f32.s32 v8;
	v10 =	vmul.f32 $2.550000000e+02, v50;
	v56 =	vld [tilespmem:s26+$0x14850]  }
0x99f: {  	v9 =	vshll.u32 v9, $0x8;
	v53 =	vmul.f32 $2.550000000e+02, v51;
	v58 =	vld [tilespmem:s26+$0x16850]  }
0x9a0: {  	v54 =	vadd.s32 v8, v9;
	v55 =	vtrunc.f32 v10  }
0x9a1: {  	v57 =	vtrunc.f32 v53;
	v8 =	vcvt.f32.s32 v55  }
0x9a2: {  	v10 =	vcvt.f32.s32 v57  }
0x9a3: {  	[tilespmem:v5+s4+$0x0] =	vst.idx.msk $0xffff, v1;
	v59 =	vshll.u32 v8, $0x8;
	v60 =	vmul.f32 $2.550000000e+02, v56  }
0x9a4: {  	v14 =	vld [tilespmem:s24+$0x148F0];
	v62 =	vmul.f32 $2.550000000e+02, v58;
	v6 =	vadd.s32 v10, v59  }
0x9a5: {  	v18 =	vld [tilespmem:s24+$0x168F0];
	[tilespmem:v54+s4+$0x0] =	vst.idx.msk $0xffff, v1;
	v7 =	vtrunc.f32 v60  }
0x9a6: {  	v61 =	vld [tilespmem:s24+$0x14860];
	v13 =	vtrunc.f32 v62;
	v12 =	vcvt.f32.s32 v7  }
0x9a7: {  	v63 =	vld [tilespmem:s24+$0x16860];
	v15 =	vcvt.f32.s32 v13  }
0x9a8: {  	v5 =	vshll.u32 v12, $0x8  }
0x9a9: {  	[tilespmem:v6+s4+$0x0] =	vst.idx.msk $0xffff, v1;
	v5 =	vadd.s32 v15, v5  }
0x9aa: {  	v9 =	vmul.f32 $2.550000000e+02, v14;
	v16 =	vld [tilespmem:s26+$0x148E0]  }
0x9ab: {  	v19 =	vmul.f32 $2.550000000e+02, v18;
	v8 =	vmul.f32 $2.550000000e+02, v61;
	v17 =	vld [tilespmem:s26+$0x168E0]  }
0x9ac: {  	v9 =	vtrunc.f32 v9;
	v10 =	vmul.f32 $2.550000000e+02, v63  }
0x9ad: {  	v9 =	vcvt.f32.s32 v9;
	v8 =	vtrunc.f32 v8  }
0x9ae: {  	v10 =	vtrunc.f32 v10;
	v8 =	vcvt.f32.s32 v8;
	[tilespmem:v5+s4+$0x0] =	vst.idx.msk $0xffff, v1  }
0x9af: {  	v10 =	vcvt.f32.s32 v10;
	v7 =	vmul.f32 $2.550000000e+02, v16;
	v21 =	vld [tilespmem:s26+$0x14860]  }
0x9b0: {  	v8 =	vshll.u32 v8, $0x8;
	v5 =	vtrunc.f32 v19;
	v11 =	vmul.f32 $2.550000000e+02, v17;
	v23 =	vld [tilespmem:s26+$0x16860]  }
0x9b1: {  	v20 =	vadd.s32 v10, v8;
	v5 =	vcvt.f32.s32 v5;
	v7 =	vtrunc.f32 v7  }
0x9b2: {  	v22 =	vtrunc.f32 v11;
	v7 =	vcvt.f32.s32 v7  }
0x9b3: {  	v9 =	vshll.u32 v9, $0x8;
	v10 =	vcvt.f32.s32 v22  }
0x9b4: {  	s1 =	sadd.s32 $0x1, s28;
	v5 =	vadd.s32 v5, v9;
	v7 =	vshll.u32 v7, $0x8;
	v24 =	vmul.f32 $2.550000000e+02, v21  }
0x9b5: {  	s3 =	sand.u32 $0x3, s1;
	v26 =	vmul.f32 $2.550000000e+02, v23;
	v7 =	vadd.s32 v10, v7  }
0x9b6: {  	s3 =	sshll.u32 s3, $0x8;
	[tilespmem:v20+s4+$0x0] =	vst.idx.msk $0xffff, v1;
	v6 =	vtrunc.f32 v24  }
0x9b7: {  	s6 =	sadd.s32 s3, s23;
	v25 =	vld [tilespmem:s24+$0x14870];
	v9 =	vtrunc.f32 v26;
	v6 =	vcvt.f32.s32 v6  }
0x9b8: {  	s7 =	sadd.s32 $0x80, s6;
	v27 =	vld [tilespmem:s24+$0x16870];
	v28 =	vcvt.f32.s32 v9  }
0x9b9: {  	s9 =	sor.u32 $0xC00, s7;
	[tilespmem:v5+s4+$0x0] =	vst.idx.msk $0xffff, v1;
	v6 =	vshll.u32 v6, $0x8  }
0x9ba: {  	v32 =	vld [tilespmem:s9+$0x14000];
	[tilespmem:v7+s4+$0x0] =	vst.idx.msk $0xffff, v1;
	v6 =	vadd.s32 v28, v6  }
0x9bb: {  	v29 =	vld [tilespmem:s26+$0x148F0]  }
0x9bc: {  	v30 =	vmul.f32 $2.550000000e+02, v25;
	v31 =	vld [tilespmem:s26+$0x168F0]  }
0x9bd: {  	v10 =	vmul.f32 $2.550000000e+02, v27;
	v33 =	vld [tilespmem:s9+$0x16000]  }
0x9be: {  	v5 =	vtrunc.f32 v30  }
0x9bf: {  	v10 =	vtrunc.f32 v10;
	v5 =	vcvt.f32.s32 v5;
	[tilespmem:v6+s4+$0x0] =	vst.idx.msk $0xffff, v1  }
0x9c0: {  	v10 =	vcvt.f32.s32 v10;
	v9 =	vmul.f32 $2.550000000e+02, v29;
	v36 =	vld [tilespmem:s26+$0x14870]  }
0x9c1: {  	v5 =	vshll.u32 v5, $0x8;
	v34 =	vmul.f32 $2.550000000e+02, v32;
	v8 =	vmul.f32 $2.550000000e+02, v31;
	v37 =	vld [tilespmem:s26+$0x16870]  }
0x9c2: {  	v11 =	vmul.f32 $2.550000000e+02, v33;
	v5 =	vadd.s32 v10, v5;
	v35 =	vtrunc.f32 v9  }
0x9c3: {  	v8 =	vtrunc.f32 v8;
	v7 =	vcvt.f32.s32 v35  }
0x9c4: {  	v38 =	vtrunc.f32 v11;
	v8 =	vcvt.f32.s32 v8  }
0x9c5: {  	v6 =	vtrunc.f32 v34;
	v7 =	vshll.u32 v7, $0x8;
	v39 =	vmul.f32 $2.550000000e+02, v36  }
0x9c6: {  	s1 =	sadd.s32 $0x1, s1;
	v6 =	vcvt.f32.s32 v6;
	v10 =	vmul.f32 $2.550000000e+02, v37;
	v7 =	vadd.s32 v8, v7  }
0x9c7: {  	s1 =	sand.u32 $0x3, s1;
	s10 =	sor.u32 $0xC00, s6;
	[tilespmem:v5+s4+$0x0] =	vst.idx.msk $0xffff, v1;
	v8 =	vcvt.f32.s32 v38;
	v5 =	vtrunc.f32 v39  }
0x9c8: {  	s1 =	sshll.u32 s1, $0x8;
	v40 =	vld [tilespmem:s10+$0x14000];
	v42 =	vtrunc.f32 v10;
	v5 =	vcvt.f32.s32 v5  }
0x9c9: {  	s9 =	sadd.s32 s1, s25;
	v6 =	vshll.u32 v6, $0x8;
	v41 =	vld [tilespmem:s10+$0x16000];
	v43 =	vcvt.f32.s32 v42  }
0x9ca: {  	s10 =	sadd.s32 $0x80, s9;
	v6 =	vadd.s32 v8, v6;
	v5 =	vshll.u32 v5, $0x8  }
0x9cb: {  	s12 =	sor.u32 $0xC00, s10;
	[tilespmem:v7+s4+$0x0] =	vst.idx.msk $0xffff, v1;
	v5 =	vadd.s32 v43, v5  }
0x9cc: {  	v44 =	vld [tilespmem:s12+$0x14000]  }
0x9cd: {  	v9 =	vmul.f32 $2.550000000e+02, v40;
	v45 =	vld [tilespmem:s12+$0x16000]  }
0x9ce: {  	v46 =	vmul.f32 $2.550000000e+02, v41  }
0x9cf: {  	v47 =	vtrunc.f32 v9;
	[tilespmem:v6+s4+$0x0] =	vst.idx.msk $0xffff, v1  }
0x9d0: {  	s14 =	sor.u32 $0xC00, s9;
	v7 =	vtrunc.f32 v46;
	v6 =	vcvt.f32.s32 v47;
	[tilespmem:v5+s4+$0x0] =	vst.idx.msk $0xffff, v1  }
0x9d1: {  	v7 =	vcvt.f32.s32 v7;
	v8 =	vmul.f32 $2.550000000e+02, v44;
	v52 =	vld [tilespmem:s14+$0x14000]  }
0x9d2: {  	v6 =	vshll.u32 v6, $0x8;
	v10 =	vmul.f32 $2.550000000e+02, v45;
	v54 =	vld [tilespmem:s14+$0x16000]  }
0x9d3: {  	v50 =	vadd.s32 v7, v6;
	v51 =	vtrunc.f32 v8  }
0x9d4: {  	s13 =	sor.u32 $0xC10, s7;
	v53 =	vtrunc.f32 v10;
	v6 =	vcvt.f32.s32 v51  }
0x9d5: {  	v48 =	vld [tilespmem:s13+$0x14000];
	v8 =	vcvt.f32.s32 v53  }
0x9d6: {  	v49 =	vld [tilespmem:s13+$0x16000];
	v6 =	vshll.u32 v6, $0x8;
	v56 =	vmul.f32 $2.550000000e+02, v52  }
0x9d7: {  	v10 =	vmul.f32 $2.550000000e+02, v54;
	v6 =	vadd.s32 v8, v6  }
0x9d8: {  	s17 =	sor.u32 $0xC10, s6;
	[tilespmem:v50+s4+$0x0] =	vst.idx.msk $0xffff, v1;
	v5 =	vtrunc.f32 v56  }
0x9d9: {  	v58 =	vld [tilespmem:s17+$0x14000];
	v10 =	vtrunc.f32 v10;
	v5 =	vcvt.f32.s32 v5  }
0x9da: {  	v9 =	vmul.f32 $2.550000000e+02, v48;
	v59 =	vld [tilespmem:s17+$0x16000];
	v60 =	vcvt.f32.s32 v10  }
0x9db: {  	v11 =	vmul.f32 $2.550000000e+02, v49;
	v5 =	vshll.u32 v5, $0x8  }
0x9dc: {  	s18 =	sor.u32 $0xC10, s10;
	v9 =	vtrunc.f32 v9;
	[tilespmem:v6+s4+$0x0] =	vst.idx.msk $0xffff, v1;
	v5 =	vadd.s32 v60, v5  }
0x9dd: {  	v57 =	vtrunc.f32 v11;
	v55 =	vcvt.f32.s32 v9;
	v61 =	vld [tilespmem:s18+$0x14000]  }
0x9de: {  	v7 =	vcvt.f32.s32 v57;
	v9 =	vmul.f32 $2.550000000e+02, v58;
	v62 =	vld [tilespmem:s18+$0x16000]  }
0x9df: {  	v8 =	vshll.u32 v55, $0x8;
	v63 =	vmul.f32 $2.550000000e+02, v59  }
0x9e0: {  	v7 =	vadd.s32 v7, v8;
	v9 =	vtrunc.f32 v9  }
0x9e1: {  	s20 =	sor.u32 $0xC10, s9;
	v6 =	vtrunc.f32 v63;
	v9 =	vcvt.f32.s32 v9;
	[tilespmem:v5+s4+$0x0] =	vst.idx.msk $0xffff, v1  }
0x9e2: {  	v6 =	vcvt.f32.s32 v6;
	v12 =	vmul.f32 $2.550000000e+02, v61;
	v16 =	vld [tilespmem:s20+$0x14000]  }
0x9e3: {  	v9 =	vshll.u32 v9, $0x8;
	v10 =	vmul.f32 $2.550000000e+02, v62;
	v18 =	vld [tilespmem:s20+$0x16000]  }
0x9e4: {  	v14 =	vadd.s32 v6, v9;
	v15 =	vtrunc.f32 v12  }
0x9e5: {  	s19 =	sor.u32 $0xC20, s7;
	[tilespmem:v7+s4+$0x0] =	vst.idx.msk $0xffff, v1;
	v17 =	vtrunc.f32 v10;
	v6 =	vcvt.f32.s32 v15  }
0x9e6: {  	v13 =	vld [tilespmem:s19+$0x14000];
	v9 =	vcvt.f32.s32 v17  }
0x9e7: {  	v19 =	vld [tilespmem:s19+$0x16000];
	v6 =	vshll.u32 v6, $0x8;
	v20 =	vmul.f32 $2.550000000e+02, v16  }
0x9e8: {  	v23 =	vmul.f32 $2.550000000e+02, v18;
	v6 =	vadd.s32 v9, v6  }
0x9e9: {  	s23 =	sor.u32 $0xC20, s6;
	[tilespmem:v14+s4+$0x0] =	vst.idx.msk $0xffff, v1;
	v5 =	vtrunc.f32 v20  }
0x9ea: {  	v22 =	vld [tilespmem:s23+$0x14000];
	v9 =	vtrunc.f32 v23;
	v5 =	vcvt.f32.s32 v5  }
0x9eb: {  	v21 =	vmul.f32 $2.550000000e+02, v13;
	v25 =	vld [tilespmem:s23+$0x16000];
	v26 =	vcvt.f32.s32 v9  }
0x9ec: {  	v24 =	vmul.f32 $2.550000000e+02, v19;
	v5 =	vshll.u32 v5, $0x8  }
0x9ed: {  	s24 =	sor.u32 $0xC20, s10;
	v7 =	vtrunc.f32 v21;
	[tilespmem:v6+s4+$0x0] =	vst.idx.msk $0xffff, v1;
	v5 =	vadd.s32 v26, v5  }
0x9ee: {  	v27 =	vtrunc.f32 v24;
	v7 =	vcvt.f32.s32 v7;
	v28 =	vld [tilespmem:s24+$0x14000]  }
0x9ef: {  	v9 =	vcvt.f32.s32 v27;
	v8 =	vmul.f32 $2.550000000e+02, v22;
	v29 =	vld [tilespmem:s24+$0x16000]  }
0x9f0: {  	v30 =	vshll.u32 v7, $0x8;
	v31 =	vmul.f32 $2.550000000e+02, v25  }
0x9f1: {  	v4 =	vmul.f32 $2.550000000e+02, v4;
	v6 =	vadd.s32 v9, v30;
	v8 =	vtrunc.f32 v8  }
0x9f2: {  	s25 =	sor.u32 $0xC20, s9;
	v32 =	vld [tilespmem:s11+$0x16000];
	v7 =	vtrunc.f32 v31;
	v8 =	vcvt.f32.s32 v8;
	[tilespmem:v5+s4+$0x0] =	vst.idx.msk $0xffff, v1  }
0x9f3: {  	v7 =	vcvt.f32.s32 v7;
	v10 =	vmul.f32 $2.550000000e+02, v28;
	v36 =	vld [tilespmem:s25+$0x14000]  }
0x9f4: {  	v34 =	vshll.u32 v8, $0x8;
	v33 =	vmul.f32 $2.550000000e+02, v29;
	v39 =	vld [tilespmem:s25+$0x16000]  }
0x9f5: {  	v4 =	vtrunc.f32 v4;
	v5 =	vadd.s32 v7, v34;
	v35 =	vtrunc.f32 v10  }
0x9f6: {  	s26 =	sor.u32 $0xC30, s7;
	[tilespmem:v6+s4+$0x0] =	vst.idx.msk $0xffff, v1;
	v38 =	vtrunc.f32 v33;
	v37 =	vcvt.f32.s32 v35  }
0x9f7: {  	v9 =	vmul.f32 $2.550000000e+02, v32;
	v40 =	vld [tilespmem:s26+$0x14000];
	v7 =	vcvt.f32.s32 v38  }
0x9f8: {  	v4 =	vcvt.f32.s32 v4;
	v42 =	vld [tilespmem:s26+$0x16000];
	v6 =	vshll.u32 v37, $0x8;
	v10 =	vmul.f32 $2.550000000e+02, v36  }
0x9f9: {  	v41 =	vtrunc.f32 v9;
	v43 =	vmul.f32 $2.550000000e+02, v39;
	v6 =	vadd.s32 v7, v6  }
0x9fa: {  	s28 =	sor.u32 $0xC30, s6;
	[tilespmem:v5+s4+$0x0] =	vst.idx.msk $0xffff, v1;
	v7 =	vcvt.f32.s32 v41;
	v10 =	vtrunc.f32 v10  }
0x9fb: {  	v4 =	vshll.u32 v4, $0x8;
	v45 =	vld [tilespmem:s28+$0x14000];
	v5 =	vtrunc.f32 v43;
	v10 =	vcvt.f32.s32 v10  }
0x9fc: {  	v44 =	vmul.f32 $2.550000000e+02, v40;
	v46 =	vld [tilespmem:s28+$0x16000];
	v4 =	vadd.s32 v7, v4;
	v5 =	vcvt.f32.s32 v5  }
0x9fd: {  	v47 =	vmul.f32 $2.550000000e+02, v42;
	v10 =	vshll.u32 v10, $0x8  }
0x9fe: {  	s31 =	sor.u32 $0xC30, s10;
	v8 =	vtrunc.f32 v44;
	[tilespmem:v6+s4+$0x0] =	vst.idx.msk $0xffff, v1;
	v5 =	vadd.s32 v5, v10  }
0x9ff: {  	v8 =	vcvt.f32.s32 v8;
	v6 =	vtrunc.f32 v47;
	v48 =	vld [tilespmem:s31+$0x14000]  }
0xa00: {  	v49 =	vld [tilespmem:s31+$0x16000];
	v6 =	vcvt.f32.s32 v6  }
0xa01: {  	v50 =	vmul.f32 $2.550000000e+02, v45;
	v51 =	vshll.u32 v8, $0x8;
	v7 =	vmul.f32 $2.550000000e+02, v46;
	[tilespmem:v4+s4+$0x0] =	vst.idx.msk $0xffff, v1  }
0xa02: {  	v53 =	vld [tilespmem:s2+$0x14000];
	v4 =	vadd.s32 v6, v51  }
0xa03: {  	s3 =	sor.u32 $0xC30, s9;
	v52 =	vtrunc.f32 v50;
	v7 =	vtrunc.f32 v7;
	v56 =	vld [tilespmem:s2+$0x16000];
	[tilespmem:v5+s4+$0x0] =	vst.idx.msk $0xffff, v1  }
0xa04: {  	v54 =	vcvt.f32.s32 v52;
	v55 =	vmul.f32 $2.550000000e+02, v48;
	v60 =	vld [tilespmem:s3+$0x14000]  }
0xa05: {  	v58 =	vcvt.f32.s32 v7;
	v57 =	vmul.f32 $2.550000000e+02, v49;
	v61 =	vld [tilespmem:s3+$0x16000]  }
0xa06: {  	v6 =	vshll.u32 v54, $0x8;
	v59 =	vtrunc.f32 v55  }
0xa07: {  	s11 =	sor.u32 $0xC40, s7;
	v62 =	vadd.s32 v58, v6;
	v11 =	vtrunc.f32 v57;
	[tilespmem:v4+s4+$0x0] =	vst.idx.msk $0xffff, v1;
	v13 =	vmul.f32 $2.550000000e+02, v53  }
0xa08: {  	v9 =	vmul.f32 $2.550000000e+02, v56;
	v7 =	vcvt.f32.s32 v59;
	v14 =	vld [tilespmem:s11+$0x14000]  }
0xa09: {  	v11 =	vcvt.f32.s32 v11;
	v15 =	vld [tilespmem:s11+$0x16000];
	v8 =	vmul.f32 $2.550000000e+02, v60  }
0xa0a: {  	v6 =	vtrunc.f32 v13;
	v63 =	vshll.u32 v7, $0x8;
	v16 =	vmul.f32 $2.550000000e+02, v61  }
0xa0b: {  	v21 =	vtrunc.f32 v9;
	v5 =	vadd.s32 v11, v63;
	v8 =	vtrunc.f32 v8  }
0xa0c: {  	s12 =	sor.u32 $0xC40, s6;
	[tilespmem:v62+s4+$0x0] =	vst.idx.msk $0xffff, v1;
	v18 =	vtrunc.f32 v16;
	v17 =	vcvt.f32.s32 v8  }
0xa0d: {  	v19 =	vld [tilespmem:s12+$0x14000];
	v7 =	vmul.f32 $2.550000000e+02, v14;
	v20 =	vcvt.f32.s32 v18  }
0xa0e: {  	v6 =	vcvt.f32.s32 v6;
	v22 =	vmul.f32 $2.550000000e+02, v15;
	v4 =	vshll.u32 v17, $0x8  }
0xa0f: {  	v27 =	vld [tilespmem:s12+$0x16000];
	v8 =	vcvt.f32.s32 v21;
	v7 =	vtrunc.f32 v7;
	v4 =	vadd.s32 v20, v4  }
0xa10: {  	s13 =	sor.u32 $0xC40, s10;
	v6 =	vshll.u32 v6, $0x8;
	v26 =	vtrunc.f32 v22;
	[tilespmem:v5+s4+$0x0] =	vst.idx.msk $0xffff, v1;
	v25 =	vcvt.f32.s32 v7  }
0xa11: {  	v6 =	vadd.s32 v8, v6;
	v7 =	vcvt.f32.s32 v26;
	v23 =	vld [tilespmem:s13+$0x14000]  }
0xa12: {  	v29 =	vmul.f32 $2.550000000e+02, v19;
	v24 =	vld [tilespmem:s13+$0x16000];
	v5 =	vshll.u32 v25, $0x8  }
0xa13: {  	v5 =	vadd.s32 v7, v5  }
0xa14: {  	s14 =	sor.u32 $0xC40, s9;
	v31 =	vmul.f32 $2.550000000e+02, v27;
	v34 =	vtrunc.f32 v29;
	[tilespmem:v4+s4+$0x0] =	vst.idx.msk $0xffff, v1  }
0xa15: {  	v37 =	vcvt.f32.s32 v34;
	v32 =	vld [tilespmem:s14+$0x14000]  }
0xa16: {  	[tilespmem:v6+s4+$0x0] =	vst.idx.msk $0xffff, v1;
	v4 =	vtrunc.f32 v31;
	v28 =	vmul.f32 $2.550000000e+02, v23;
	v33 =	vld [tilespmem:s14+$0x16000]  }
0xa17: {  	v36 =	vld [tilespmem:s0+$0x14000];
	v30 =	vmul.f32 $2.550000000e+02, v24;
	v4 =	vcvt.f32.s32 v4  }
0xa18: {  	s17 =	sor.u32 $0xC50, s7;
	v7 =	vtrunc.f32 v28;
	[tilespmem:v5+s4+$0x0] =	vst.idx.msk $0xffff, v1;
	v5 =	vshll.u32 v37, $0x8  }
0xa19: {  	v10 =	vtrunc.f32 v30;
	v7 =	vcvt.f32.s32 v7;
	v39 =	vld [tilespmem:s17+$0x14000];
	v4 =	vadd.s32 v4, v5  }
0xa1a: {  	v35 =	vcvt.f32.s32 v10;
	v40 =	vld [tilespmem:s17+$0x16000]  }
0xa1b: {  	v41 =	vld [tilespmem:s0+$0x16000];
	v38 =	vshll.u32 v7, $0x8;
	v9 =	vmul.f32 $2.550000000e+02, v32;
	v42 =	vmul.f32 $2.550000000e+02, v33  }
0xa1c: {  	v43 =	vmul.f32 $2.550000000e+02, v36;
	v6 =	vadd.s32 v35, v38  }
0xa1d: {  	v9 =	vtrunc.f32 v9;
	v5 =	vtrunc.f32 v42  }
0xa1e: {  	s19 =	sor.u32 $0xC50, s6;
	v9 =	vcvt.f32.s32 v9;
	v7 =	vmul.f32 $2.550000000e+02, v39;
	[tilespmem:v4+s4+$0x0] =	vst.idx.msk $0xffff, v1  }
0xa1f: {  	v5 =	vcvt.f32.s32 v5;
	v8 =	vmul.f32 $2.550000000e+02, v40;
	v47 =	vld [tilespmem:s19+$0x14000]  }
0xa20: {  	v45 =	vmul.f32 $2.550000000e+02, v41;
	v48 =	vld [tilespmem:s19+$0x16000];
	v9 =	vshll.u32 v9, $0x8;
	v7 =	vtrunc.f32 v7  }
0xa21: {  	s18 =	sor.u32 $0xC50, s10;
	v8 =	vtrunc.f32 v8;
	[tilespmem:v6+s4+$0x0] =	vst.idx.msk $0xffff, v1;
	v5 =	vadd.s32 v5, v9;
	v7 =	vcvt.f32.s32 v7  }
0xa22: {  	v8 =	vcvt.f32.s32 v8;
	v6 =	vtrunc.f32 v43;
	v44 =	vld [tilespmem:s18+$0x14000]  }
0xa23: {  	v49 =	vtrunc.f32 v45;
	v46 =	vld [tilespmem:s18+$0x16000];
	v6 =	vcvt.f32.s32 v6;
	v7 =	vshll.u32 v7, $0x8  }
0xa24: {  	v7 =	vadd.s32 v8, v7;
	v8 =	vcvt.f32.s32 v49;
	v51 =	vmul.f32 $2.550000000e+02, v47  }
0xa25: {  	v50 =	vshll.u32 v6, $0x8;
	v56 =	vmul.f32 $2.550000000e+02, v48  }
0xa26: {  	s20 =	sor.u32 $0xC50, s9;
	[tilespmem:v5+s4+$0x0] =	vst.idx.msk $0xffff, v1;
	v5 =	vadd.s32 v8, v50;
	v6 =	vtrunc.f32 v51  }
0xa27: {  	v59 =	vtrunc.f32 v56;
	v10 =	vmul.f32 $2.550000000e+02, v44;
	v53 =	vld [tilespmem:s20+$0x14000]  }
0xa28: {  	v4 =	vmul.f32 $2.550000000e+02, v46;
	v55 =	vld [tilespmem:s20+$0x16000];
	v6 =	vcvt.f32.s32 v6  }
0xa29: {  	v52 =	vtrunc.f32 v10;
	[tilespmem:v7+s4+$0x0] =	vst.idx.msk $0xffff, v1;
	v7 =	vcvt.f32.s32 v59  }
0xa2a: {  	s23 =	sor.u32 $0xC60, s7;
	v4 =	vtrunc.f32 v4;
	v61 =	vshll.u32 v6, $0x8;
	v54 =	vcvt.f32.s32 v52  }
0xa2b: {  	v4 =	vcvt.f32.s32 v4;
	v58 =	vld [tilespmem:s23+$0x14000];
	[tilespmem:v5+s4+$0x0] =	vst.idx.msk $0xffff, v1;
	v5 =	vadd.s32 v7, v61  }
0xa2c: {  	v60 =	vld [tilespmem:s23+$0x16000];
	v57 =	vshll.u32 v54, $0x8  }
0xa2d: {  	v10 =	vmul.f32 $2.550000000e+02, v53;
	v62 =	vmul.f32 $2.550000000e+02, v55;
	v4 =	vadd.s32 v4, v57  }
0xa2e: {  	v63 =	vld [tilespmem:s30+$0x14000]  }
0xa2f: {  	v16 =	vld [tilespmem:s30+$0x16000];
	v15 =	vtrunc.f32 v10;
	v6 =	vtrunc.f32 v62  }
0xa30: {  	s25 =	sor.u32 $0xC60, s6;
	v7 =	vcvt.f32.s32 v15;
	v8 =	vmul.f32 $2.550000000e+02, v58;
	[tilespmem:v5+s4+$0x0] =	vst.idx.msk $0xffff, v1  }
0xa31: {  	v17 =	vcvt.f32.s32 v6;
	v18 =	vmul.f32 $2.550000000e+02, v60;
	v23 =	vld [tilespmem:s25+$0x14000]  }
0xa32: {  	s24 =	sor.u32 $0xC60, s10;
	v7 =	vshll.u32 v7, $0x8;
	v8 =	vtrunc.f32 v8;
	v26 =	vld [tilespmem:s25+$0x16000];
	[tilespmem:v4+s4+$0x0] =	vst.idx.msk $0xffff, v1  }
0xa33: {  	v6 =	vtrunc.f32 v18;
	v21 =	vmul.f32 $2.550000000e+02, v63;
	v4 =	vadd.s32 v17, v7;
	v19 =	vld [tilespmem:s24+$0x14000]  }
0xa34: {  	v24 =	vmul.f32 $2.550000000e+02, v16;
	v22 =	vcvt.f32.s32 v8;
	v20 =	vld [tilespmem:s24+$0x16000]  }
0xa35: {  	v6 =	vcvt.f32.s32 v6;
	v7 =	vtrunc.f32 v21  }
0xa36: {  	v27 =	vtrunc.f32 v24;
	v5 =	vshll.u32 v22, $0x8;
	v7 =	vcvt.f32.s32 v7  }
0xa37: {  	v29 =	vcvt.f32.s32 v27;
	v5 =	vadd.s32 v6, v5;
	v8 =	vmul.f32 $2.550000000e+02, v23  }
0xa38: {  	s26 =	sor.u32 $0xC60, s9;
	v7 =	vshll.u32 v7, $0x8;
	v34 =	vmul.f32 $2.550000000e+02, v26;
	[tilespmem:v4+s4+$0x0] =	vst.idx.msk $0xffff, v1;
	v25 =	vmul.f32 $2.550000000e+02, v19  }
0xa39: {  	v4 =	vadd.s32 v29, v7;
	v28 =	vmul.f32 $2.550000000e+02, v20;
	v31 =	vld [tilespmem:s26+$0x14000];
	v8 =	vtrunc.f32 v8  }
0xa3a: {  	v32 =	vld [tilespmem:s26+$0x16000];
	v38 =	vtrunc.f32 v34;
	v36 =	vcvt.f32.s32 v8  }
0xa3b: {  	v7 =	vcvt.f32.s32 v38;
	v30 =	vtrunc.f32 v25  }
0xa3c: {  	v9 =	vtrunc.f32 v28;
	v6 =	vcvt.f32.s32 v30  }
0xa3d: {  	s28 =	sor.u32 $0xC70, s7;
	[tilespmem:v5+s4+$0x0] =	vst.idx.msk $0xffff, v1;
	v33 =	vcvt.f32.s32 v9;
	v42 =	vshll.u32 v36, $0x8  }
0xa3e: {  	v37 =	vld [tilespmem:s28+$0x14000];
	[tilespmem:v4+s4+$0x0] =	vst.idx.msk $0xffff, v1;
	v4 =	vadd.s32 v7, v42;
	v35 =	vshll.u32 v6, $0x8;
	v39 =	vmul.f32 $2.550000000e+02, v31  }
0xa3f: {  	v40 =	vld [tilespmem:s28+$0x16000];
	v41 =	vmul.f32 $2.550000000e+02, v32;
	v5 =	vadd.s32 v33, v35  }
0xa40: {  	v43 =	vtrunc.f32 v39  }
0xa41: {  	v44 =	vld [tilespmem:s29+$0x14000];
	v45 =	vtrunc.f32 v41;
	v6 =	vcvt.f32.s32 v43  }
0xa42: {  	v46 =	vld [tilespmem:s29+$0x16000];
	v7 =	vcvt.f32.s32 v45  }
0xa43: {  	s30 =	sor.u32 $0xC70, s6;
	v8 =	vmul.f32 $2.550000000e+02, v37;
	[tilespmem:v4+s4+$0x0] =	vst.idx.msk $0xffff, v1;
	v47 =	vshll.u32 v6, $0x8  }
0xa44: {  	v48 =	vmul.f32 $2.550000000e+02, v40;
	v53 =	vld [tilespmem:s30+$0x14000];
	[tilespmem:v5+s4+$0x0] =	vst.idx.msk $0xffff, v1;
	v5 =	vadd.s32 v7, v47  }
0xa45: {  	v3 =	vcvt.f32.s32 v3;
	s29 =	sor.u32 $0xC70, s10;
	v50 =	vtrunc.f32 v8;
	v54 =	vld [tilespmem:s30+$0x16000]  }
0xa46: {  	v6 =	vtrunc.f32 v48;
	v9 =	vmul.f32 $2.550000000e+02, v44;
	v49 =	vld [tilespmem:s29+$0x14000]  }
0xa47: {  	v11 =	vmul.f32 $2.550000000e+02, v46;
	v52 =	vcvt.f32.s32 v50;
	v51 =	vld [tilespmem:s29+$0x16000]  }
0xa48: {  	v6 =	vcvt.f32.s32 v6;
	v9 =	vtrunc.f32 v9  }
0xa49: {  	s31 =	sor.u32 $0xC70, s9;
	v55 =	vtrunc.f32 v11;
	v9 =	vcvt.f32.s32 v9;
	[tilespmem:v5+s4+$0x0] =	vst.idx.msk $0xffff, v1  }
0xa4a: {  	v7 =	vmul.f32 $2.550000000e+02, v53;
	v57 =	vmul.f32 $2.550000000e+02, v54;
	v56 =	vld [tilespmem:s31+$0x14000]  }
0xa4b: {  	v5 =	vcvt.f32.s32 v55;
	v10 =	vmul.f32 $2.550000000e+02, v49;
	v13 =	vld [tilespmem:s31+$0x16000]  }
0xa4c: {  	v8 =	vmul.f32 $2.550000000e+02, v51;
	v7 =	vtrunc.f32 v7  }
0xa4d: {  	v2 =	vadd.s32 v3, v2;
	v58 =	vcvt.f32.s32 v7;
	v10 =	vtrunc.f32 v10  }
0xa4e: {  	v4 =	vshll.u32 v52, $0x8;
	v8 =	vtrunc.f32 v8;
	v3 =	vcvt.f32.s32 v10  }
0xa4f: {  	v4 =	vadd.s32 v6, v4;
	v8 =	vcvt.f32.s32 v8;
	v59 =	vmul.f32 $2.550000000e+02, v56  }
0xa50: {  	v9 =	vshll.u32 v9, $0x8;
	v10 =	vtrunc.f32 v57;
	v60 =	vmul.f32 $2.550000000e+02, v13  }
0xa51: {  	v5 =	vadd.s32 v5, v9;
	v61 =	vcvt.f32.s32 v10;
	v7 =	vtrunc.f32 v59  }
0xa52: {  	v3 =	vshll.u32 v3, $0x8;
	v62 =	vtrunc.f32 v60;
	v7 =	vcvt.f32.s32 v7  }
0xa53: {  	v6 =	vshll.u32 v58, $0x8;
	v3 =	vadd.s32 v8, v3;
	v63 =	vcvt.f32.s32 v62  }
0xa54: {  	s22 =	sadd.s32 $0x1, s22;
	v6 =	vadd.s32 v61, v6;
	v7 =	vshll.u32 v7, $0x8  }
0xa55: {  	p0 =	sne.s32 s22, $0x18;
	[tilespmem:v2+s4+$0x0] =	vst.idx.msk $0xffff, v1;
	v2 =	vadd.s32 v63, v7  }
.Ltmp3:
0xa56: {  	[tilespmem:v4+s4+$0x0] =	vst.idx.msk $0xffff, v1;
	(pc) =	sbr.rel @p0 .LBB2_4-.Ltmp3, $4  }
0xa57: {  	[tilespmem:v5+s4+$0x0] =	vst.idx.msk $0xffff, v1  }
0xa58: {  	[tilespmem:v3+s4+$0x0] =	vst.idx.msk $0xffff, v1  }
0xa59: {  	[tilespmem:v6+s4+$0x0] =	vst.idx.msk $0xffff, v1  }
0xa5a: {  	[tilespmem:v2+s4+$0x0] =	vst.idx.msk $0xffff, v1  }
0xa5b: {  	s0 =	rddreg [dreg:$0x7]  }
0xa5c: {  	s1 =	simm.s32 $0x80;
	s2 =	simm.s32 $0x400;
	s29 =	simm.s32 $0x3  }
0xa5d: {  	[hbm4b:s0+s1] =	stream.strided.scatter [tilespmem:s4], [sflag:$0x3], $0x10000, s2, s1, $0x38;
	[tilespmem:$0x18000] =	vst v63  }
0xa5e: {  	_ =	swait.ge [sflag:s29], $0x10000  }
0xa5f: {  	s30 =	rddreg [dreg:$0x9]  }
0xa60: {  	s31 =	rddreg [dreg:$0x8];
	s2 =	sadd.s32 $0x1, s30  }
0xa61: {  	p0 =	sne.s32 s2, s31  }
.Ltmp4:
0xa62: {  	_ = 	snop;
	(pc) =	sbr.rel @p0 .LBB2_1-.Ltmp4, $3  }
0xa63: {  	_ =	sdelay $0x1  }
0xa64: {  	[sflag:s29] =	ssyncset.done $0x0  }
0xa65: {  	[sflag:s29] =	ssyncadd.s32 $0xFFFF0000  }
0xa66: {  	_ =	sfence.sel $0x180000  }
0xa67: {  	[bflag:$0x0] =	sbarrier.arrive $0xFFFF  }
0xa68: {  	_ =	strace $0x90000047  }
0xa69: {  	s0 =	stileid.u32;
	[bflag:$0x2] =	sbarrier.arrive $0xFFFF  }
0xa6a: {  	p0 =	sne.s32 s0, $0x0;
	s0 =	rddreg [dreg:$0x3]  }
0xa6b: {  	s0 =	sadd.s32 @!p0 $0x100000, s0  }
0xa6c: {  	[sflag:s0] =	ssyncadd.tile.s32 @!p0 $0x1;
	_ =	shalt  }
.Lfunc_end2:
_tile_overlayer_lowered:
.L_overlay_start_2:
0xa6d: {  	(tag) =	ssettag $0x2  }
0xa6e: {  	s0 =	rddreg [dreg:$0x0];
	s2 =	stileid.u32  }
0xa6f: {  	s1 =	rddreg [dreg:$0x1];
	p0 =	sne.s32 s2, $0x0  }
0xa70: {  	s3 =	rddreg [dreg:$0x2];
	[bflag:$0x3] =	sbarrier.arrive $0xFFFF;
	s2 =	simm.s32 @!p0 $0x1C03  }
0xa71: {  	[timem:s3], [sflag:s2] =	dma.local @!p0 [hbm:s0], s1  }
0xa72: {  	s0 =	simm.s32 @!p0 $0x3  }
0xa73: {  	_ =	swait.ge @!p0 [sflag:s0], s1  }
0xa74: {  	s1 =	ssub.s32 @!p0 $0x0, s1;
	[sflag:s0] =	ssyncset.done @!p0 $0x0  }
0xa75: {  	[sflag:s0] =	ssyncadd.s32 @!p0 s1  }
0xa76: {  	[bflag:$0x3] =	sbarrier.arrive $0xFFFF  }
0xa77: {  	_ =	shalt  }

</sc_bundles>
